<compile_context>
chip_gen: v7x
topology: tpu7x:2x2x1
jax: 0.10.2.dev20260603
libtpu: 0.0.44.dev20260713+nightly
codegen_flags: <defaults>
</compile_context>

<pallas_src>
import functools

import jax
import jax.numpy as jnp
from jax import lax
from jax.experimental import pallas as pl
from jax.experimental.pallas import tpu as pltpu
from jax.experimental.pallas import tpu_sc as plsc

NC = 2
NS = 16
EK = 744
RW = 400
PB = 400


def _zero_rows(rows_v, nrows):
    def zrow(i, carry):
        rows_v[0, i, :] = jnp.zeros((16,), jnp.float32)
        return carry
    lax.fori_loop(0, nrows, zrow, 0)


def _zero_agg(agg, rows_v, rbase, rpt):
    def zcp(j, carry):
        pltpu.sync_copy(rows_v.at[0, pl.ds(0, RW)],
                        agg.at[pl.ds(rbase + j * RW, RW)])
        return carry
    lax.fori_loop(0, rpt // RW, zcp, 0)


RING = 3


def _agg_edges(table, src_a, dst_a, agg, src_v, dst_v, rows_v,
               lsem, gsem, ssems, ebase, nch, tail):
    def start_load(j, b3):
        off = ebase + j * EK
        pltpu.async_copy(src_a.at[pl.ds(off, EK)], src_v.at[b3], lsem)
        pltpu.async_copy(dst_a.at[pl.ds(off, EK)], dst_v.at[b3], lsem)

    def wait_load(b3):
        pltpu.make_async_copy(src_a.at[pl.ds(0, EK)], src_v.at[b3],
                              lsem).wait()
        pltpu.make_async_copy(dst_a.at[pl.ds(0, EK)], dst_v.at[b3],
                              lsem).wait()

    def wait_scatter(b2, b3):
        pltpu.make_async_copy(rows_v.at[b2], agg.at[dst_v.at[b3]],
                              ssems[b2]).wait()

    start_load(0, 0)
    n_outer = (nch + 5) // 6

    def outer(t, carry):
        j0 = t * 6
        for k in range(6):
            j = j0 + k
            b3 = k % 3
            b2 = k % 2

            @pl.when(j < nch)
            def _():
                wait_load(b3)

                @pl.when(j >= 2)
                def _():
                    wait_scatter(b2, (k + 1) % 3)

                @pl.when(j + 1 < nch)
                def _():
                    start_load(j + 1, (k + 1) % 3)

                pltpu.async_copy(table.at[src_v.at[b3]], rows_v.at[b2],
                                 gsem).wait()
                pltpu.async_copy(rows_v.at[b2], agg.at[dst_v.at[b3]],
                                 ssems[b2], add=True)
        return carry

    lax.fori_loop(0, n_outer, outer, 0)
    for k in (2, 1):
        if nch - k >= 0:
            wait_scatter((nch - k) % 2, (nch - k) % 3)
    if tail:
        off = ebase + nch * EK
        pltpu.sync_copy(src_a.at[pl.ds(off, tail)],
                        src_v.at[0, pl.ds(0, tail)])
        pltpu.sync_copy(dst_a.at[pl.ds(off, tail)],
                        dst_v.at[0, pl.ds(0, tail)])
        pltpu.async_copy(table.at[src_v.at[0, pl.ds(0, tail)]],
                         rows_v.at[0, pl.ds(0, tail)], gsem).wait()
        pltpu.sync_copy(rows_v.at[0, pl.ds(0, tail)],
                        agg.at[dst_v.at[0, pl.ds(0, tail)]], add=True)


def _write_out(agg, rows_v, out, c, rbase, rpt):
    def wcp(j, carry):
        r0 = rbase + j * RW
        pltpu.sync_copy(agg.at[pl.ds(r0, RW)], rows_v.at[0, pl.ds(0, RW)])
        pltpu.sync_copy(rows_v.at[0, pl.ds(0, RW)], out.at[c, pl.ds(r0, RW)])
        return carry
    lax.fori_loop(0, rpt // RW, wcp, 0)


def _sc_agg_layer1(n, e):
    mesh = plsc.VectorSubcoreMesh(core_axis_name="c", subcore_axis_name="s")

    @functools.partial(
        pl.kernel,
        out_type=jax.ShapeDtypeStruct((NC, n, 16), jnp.float32),
        mesh=mesh,
        scratch_types=[
            pltpu.VMEM_SHARED((n, 16), jnp.float32),
            pltpu.VMEM((RING, EK), jnp.int32),
            pltpu.VMEM((RING, EK), jnp.int32),
            pltpu.VMEM((2, EK, 16), jnp.float32),
            pltpu.SemaphoreType.DMA,
            pltpu.SemaphoreType.DMA,
            pltpu.SemaphoreType.DMA,
            pltpu.SemaphoreType.DMA,
        ],
        compiler_params=pltpu.CompilerParams(use_tc_tiling_on_sc=False),
    )
    def k(table, src_a, dst_a, out, agg, src_v, dst_v, rows_v,
          lsem, gsem, ssem0, ssem1):
        c = lax.axis_index("c")
        s = lax.axis_index("s")
        rpt = n // NS
        rbase = s * rpt
        _zero_rows(rows_v, RW)
        _zero_agg(agg, rows_v, rbase, rpt)
        plsc.subcore_barrier()
        wid = s * NC + c
        ept = e // (NC * NS)
        _agg_edges(table, src_a, dst_a, agg, src_v, dst_v, rows_v,
                   lsem, gsem, (ssem0, ssem1),
                   wid * ept, ept // EK, ept % EK)
        plsc.subcore_barrier()
        _write_out(agg, rows_v, out, c, rbase, rpt)

    return k


def _sc_agg_layer2(n, e):
    mesh = plsc.VectorSubcoreMesh(core_axis_name="c", subcore_axis_name="s")

    @functools.partial(
        pl.kernel,
        out_type=jax.ShapeDtypeStruct((NC, n, 16), jnp.float32),
        mesh=mesh,
        scratch_types=[
            pltpu.VMEM_SHARED((n, 16), jnp.float32),
            pltpu.VMEM((RING, EK), jnp.int32),
            pltpu.VMEM((RING, EK), jnp.int32),
            pltpu.VMEM((2, EK, 16), jnp.float32),
            pltpu.SemaphoreType.DMA,
            pltpu.SemaphoreType.DMA,
            pltpu.SemaphoreType.DMA,
            pltpu.SemaphoreType.DMA,
        ],
        compiler_params=pltpu.CompilerParams(use_tc_tiling_on_sc=False),
    )
    def k(t_lo, t_hi, src_a, dst_a, out, agg, src_v, dst_v, rows_v,
          lsem, gsem, ssem0, ssem1):
        c = lax.axis_index("c")
        s = lax.axis_index("s")
        rpt = n // NS
        rbase = s * rpt
        _zero_rows(rows_v, RW)
        _zero_agg(agg, rows_v, rbase, rpt)
        plsc.subcore_barrier()
        ept = e // NS
        ebase = s * ept
        ssems = (ssem0, ssem1)

        @pl.when(c == 0)
        def _():
            _agg_edges(t_lo, src_a, dst_a, agg, src_v, dst_v, rows_v,
                       lsem, gsem, ssems, ebase, ept // EK, ept % EK)

        @pl.when(c == 1)
        def _():
            _agg_edges(t_hi, src_a, dst_a, agg, src_v, dst_v, rows_v,
                       lsem, gsem, ssems, ebase, ept // EK, ept % EK)

        plsc.subcore_barrier()
        _write_out(agg, rows_v, out, c, rbase, rpt)

    return k


def _dense1(p_p, xa_p, w1l_lo, w1l_hi, w1r_lo, w1r_hi, b1lo, b1hi, b5):
    m = p_p.shape[1]

    def body(p_ref, xa_ref, a_ref, b_ref, c_ref, d_ref, e_ref, f_ref,
             b5_ref, lo_ref, hi_ref):
        dot = functools.partial(jnp.dot, preferred_element_type=jnp.float32)
        psum = p_ref[0] + p_ref[1]
        degb = jnp.maximum(dot(psum, b5_ref[...]), 1.0)
        mean = psum / degb
        xa = xa_ref[...]
        lo_ref[...] = jnp.maximum(
            dot(mean, a_ref[...]) + dot(xa, c_ref[...]) + e_ref[...], 0.0)
        hi_ref[...] = jnp.maximum(
            dot(mean, b_ref[...]) + dot(xa, d_ref[...]) + f_ref[...], 0.0)

    full = pl.BlockSpec((128, 128), lambda i: (0, 0))
    row = pl.BlockSpec((1, 128), lambda i: (0, 0))
    blk = pl.BlockSpec((PB, 128), lambda i: (i, 0))
    return pl.pallas_call(
        body,
        grid=(m // PB,),
        in_specs=[pl.BlockSpec((NC, PB, 128), lambda i: (0, i, 0)), blk,
                  full, full, full, full, row, row, full],
        out_specs=[blk, blk],
        out_shape=[jax.ShapeDtypeStruct((m, 128), jnp.float32)] * 2,
    )(p_p, xa_p, w1l_lo, w1l_hi, w1r_lo, w1r_hi, b1lo, b1hi, b5)


def _dense_r2(h1lo_p, h1hi_p, p_p, w2r_ll, w2r_hl, w2r_lh, w2r_hh,
              b2lo, b2hi, b5):
    m = p_p.shape[1]

    def body(lo_ref, hi_ref, p_ref, g_ref, h_ref, i_ref, j_ref,
             k_ref, l_ref, b5_ref, r2lo_ref, r2hi_ref, deg_ref):
        dot = functools.partial(jnp.dot, preferred_element_type=jnp.float32)
        h1lo = lo_ref[...]
        h1hi = hi_ref[...]
        r2lo_ref[...] = dot(h1lo, g_ref[...]) + dot(h1hi, h_ref[...]) \
            + k_ref[...]
        r2hi_ref[...] = dot(h1lo, i_ref[...]) + dot(h1hi, j_ref[...]) \
            + l_ref[...]
        psum = p_ref[0] + p_ref[1]
        deg_ref[...] = jnp.maximum(dot(psum, b5_ref[...]), 1.0)

    full = pl.BlockSpec((128, 128), lambda i: (0, 0))
    row = pl.BlockSpec((1, 128), lambda i: (0, 0))
    blk = pl.BlockSpec((PB, 128), lambda i: (i, 0))
    return pl.pallas_call(
        body,
        grid=(m // PB,),
        in_specs=[blk, blk, pl.BlockSpec((NC, PB, 128), lambda i: (0, i, 0)),
                  full, full, full, full, row, row, full],
        out_specs=[blk, blk, blk],
        out_shape=[jax.ShapeDtypeStruct((m, 128), jnp.float32)] * 3,
    )(h1lo_p, h1hi_p, p_p, w2r_ll, w2r_hl, w2r_lh, w2r_hh, b2lo, b2hi, b5)


PB2 = 128


def _dense2(q_p, r2lo_p, r2hi_p, degb_p, w2l_ll, w2l_hl, w2l_lh, w2l_hh,
            wo_lo, wo_hi, bo, sh1, sh2, sh3, sh4, bmax, s5, g):
    m = q_p.shape[1]

    def body(q_ref, r2lo_ref, r2hi_ref, deg_ref, a_ref, b_ref, c_ref, d_ref,
             e_ref, f_ref, bo_ref, s1_ref, s2_ref, s3_ref, s4_ref,
             bm_ref, s5_ref, g_ref, out_ref):
        dot = functools.partial(jnp.dot, preferred_element_type=jnp.float32)
        degb = deg_ref[...]
        mlo = q_ref[0] / degb
        mhi = q_ref[1] / degb
        h2lo = jnp.maximum(
            dot(mlo, a_ref[...]) + dot(mhi, b_ref[...]) + r2lo_ref[...], 0.0)
        h2hi = jnp.maximum(
            dot(mlo, c_ref[...]) + dot(mhi, d_ref[...]) + r2hi_ref[...], 0.0)
        lg = dot(h2lo, e_ref[...]) + dot(h2hi, f_ref[...]) + bo_ref[...]
        mx = jnp.maximum(lg, dot(lg, s1_ref[...]))
        mx = jnp.maximum(mx, dot(lg, s2_ref[...]))
        mx = jnp.maximum(mx, dot(lg, s3_ref[...]))
        mx = jnp.maximum(mx, dot(lg, s4_ref[...]))
        mb = dot(mx, bm_ref[...])
        ez = jnp.exp(lg - mb)
        sb = dot(ez, s5_ref[...])
        probs = ez / sb
        pt = jnp.transpose(probs)
        acc = dot(pt[0:5, :], g_ref[0])
        for a in range(1, 8):
            acc = acc + dot(pt[16 * a:16 * a + 5, :], g_ref[a])
        out_ref[...] = acc

    full = pl.BlockSpec((128, 128), lambda i: (0, 0))
    row = pl.BlockSpec((1, 128), lambda i: (0, 0))
    blk = pl.BlockSpec((PB2, 128), lambda i: (i, 0))
    return pl.pallas_call(
        body,
        grid=(m // PB2,),
        in_specs=[pl.BlockSpec((NC, PB2, 128), lambda i: (0, i, 0)),
                  blk, blk, blk,
                  full, full, full, full, full, full, row,
                  full, full, full, full, full, full,
                  pl.BlockSpec((8, PB2, 8 * PB2), lambda i: (0, 0, 0))],
        out_specs=pl.BlockSpec((5, 8 * PB2), lambda i: (0, i)),
        out_shape=jax.ShapeDtypeStruct((5, 8 * m), jnp.float32),
    )(q_p, r2lo_p, r2hi_p, degb_p, w2l_ll, w2l_hl, w2l_lh, w2l_hh,
      wo_lo, wo_hi, bo, sh1, sh2, sh3, sh4, bmax, s5, g)


def _bd8(blk16):
    return jnp.kron(jnp.eye(8, dtype=jnp.float32), blk16)


def _pad16(m):
    z = jnp.zeros((16, 16), jnp.float32)
    return lax.dynamic_update_slice(z, m, (0, 0))


def kernel(x, edge_index, batch, W1_l, W1_r, b1, W2_l, W2_r, b2, W_out, b_out):
    n = x.shape[0]
    e = edge_index.shape[1]
    f_in = x.shape[1]
    n_pad = -(-n // (NS * RW)) * (NS * RW)
    src = edge_index[0].astype(jnp.int32)
    dst = edge_index[1].astype(jnp.int32)
    x3 = x.reshape(n // 8, 8, f_in)
    xa3 = jnp.concatenate(
        [x3, jnp.ones((n // 8, 8, 1), x.dtype),
         jnp.zeros((n // 8, 8, 15 - f_in), x.dtype)], axis=2)
    xa_p = jnp.pad(xa3.reshape(n // 8, 128), ((0, (n_pad - n) // 8), (0, 0)))
    xa = xa_p.reshape(n_pad, 16)

    p = _sc_agg_layer1(n_pad, e)(xa, src, dst)
    p_p = p.reshape(NC, n_pad // 8, 128)

    w1l = W1_l.T
    w1r = W1_r.T
    w2r = W2_r.T
    w2l = W2_l.T
    wo = W_out.T
    ri = jnp.arange(128)[:, None]
    cj = jnp.arange(128)[None, :]
    b5 = (ri == (cj // 16) * 16 + f_in).astype(jnp.float32)
    bmax = (ri == (cj // 16) * 16).astype(jnp.float32)
    s5 = ((ri // 16 == cj // 16) & (ri % 16 < wo.shape[1])).astype(
        jnp.float32)
    shs = [(ri == cj + i).astype(jnp.float32) for i in range(1, 5)]

    h1lo_p, h1hi_p = _dense1(
        p_p, xa_p,
        _bd8(_pad16(w1l[:, :16])), _bd8(_pad16(w1l[:, 16:])),
        _bd8(_pad16(w1r[:, :16])), _bd8(_pad16(w1r[:, 16:])),
        jnp.tile(b1[:16], 8)[None, :], jnp.tile(b1[16:], 8)[None, :],
        b5)
    r2lo_p, r2hi_p, degb_p = _dense_r2(
        h1lo_p, h1hi_p, p_p,
        _bd8(w2r[:16, :16]), _bd8(w2r[16:, :16]),
        _bd8(w2r[:16, 16:]), _bd8(w2r[16:, 16:]),
        jnp.tile(b2[:16], 8)[None, :], jnp.tile(b2[16:], 8)[None, :],
        b5)

    q = _sc_agg_layer2(n_pad, e)(
        h1lo_p.reshape(n_pad, 16), h1hi_p.reshape(n_pad, 16), src, dst)
    q_p = q.reshape(NC, n_pad // 8, 128)

    bo_t = jnp.tile(jnp.pad(b_out, (0, 16 - wo.shape[1])), 8)[None, :]
    ra = jnp.arange(PB2)[None, :, None]
    ma = jnp.arange(8 * PB2)[None, None, :]
    aa = jnp.arange(8)[:, None, None]
    g = (ma == 8 * ra + aa).astype(jnp.float32)
    out_t = _dense2(
        q_p, r2lo_p, r2hi_p, degb_p,
        _bd8(w2l[:16, :16]), _bd8(w2l[16:, :16]),
        _bd8(w2l[:16, 16:]), _bd8(w2l[16:, 16:]),
        _bd8(_pad16(wo[:16, :])), _bd8(_pad16(wo[16:, :])),
        bo_t, shs[0], shs[1], shs[2], shs[3], bmax, s5, g)

    return out_t[:, :n].T

# --- scband reference (transcript-rebuilt; emitter-appended) ---
"""Pipeline reference for scband-gcn-79740362817955 (READ-ONLY COPY).

The authoritative reference and input builder live on the scoring server;
editing this copy changes nothing except your own understanding.
"""

import jax, jax.numpy as jnp
import numpy as np

N = 100000
E = 1600000
F_IN = 5
H = 32
C_OUT = 5

def setup_inputs(seed: int = 0) -> dict:
    key = jax.random.key(seed)
    ks = jax.random.split(key, 10)
    x = jax.random.normal(ks[0], (N, F_IN), dtype=jnp.float32)
    edge_index = jax.random.randint(ks[1], (2, E), 0, N)
    batch = jnp.zeros((N,), dtype=jnp.int32)
    # SAGEConv params: lin_l acts on aggregated neighbors, lin_r on root node
    W1_l = jax.random.normal(ks[2], (H, F_IN), dtype=jnp.float32) / np.sqrt(F_IN)
    W1_r = jax.random.normal(ks[3], (H, F_IN), dtype=jnp.float32) / np.sqrt(F_IN)
    b1 = jnp.zeros((H,), dtype=jnp.float32)
    W2_l = jax.random.normal(ks[4], (H, H), dtype=jnp.float32) / np.sqrt(H)
    W2_r = jax.random.normal(ks[5], (H, H), dtype=jnp.float32) / np.sqrt(H)
    b2 = jnp.zeros((H,), dtype=jnp.float32)
    W_out = jax.random.normal(ks[6], (C_OUT, H), dtype=jnp.float32) / np.sqrt(H)
    b_out = jnp.zeros((C_OUT,), dtype=jnp.float32)
    return {"x": x, "edge_index": edge_index, "batch": batch,
            "W1_l": W1_l, "W1_r": W1_r, "b1": b1,
            "W2_l": W2_l, "W2_r": W2_r, "b2": b2,
            "W_out": W_out, "b_out": b_out}

def _sage_conv(x, edge_index, W_l, W_r, b):
    src = edge_index[0]
    dst = edge_index[1]
    msgs = jnp.take(x, src, axis=0)
    agg = jax.ops.segment_sum(msgs, dst, num_segments=N)
    deg = jax.ops.segment_sum(jnp.ones((E,), dtype=x.dtype), dst, num_segments=N)
    mean = agg / jnp.clip(deg, 1.0)[:, None]
    return mean @ W_l.T + x @ W_r.T + b

def reference(x, edge_index, batch, W1_l, W1_r, b1, W2_l, W2_r, b2, W_out, b_out):
    h = jax.nn.relu(_sage_conv(x, edge_index, W1_l, W1_r, b1))
    # dropout p=0.25 is identity in eval mode
    h = jax.nn.relu(_sage_conv(h, edge_index, W2_l, W2_r, b2))
    logits = h @ W_out.T + b_out
    return jax.nn.softmax(logits, axis=1)

if __name__ == "__main__":
    import jax
    _d = setup_inputs()
    print(jax.jit(kernel)(*tuple(_d.values())))

</pallas_src>

<mosaic_0001>
#map = affine_map<(d0, d1) -> (0, 0)>
#map1 = affine_map<(d0, d1) -> (0)>
#map2 = affine_map<(d0, d1) -> (0, 0, 0)>
module attributes {stable_mosaic.version = 14 : i64} {
  func.func @k(%arg0: i32, %arg1: i32, %arg2: memref<102400x16xf32, #tpu.memory_space<hbm>>, %arg3: memref<1600000xi32, #tpu.memory_space<hbm>>, %arg4: memref<1600000xi32, #tpu.memory_space<hbm>>, %arg5: memref<2x102400x16xf32, #tpu.memory_space<hbm>>, %arg6: memref<102400x16xf32, #tpu.memory_space<vmem_shared>>, %arg7: memref<3x744xi32, #tpu.memory_space<vmem>>, %arg8: memref<3x744xi32, #tpu.memory_space<vmem>>, %arg9: memref<2x744x16xf32, #tpu.memory_space<vmem>>, %arg10: memref<!tpu.dma_semaphore, #tpu.memory_space<semaphore_mem>>, %arg11: memref<!tpu.dma_semaphore, #tpu.memory_space<semaphore_mem>>, %arg12: memref<!tpu.dma_semaphore, #tpu.memory_space<semaphore_mem>>, %arg13: memref<!tpu.dma_semaphore, #tpu.memory_space<semaphore_mem>>) attributes {dimension_semantics = [#tpu.dimension_semantics<core_parallel>, #tpu.dimension_semantics<subcore_parallel>], iteration_bounds = array<i64: 2, 16>, scalar_prefetch = 0 : i64, scratch_operands = 8 : i64, tpu.core_type = #tpu.core_type<sc_vector_subcore>, window_params = [{transform_indices = #map}, {transform_indices = #map1}, {transform_indices = #map1}, {transform_indices = #map2}]} {
    %mul3A = arith.constant 6400 : i32
    %mul3A_0 = arith.muli %arg1, %mul3A : i32
    %scan3A = arith.constant 0 : i32
    %scan3A_1 = arith.constant 0 : i32
    %scan3A_2 = arith.constant 400 : i32
    %scan3A_3 = arith.addi %scan3A_1, %scan3A_2 : i32
    %scan3A_4 = arith.constant 1 : i32
    scf.for %scan3A_100 = %scan3A_1 to %scan3A_3 step %scan3A_4  : i32 {
      %broadcast_in_dim3A = arith.constant 0.000000e+00 : f32
      %broadcast_in_dim3A_101 = vector.broadcast %broadcast_in_dim3A : f32 to vector<16xf32>
      %swap3A = arith.constant 0 : i32
      %swap3A_102 = arith.index_cast %swap3A : i32 to index
      %swap3A_103 = arith.index_cast %scan3A_100 : i32 to index
      %swap3A_104 = arith.constant 0 : index
      %swap3A_105 = tpu.vector_load %arg9[%swap3A_102, %swap3A_103, %swap3A_104] {strides = array<i32>} : memref<2x744x16xf32, #tpu.memory_space<vmem>>, vector<1x1x16xf32>,
      %swap3A_106 = vector.shape_cast %swap3A_105 : vector<1x1x16xf32> to vector<16xf32>
      %swap3A_107 = vector.shape_cast %broadcast_in_dim3A_101 : vector<16xf32> to vector<1x1x16xf32>
      tpu.vector_store %arg9[%swap3A_102, %swap3A_103, %swap3A_104], %swap3A_107 {strides = array<i32>} : memref<2x744x16xf32, #tpu.memory_space<vmem>>, vector<1x1x16xf32>,
    }
    %scan3A_5 = arith.constant 400 : i32
    %scan3A_6 = arith.constant 0 : i32
    %scan3A_7 = arith.constant 0 : i32
    %scan3A_8 = arith.constant 16 : i32
    %scan3A_9 = arith.addi %scan3A_7, %scan3A_8 : i32
    %scan3A_10 = arith.constant 1 : i32
    scf.for %scan3A_100 = %scan3A_7 to %scan3A_9 step %scan3A_10  : i32 {
      %mul3A_101 = arith.constant 400 : i32
      %mul3A_102 = arith.muli %scan3A_100, %mul3A_101 : i32
      %add3A_103 = arith.addi %mul3A_0, %mul3A_102 : i32
      %run_scoped3A_104 = arith.constant 0 : i32
      "tpu.region"() ({
        %run_scoped3A_105 = tpu.sem_alloc : memref<!tpu.dma_semaphore, #tpu.memory_space<semaphore_mem>>
        %dma_start3A_106 = arith.constant 0 : i32
        %dma_start3A_107 = arith.constant 0 : i32
        %dma_start3A_108 = tpu.memref_slice %arg9[%run_scoped3A_104, %dma_start3A_106, %dma_start3A_107] : memref<2x744x16xf32, #tpu.memory_space<vmem>> -> memref<1x400x16xf32, #tpu.memory_space<vmem>>
        %dma_start3A_109 = tpu.memref_squeeze %dma_start3A_108 : memref<1x400x16xf32, #tpu.memory_space<vmem>> -> memref<400x16xf32, #tpu.memory_space<vmem>>
        %dma_start3A_110 = arith.constant 0 : i32
        %dma_start3A_111 = tpu.memref_slice %arg6[%add3A_103, %dma_start3A_110] : memref<102400x16xf32, #tpu.memory_space<vmem_shared>> -> memref<400x16xf32, #tpu.memory_space<vmem_shared>>
        %dma_start3A_112 = arith.constant 0 : i32
        %dma_start3A_113 = tpu.memref_slice %arg6[%add3A_103, %dma_start3A_112] : memref<102400x16xf32, #tpu.memory_space<vmem_shared>> -> memref<400x16xf32, #tpu.memory_space<vmem_shared>>
        %dma_start3A_114 = arith.constant 0 : i32
        %dma_start3A_115 = arith.constant 0 : i32
        %dma_start3A_116 = tpu.memref_slice %arg9[%run_scoped3A_104, %dma_start3A_114, %dma_start3A_115] : memref<2x744x16xf32, #tpu.memory_space<vmem>> -> memref<1x400x16xf32, #tpu.memory_space<vmem>>
        %dma_start3A_117 = tpu.memref_squeeze %dma_start3A_116 : memref<1x400x16xf32, #tpu.memory_space<vmem>> -> memref<400x16xf32, #tpu.memory_space<vmem>>
        tpu.enqueue_dma source(%dma_start3A_117 : memref<400x16xf32, #tpu.memory_space<vmem>>) target(%dma_start3A_113 : memref<400x16xf32, #tpu.memory_space<vmem_shared>>) target_semaphore(%run_scoped3A_105 : memref<!tpu.dma_semaphore, #tpu.memory_space<semaphore_mem>>)
        %dma_wait3A_118 = arith.constant 0 : i32
        %dma_wait3A_119 = arith.constant 0 : i32
        %dma_wait3A_120 = tpu.memref_slice %arg9[%run_scoped3A_104, %dma_wait3A_118, %dma_wait3A_119] : memref<2x744x16xf32, #tpu.memory_space<vmem>> -> memref<1x400x16xf32, #tpu.memory_space<vmem>>
        %dma_wait3A_121 = tpu.memref_squeeze %dma_wait3A_120 : memref<1x400x16xf32, #tpu.memory_space<vmem>> -> memref<400x16xf32, #tpu.memory_space<vmem>>
        %dma_wait3A_122 = arith.constant 0 : i32
        %dma_wait3A_123 = tpu.memref_slice %arg6[%add3A_103, %dma_wait3A_122] : memref<102400x16xf32, #tpu.memory_space<vmem_shared>> -> memref<400x16xf32, #tpu.memory_space<vmem_shared>>
        %dma_wait3A_124 = arith.constant 0 : i32
        %dma_wait3A_125 = tpu.memref_slice %arg6[%add3A_103, %dma_wait3A_124] : memref<102400x16xf32, #tpu.memory_space<vmem_shared>> -> memref<400x16xf32, #tpu.memory_space<vmem_shared>>
        %dma_wait3A_126 = arith.constant 0 : i32
        %dma_wait3A_127 = arith.constant 0 : i32
        %dma_wait3A_128 = tpu.memref_slice %arg9[%run_scoped3A_104, %dma_wait3A_126, %dma_wait3A_127] : memref<2x744x16xf32, #tpu.memory_space<vmem>> -> memref<1x400x16xf32, #tpu.memory_space<vmem>>
        %dma_wait3A_129 = tpu.memref_squeeze %dma_wait3A_128 : memref<1x400x16xf32, #tpu.memory_space<vmem>> -> memref<400x16xf32, #tpu.memory_space<vmem>>
        tpu.wait_dma2 semaphore(%run_scoped3A_105 : memref<!tpu.dma_semaphore, #tpu.memory_space<semaphore_mem>>) src(%dma_wait3A_129 : memref<400x16xf32, #tpu.memory_space<vmem>>) dst(%dma_wait3A_125 : memref<400x16xf32, #tpu.memory_space<vmem_shared>>)
        tpu.yield
      }) : () -> ()
    }
    %scan3A_11 = arith.constant 16 : i32
    %barrier3A = arith.constant 0 : index
    tpu.barrier barrier_id(%barrier3A)
    %mul3A_12 = arith.constant 2 : i32
    %mul3A_13 = arith.muli %arg1, %mul3A_12 : i32
    %add3A = arith.addi %mul3A_13, %arg0 : i32
    %mul3A_14 = arith.constant 50000 : i32
    %mul3A_15 = arith.muli %add3A, %mul3A_14 : i32
    %add3A_16 = arith.constant 0 : i32
    %add3A_17 = arith.addi %mul3A_15, %add3A_16 : i32
    %dma_start3A = arith.constant 0 : i32
    %dma_start3A_18 = arith.constant 0 : i32
    %dma_start3A_19 = tpu.memref_slice %arg7[%dma_start3A, %dma_start3A_18] : memref<3x744xi32, #tpu.memory_space<vmem>> -> memref<1x744xi32, #tpu.memory_space<vmem>>
    %dma_start3A_20 = tpu.memref_squeeze %dma_start3A_19 : memref<1x744xi32, #tpu.memory_space<vmem>> -> memref<744xi32, #tpu.memory_space<vmem>>
    %dma_start3A_21 = tpu.memref_slice %arg3[%add3A_17] : memref<1600000xi32, #tpu.memory_space<hbm>> -> memref<744xi32, #tpu.memory_space<hbm>>
    %dma_start3A_22 = arith.constant 0 : i32
    %dma_start3A_23 = tpu.memref_slice %arg7[%dma_start3A, %dma_start3A_22] : memref<3x744xi32, #tpu.memory_space<vmem>> -> memref<1x744xi32, #tpu.memory_space<vmem>>
    %dma_start3A_24 = tpu.memref_squeeze %dma_start3A_23 : memref<1x744xi32, #tpu.memory_space<vmem>> -> memref<744xi32, #tpu.memory_space<vmem>>
    %dma_start3A_25 = tpu.memref_slice %arg3[%add3A_17] : memref<1600000xi32, #tpu.memory_space<hbm>> -> memref<744xi32, #tpu.memory_space<hbm>>
    tpu.enqueue_dma source(%dma_start3A_25 : memref<744xi32, #tpu.memory_space<hbm>>) target(%dma_start3A_24 : memref<744xi32, #tpu.memory_space<vmem>>) target_semaphore(%arg10 : memref<!tpu.dma_semaphore, #tpu.memory_space<semaphore_mem>>)
    %dma_start3A_26 = arith.constant 0 : i32
    %dma_start3A_27 = arith.constant 0 : i32
    %dma_start3A_28 = tpu.memref_slice %arg8[%dma_start3A_26, %dma_start3A_27] : memref<3x744xi32, #tpu.memory_space<vmem>> -> memref<1x744xi32, #tpu.memory_space<vmem>>
    %dma_start3A_29 = tpu.memref_squeeze %dma_start3A_28 : memref<1x744xi32, #tpu.memory_space<vmem>> -> memref<744xi32, #tpu.memory_space<vmem>>
    %dma_start3A_30 = tpu.memref_slice %arg4[%add3A_17] : memref<1600000xi32, #tpu.memory_space<hbm>> -> memref<744xi32, #tpu.memory_space<hbm>>
    %dma_start3A_31 = arith.constant 0 : i32
    %dma_start3A_32 = tpu.memref_slice %arg8[%dma_start3A_26, %dma_start3A_31] : memref<3x744xi32, #tpu.memory_space<vmem>> -> memref<1x744xi32, #tpu.memory_space<vmem>>
    %dma_start3A_33 = tpu.memref_squeeze %dma_start3A_32 : memref<1x744xi32, #tpu.memory_space<vmem>> -> memref<744xi32, #tpu.memory_space<vmem>>
    %dma_start3A_34 = tpu.memref_slice %arg4[%add3A_17] : memref<1600000xi32, #tpu.memory_space<hbm>> -> memref<744xi32, #tpu.memory_space<hbm>>
    tpu.enqueue_dma source(%dma_start3A_34 : memref<744xi32, #tpu.memory_space<hbm>>) target(%dma_start3A_33 : memref<744xi32, #tpu.memory_space<vmem>>) target_semaphore(%arg10 : memref<!tpu.dma_semaphore, #tpu.memory_space<semaphore_mem>>)
    %scan3A_35 = arith.constant 0 : i32
    %scan3A_36 = arith.constant 0 : i32
    %scan3A_37 = arith.constant 12 : i32
    %scan3A_38 = arith.addi %scan3A_36, %scan3A_37 : i32
    %scan3A_39 = arith.constant 1 : i32
    scf.for %scan3A_100 = %scan3A_36 to %scan3A_38 step %scan3A_39  : i32 {
      %mul3A_101 = arith.constant 6 : i32
      %mul3A_102 = arith.muli %scan3A_100, %mul3A_101 : i32
      %add3A_103 = arith.constant 0 : i32
      %add3A_104 = arith.addi %mul3A_102, %add3A_103 : i32
      %lt3A = arith.constant 67 : i32
      %lt3A_105 = arith.cmpi slt, %add3A_104, %lt3A : i32
      %convert_element_type3A = arith.extui %lt3A_105 : i1 to i32
      %cond3A = arith.constant 0 : i32
      %cond3A_106 = arith.cmpi ne, %convert_element_type3A, %cond3A : i32
      scf.if %cond3A_106 {
        %dma_wait3A_142 = arith.constant 0 : i32
        %dma_wait3A_143 = arith.constant 0 : i32
        %dma_wait3A_144 = tpu.memref_slice %arg7[%dma_wait3A_142, %dma_wait3A_143] : memref<3x744xi32, #tpu.memory_space<vmem>> -> memref<1x744xi32, #tpu.memory_space<vmem>>
        %dma_wait3A_145 = tpu.memref_squeeze %dma_wait3A_144 : memref<1x744xi32, #tpu.memory_space<vmem>> -> memref<744xi32, #tpu.memory_space<vmem>>
        %dma_wait3A_146 = arith.constant 0 : i32
        %dma_wait3A_147 = tpu.memref_slice %arg3[%dma_wait3A_146] : memref<1600000xi32, #tpu.memory_space<hbm>> -> memref<744xi32, #tpu.memory_space<hbm>>
        %dma_wait3A_148 = arith.constant 0 : i32
        %dma_wait3A_149 = tpu.memref_slice %arg7[%dma_wait3A_142, %dma_wait3A_148] : memref<3x744xi32, #tpu.memory_space<vmem>> -> memref<1x744xi32, #tpu.memory_space<vmem>>
        %dma_wait3A_150 = tpu.memref_squeeze %dma_wait3A_149 : memref<1x744xi32, #tpu.memory_space<vmem>> -> memref<744xi32, #tpu.memory_space<vmem>>
        %dma_wait3A_151 = arith.constant 0 : i32
        %dma_wait3A_152 = tpu.memref_slice %arg3[%dma_wait3A_151] : memref<1600000xi32, #tpu.memory_space<hbm>> -> memref<744xi32, #tpu.memory_space<hbm>>
        tpu.wait_dma2 semaphore(%arg10 : memref<!tpu.dma_semaphore, #tpu.memory_space<semaphore_mem>>) src(%dma_wait3A_152 : memref<744xi32, #tpu.memory_space<hbm>>) dst(%dma_wait3A_150 : memref<744xi32, #tpu.memory_space<vmem>>)
        %dma_wait3A_153 = arith.constant 0 : i32
        %dma_wait3A_154 = arith.constant 0 : i32
        %dma_wait3A_155 = tpu.memref_slice %arg8[%dma_wait3A_153, %dma_wait3A_154] : memref<3x744xi32, #tpu.memory_space<vmem>> -> memref<1x744xi32, #tpu.memory_space<vmem>>
        %dma_wait3A_156 = tpu.memref_squeeze %dma_wait3A_155 : memref<1x744xi32, #tpu.memory_space<vmem>> -> memref<744xi32, #tpu.memory_space<vmem>>
        %dma_wait3A_157 = arith.constant 0 : i32
        %dma_wait3A_158 = tpu.memref_slice %arg4[%dma_wait3A_157] : memref<1600000xi32, #tpu.memory_space<hbm>> -> memref<744xi32, #tpu.memory_space<hbm>>
        %dma_wait3A_159 = arith.constant 0 : i32
        %dma_wait3A_160 = tpu.memref_slice %arg8[%dma_wait3A_153, %dma_wait3A_159] : memref<3x744xi32, #tpu.memory_space<vmem>> -> memref<1x744xi32, #tpu.memory_space<vmem>>
        %dma_wait3A_161 = tpu.memref_squeeze %dma_wait3A_160 : memref<1x744xi32, #tpu.memory_space<vmem>> -> memref<744xi32, #tpu.memory_space<vmem>>
        %dma_wait3A_162 = arith.constant 0 : i32
        %dma_wait3A_163 = tpu.memref_slice %arg4[%dma_wait3A_162] : memref<1600000xi32, #tpu.memory_space<hbm>> -> memref<744xi32, #tpu.memory_space<hbm>>
        tpu.wait_dma2 semaphore(%arg10 : memref<!tpu.dma_semaphore, #tpu.memory_space<semaphore_mem>>) src(%dma_wait3A_163 : memref<744xi32, #tpu.memory_space<hbm>>) dst(%dma_wait3A_161 : memref<744xi32, #tpu.memory_space<vmem>>)
        %ge3A = arith.constant 2 : i32
        %ge3A_164 = arith.cmpi sge, %add3A_104, %ge3A : i32
        %convert_element_type3A_165 = arith.extui %ge3A_164 : i1 to i32
        %cond3A_166 = arith.constant 0 : i32
        %cond3A_167 = arith.cmpi ne, %convert_element_type3A_165, %cond3A_166 : i32
        scf.if %cond3A_167 {
          %dma_wait3A_211 = arith.constant 0 : i32
          %dma_wait3A_212 = arith.constant 1 : i32
          %dma_wait3A_213 = arith.constant 0 : i32
          %dma_wait3A_214 = arith.constant 0 : i32
          %dma_wait3A_215 = tpu.memref_slice %arg9[%dma_wait3A_211, %dma_wait3A_213, %dma_wait3A_214] : memref<2x744x16xf32, #tpu.memory_space<vmem>> -> memref<1x744x16xf32, #tpu.memory_space<vmem>>
          %dma_wait3A_216 = tpu.memref_squeeze %dma_wait3A_215 : memref<1x744x16xf32, #tpu.memory_space<vmem>> -> memref<744x16xf32, #tpu.memory_space<vmem>>
          %dma_wait3A_217 = arith.constant 0 : i32
          %dma_wait3A_218 = tpu.memref_slice %arg8[%dma_wait3A_212, %dma_wait3A_217] : memref<3x744xi32, #tpu.memory_space<vmem>> -> memref<1x744xi32, #tpu.memory_space<vmem>>
          %dma_wait3A_219 = tpu.memref_squeeze %dma_wait3A_218 : memref<1x744xi32, #tpu.memory_space<vmem>> -> memref<744xi32, #tpu.memory_space<vmem>>
          %dma_wait3A_220 = arith.constant 0 : i32
          %dma_wait3A_221 = arith.constant 0 : i32
          %dma_wait3A_222 = tpu.memref_slice %arg6[%dma_wait3A_220, %dma_wait3A_221] : memref<102400x16xf32, #tpu.memory_space<vmem_shared>> -> memref<102400x16xf32, #tpu.memory_space<vmem_shared>>
          tpu.wait_indirect_dma semaphore(%arg12 : memref<!tpu.dma_semaphore, #tpu.memory_space<semaphore_mem>>) src(%dma_wait3A_216 : memref<744x16xf32, #tpu.memory_space<vmem>>) dst(%dma_wait3A_222 : memref<102400x16xf32, #tpu.memory_space<vmem_shared>>)
        } else {
        }
        %add3A_168 = arith.constant 1 : i32
        %add3A_169 = arith.addi %add3A_104, %add3A_168 : i32
        %lt3A_170 = arith.constant 67 : i32
        %lt3A_171 = arith.cmpi slt, %add3A_169, %lt3A_170 : i32
        %convert_element_type3A_172 = arith.extui %lt3A_171 : i1 to i32
        %cond3A_173 = arith.constant 0 : i32
        %cond3A_174 = arith.cmpi ne, %convert_element_type3A_172, %cond3A_173 : i32
        scf.if %cond3A_174 {
          %add3A_211 = arith.constant 1 : i32
          %add3A_212 = arith.addi %add3A_104, %add3A_211 : i32
          %mul3A_213 = arith.constant 744 : i32
          %mul3A_214 = arith.muli %add3A_212, %mul3A_213 : i32
          %add3A_215 = arith.addi %mul3A_15, %mul3A_214 : i32
          %dma_start3A_216 = arith.constant 1 : i32
          %dma_start3A_217 = arith.constant 0 : i32
          %dma_start3A_218 = tpu.memref_slice %arg7[%dma_start3A_216, %dma_start3A_217] : memref<3x744xi32, #tpu.memory_space<vmem>> -> memref<1x744xi32, #tpu.memory_space<vmem>>
          %dma_start3A_219 = tpu.memref_squeeze %dma_start3A_218 : memref<1x744xi32, #tpu.memory_space<vmem>> -> memref<744xi32, #tpu.memory_space<vmem>>
          %dma_start3A_220 = tpu.memref_slice %arg3[%add3A_215] : memref<1600000xi32, #tpu.memory_space<hbm>> -> memref<744xi32, #tpu.memory_space<hbm>>
          %dma_start3A_221 = arith.constant 0 : i32
          %dma_start3A_222 = tpu.memref_slice %arg7[%dma_start3A_216, %dma_start3A_221] : memref<3x744xi32, #tpu.memory_space<vmem>> -> memref<1x744xi32, #tpu.memory_space<vmem>>
          %dma_start3A_223 = tpu.memref_squeeze %dma_start3A_222 : memref<1x744xi32, #tpu.memory_space<vmem>> -> memref<744xi32, #tpu.memory_space<vmem>>
          %dma_start3A_224 = tpu.memref_slice %arg3[%add3A_215] : memref<1600000xi32, #tpu.memory_space<hbm>> -> memref<744xi32, #tpu.memory_space<hbm>>
          tpu.enqueue_dma source(%dma_start3A_224 : memref<744xi32, #tpu.memory_space<hbm>>) target(%dma_start3A_223 : memref<744xi32, #tpu.memory_space<vmem>>) target_semaphore(%arg10 : memref<!tpu.dma_semaphore, #tpu.memory_space<semaphore_mem>>)
          %dma_start3A_225 = arith.constant 1 : i32
          %dma_start3A_226 = arith.constant 0 : i32
          %dma_start3A_227 = tpu.memref_slice %arg8[%dma_start3A_225, %dma_start3A_226] : memref<3x744xi32, #tpu.memory_space<vmem>> -> memref<1x744xi32, #tpu.memory_space<vmem>>
          %dma_start3A_228 = tpu.memref_squeeze %dma_start3A_227 : memref<1x744xi32, #tpu.memory_space<vmem>> -> memref<744xi32, #tpu.memory_space<vmem>>
          %dma_start3A_229 = tpu.memref_slice %arg4[%add3A_215] : memref<1600000xi32, #tpu.memory_space<hbm>> -> memref<744xi32, #tpu.memory_space<hbm>>
          %dma_start3A_230 = arith.constant 0 : i32
          %dma_start3A_231 = tpu.memref_slice %arg8[%dma_start3A_225, %dma_start3A_230] : memref<3x744xi32, #tpu.memory_space<vmem>> -> memref<1x744xi32, #tpu.memory_space<vmem>>
          %dma_start3A_232 = tpu.memref_squeeze %dma_start3A_231 : memref<1x744xi32, #tpu.memory_space<vmem>> -> memref<744xi32, #tpu.memory_space<vmem>>
          %dma_start3A_233 = tpu.memref_slice %arg4[%add3A_215] : memref<1600000xi32, #tpu.memory_space<hbm>> -> memref<744xi32, #tpu.memory_space<hbm>>
          tpu.enqueue_dma source(%dma_start3A_233 : memref<744xi32, #tpu.memory_space<hbm>>) target(%dma_start3A_232 : memref<744xi32, #tpu.memory_space<vmem>>) target_semaphore(%arg10 : memref<!tpu.dma_semaphore, #tpu.memory_space<semaphore_mem>>)
        } else {
        }
        %dma_start3A_175 = arith.constant 0 : i32
        %dma_start3A_176 = arith.constant 0 : i32
        %dma_start3A_177 = arith.constant 0 : i32
        %dma_start3A_178 = arith.constant 0 : i32
        %dma_start3A_179 = tpu.memref_slice %arg9[%dma_start3A_176, %dma_start3A_177, %dma_start3A_178] : memref<2x744x16xf32, #tpu.memory_space<vmem>> -> memref<1x744x16xf32, #tpu.memory_space<vmem>>
        %dma_start3A_180 = tpu.memref_squeeze %dma_start3A_179 : memref<1x744x16xf32, #tpu.memory_space<vmem>> -> memref<744x16xf32, #tpu.memory_space<vmem>>
        %dma_start3A_181 = arith.constant 0 : i32
        %dma_start3A_182 = tpu.memref_slice %arg7[%dma_start3A_175, %dma_start3A_181] : memref<3x744xi32, #tpu.memory_space<vmem>> -> memref<1x744xi32, #tpu.memory_space<vmem>>
        %dma_start3A_183 = tpu.memref_squeeze %dma_start3A_182 : memref<1x744xi32, #tpu.memory_space<vmem>> -> memref<744xi32, #tpu.memory_space<vmem>>
        %dma_start3A_184 = arith.constant 0 : i32
        %dma_start3A_185 = arith.constant 0 : i32
        %dma_start3A_186 = tpu.memref_slice %arg2[%dma_start3A_184, %dma_start3A_185] : memref<102400x16xf32, #tpu.memory_space<hbm>> -> memref<102400x16xf32, #tpu.memory_space<hbm>>
        tpu.enqueue_indirect_dma source(%dma_start3A_186 : memref<102400x16xf32, #tpu.memory_space<hbm>>) target(%dma_start3A_180 : memref<744x16xf32, #tpu.memory_space<vmem>>) offsets(%dma_start3A_183 : memref<744xi32, #tpu.memory_space<vmem>>) semaphore(%arg11 : memref<!tpu.dma_semaphore, #tpu.memory_space<semaphore_mem>>)
        %dma_wait3A_187 = arith.constant 0 : i32
        %dma_wait3A_188 = arith.constant 0 : i32
        %dma_wait3A_189 = arith.constant 0 : i32
        %dma_wait3A_190 = arith.constant 0 : i32
        %dma_wait3A_191 = tpu.memref_slice %arg9[%dma_wait3A_188, %dma_wait3A_189, %dma_wait3A_190] : memref<2x744x16xf32, #tpu.memory_space<vmem>> -> memref<1x744x16xf32, #tpu.memory_space<vmem>>
        %dma_wait3A_192 = tpu.memref_squeeze %dma_wait3A_191 : memref<1x744x16xf32, #tpu.memory_space<vmem>> -> memref<744x16xf32, #tpu.memory_space<vmem>>
        %dma_wait3A_193 = arith.constant 0 : i32
        %dma_wait3A_194 = tpu.memref_slice %arg7[%dma_wait3A_187, %dma_wait3A_193] : memref<3x744xi32, #tpu.memory_space<vmem>> -> memref<1x744xi32, #tpu.memory_space<vmem>>
        %dma_wait3A_195 = tpu.memref_squeeze %dma_wait3A_194 : memref<1x744xi32, #tpu.memory_space<vmem>> -> memref<744xi32, #tpu.memory_space<vmem>>
        %dma_wait3A_196 = arith.constant 0 : i32
        %dma_wait3A_197 = arith.constant 0 : i32
        %dma_wait3A_198 = tpu.memref_slice %arg2[%dma_wait3A_196, %dma_wait3A_197] : memref<102400x16xf32, #tpu.memory_space<hbm>> -> memref<102400x16xf32, #tpu.memory_space<hbm>>
        tpu.wait_indirect_dma semaphore(%arg11 : memref<!tpu.dma_semaphore, #tpu.memory_space<semaphore_mem>>) src(%dma_wait3A_198 : memref<102400x16xf32, #tpu.memory_space<hbm>>) dst(%dma_wait3A_192 : memref<744x16xf32, #tpu.memory_space<vmem>>)
        %dma_start3A_199 = arith.constant 0 : i32
        %dma_start3A_200 = arith.constant 0 : i32
        %dma_start3A_201 = arith.constant 0 : i32
        %dma_start3A_202 = arith.constant 0 : i32
        %dma_start3A_203 = tpu.memref_slice %arg9[%dma_start3A_199, %dma_start3A_201, %dma_start3A_202] : memref<2x744x16xf32, #tpu.memory_space<vmem>> -> memref<1x744x16xf32, #tpu.memory_space<vmem>>
        %dma_start3A_204 = tpu.memref_squeeze %dma_start3A_203 : memref<1x744x16xf32, #tpu.memory_space<vmem>> -> memref<744x16xf32, #tpu.memory_space<vmem>>
        %dma_start3A_205 = arith.constant 0 : i32
        %dma_start3A_206 = tpu.memref_slice %arg8[%dma_start3A_200, %dma_start3A_205] : memref<3x744xi32, #tpu.memory_space<vmem>> -> memref<1x744xi32, #tpu.memory_space<vmem>>
        %dma_start3A_207 = tpu.memref_squeeze %dma_start3A_206 : memref<1x744xi32, #tpu.memory_space<vmem>> -> memref<744xi32, #tpu.memory_space<vmem>>
        %dma_start3A_208 = arith.constant 0 : i32
        %dma_start3A_209 = arith.constant 0 : i32
        %dma_start3A_210 = tpu.memref_slice %arg6[%dma_start3A_208, %dma_start3A_209] : memref<102400x16xf32, #tpu.memory_space<vmem_shared>> -> memref<102400x16xf32, #tpu.memory_space<vmem_shared>>
        tpu.enqueue_indirect_dma source(%dma_start3A_204 : memref<744x16xf32, #tpu.memory_space<vmem>>) target(%dma_start3A_210 : memref<102400x16xf32, #tpu.memory_space<vmem_shared>>) offsets(%dma_start3A_207 : memref<744xi32, #tpu.memory_space<vmem>>) semaphore(%arg12 : memref<!tpu.dma_semaphore, #tpu.memory_space<semaphore_mem>>) {add = true}
      } else {
      }
      %add3A_107 = arith.constant 1 : i32
      %add3A_108 = arith.addi %mul3A_102, %add3A_107 : i32
      %lt3A_109 = arith.constant 67 : i32
      %lt3A_110 = arith.cmpi slt, %add3A_108, %lt3A_109 : i32
      %convert_element_type3A_111 = arith.extui %lt3A_110 : i1 to i32
      %cond3A_112 = arith.constant 0 : i32
      %cond3A_113 = arith.cmpi ne, %convert_element_type3A_111, %cond3A_112 : i32
      scf.if %cond3A_113 {
        %dma_wait3A_142 = arith.constant 1 : i32
        %dma_wait3A_143 = arith.constant 0 : i32
        %dma_wait3A_144 = tpu.memref_slice %arg7[%dma_wait3A_142, %dma_wait3A_143] : memref<3x744xi32, #tpu.memory_space<vmem>> -> memref<1x744xi32, #tpu.memory_space<vmem>>
        %dma_wait3A_145 = tpu.memref_squeeze %dma_wait3A_144 : memref<1x744xi32, #tpu.memory_space<vmem>> -> memref<744xi32, #tpu.memory_space<vmem>>
        %dma_wait3A_146 = arith.constant 0 : i32
        %dma_wait3A_147 = tpu.memref_slice %arg3[%dma_wait3A_146] : memref<1600000xi32, #tpu.memory_space<hbm>> -> memref<744xi32, #tpu.memory_space<hbm>>
        %dma_wait3A_148 = arith.constant 0 : i32
        %dma_wait3A_149 = tpu.memref_slice %arg7[%dma_wait3A_142, %dma_wait3A_148] : memref<3x744xi32, #tpu.memory_space<vmem>> -> memref<1x744xi32, #tpu.memory_space<vmem>>
        %dma_wait3A_150 = tpu.memref_squeeze %dma_wait3A_149 : memref<1x744xi32, #tpu.memory_space<vmem>> -> memref<744xi32, #tpu.memory_space<vmem>>
        %dma_wait3A_151 = arith.constant 0 : i32
        %dma_wait3A_152 = tpu.memref_slice %arg3[%dma_wait3A_151] : memref<1600000xi32, #tpu.memory_space<hbm>> -> memref<744xi32, #tpu.memory_space<hbm>>
        tpu.wait_dma2 semaphore(%arg10 : memref<!tpu.dma_semaphore, #tpu.memory_space<semaphore_mem>>) src(%dma_wait3A_152 : memref<744xi32, #tpu.memory_space<hbm>>) dst(%dma_wait3A_150 : memref<744xi32, #tpu.memory_space<vmem>>)
        %dma_wait3A_153 = arith.constant 1 : i32
        %dma_wait3A_154 = arith.constant 0 : i32
        %dma_wait3A_155 = tpu.memref_slice %arg8[%dma_wait3A_153, %dma_wait3A_154] : memref<3x744xi32, #tpu.memory_space<vmem>> -> memref<1x744xi32, #tpu.memory_space<vmem>>
        %dma_wait3A_156 = tpu.memref_squeeze %dma_wait3A_155 : memref<1x744xi32, #tpu.memory_space<vmem>> -> memref<744xi32, #tpu.memory_space<vmem>>
        %dma_wait3A_157 = arith.constant 0 : i32
        %dma_wait3A_158 = tpu.memref_slice %arg4[%dma_wait3A_157] : memref<1600000xi32, #tpu.memory_space<hbm>> -> memref<744xi32, #tpu.memory_space<hbm>>
        %dma_wait3A_159 = arith.constant 0 : i32
        %dma_wait3A_160 = tpu.memref_slice %arg8[%dma_wait3A_153, %dma_wait3A_159] : memref<3x744xi32, #tpu.memory_space<vmem>> -> memref<1x744xi32, #tpu.memory_space<vmem>>
        %dma_wait3A_161 = tpu.memref_squeeze %dma_wait3A_160 : memref<1x744xi32, #tpu.memory_space<vmem>> -> memref<744xi32, #tpu.memory_space<vmem>>
        %dma_wait3A_162 = arith.constant 0 : i32
        %dma_wait3A_163 = tpu.memref_slice %arg4[%dma_wait3A_162] : memref<1600000xi32, #tpu.memory_space<hbm>> -> memref<744xi32, #tpu.memory_space<hbm>>
        tpu.wait_dma2 semaphore(%arg10 : memref<!tpu.dma_semaphore, #tpu.memory_space<semaphore_mem>>) src(%dma_wait3A_163 : memref<744xi32, #tpu.memory_space<hbm>>) dst(%dma_wait3A_161 : memref<744xi32, #tpu.memory_space<vmem>>)
        %ge3A = arith.constant 2 : i32
        %ge3A_164 = arith.cmpi sge, %add3A_108, %ge3A : i32
        %convert_element_type3A_165 = arith.extui %ge3A_164 : i1 to i32
        %cond3A_166 = arith.constant 0 : i32
        %cond3A_167 = arith.cmpi ne, %convert_element_type3A_165, %cond3A_166 : i32
        scf.if %cond3A_167 {
          %dma_wait3A_211 = arith.constant 1 : i32
          %dma_wait3A_212 = arith.constant 2 : i32
          %dma_wait3A_213 = arith.constant 0 : i32
          %dma_wait3A_214 = arith.constant 0 : i32
          %dma_wait3A_215 = tpu.memref_slice %arg9[%dma_wait3A_211, %dma_wait3A_213, %dma_wait3A_214] : memref<2x744x16xf32, #tpu.memory_space<vmem>> -> memref<1x744x16xf32, #tpu.memory_space<vmem>>
          %dma_wait3A_216 = tpu.memref_squeeze %dma_wait3A_215 : memref<1x744x16xf32, #tpu.memory_space<vmem>> -> memref<744x16xf32, #tpu.memory_space<vmem>>
          %dma_wait3A_217 = arith.constant 0 : i32
          %dma_wait3A_218 = tpu.memref_slice %arg8[%dma_wait3A_212, %dma_wait3A_217] : memref<3x744xi32, #tpu.memory_space<vmem>> -> memref<1x744xi32, #tpu.memory_space<vmem>>
          %dma_wait3A_219 = tpu.memref_squeeze %dma_wait3A_218 : memref<1x744xi32, #tpu.memory_space<vmem>> -> memref<744xi32, #tpu.memory_space<vmem>>
          %dma_wait3A_220 = arith.constant 0 : i32
          %dma_wait3A_221 = arith.constant 0 : i32
          %dma_wait3A_222 = tpu.memref_slice %arg6[%dma_wait3A_220, %dma_wait3A_221] : memref<102400x16xf32, #tpu.memory_space<vmem_shared>> -> memref<102400x16xf32, #tpu.memory_space<vmem_shared>>
          tpu.wait_indirect_dma semaphore(%arg13 : memref<!tpu.dma_semaphore, #tpu.memory_space<semaphore_mem>>) src(%dma_wait3A_216 : memref<744x16xf32, #tpu.memory_space<vmem>>) dst(%dma_wait3A_222 : memref<102400x16xf32, #tpu.memory_space<vmem_shared>>)
        } else {
        }
        %add3A_168 = arith.constant 1 : i32
        %add3A_169 = arith.addi %add3A_108, %add3A_168 : i32
        %lt3A_170 = arith.constant 67 : i32
        %lt3A_171 = arith.cmpi slt, %add3A_169, %lt3A_170 : i32
        %convert_element_type3A_172 = arith.extui %lt3A_171 : i1 to i32
        %cond3A_173 = arith.constant 0 : i32
        %cond3A_174 = arith.cmpi ne, %convert_element_type3A_172, %cond3A_173 : i32
        scf.if %cond3A_174 {
          %add3A_211 = arith.constant 1 : i32
          %add3A_212 = arith.addi %add3A_108, %add3A_211 : i32
          %mul3A_213 = arith.constant 744 : i32
          %mul3A_214 = arith.muli %add3A_212, %mul3A_213 : i32
          %add3A_215 = arith.addi %mul3A_15, %mul3A_214 : i32
          %dma_start3A_216 = arith.constant 2 : i32
          %dma_start3A_217 = arith.constant 0 : i32
          %dma_start3A_218 = tpu.memref_slice %arg7[%dma_start3A_216, %dma_start3A_217] : memref<3x744xi32, #tpu.memory_space<vmem>> -> memref<1x744xi32, #tpu.memory_space<vmem>>
          %dma_start3A_219 = tpu.memref_squeeze %dma_start3A_218 : memref<1x744xi32, #tpu.memory_space<vmem>> -> memref<744xi32, #tpu.memory_space<vmem>>
          %dma_start3A_220 = tpu.memref_slice %arg3[%add3A_215] : memref<1600000xi32, #tpu.memory_space<hbm>> -> memref<744xi32, #tpu.memory_space<hbm>>
          %dma_start3A_221 = arith.constant 0 : i32
          %dma_start3A_222 = tpu.memref_slice %arg7[%dma_start3A_216, %dma_start3A_221] : memref<3x744xi32, #tpu.memory_space<vmem>> -> memref<1x744xi32, #tpu.memory_space<vmem>>
          %dma_start3A_223 = tpu.memref_squeeze %dma_start3A_222 : memref<1x744xi32, #tpu.memory_space<vmem>> -> memref<744xi32, #tpu.memory_space<vmem>>
          %dma_start3A_224 = tpu.memref_slice %arg3[%add3A_215] : memref<1600000xi32, #tpu.memory_space<hbm>> -> memref<744xi32, #tpu.memory_space<hbm>>
          tpu.enqueue_dma source(%dma_start3A_224 : memref<744xi32, #tpu.memory_space<hbm>>) target(%dma_start3A_223 : memref<744xi32, #tpu.memory_space<vmem>>) target_semaphore(%arg10 : memref<!tpu.dma_semaphore, #tpu.memory_space<semaphore_mem>>)
          %dma_start3A_225 = arith.constant 2 : i32
          %dma_start3A_226 = arith.constant 0 : i32
          %dma_start3A_227 = tpu.memref_slice %arg8[%dma_start3A_225, %dma_start3A_226] : memref<3x744xi32, #tpu.memory_space<vmem>> -> memref<1x744xi32, #tpu.memory_space<vmem>>
          %dma_start3A_228 = tpu.memref_squeeze %dma_start3A_227 : memref<1x744xi32, #tpu.memory_space<vmem>> -> memref<744xi32, #tpu.memory_space<vmem>>
          %dma_start3A_229 = tpu.memref_slice %arg4[%add3A_215] : memref<1600000xi32, #tpu.memory_space<hbm>> -> memref<744xi32, #tpu.memory_space<hbm>>
          %dma_start3A_230 = arith.constant 0 : i32
          %dma_start3A_231 = tpu.memref_slice %arg8[%dma_start3A_225, %dma_start3A_230] : memref<3x744xi32, #tpu.memory_space<vmem>> -> memref<1x744xi32, #tpu.memory_space<vmem>>
          %dma_start3A_232 = tpu.memref_squeeze %dma_start3A_231 : memref<1x744xi32, #tpu.memory_space<vmem>> -> memref<744xi32, #tpu.memory_space<vmem>>
          %dma_start3A_233 = tpu.memref_slice %arg4[%add3A_215] : memref<1600000xi32, #tpu.memory_space<hbm>> -> memref<744xi32, #tpu.memory_space<hbm>>
          tpu.enqueue_dma source(%dma_start3A_233 : memref<744xi32, #tpu.memory_space<hbm>>) target(%dma_start3A_232 : memref<744xi32, #tpu.memory_space<vmem>>) target_semaphore(%arg10 : memref<!tpu.dma_semaphore, #tpu.memory_space<semaphore_mem>>)
        } else {
        }
        %dma_start3A_175 = arith.constant 1 : i32
        %dma_start3A_176 = arith.constant 1 : i32
        %dma_start3A_177 = arith.constant 0 : i32
        %dma_start3A_178 = arith.constant 0 : i32
        %dma_start3A_179 = tpu.memref_slice %arg9[%dma_start3A_176, %dma_start3A_177, %dma_start3A_178] : memref<2x744x16xf32, #tpu.memory_space<vmem>> -> memref<1x744x16xf32, #tpu.memory_space<vmem>>
        %dma_start3A_180 = tpu.memref_squeeze %dma_start3A_179 : memref<1x744x16xf32, #tpu.memory_space<vmem>> -> memref<744x16xf32, #tpu.memory_space<vmem>>
        %dma_start3A_181 = arith.constant 0 : i32
        %dma_start3A_182 = tpu.memref_slice %arg7[%dma_start3A_175, %dma_start3A_181] : memref<3x744xi32, #tpu.memory_space<vmem>> -> memref<1x744xi32, #tpu.memory_space<vmem>>
        %dma_start3A_183 = tpu.memref_squeeze %dma_start3A_182 : memref<1x744xi32, #tpu.memory_space<vmem>> -> memref<744xi32, #tpu.memory_space<vmem>>
        %dma_start3A_184 = arith.constant 0 : i32
        %dma_start3A_185 = arith.constant 0 : i32
        %dma_start3A_186 = tpu.memref_slice %arg2[%dma_start3A_184, %dma_start3A_185] : memref<102400x16xf32, #tpu.memory_space<hbm>> -> memref<102400x16xf32, #tpu.memory_space<hbm>>
        tpu.enqueue_indirect_dma source(%dma_start3A_186 : memref<102400x16xf32, #tpu.memory_space<hbm>>) target(%dma_start3A_180 : memref<744x16xf32, #tpu.memory_space<vmem>>) offsets(%dma_start3A_183 : memref<744xi32, #tpu.memory_space<vmem>>) semaphore(%arg11 : memref<!tpu.dma_semaphore, #tpu.memory_space<semaphore_mem>>)
        %dma_wait3A_187 = arith.constant 1 : i32
        %dma_wait3A_188 = arith.constant 1 : i32
        %dma_wait3A_189 = arith.constant 0 : i32
        %dma_wait3A_190 = arith.constant 0 : i32
        %dma_wait3A_191 = tpu.memref_slice %arg9[%dma_wait3A_188, %dma_wait3A_189, %dma_wait3A_190] : memref<2x744x16xf32, #tpu.memory_space<vmem>> -> memref<1x744x16xf32, #tpu.memory_space<vmem>>
        %dma_wait3A_192 = tpu.memref_squeeze %dma_wait3A_191 : memref<1x744x16xf32, #tpu.memory_space<vmem>> -> memref<744x16xf32, #tpu.memory_space<vmem>>
        %dma_wait3A_193 = arith.constant 0 : i32
        %dma_wait3A_194 = tpu.memref_slice %arg7[%dma_wait3A_187, %dma_wait3A_193] : memref<3x744xi32, #tpu.memory_space<vmem>> -> memref<1x744xi32, #tpu.memory_space<vmem>>
        %dma_wait3A_195 = tpu.memref_squeeze %dma_wait3A_194 : memref<1x744xi32, #tpu.memory_space<vmem>> -> memref<744xi32, #tpu.memory_space<vmem>>
        %dma_wait3A_196 = arith.constant 0 : i32
        %dma_wait3A_197 = arith.constant 0 : i32
        %dma_wait3A_198 = tpu.memref_slice %arg2[%dma_wait3A_196, %dma_wait3A_197] : memref<102400x16xf32, #tpu.memory_space<hbm>> -> memref<102400x16xf32, #tpu.memory_space<hbm>>
        tpu.wait_indirect_dma semaphore(%arg11 : memref<!tpu.dma_semaphore, #tpu.memory_space<semaphore_mem>>) src(%dma_wait3A_198 : memref<102400x16xf32, #tpu.memory_space<hbm>>) dst(%dma_wait3A_192 : memref<744x16xf32, #tpu.memory_space<vmem>>)
        %dma_start3A_199 = arith.constant 1 : i32
        %dma_start3A_200 = arith.constant 1 : i32
        %dma_start3A_201 = arith.constant 0 : i32
        %dma_start3A_202 = arith.constant 0 : i32
        %dma_start3A_203 = tpu.memref_slice %arg9[%dma_start3A_199, %dma_start3A_201, %dma_start3A_202] : memref<2x744x16xf32, #tpu.memory_space<vmem>> -> memref<1x744x16xf32, #tpu.memory_space<vmem>>
        %dma_start3A_204 = tpu.memref_squeeze %dma_start3A_203 : memref<1x744x16xf32, #tpu.memory_space<vmem>> -> memref<744x16xf32, #tpu.memory_space<vmem>>
        %dma_start3A_205 = arith.constant 0 : i32
        %dma_start3A_206 = tpu.memref_slice %arg8[%dma_start3A_200, %dma_start3A_205] : memref<3x744xi32, #tpu.memory_space<vmem>> -> memref<1x744xi32, #tpu.memory_space<vmem>>
        %dma_start3A_207 = tpu.memref_squeeze %dma_start3A_206 : memref<1x744xi32, #tpu.memory_space<vmem>> -> memref<744xi32, #tpu.memory_space<vmem>>
        %dma_start3A_208 = arith.constant 0 : i32
        %dma_start3A_209 = arith.constant 0 : i32
        %dma_start3A_210 = tpu.memref_slice %arg6[%dma_start3A_208, %dma_start3A_209] : memref<102400x16xf32, #tpu.memory_space<vmem_shared>> -> memref<102400x16xf32, #tpu.memory_space<vmem_shared>>
        tpu.enqueue_indirect_dma source(%dma_start3A_204 : memref<744x16xf32, #tpu.memory_space<vmem>>) target(%dma_start3A_210 : memref<102400x16xf32, #tpu.memory_space<vmem_shared>>) offsets(%dma_start3A_207 : memref<744xi32, #tpu.memory_space<vmem>>) semaphore(%arg13 : memref<!tpu.dma_semaphore, #tpu.memory_space<semaphore_mem>>) {add = true}
      } else {
      }
      %add3A_114 = arith.constant 2 : i32
      %add3A_115 = arith.addi %mul3A_102, %add3A_114 : i32
      %lt3A_116 = arith.constant 67 : i32
      %lt3A_117 = arith.cmpi slt, %add3A_115, %lt3A_116 : i32
      %convert_element_type3A_118 = arith.extui %lt3A_117 : i1 to i32
      %cond3A_119 = arith.constant 0 : i32
      %cond3A_120 = arith.cmpi ne, %convert_element_type3A_118, %cond3A_119 : i32
      scf.if %cond3A_120 {
        %dma_wait3A_142 = arith.constant 2 : i32
        %dma_wait3A_143 = arith.constant 0 : i32
        %dma_wait3A_144 = tpu.memref_slice %arg7[%dma_wait3A_142, %dma_wait3A_143] : memref<3x744xi32, #tpu.memory_space<vmem>> -> memref<1x744xi32, #tpu.memory_space<vmem>>
        %dma_wait3A_145 = tpu.memref_squeeze %dma_wait3A_144 : memref<1x744xi32, #tpu.memory_space<vmem>> -> memref<744xi32, #tpu.memory_space<vmem>>
        %dma_wait3A_146 = arith.constant 0 : i32
        %dma_wait3A_147 = tpu.memref_slice %arg3[%dma_wait3A_146] : memref<1600000xi32, #tpu.memory_space<hbm>> -> memref<744xi32, #tpu.memory_space<hbm>>
        %dma_wait3A_148 = arith.constant 0 : i32
        %dma_wait3A_149 = tpu.memref_slice %arg7[%dma_wait3A_142, %dma_wait3A_148] : memref<3x744xi32, #tpu.memory_space<vmem>> -> memref<1x744xi32, #tpu.memory_space<vmem>>
        %dma_wait3A_150 = tpu.memref_squeeze %dma_wait3A_149 : memref<1x744xi32, #tpu.memory_space<vmem>> -> memref<744xi32, #tpu.memory_space<vmem>>
        %dma_wait3A_151 = arith.constant 0 : i32
        %dma_wait3A_152 = tpu.memref_slice %arg3[%dma_wait3A_151] : memref<1600000xi32, #tpu.memory_space<hbm>> -> memref<744xi32, #tpu.memory_space<hbm>>
        tpu.wait_dma2 semaphore(%arg10 : memref<!tpu.dma_semaphore, #tpu.memory_space<semaphore_mem>>) src(%dma_wait3A_152 : memref<744xi32, #tpu.memory_space<hbm>>) dst(%dma_wait3A_150 : memref<744xi32, #tpu.memory_space<vmem>>)
        %dma_wait3A_153 = arith.constant 2 : i32
        %dma_wait3A_154 = arith.constant 0 : i32
        %dma_wait3A_155 = tpu.memref_slice %arg8[%dma_wait3A_153, %dma_wait3A_154] : memref<3x744xi32, #tpu.memory_space<vmem>> -> memref<1x744xi32, #tpu.memory_space<vmem>>
        %dma_wait3A_156 = tpu.memref_squeeze %dma_wait3A_155 : memref<1x744xi32, #tpu.memory_space<vmem>> -> memref<744xi32, #tpu.memory_space<vmem>>
        %dma_wait3A_157 = arith.constant 0 : i32
        %dma_wait3A_158 = tpu.memref_slice %arg4[%dma_wait3A_157] : memref<1600000xi32, #tpu.memory_space<hbm>> -> memref<744xi32, #tpu.memory_space<hbm>>
        %dma_wait3A_159 = arith.constant 0 : i32
        %dma_wait3A_160 = tpu.memref_slice %arg8[%dma_wait3A_153, %dma_wait3A_159] : memref<3x744xi32, #tpu.memory_space<vmem>> -> memref<1x744xi32, #tpu.memory_space<vmem>>
        %dma_wait3A_161 = tpu.memref_squeeze %dma_wait3A_160 : memref<1x744xi32, #tpu.memory_space<vmem>> -> memref<744xi32, #tpu.memory_space<vmem>>
        %dma_wait3A_162 = arith.constant 0 : i32
        %dma_wait3A_163 = tpu.memref_slice %arg4[%dma_wait3A_162] : memref<1600000xi32, #tpu.memory_space<hbm>> -> memref<744xi32, #tpu.memory_space<hbm>>
        tpu.wait_dma2 semaphore(%arg10 : memref<!tpu.dma_semaphore, #tpu.memory_space<semaphore_mem>>) src(%dma_wait3A_163 : memref<744xi32, #tpu.memory_space<hbm>>) dst(%dma_wait3A_161 : memref<744xi32, #tpu.memory_space<vmem>>)
        %ge3A = arith.constant 2 : i32
        %ge3A_164 = arith.cmpi sge, %add3A_115, %ge3A : i32
        %convert_element_type3A_165 = arith.extui %ge3A_164 : i1 to i32
        %cond3A_166 = arith.constant 0 : i32
        %cond3A_167 = arith.cmpi ne, %convert_element_type3A_165, %cond3A_166 : i32
        scf.if %cond3A_167 {
          %dma_wait3A_211 = arith.constant 0 : i32
          %dma_wait3A_212 = arith.constant 0 : i32
          %dma_wait3A_213 = arith.constant 0 : i32
          %dma_wait3A_214 = arith.constant 0 : i32
          %dma_wait3A_215 = tpu.memref_slice %arg9[%dma_wait3A_211, %dma_wait3A_213, %dma_wait3A_214] : memref<2x744x16xf32, #tpu.memory_space<vmem>> -> memref<1x744x16xf32, #tpu.memory_space<vmem>>
          %dma_wait3A_216 = tpu.memref_squeeze %dma_wait3A_215 : memref<1x744x16xf32, #tpu.memory_space<vmem>> -> memref<744x16xf32, #tpu.memory_space<vmem>>
          %dma_wait3A_217 = arith.constant 0 : i32
          %dma_wait3A_218 = tpu.memref_slice %arg8[%dma_wait3A_212, %dma_wait3A_217] : memref<3x744xi32, #tpu.memory_space<vmem>> -> memref<1x744xi32, #tpu.memory_space<vmem>>
          %dma_wait3A_219 = tpu.memref_squeeze %dma_wait3A_218 : memref<1x744xi32, #tpu.memory_space<vmem>> -> memref<744xi32, #tpu.memory_space<vmem>>
          %dma_wait3A_220 = arith.constant 0 : i32
          %dma_wait3A_221 = arith.constant 0 : i32
          %dma_wait3A_222 = tpu.memref_slice %arg6[%dma_wait3A_220, %dma_wait3A_221] : memref<102400x16xf32, #tpu.memory_space<vmem_shared>> -> memref<102400x16xf32, #tpu.memory_space<vmem_shared>>
          tpu.wait_indirect_dma semaphore(%arg12 : memref<!tpu.dma_semaphore, #tpu.memory_space<semaphore_mem>>) src(%dma_wait3A_216 : memref<744x16xf32, #tpu.memory_space<vmem>>) dst(%dma_wait3A_222 : memref<102400x16xf32, #tpu.memory_space<vmem_shared>>)
        } else {
        }
        %add3A_168 = arith.constant 1 : i32
        %add3A_169 = arith.addi %add3A_115, %add3A_168 : i32
        %lt3A_170 = arith.constant 67 : i32
        %lt3A_171 = arith.cmpi slt, %add3A_169, %lt3A_170 : i32
        %convert_element_type3A_172 = arith.extui %lt3A_171 : i1 to i32
        %cond3A_173 = arith.constant 0 : i32
        %cond3A_174 = arith.cmpi ne, %convert_element_type3A_172, %cond3A_173 : i32
        scf.if %cond3A_174 {
          %add3A_211 = arith.constant 1 : i32
          %add3A_212 = arith.addi %add3A_115, %add3A_211 : i32
          %mul3A_213 = arith.constant 744 : i32
          %mul3A_214 = arith.muli %add3A_212, %mul3A_213 : i32
          %add3A_215 = arith.addi %mul3A_15, %mul3A_214 : i32
          %dma_start3A_216 = arith.constant 0 : i32
          %dma_start3A_217 = arith.constant 0 : i32
          %dma_start3A_218 = tpu.memref_slice %arg7[%dma_start3A_216, %dma_start3A_217] : memref<3x744xi32, #tpu.memory_space<vmem>> -> memref<1x744xi32, #tpu.memory_space<vmem>>
          %dma_start3A_219 = tpu.memref_squeeze %dma_start3A_218 : memref<1x744xi32, #tpu.memory_space<vmem>> -> memref<744xi32, #tpu.memory_space<vmem>>
          %dma_start3A_220 = tpu.memref_slice %arg3[%add3A_215] : memref<1600000xi32, #tpu.memory_space<hbm>> -> memref<744xi32, #tpu.memory_space<hbm>>
          %dma_start3A_221 = arith.constant 0 : i32
          %dma_start3A_222 = tpu.memref_slice %arg7[%dma_start3A_216, %dma_start3A_221] : memref<3x744xi32, #tpu.memory_space<vmem>> -> memref<1x744xi32, #tpu.memory_space<vmem>>
          %dma_start3A_223 = tpu.memref_squeeze %dma_start3A_222 : memref<1x744xi32, #tpu.memory_space<vmem>> -> memref<744xi32, #tpu.memory_space<vmem>>
          %dma_start3A_224 = tpu.memref_slice %arg3[%add3A_215] : memref<1600000xi32, #tpu.memory_space<hbm>> -> memref<744xi32, #tpu.memory_space<hbm>>
          tpu.enqueue_dma source(%dma_start3A_224 : memref<744xi32, #tpu.memory_space<hbm>>) target(%dma_start3A_223 : memref<744xi32, #tpu.memory_space<vmem>>) target_semaphore(%arg10 : memref<!tpu.dma_semaphore, #tpu.memory_space<semaphore_mem>>)
          %dma_start3A_225 = arith.constant 0 : i32
          %dma_start3A_226 = arith.constant 0 : i32
          %dma_start3A_227 = tpu.memref_slice %arg8[%dma_start3A_225, %dma_start3A_226] : memref<3x744xi32, #tpu.memory_space<vmem>> -> memref<1x744xi32, #tpu.memory_space<vmem>>
          %dma_start3A_228 = tpu.memref_squeeze %dma_start3A_227 : memref<1x744xi32, #tpu.memory_space<vmem>> -> memref<744xi32, #tpu.memory_space<vmem>>
          %dma_start3A_229 = tpu.memref_slice %arg4[%add3A_215] : memref<1600000xi32, #tpu.memory_space<hbm>> -> memref<744xi32, #tpu.memory_space<hbm>>
          %dma_start3A_230 = arith.constant 0 : i32
          %dma_start3A_231 = tpu.memref_slice %arg8[%dma_start3A_225, %dma_start3A_230] : memref<3x744xi32, #tpu.memory_space<vmem>> -> memref<1x744xi32, #tpu.memory_space<vmem>>
          %dma_start3A_232 = tpu.memref_squeeze %dma_start3A_231 : memref<1x744xi32, #tpu.memory_space<vmem>> -> memref<744xi32, #tpu.memory_space<vmem>>
          %dma_start3A_233 = tpu.memref_slice %arg4[%add3A_215] : memref<1600000xi32, #tpu.memory_space<hbm>> -> memref<744xi32, #tpu.memory_space<hbm>>
          tpu.enqueue_dma source(%dma_start3A_233 : memref<744xi32, #tpu.memory_space<hbm>>) target(%dma_start3A_232 : memref<744xi32, #tpu.memory_space<vmem>>) target_semaphore(%arg10 : memref<!tpu.dma_semaphore, #tpu.memory_space<semaphore_mem>>)
        } else {
        }
        %dma_start3A_175 = arith.constant 2 : i32
        %dma_start3A_176 = arith.constant 0 : i32
        %dma_start3A_177 = arith.constant 0 : i32
        %dma_start3A_178 = arith.constant 0 : i32
        %dma_start3A_179 = tpu.memref_slice %arg9[%dma_start3A_176, %dma_start3A_177, %dma_start3A_178] : memref<2x744x16xf32, #tpu.memory_space<vmem>> -> memref<1x744x16xf32, #tpu.memory_space<vmem>>
        %dma_start3A_180 = tpu.memref_squeeze %dma_start3A_179 : memref<1x744x16xf32, #tpu.memory_space<vmem>> -> memref<744x16xf32, #tpu.memory_space<vmem>>
        %dma_start3A_181 = arith.constant 0 : i32
        %dma_start3A_182 = tpu.memref_slice %arg7[%dma_start3A_175, %dma_start3A_181] : memref<3x744xi32, #tpu.memory_space<vmem>> -> memref<1x744xi32, #tpu.memory_space<vmem>>
        %dma_start3A_183 = tpu.memref_squeeze %dma_start3A_182 : memref<1x744xi32, #tpu.memory_space<vmem>> -> memref<744xi32, #tpu.memory_space<vmem>>
        %dma_start3A_184 = arith.constant 0 : i32
        %dma_start3A_185 = arith.constant 0 : i32
        %dma_start3A_186 = tpu.memref_slice %arg2[%dma_start3A_184, %dma_start3A_185] : memref<102400x16xf32, #tpu.memory_space<hbm>> -> memref<102400x16xf32, #tpu.memory_space<hbm>>
        tpu.enqueue_indirect_dma source(%dma_start3A_186 : memref<102400x16xf32, #tpu.memory_space<hbm>>) target(%dma_start3A_180 : memref<744x16xf32, #tpu.memory_space<vmem>>) offsets(%dma_start3A_183 : memref<744xi32, #tpu.memory_space<vmem>>) semaphore(%arg11 : memref<!tpu.dma_semaphore, #tpu.memory_space<semaphore_mem>>)
        %dma_wait3A_187 = arith.constant 2 : i32
        %dma_wait3A_188 = arith.constant 0 : i32
        %dma_wait3A_189 = arith.constant 0 : i32
        %dma_wait3A_190 = arith.constant 0 : i32
        %dma_wait3A_191 = tpu.memref_slice %arg9[%dma_wait3A_188, %dma_wait3A_189, %dma_wait3A_190] : memref<2x744x16xf32, #tpu.memory_space<vmem>> -> memref<1x744x16xf32, #tpu.memory_space<vmem>>
        %dma_wait3A_192 = tpu.memref_squeeze %dma_wait3A_191 : memref<1x744x16xf32, #tpu.memory_space<vmem>> -> memref<744x16xf32, #tpu.memory_space<vmem>>
        %dma_wait3A_193 = arith.constant 0 : i32
        %dma_wait3A_194 = tpu.memref_slice %arg7[%dma_wait3A_187, %dma_wait3A_193] : memref<3x744xi32, #tpu.memory_space<vmem>> -> memref<1x744xi32, #tpu.memory_space<vmem>>
        %dma_wait3A_195 = tpu.memref_squeeze %dma_wait3A_194 : memref<1x744xi32, #tpu.memory_space<vmem>> -> memref<744xi32, #tpu.memory_space<vmem>>
        %dma_wait3A_196 = arith.constant 0 : i32
        %dma_wait3A_197 = arith.constant 0 : i32
        %dma_wait3A_198 = tpu.memref_slice %arg2[%dma_wait3A_196, %dma_wait3A_197] : memref<102400x16xf32, #tpu.memory_space<hbm>> -> memref<102400x16xf32, #tpu.memory_space<hbm>>
        tpu.wait_indirect_dma semaphore(%arg11 : memref<!tpu.dma_semaphore, #tpu.memory_space<semaphore_mem>>) src(%dma_wait3A_198 : memref<102400x16xf32, #tpu.memory_space<hbm>>) dst(%dma_wait3A_192 : memref<744x16xf32, #tpu.memory_space<vmem>>)
        %dma_start3A_199 = arith.constant 0 : i32
        %dma_start3A_200 = arith.constant 2 : i32
        %dma_start3A_201 = arith.constant 0 : i32
        %dma_start3A_202 = arith.constant 0 : i32
        %dma_start3A_203 = tpu.memref_slice %arg9[%dma_start3A_199, %dma_start3A_201, %dma_start3A_202] : memref<2x744x16xf32, #tpu.memory_space<vmem>> -> memref<1x744x16xf32, #tpu.memory_space<vmem>>
        %dma_start3A_204 = tpu.memref_squeeze %dma_start3A_203 : memref<1x744x16xf32, #tpu.memory_space<vmem>> -> memref<744x16xf32, #tpu.memory_space<vmem>>
        %dma_start3A_205 = arith.constant 0 : i32
        %dma_start3A_206 = tpu.memref_slice %arg8[%dma_start3A_200, %dma_start3A_205] : memref<3x744xi32, #tpu.memory_space<vmem>> -> memref<1x744xi32, #tpu.memory_space<vmem>>
        %dma_start3A_207 = tpu.memref_squeeze %dma_start3A_206 : memref<1x744xi32, #tpu.memory_space<vmem>> -> memref<744xi32, #tpu.memory_space<vmem>>
        %dma_start3A_208 = arith.constant 0 : i32
        %dma_start3A_209 = arith.constant 0 : i32
        %dma_start3A_210 = tpu.memref_slice %arg6[%dma_start3A_208, %dma_start3A_209] : memref<102400x16xf32, #tpu.memory_space<vmem_shared>> -> memref<102400x16xf32, #tpu.memory_space<vmem_shared>>
        tpu.enqueue_indirect_dma source(%dma_start3A_204 : memref<744x16xf32, #tpu.memory_space<vmem>>) target(%dma_start3A_210 : memref<102400x16xf32, #tpu.memory_space<vmem_shared>>) offsets(%dma_start3A_207 : memref<744xi32, #tpu.memory_space<vmem>>) semaphore(%arg12 : memref<!tpu.dma_semaphore, #tpu.memory_space<semaphore_mem>>) {add = true}
      } else {
      }
      %add3A_121 = arith.constant 3 : i32
      %add3A_122 = arith.addi %mul3A_102, %add3A_121 : i32
      %lt3A_123 = arith.constant 67 : i32
      %lt3A_124 = arith.cmpi slt, %add3A_122, %lt3A_123 : i32
      %convert_element_type3A_125 = arith.extui %lt3A_124 : i1 to i32
      %cond3A_126 = arith.constant 0 : i32
      %cond3A_127 = arith.cmpi ne, %convert_element_type3A_125, %cond3A_126 : i32
      scf.if %cond3A_127 {
        %dma_wait3A_142 = arith.constant 0 : i32
        %dma_wait3A_143 = arith.constant 0 : i32
        %dma_wait3A_144 = tpu.memref_slice %arg7[%dma_wait3A_142, %dma_wait3A_143] : memref<3x744xi32, #tpu.memory_space<vmem>> -> memref<1x744xi32, #tpu.memory_space<vmem>>
        %dma_wait3A_145 = tpu.memref_squeeze %dma_wait3A_144 : memref<1x744xi32, #tpu.memory_space<vmem>> -> memref<744xi32, #tpu.memory_space<vmem>>
        %dma_wait3A_146 = arith.constant 0 : i32
        %dma_wait3A_147 = tpu.memref_slice %arg3[%dma_wait3A_146] : memref<1600000xi32, #tpu.memory_space<hbm>> -> memref<744xi32, #tpu.memory_space<hbm>>
        %dma_wait3A_148 = arith.constant 0 : i32
        %dma_wait3A_149 = tpu.memref_slice %arg7[%dma_wait3A_142, %dma_wait3A_148] : memref<3x744xi32, #tpu.memory_space<vmem>> -> memref<1x744xi32, #tpu.memory_space<vmem>>
        %dma_wait3A_150 = tpu.memref_squeeze %dma_wait3A_149 : memref<1x744xi32, #tpu.memory_space<vmem>> -> memref<744xi32, #tpu.memory_space<vmem>>
        %dma_wait3A_151 = arith.constant 0 : i32
        %dma_wait3A_152 = tpu.memref_slice %arg3[%dma_wait3A_151] : memref<1600000xi32, #tpu.memory_space<hbm>> -> memref<744xi32, #tpu.memory_space<hbm>>
        tpu.wait_dma2 semaphore(%arg10 : memref<!tpu.dma_semaphore, #tpu.memory_space<semaphore_mem>>) src(%dma_wait3A_152 : memref<744xi32, #tpu.memory_space<hbm>>) dst(%dma_wait3A_150 : memref<744xi32, #tpu.memory_space<vmem>>)
        %dma_wait3A_153 = arith.constant 0 : i32
        %dma_wait3A_154 = arith.constant 0 : i32
        %dma_wait3A_155 = tpu.memref_slice %arg8[%dma_wait3A_153, %dma_wait3A_154] : memref<3x744xi32, #tpu.memory_space<vmem>> -> memref<1x744xi32, #tpu.memory_space<vmem>>
        %dma_wait3A_156 = tpu.memref_squeeze %dma_wait3A_155 : memref<1x744xi32, #tpu.memory_space<vmem>> -> memref<744xi32, #tpu.memory_space<vmem>>
        %dma_wait3A_157 = arith.constant 0 : i32
        %dma_wait3A_158 = tpu.memref_slice %arg4[%dma_wait3A_157] : memref<1600000xi32, #tpu.memory_space<hbm>> -> memref<744xi32, #tpu.memory_space<hbm>>
        %dma_wait3A_159 = arith.constant 0 : i32
        %dma_wait3A_160 = tpu.memref_slice %arg8[%dma_wait3A_153, %dma_wait3A_159] : memref<3x744xi32, #tpu.memory_space<vmem>> -> memref<1x744xi32, #tpu.memory_space<vmem>>
        %dma_wait3A_161 = tpu.memref_squeeze %dma_wait3A_160 : memref<1x744xi32, #tpu.memory_space<vmem>> -> memref<744xi32, #tpu.memory_space<vmem>>
        %dma_wait3A_162 = arith.constant 0 : i32
        %dma_wait3A_163 = tpu.memref_slice %arg4[%dma_wait3A_162] : memref<1600000xi32, #tpu.memory_space<hbm>> -> memref<744xi32, #tpu.memory_space<hbm>>
        tpu.wait_dma2 semaphore(%arg10 : memref<!tpu.dma_semaphore, #tpu.memory_space<semaphore_mem>>) src(%dma_wait3A_163 : memref<744xi32, #tpu.memory_space<hbm>>) dst(%dma_wait3A_161 : memref<744xi32, #tpu.memory_space<vmem>>)
        %ge3A = arith.constant 2 : i32
        %ge3A_164 = arith.cmpi sge, %add3A_122, %ge3A : i32
        %convert_element_type3A_165 = arith.extui %ge3A_164 : i1 to i32
        %cond3A_166 = arith.constant 0 : i32
        %cond3A_167 = arith.cmpi ne, %convert_element_type3A_165, %cond3A_166 : i32
        scf.if %cond3A_167 {
          %dma_wait3A_211 = arith.constant 1 : i32
          %dma_wait3A_212 = arith.constant 1 : i32
          %dma_wait3A_213 = arith.constant 0 : i32
          %dma_wait3A_214 = arith.constant 0 : i32
          %dma_wait3A_215 = tpu.memref_slice %arg9[%dma_wait3A_211, %dma_wait3A_213, %dma_wait3A_214] : memref<2x744x16xf32, #tpu.memory_space<vmem>> -> memref<1x744x16xf32, #tpu.memory_space<vmem>>
          %dma_wait3A_216 = tpu.memref_squeeze %dma_wait3A_215 : memref<1x744x16xf32, #tpu.memory_space<vmem>> -> memref<744x16xf32, #tpu.memory_space<vmem>>
          %dma_wait3A_217 = arith.constant 0 : i32
          %dma_wait3A_218 = tpu.memref_slice %arg8[%dma_wait3A_212, %dma_wait3A_217] : memref<3x744xi32, #tpu.memory_space<vmem>> -> memref<1x744xi32, #tpu.memory_space<vmem>>
          %dma_wait3A_219 = tpu.memref_squeeze %dma_wait3A_218 : memref<1x744xi32, #tpu.memory_space<vmem>> -> memref<744xi32, #tpu.memory_space<vmem>>
          %dma_wait3A_220 = arith.constant 0 : i32
          %dma_wait3A_221 = arith.constant 0 : i32
          %dma_wait3A_222 = tpu.memref_slice %arg6[%dma_wait3A_220, %dma_wait3A_221] : memref<102400x16xf32, #tpu.memory_space<vmem_shared>> -> memref<102400x16xf32, #tpu.memory_space<vmem_shared>>
          tpu.wait_indirect_dma semaphore(%arg13 : memref<!tpu.dma_semaphore, #tpu.memory_space<semaphore_mem>>) src(%dma_wait3A_216 : memref<744x16xf32, #tpu.memory_space<vmem>>) dst(%dma_wait3A_222 : memref<102400x16xf32, #tpu.memory_space<vmem_shared>>)
        } else {
        }
        %add3A_168 = arith.constant 1 : i32
        %add3A_169 = arith.addi %add3A_122, %add3A_168 : i32
        %lt3A_170 = arith.constant 67 : i32
        %lt3A_171 = arith.cmpi slt, %add3A_169, %lt3A_170 : i32
        %convert_element_type3A_172 = arith.extui %lt3A_171 : i1 to i32
        %cond3A_173 = arith.constant 0 : i32
        %cond3A_174 = arith.cmpi ne, %convert_element_type3A_172, %cond3A_173 : i32
        scf.if %cond3A_174 {
          %add3A_211 = arith.constant 1 : i32
          %add3A_212 = arith.addi %add3A_122, %add3A_211 : i32
          %mul3A_213 = arith.constant 744 : i32
          %mul3A_214 = arith.muli %add3A_212, %mul3A_213 : i32
          %add3A_215 = arith.addi %mul3A_15, %mul3A_214 : i32
          %dma_start3A_216 = arith.constant 1 : i32
          %dma_start3A_217 = arith.constant 0 : i32
          %dma_start3A_218 = tpu.memref_slice %arg7[%dma_start3A_216, %dma_start3A_217] : memref<3x744xi32, #tpu.memory_space<vmem>> -> memref<1x744xi32, #tpu.memory_space<vmem>>
          %dma_start3A_219 = tpu.memref_squeeze %dma_start3A_218 : memref<1x744xi32, #tpu.memory_space<vmem>> -> memref<744xi32, #tpu.memory_space<vmem>>
          %dma_start3A_220 = tpu.memref_slice %arg3[%add3A_215] : memref<1600000xi32, #tpu.memory_space<hbm>> -> memref<744xi32, #tpu.memory_space<hbm>>
          %dma_start3A_221 = arith.constant 0 : i32
          %dma_start3A_222 = tpu.memref_slice %arg7[%dma_start3A_216, %dma_start3A_221] : memref<3x744xi32, #tpu.memory_space<vmem>> -> memref<1x744xi32, #tpu.memory_space<vmem>>
          %dma_start3A_223 = tpu.memref_squeeze %dma_start3A_222 : memref<1x744xi32, #tpu.memory_space<vmem>> -> memref<744xi32, #tpu.memory_space<vmem>>
          %dma_start3A_224 = tpu.memref_slice %arg3[%add3A_215] : memref<1600000xi32, #tpu.memory_space<hbm>> -> memref<744xi32, #tpu.memory_space<hbm>>
          tpu.enqueue_dma source(%dma_start3A_224 : memref<744xi32, #tpu.memory_space<hbm>>) target(%dma_start3A_223 : memref<744xi32, #tpu.memory_space<vmem>>) target_semaphore(%arg10 : memref<!tpu.dma_semaphore, #tpu.memory_space<semaphore_mem>>)
          %dma_start3A_225 = arith.constant 1 : i32
          %dma_start3A_226 = arith.constant 0 : i32
          %dma_start3A_227 = tpu.memref_slice %arg8[%dma_start3A_225, %dma_start3A_226] : memref<3x744xi32, #tpu.memory_space<vmem>> -> memref<1x744xi32, #tpu.memory_space<vmem>>
          %dma_start3A_228 = tpu.memref_squeeze %dma_start3A_227 : memref<1x744xi32, #tpu.memory_space<vmem>> -> memref<744xi32, #tpu.memory_space<vmem>>
          %dma_start3A_229 = tpu.memref_slice %arg4[%add3A_215] : memref<1600000xi32, #tpu.memory_space<hbm>> -> memref<744xi32, #tpu.memory_space<hbm>>
          %dma_start3A_230 = arith.constant 0 : i32
          %dma_start3A_231 = tpu.memref_slice %arg8[%dma_start3A_225, %dma_start3A_230] : memref<3x744xi32, #tpu.memory_space<vmem>> -> memref<1x744xi32, #tpu.memory_space<vmem>>
          %dma_start3A_232 = tpu.memref_squeeze %dma_start3A_231 : memref<1x744xi32, #tpu.memory_space<vmem>> -> memref<744xi32, #tpu.memory_space<vmem>>
          %dma_start3A_233 = tpu.memref_slice %arg4[%add3A_215] : memref<1600000xi32, #tpu.memory_space<hbm>> -> memref<744xi32, #tpu.memory_space<hbm>>
          tpu.enqueue_dma source(%dma_start3A_233 : memref<744xi32, #tpu.memory_space<hbm>>) target(%dma_start3A_232 : memref<744xi32, #tpu.memory_space<vmem>>) target_semaphore(%arg10 : memref<!tpu.dma_semaphore, #tpu.memory_space<semaphore_mem>>)
        } else {
        }
        %dma_start3A_175 = arith.constant 0 : i32
        %dma_start3A_176 = arith.constant 1 : i32
        %dma_start3A_177 = arith.constant 0 : i32
        %dma_start3A_178 = arith.constant 0 : i32
        %dma_start3A_179 = tpu.memref_slice %arg9[%dma_start3A_176, %dma_start3A_177, %dma_start3A_178] : memref<2x744x16xf32, #tpu.memory_space<vmem>> -> memref<1x744x16xf32, #tpu.memory_space<vmem>>
        %dma_start3A_180 = tpu.memref_squeeze %dma_start3A_179 : memref<1x744x16xf32, #tpu.memory_space<vmem>> -> memref<744x16xf32, #tpu.memory_space<vmem>>
        %dma_start3A_181 = arith.constant 0 : i32
        %dma_start3A_182 = tpu.memref_slice %arg7[%dma_start3A_175, %dma_start3A_181] : memref<3x744xi32, #tpu.memory_space<vmem>> -> memref<1x744xi32, #tpu.memory_space<vmem>>
        %dma_start3A_183 = tpu.memref_squeeze %dma_start3A_182 : memref<1x744xi32, #tpu.memory_space<vmem>> -> memref<744xi32, #tpu.memory_space<vmem>>
        %dma_start3A_184 = arith.constant 0 : i32
        %dma_start3A_185 = arith.constant 0 : i32
        %dma_start3A_186 = tpu.memref_slice %arg2[%dma_start3A_184, %dma_start3A_185] : memref<102400x16xf32, #tpu.memory_space<hbm>> -> memref<102400x16xf32, #tpu.memory_space<hbm>>
        tpu.enqueue_indirect_dma source(%dma_start3A_186 : memref<102400x16xf32, #tpu.memory_space<hbm>>) target(%dma_start3A_180 : memref<744x16xf32, #tpu.memory_space<vmem>>) offsets(%dma_start3A_183 : memref<744xi32, #tpu.memory_space<vmem>>) semaphore(%arg11 : memref<!tpu.dma_semaphore, #tpu.memory_space<semaphore_mem>>)
        %dma_wait3A_187 = arith.constant 0 : i32
        %dma_wait3A_188 = arith.constant 1 : i32
        %dma_wait3A_189 = arith.constant 0 : i32
        %dma_wait3A_190 = arith.constant 0 : i32
        %dma_wait3A_191 = tpu.memref_slice %arg9[%dma_wait3A_188, %dma_wait3A_189, %dma_wait3A_190] : memref<2x744x16xf32, #tpu.memory_space<vmem>> -> memref<1x744x16xf32, #tpu.memory_space<vmem>>
        %dma_wait3A_192 = tpu.memref_squeeze %dma_wait3A_191 : memref<1x744x16xf32, #tpu.memory_space<vmem>> -> memref<744x16xf32, #tpu.memory_space<vmem>>
        %dma_wait3A_193 = arith.constant 0 : i32
        %dma_wait3A_194 = tpu.memref_slice %arg7[%dma_wait3A_187, %dma_wait3A_193] : memref<3x744xi32, #tpu.memory_space<vmem>> -> memref<1x744xi32, #tpu.memory_space<vmem>>
        %dma_wait3A_195 = tpu.memref_squeeze %dma_wait3A_194 : memref<1x744xi32, #tpu.memory_space<vmem>> -> memref<744xi32, #tpu.memory_space<vmem>>
        %dma_wait3A_196 = arith.constant 0 : i32
        %dma_wait3A_197 = arith.constant 0 : i32
        %dma_wait3A_198 = tpu.memref_slice %arg2[%dma_wait3A_196, %dma_wait3A_197] : memref<102400x16xf32, #tpu.memory_space<hbm>> -> memref<102400x16xf32, #tpu.memory_space<hbm>>
        tpu.wait_indirect_dma semaphore(%arg11 : memref<!tpu.dma_semaphore, #tpu.memory_space<semaphore_mem>>) src(%dma_wait3A_198 : memref<102400x16xf32, #tpu.memory_space<hbm>>) dst(%dma_wait3A_192 : memref<744x16xf32, #tpu.memory_space<vmem>>)
        %dma_start3A_199 = arith.constant 1 : i32
        %dma_start3A_200 = arith.constant 0 : i32
        %dma_start3A_201 = arith.constant 0 : i32
        %dma_start3A_202 = arith.constant 0 : i32
        %dma_start3A_203 = tpu.memref_slice %arg9[%dma_start3A_199, %dma_start3A_201, %dma_start3A_202] : memref<2x744x16xf32, #tpu.memory_space<vmem>> -> memref<1x744x16xf32, #tpu.memory_space<vmem>>
        %dma_start3A_204 = tpu.memref_squeeze %dma_start3A_203 : memref<1x744x16xf32, #tpu.memory_space<vmem>> -> memref<744x16xf32, #tpu.memory_space<vmem>>
        %dma_start3A_205 = arith.constant 0 : i32
        %dma_start3A_206 = tpu.memref_slice %arg8[%dma_start3A_200, %dma_start3A_205] : memref<3x744xi32, #tpu.memory_space<vmem>> -> memref<1x744xi32, #tpu.memory_space<vmem>>
        %dma_start3A_207 = tpu.memref_squeeze %dma_start3A_206 : memref<1x744xi32, #tpu.memory_space<vmem>> -> memref<744xi32, #tpu.memory_space<vmem>>
        %dma_start3A_208 = arith.constant 0 : i32
        %dma_start3A_209 = arith.constant 0 : i32
        %dma_start3A_210 = tpu.memref_slice %arg6[%dma_start3A_208, %dma_start3A_209] : memref<102400x16xf32, #tpu.memory_space<vmem_shared>> -> memref<102400x16xf32, #tpu.memory_space<vmem_shared>>
        tpu.enqueue_indirect_dma source(%dma_start3A_204 : memref<744x16xf32, #tpu.memory_space<vmem>>) target(%dma_start3A_210 : memref<102400x16xf32, #tpu.memory_space<vmem_shared>>) offsets(%dma_start3A_207 : memref<744xi32, #tpu.memory_space<vmem>>) semaphore(%arg13 : memref<!tpu.dma_semaphore, #tpu.memory_space<semaphore_mem>>) {add = true}
      } else {
      }
      %add3A_128 = arith.constant 4 : i32
      %add3A_129 = arith.addi %mul3A_102, %add3A_128 : i32
      %lt3A_130 = arith.constant 67 : i32
      %lt3A_131 = arith.cmpi slt, %add3A_129, %lt3A_130 : i32
      %convert_element_type3A_132 = arith.extui %lt3A_131 : i1 to i32
      %cond3A_133 = arith.constant 0 : i32
      %cond3A_134 = arith.cmpi ne, %convert_element_type3A_132, %cond3A_133 : i32
      scf.if %cond3A_134 {
        %dma_wait3A_142 = arith.constant 1 : i32
        %dma_wait3A_143 = arith.constant 0 : i32
        %dma_wait3A_144 = tpu.memref_slice %arg7[%dma_wait3A_142, %dma_wait3A_143] : memref<3x744xi32, #tpu.memory_space<vmem>> -> memref<1x744xi32, #tpu.memory_space<vmem>>
        %dma_wait3A_145 = tpu.memref_squeeze %dma_wait3A_144 : memref<1x744xi32, #tpu.memory_space<vmem>> -> memref<744xi32, #tpu.memory_space<vmem>>
        %dma_wait3A_146 = arith.constant 0 : i32
        %dma_wait3A_147 = tpu.memref_slice %arg3[%dma_wait3A_146] : memref<1600000xi32, #tpu.memory_space<hbm>> -> memref<744xi32, #tpu.memory_space<hbm>>
        %dma_wait3A_148 = arith.constant 0 : i32
        %dma_wait3A_149 = tpu.memref_slice %arg7[%dma_wait3A_142, %dma_wait3A_148] : memref<3x744xi32, #tpu.memory_space<vmem>> -> memref<1x744xi32, #tpu.memory_space<vmem>>
        %dma_wait3A_150 = tpu.memref_squeeze %dma_wait3A_149 : memref<1x744xi32, #tpu.memory_space<vmem>> -> memref<744xi32, #tpu.memory_space<vmem>>
        %dma_wait3A_151 = arith.constant 0 : i32
        %dma_wait3A_152 = tpu.memref_slice %arg3[%dma_wait3A_151] : memref<1600000xi32, #tpu.memory_space<hbm>> -> memref<744xi32, #tpu.memory_space<hbm>>
        tpu.wait_dma2 semaphore(%arg10 : memref<!tpu.dma_semaphore, #tpu.memory_space<semaphore_mem>>) src(%dma_wait3A_152 : memref<744xi32, #tpu.memory_space<hbm>>) dst(%dma_wait3A_150 : memref<744xi32, #tpu.memory_space<vmem>>)
        %dma_wait3A_153 = arith.constant 1 : i32
        %dma_wait3A_154 = arith.constant 0 : i32
        %dma_wait3A_155 = tpu.memref_slice %arg8[%dma_wait3A_153, %dma_wait3A_154] : memref<3x744xi32, #tpu.memory_space<vmem>> -> memref<1x744xi32, #tpu.memory_space<vmem>>
        %dma_wait3A_156 = tpu.memref_squeeze %dma_wait3A_155 : memref<1x744xi32, #tpu.memory_space<vmem>> -> memref<744xi32, #tpu.memory_space<vmem>>
        %dma_wait3A_157 = arith.constant 0 : i32
        %dma_wait3A_158 = tpu.memref_slice %arg4[%dma_wait3A_157] : memref<1600000xi32, #tpu.memory_space<hbm>> -> memref<744xi32, #tpu.memory_space<hbm>>
        %dma_wait3A_159 = arith.constant 0 : i32
        %dma_wait3A_160 = tpu.memref_slice %arg8[%dma_wait3A_153, %dma_wait3A_159] : memref<3x744xi32, #tpu.memory_space<vmem>> -> memref<1x744xi32, #tpu.memory_space<vmem>>
        %dma_wait3A_161 = tpu.memref_squeeze %dma_wait3A_160 : memref<1x744xi32, #tpu.memory_space<vmem>> -> memref<744xi32, #tpu.memory_space<vmem>>
        %dma_wait3A_162 = arith.constant 0 : i32
        %dma_wait3A_163 = tpu.memref_slice %arg4[%dma_wait3A_162] : memref<1600000xi32, #tpu.memory_space<hbm>> -> memref<744xi32, #tpu.memory_space<hbm>>
        tpu.wait_dma2 semaphore(%arg10 : memref<!tpu.dma_semaphore, #tpu.memory_space<semaphore_mem>>) src(%dma_wait3A_163 : memref<744xi32, #tpu.memory_space<hbm>>) dst(%dma_wait3A_161 : memref<744xi32, #tpu.memory_space<vmem>>)
        %ge3A = arith.constant 2 : i32
        %ge3A_164 = arith.cmpi sge, %add3A_129, %ge3A : i32
        %convert_element_type3A_165 = arith.extui %ge3A_164 : i1 to i32
        %cond3A_166 = arith.constant 0 : i32
        %cond3A_167 = arith.cmpi ne, %convert_element_type3A_165, %cond3A_166 : i32
        scf.if %cond3A_167 {
          %dma_wait3A_211 = arith.constant 0 : i32
          %dma_wait3A_212 = arith.constant 2 : i32
          %dma_wait3A_213 = arith.constant 0 : i32
          %dma_wait3A_214 = arith.constant 0 : i32
          %dma_wait3A_215 = tpu.memref_slice %arg9[%dma_wait3A_211, %dma_wait3A_213, %dma_wait3A_214] : memref<2x744x16xf32, #tpu.memory_space<vmem>> -> memref<1x744x16xf32, #tpu.memory_space<vmem>>
          %dma_wait3A_216 = tpu.memref_squeeze %dma_wait3A_215 : memref<1x744x16xf32, #tpu.memory_space<vmem>> -> memref<744x16xf32, #tpu.memory_space<vmem>>
          %dma_wait3A_217 = arith.constant 0 : i32
          %dma_wait3A_218 = tpu.memref_slice %arg8[%dma_wait3A_212, %dma_wait3A_217] : memref<3x744xi32, #tpu.memory_space<vmem>> -> memref<1x744xi32, #tpu.memory_space<vmem>>
          %dma_wait3A_219 = tpu.memref_squeeze %dma_wait3A_218 : memref<1x744xi32, #tpu.memory_space<vmem>> -> memref<744xi32, #tpu.memory_space<vmem>>
          %dma_wait3A_220 = arith.constant 0 : i32
          %dma_wait3A_221 = arith.constant 0 : i32
          %dma_wait3A_222 = tpu.memref_slice %arg6[%dma_wait3A_220, %dma_wait3A_221] : memref<102400x16xf32, #tpu.memory_space<vmem_shared>> -> memref<102400x16xf32, #tpu.memory_space<vmem_shared>>
          tpu.wait_indirect_dma semaphore(%arg12 : memref<!tpu.dma_semaphore, #tpu.memory_space<semaphore_mem>>) src(%dma_wait3A_216 : memref<744x16xf32, #tpu.memory_space<vmem>>) dst(%dma_wait3A_222 : memref<102400x16xf32, #tpu.memory_space<vmem_shared>>)
        } else {
        }
        %add3A_168 = arith.constant 1 : i32
        %add3A_169 = arith.addi %add3A_129, %add3A_168 : i32
        %lt3A_170 = arith.constant 67 : i32
        %lt3A_171 = arith.cmpi slt, %add3A_169, %lt3A_170 : i32
        %convert_element_type3A_172 = arith.extui %lt3A_171 : i1 to i32
        %cond3A_173 = arith.constant 0 : i32
        %cond3A_174 = arith.cmpi ne, %convert_element_type3A_172, %cond3A_173 : i32
        scf.if %cond3A_174 {
          %add3A_211 = arith.constant 1 : i32
          %add3A_212 = arith.addi %add3A_129, %add3A_211 : i32
          %mul3A_213 = arith.constant 744 : i32
          %mul3A_214 = arith.muli %add3A_212, %mul3A_213 : i32
          %add3A_215 = arith.addi %mul3A_15, %mul3A_214 : i32
          %dma_start3A_216 = arith.constant 2 : i32
          %dma_start3A_217 = arith.constant 0 : i32
          %dma_start3A_218 = tpu.memref_slice %arg7[%dma_start3A_216, %dma_start3A_217] : memref<3x744xi32, #tpu.memory_space<vmem>> -> memref<1x744xi32, #tpu.memory_space<vmem>>
          %dma_start3A_219 = tpu.memref_squeeze %dma_start3A_218 : memref<1x744xi32, #tpu.memory_space<vmem>> -> memref<744xi32, #tpu.memory_space<vmem>>
          %dma_start3A_220 = tpu.memref_slice %arg3[%add3A_215] : memref<1600000xi32, #tpu.memory_space<hbm>> -> memref<744xi32, #tpu.memory_space<hbm>>
          %dma_start3A_221 = arith.constant 0 : i32
          %dma_start3A_222 = tpu.memref_slice %arg7[%dma_start3A_216, %dma_start3A_221] : memref<3x744xi32, #tpu.memory_space<vmem>> -> memref<1x744xi32, #tpu.memory_space<vmem>>
          %dma_start3A_223 = tpu.memref_squeeze %dma_start3A_222 : memref<1x744xi32, #tpu.memory_space<vmem>> -> memref<744xi32, #tpu.memory_space<vmem>>
          %dma_start3A_224 = tpu.memref_slice %arg3[%add3A_215] : memref<1600000xi32, #tpu.memory_space<hbm>> -> memref<744xi32, #tpu.memory_space<hbm>>
          tpu.enqueue_dma source(%dma_start3A_224 : memref<744xi32, #tpu.memory_space<hbm>>) target(%dma_start3A_223 : memref<744xi32, #tpu.memory_space<vmem>>) target_semaphore(%arg10 : memref<!tpu.dma_semaphore, #tpu.memory_space<semaphore_mem>>)
          %dma_start3A_225 = arith.constant 2 : i32
          %dma_start3A_226 = arith.constant 0 : i32
          %dma_start3A_227 = tpu.memref_slice %arg8[%dma_start3A_225, %dma_start3A_226] : memref<3x744xi32, #tpu.memory_space<vmem>> -> memref<1x744xi32, #tpu.memory_space<vmem>>
          %dma_start3A_228 = tpu.memref_squeeze %dma_start3A_227 : memref<1x744xi32, #tpu.memory_space<vmem>> -> memref<744xi32, #tpu.memory_space<vmem>>
          %dma_start3A_229 = tpu.memref_slice %arg4[%add3A_215] : memref<1600000xi32, #tpu.memory_space<hbm>> -> memref<744xi32, #tpu.memory_space<hbm>>
          %dma_start3A_230 = arith.constant 0 : i32
          %dma_start3A_231 = tpu.memref_slice %arg8[%dma_start3A_225, %dma_start3A_230] : memref<3x744xi32, #tpu.memory_space<vmem>> -> memref<1x744xi32, #tpu.memory_space<vmem>>
          %dma_start3A_232 = tpu.memref_squeeze %dma_start3A_231 : memref<1x744xi32, #tpu.memory_space<vmem>> -> memref<744xi32, #tpu.memory_space<vmem>>
          %dma_start3A_233 = tpu.memref_slice %arg4[%add3A_215] : memref<1600000xi32, #tpu.memory_space<hbm>> -> memref<744xi32, #tpu.memory_space<hbm>>
          tpu.enqueue_dma source(%dma_start3A_233 : memref<744xi32, #tpu.memory_space<hbm>>) target(%dma_start3A_232 : memref<744xi32, #tpu.memory_space<vmem>>) target_semaphore(%arg10 : memref<!tpu.dma_semaphore, #tpu.memory_space<semaphore_mem>>)
        } else {
        }
        %dma_start3A_175 = arith.constant 1 : i32
        %dma_start3A_176 = arith.constant 0 : i32
        %dma_start3A_177 = arith.constant 0 : i32
        %dma_start3A_178 = arith.constant 0 : i32
        %dma_start3A_179 = tpu.memref_slice %arg9[%dma_start3A_176, %dma_start3A_177, %dma_start3A_178] : memref<2x744x16xf32, #tpu.memory_space<vmem>> -> memref<1x744x16xf32, #tpu.memory_space<vmem>>
        %dma_start3A_180 = tpu.memref_squeeze %dma_start3A_179 : memref<1x744x16xf32, #tpu.memory_space<vmem>> -> memref<744x16xf32, #tpu.memory_space<vmem>>
        %dma_start3A_181 = arith.constant 0 : i32
        %dma_start3A_182 = tpu.memref_slice %arg7[%dma_start3A_175, %dma_start3A_181] : memref<3x744xi32, #tpu.memory_space<vmem>> -> memref<1x744xi32, #tpu.memory_space<vmem>>
        %dma_start3A_183 = tpu.memref_squeeze %dma_start3A_182 : memref<1x744xi32, #tpu.memory_space<vmem>> -> memref<744xi32, #tpu.memory_space<vmem>>
        %dma_start3A_184 = arith.constant 0 : i32
        %dma_start3A_185 = arith.constant 0 : i32
        %dma_start3A_186 = tpu.memref_slice %arg2[%dma_start3A_184, %dma_start3A_185] : memref<102400x16xf32, #tpu.memory_space<hbm>> -> memref<102400x16xf32, #tpu.memory_space<hbm>>
        tpu.enqueue_indirect_dma source(%dma_start3A_186 : memref<102400x16xf32, #tpu.memory_space<hbm>>) target(%dma_start3A_180 : memref<744x16xf32, #tpu.memory_space<vmem>>) offsets(%dma_start3A_183 : memref<744xi32, #tpu.memory_space<vmem>>) semaphore(%arg11 : memref<!tpu.dma_semaphore, #tpu.memory_space<semaphore_mem>>)
        %dma_wait3A_187 = arith.constant 1 : i32
        %dma_wait3A_188 = arith.constant 0 : i32
        %dma_wait3A_189 = arith.constant 0 : i32
        %dma_wait3A_190 = arith.constant 0 : i32
        %dma_wait3A_191 = tpu.memref_slice %arg9[%dma_wait3A_188, %dma_wait3A_189, %dma_wait3A_190] : memref<2x744x16xf32, #tpu.memory_space<vmem>> -> memref<1x744x16xf32, #tpu.memory_space<vmem>>
        %dma_wait3A_192 = tpu.memref_squeeze %dma_wait3A_191 : memref<1x744x16xf32, #tpu.memory_space<vmem>> -> memref<744x16xf32, #tpu.memory_space<vmem>>
        %dma_wait3A_193 = arith.constant 0 : i32
        %dma_wait3A_194 = tpu.memref_slice %arg7[%dma_wait3A_187, %dma_wait3A_193] : memref<3x744xi32, #tpu.memory_space<vmem>> -> memref<1x744xi32, #tpu.memory_space<vmem>>
        %dma_wait3A_195 = tpu.memref_squeeze %dma_wait3A_194 : memref<1x744xi32, #tpu.memory_space<vmem>> -> memref<744xi32, #tpu.memory_space<vmem>>
        %dma_wait3A_196 = arith.constant 0 : i32
        %dma_wait3A_197 = arith.constant 0 : i32
        %dma_wait3A_198 = tpu.memref_slice %arg2[%dma_wait3A_196, %dma_wait3A_197] : memref<102400x16xf32, #tpu.memory_space<hbm>> -> memref<102400x16xf32, #tpu.memory_space<hbm>>
        tpu.wait_indirect_dma semaphore(%arg11 : memref<!tpu.dma_semaphore, #tpu.memory_space<semaphore_mem>>) src(%dma_wait3A_198 : memref<102400x16xf32, #tpu.memory_space<hbm>>) dst(%dma_wait3A_192 : memref<744x16xf32, #tpu.memory_space<vmem>>)
        %dma_start3A_199 = arith.constant 0 : i32
        %dma_start3A_200 = arith.constant 1 : i32
        %dma_start3A_201 = arith.constant 0 : i32
        %dma_start3A_202 = arith.constant 0 : i32
        %dma_start3A_203 = tpu.memref_slice %arg9[%dma_start3A_199, %dma_start3A_201, %dma_start3A_202] : memref<2x744x16xf32, #tpu.memory_space<vmem>> -> memref<1x744x16xf32, #tpu.memory_space<vmem>>
        %dma_start3A_204 = tpu.memref_squeeze %dma_start3A_203 : memref<1x744x16xf32, #tpu.memory_space<vmem>> -> memref<744x16xf32, #tpu.memory_space<vmem>>
        %dma_start3A_205 = arith.constant 0 : i32
        %dma_start3A_206 = tpu.memref_slice %arg8[%dma_start3A_200, %dma_start3A_205] : memref<3x744xi32, #tpu.memory_space<vmem>> -> memref<1x744xi32, #tpu.memory_space<vmem>>
        %dma_start3A_207 = tpu.memref_squeeze %dma_start3A_206 : memref<1x744xi32, #tpu.memory_space<vmem>> -> memref<744xi32, #tpu.memory_space<vmem>>
        %dma_start3A_208 = arith.constant 0 : i32
        %dma_start3A_209 = arith.constant 0 : i32
        %dma_start3A_210 = tpu.memref_slice %arg6[%dma_start3A_208, %dma_start3A_209] : memref<102400x16xf32, #tpu.memory_space<vmem_shared>> -> memref<102400x16xf32, #tpu.memory_space<vmem_shared>>
        tpu.enqueue_indirect_dma source(%dma_start3A_204 : memref<744x16xf32, #tpu.memory_space<vmem>>) target(%dma_start3A_210 : memref<102400x16xf32, #tpu.memory_space<vmem_shared>>) offsets(%dma_start3A_207 : memref<744xi32, #tpu.memory_space<vmem>>) semaphore(%arg12 : memref<!tpu.dma_semaphore, #tpu.memory_space<semaphore_mem>>) {add = true}
      } else {
      }
      %add3A_135 = arith.constant 5 : i32
      %add3A_136 = arith.addi %mul3A_102, %add3A_135 : i32
      %lt3A_137 = arith.constant 67 : i32
      %lt3A_138 = arith.cmpi slt, %add3A_136, %lt3A_137 : i32
      %convert_element_type3A_139 = arith.extui %lt3A_138 : i1 to i32
      %cond3A_140 = arith.constant 0 : i32
      %cond3A_141 = arith.cmpi ne, %convert_element_type3A_139, %cond3A_140 : i32
      scf.if %cond3A_141 {
        %dma_wait3A_142 = arith.constant 2 : i32
        %dma_wait3A_143 = arith.constant 0 : i32
        %dma_wait3A_144 = tpu.memref_slice %arg7[%dma_wait3A_142, %dma_wait3A_143] : memref<3x744xi32, #tpu.memory_space<vmem>> -> memref<1x744xi32, #tpu.memory_space<vmem>>
        %dma_wait3A_145 = tpu.memref_squeeze %dma_wait3A_144 : memref<1x744xi32, #tpu.memory_space<vmem>> -> memref<744xi32, #tpu.memory_space<vmem>>
        %dma_wait3A_146 = arith.constant 0 : i32
        %dma_wait3A_147 = tpu.memref_slice %arg3[%dma_wait3A_146] : memref<1600000xi32, #tpu.memory_space<hbm>> -> memref<744xi32, #tpu.memory_space<hbm>>
        %dma_wait3A_148 = arith.constant 0 : i32
        %dma_wait3A_149 = tpu.memref_slice %arg7[%dma_wait3A_142, %dma_wait3A_148] : memref<3x744xi32, #tpu.memory_space<vmem>> -> memref<1x744xi32, #tpu.memory_space<vmem>>
        %dma_wait3A_150 = tpu.memref_squeeze %dma_wait3A_149 : memref<1x744xi32, #tpu.memory_space<vmem>> -> memref<744xi32, #tpu.memory_space<vmem>>
        %dma_wait3A_151 = arith.constant 0 : i32
        %dma_wait3A_152 = tpu.memref_slice %arg3[%dma_wait3A_151] : memref<1600000xi32, #tpu.memory_space<hbm>> -> memref<744xi32, #tpu.memory_space<hbm>>
        tpu.wait_dma2 semaphore(%arg10 : memref<!tpu.dma_semaphore, #tpu.memory_space<semaphore_mem>>) src(%dma_wait3A_152 : memref<744xi32, #tpu.memory_space<hbm>>) dst(%dma_wait3A_150 : memref<744xi32, #tpu.memory_space<vmem>>)
        %dma_wait3A_153 = arith.constant 2 : i32
        %dma_wait3A_154 = arith.constant 0 : i32
        %dma_wait3A_155 = tpu.memref_slice %arg8[%dma_wait3A_153, %dma_wait3A_154] : memref<3x744xi32, #tpu.memory_space<vmem>> -> memref<1x744xi32, #tpu.memory_space<vmem>>
        %dma_wait3A_156 = tpu.memref_squeeze %dma_wait3A_155 : memref<1x744xi32, #tpu.memory_space<vmem>> -> memref<744xi32, #tpu.memory_space<vmem>>
        %dma_wait3A_157 = arith.constant 0 : i32
        %dma_wait3A_158 = tpu.memref_slice %arg4[%dma_wait3A_157] : memref<1600000xi32, #tpu.memory_space<hbm>> -> memref<744xi32, #tpu.memory_space<hbm>>
        %dma_wait3A_159 = arith.constant 0 : i32
        %dma_wait3A_160 = tpu.memref_slice %arg8[%dma_wait3A_153, %dma_wait3A_159] : memref<3x744xi32, #tpu.memory_space<vmem>> -> memref<1x744xi32, #tpu.memory_space<vmem>>
        %dma_wait3A_161 = tpu.memref_squeeze %dma_wait3A_160 : memref<1x744xi32, #tpu.memory_space<vmem>> -> memref<744xi32, #tpu.memory_space<vmem>>
        %dma_wait3A_162 = arith.constant 0 : i32
        %dma_wait3A_163 = tpu.memref_slice %arg4[%dma_wait3A_162] : memref<1600000xi32, #tpu.memory_space<hbm>> -> memref<744xi32, #tpu.memory_space<hbm>>
        tpu.wait_dma2 semaphore(%arg10 : memref<!tpu.dma_semaphore, #tpu.memory_space<semaphore_mem>>) src(%dma_wait3A_163 : memref<744xi32, #tpu.memory_space<hbm>>) dst(%dma_wait3A_161 : memref<744xi32, #tpu.memory_space<vmem>>)
        %ge3A = arith.constant 2 : i32
        %ge3A_164 = arith.cmpi sge, %add3A_136, %ge3A : i32
        %convert_element_type3A_165 = arith.extui %ge3A_164 : i1 to i32
        %cond3A_166 = arith.constant 0 : i32
        %cond3A_167 = arith.cmpi ne, %convert_element_type3A_165, %cond3A_166 : i32
        scf.if %cond3A_167 {
          %dma_wait3A_211 = arith.constant 1 : i32
          %dma_wait3A_212 = arith.constant 0 : i32
          %dma_wait3A_213 = arith.constant 0 : i32
          %dma_wait3A_214 = arith.constant 0 : i32
          %dma_wait3A_215 = tpu.memref_slice %arg9[%dma_wait3A_211, %dma_wait3A_213, %dma_wait3A_214] : memref<2x744x16xf32, #tpu.memory_space<vmem>> -> memref<1x744x16xf32, #tpu.memory_space<vmem>>
          %dma_wait3A_216 = tpu.memref_squeeze %dma_wait3A_215 : memref<1x744x16xf32, #tpu.memory_space<vmem>> -> memref<744x16xf32, #tpu.memory_space<vmem>>
          %dma_wait3A_217 = arith.constant 0 : i32
          %dma_wait3A_218 = tpu.memref_slice %arg8[%dma_wait3A_212, %dma_wait3A_217] : memref<3x744xi32, #tpu.memory_space<vmem>> -> memref<1x744xi32, #tpu.memory_space<vmem>>
          %dma_wait3A_219 = tpu.memref_squeeze %dma_wait3A_218 : memref<1x744xi32, #tpu.memory_space<vmem>> -> memref<744xi32, #tpu.memory_space<vmem>>
          %dma_wait3A_220 = arith.constant 0 : i32
          %dma_wait3A_221 = arith.constant 0 : i32
          %dma_wait3A_222 = tpu.memref_slice %arg6[%dma_wait3A_220, %dma_wait3A_221] : memref<102400x16xf32, #tpu.memory_space<vmem_shared>> -> memref<102400x16xf32, #tpu.memory_space<vmem_shared>>
          tpu.wait_indirect_dma semaphore(%arg13 : memref<!tpu.dma_semaphore, #tpu.memory_space<semaphore_mem>>) src(%dma_wait3A_216 : memref<744x16xf32, #tpu.memory_space<vmem>>) dst(%dma_wait3A_222 : memref<102400x16xf32, #tpu.memory_space<vmem_shared>>)
        } else {
        }
        %add3A_168 = arith.constant 1 : i32
        %add3A_169 = arith.addi %add3A_136, %add3A_168 : i32
        %lt3A_170 = arith.constant 67 : i32
        %lt3A_171 = arith.cmpi slt, %add3A_169, %lt3A_170 : i32
        %convert_element_type3A_172 = arith.extui %lt3A_171 : i1 to i32
        %cond3A_173 = arith.constant 0 : i32
        %cond3A_174 = arith.cmpi ne, %convert_element_type3A_172, %cond3A_173 : i32
        scf.if %cond3A_174 {
          %add3A_211 = arith.constant 1 : i32
          %add3A_212 = arith.addi %add3A_136, %add3A_211 : i32
          %mul3A_213 = arith.constant 744 : i32
          %mul3A_214 = arith.muli %add3A_212, %mul3A_213 : i32
          %add3A_215 = arith.addi %mul3A_15, %mul3A_214 : i32
          %dma_start3A_216 = arith.constant 0 : i32
          %dma_start3A_217 = arith.constant 0 : i32
          %dma_start3A_218 = tpu.memref_slice %arg7[%dma_start3A_216, %dma_start3A_217] : memref<3x744xi32, #tpu.memory_space<vmem>> -> memref<1x744xi32, #tpu.memory_space<vmem>>
          %dma_start3A_219 = tpu.memref_squeeze %dma_start3A_218 : memref<1x744xi32, #tpu.memory_space<vmem>> -> memref<744xi32, #tpu.memory_space<vmem>>
          %dma_start3A_220 = tpu.memref_slice %arg3[%add3A_215] : memref<1600000xi32, #tpu.memory_space<hbm>> -> memref<744xi32, #tpu.memory_space<hbm>>
          %dma_start3A_221 = arith.constant 0 : i32
          %dma_start3A_222 = tpu.memref_slice %arg7[%dma_start3A_216, %dma_start3A_221] : memref<3x744xi32, #tpu.memory_space<vmem>> -> memref<1x744xi32, #tpu.memory_space<vmem>>
          %dma_start3A_223 = tpu.memref_squeeze %dma_start3A_222 : memref<1x744xi32, #tpu.memory_space<vmem>> -> memref<744xi32, #tpu.memory_space<vmem>>
          %dma_start3A_224 = tpu.memref_slice %arg3[%add3A_215] : memref<1600000xi32, #tpu.memory_space<hbm>> -> memref<744xi32, #tpu.memory_space<hbm>>
          tpu.enqueue_dma source(%dma_start3A_224 : memref<744xi32, #tpu.memory_space<hbm>>) target(%dma_start3A_223 : memref<744xi32, #tpu.memory_space<vmem>>) target_semaphore(%arg10 : memref<!tpu.dma_semaphore, #tpu.memory_space<semaphore_mem>>)
          %dma_start3A_225 = arith.constant 0 : i32
          %dma_start3A_226 = arith.constant 0 : i32
          %dma_start3A_227 = tpu.memref_slice %arg8[%dma_start3A_225, %dma_start3A_226] : memref<3x744xi32, #tpu.memory_space<vmem>> -> memref<1x744xi32, #tpu.memory_space<vmem>>
          %dma_start3A_228 = tpu.memref_squeeze %dma_start3A_227 : memref<1x744xi32, #tpu.memory_space<vmem>> -> memref<744xi32, #tpu.memory_space<vmem>>
          %dma_start3A_229 = tpu.memref_slice %arg4[%add3A_215] : memref<1600000xi32, #tpu.memory_space<hbm>> -> memref<744xi32, #tpu.memory_space<hbm>>
          %dma_start3A_230 = arith.constant 0 : i32
          %dma_start3A_231 = tpu.memref_slice %arg8[%dma_start3A_225, %dma_start3A_230] : memref<3x744xi32, #tpu.memory_space<vmem>> -> memref<1x744xi32, #tpu.memory_space<vmem>>
          %dma_start3A_232 = tpu.memref_squeeze %dma_start3A_231 : memref<1x744xi32, #tpu.memory_space<vmem>> -> memref<744xi32, #tpu.memory_space<vmem>>
          %dma_start3A_233 = tpu.memref_slice %arg4[%add3A_215] : memref<1600000xi32, #tpu.memory_space<hbm>> -> memref<744xi32, #tpu.memory_space<hbm>>
          tpu.enqueue_dma source(%dma_start3A_233 : memref<744xi32, #tpu.memory_space<hbm>>) target(%dma_start3A_232 : memref<744xi32, #tpu.memory_space<vmem>>) target_semaphore(%arg10 : memref<!tpu.dma_semaphore, #tpu.memory_space<semaphore_mem>>)
        } else {
        }
        %dma_start3A_175 = arith.constant 2 : i32
        %dma_start3A_176 = arith.constant 1 : i32
        %dma_start3A_177 = arith.constant 0 : i32
        %dma_start3A_178 = arith.constant 0 : i32
        %dma_start3A_179 = tpu.memref_slice %arg9[%dma_start3A_176, %dma_start3A_177, %dma_start3A_178] : memref<2x744x16xf32, #tpu.memory_space<vmem>> -> memref<1x744x16xf32, #tpu.memory_space<vmem>>
        %dma_start3A_180 = tpu.memref_squeeze %dma_start3A_179 : memref<1x744x16xf32, #tpu.memory_space<vmem>> -> memref<744x16xf32, #tpu.memory_space<vmem>>
        %dma_start3A_181 = arith.constant 0 : i32
        %dma_start3A_182 = tpu.memref_slice %arg7[%dma_start3A_175, %dma_start3A_181] : memref<3x744xi32, #tpu.memory_space<vmem>> -> memref<1x744xi32, #tpu.memory_space<vmem>>
        %dma_start3A_183 = tpu.memref_squeeze %dma_start3A_182 : memref<1x744xi32, #tpu.memory_space<vmem>> -> memref<744xi32, #tpu.memory_space<vmem>>
        %dma_start3A_184 = arith.constant 0 : i32
        %dma_start3A_185 = arith.constant 0 : i32
        %dma_start3A_186 = tpu.memref_slice %arg2[%dma_start3A_184, %dma_start3A_185] : memref<102400x16xf32, #tpu.memory_space<hbm>> -> memref<102400x16xf32, #tpu.memory_space<hbm>>
        tpu.enqueue_indirect_dma source(%dma_start3A_186 : memref<102400x16xf32, #tpu.memory_space<hbm>>) target(%dma_start3A_180 : memref<744x16xf32, #tpu.memory_space<vmem>>) offsets(%dma_start3A_183 : memref<744xi32, #tpu.memory_space<vmem>>) semaphore(%arg11 : memref<!tpu.dma_semaphore, #tpu.memory_space<semaphore_mem>>)
        %dma_wait3A_187 = arith.constant 2 : i32
        %dma_wait3A_188 = arith.constant 1 : i32
        %dma_wait3A_189 = arith.constant 0 : i32
        %dma_wait3A_190 = arith.constant 0 : i32
        %dma_wait3A_191 = tpu.memref_slice %arg9[%dma_wait3A_188, %dma_wait3A_189, %dma_wait3A_190] : memref<2x744x16xf32, #tpu.memory_space<vmem>> -> memref<1x744x16xf32, #tpu.memory_space<vmem>>
        %dma_wait3A_192 = tpu.memref_squeeze %dma_wait3A_191 : memref<1x744x16xf32, #tpu.memory_space<vmem>> -> memref<744x16xf32, #tpu.memory_space<vmem>>
        %dma_wait3A_193 = arith.constant 0 : i32
        %dma_wait3A_194 = tpu.memref_slice %arg7[%dma_wait3A_187, %dma_wait3A_193] : memref<3x744xi32, #tpu.memory_space<vmem>> -> memref<1x744xi32, #tpu.memory_space<vmem>>
        %dma_wait3A_195 = tpu.memref_squeeze %dma_wait3A_194 : memref<1x744xi32, #tpu.memory_space<vmem>> -> memref<744xi32, #tpu.memory_space<vmem>>
        %dma_wait3A_196 = arith.constant 0 : i32
        %dma_wait3A_197 = arith.constant 0 : i32
        %dma_wait3A_198 = tpu.memref_slice %arg2[%dma_wait3A_196, %dma_wait3A_197] : memref<102400x16xf32, #tpu.memory_space<hbm>> -> memref<102400x16xf32, #tpu.memory_space<hbm>>
        tpu.wait_indirect_dma semaphore(%arg11 : memref<!tpu.dma_semaphore, #tpu.memory_space<semaphore_mem>>) src(%dma_wait3A_198 : memref<102400x16xf32, #tpu.memory_space<hbm>>) dst(%dma_wait3A_192 : memref<744x16xf32, #tpu.memory_space<vmem>>)
        %dma_start3A_199 = arith.constant 1 : i32
        %dma_start3A_200 = arith.constant 2 : i32
        %dma_start3A_201 = arith.constant 0 : i32
        %dma_start3A_202 = arith.constant 0 : i32
        %dma_start3A_203 = tpu.memref_slice %arg9[%dma_start3A_199, %dma_start3A_201, %dma_start3A_202] : memref<2x744x16xf32, #tpu.memory_space<vmem>> -> memref<1x744x16xf32, #tpu.memory_space<vmem>>
        %dma_start3A_204 = tpu.memref_squeeze %dma_start3A_203 : memref<1x744x16xf32, #tpu.memory_space<vmem>> -> memref<744x16xf32, #tpu.memory_space<vmem>>
        %dma_start3A_205 = arith.constant 0 : i32
        %dma_start3A_206 = tpu.memref_slice %arg8[%dma_start3A_200, %dma_start3A_205] : memref<3x744xi32, #tpu.memory_space<vmem>> -> memref<1x744xi32, #tpu.memory_space<vmem>>
        %dma_start3A_207 = tpu.memref_squeeze %dma_start3A_206 : memref<1x744xi32, #tpu.memory_space<vmem>> -> memref<744xi32, #tpu.memory_space<vmem>>
        %dma_start3A_208 = arith.constant 0 : i32
        %dma_start3A_209 = arith.constant 0 : i32
        %dma_start3A_210 = tpu.memref_slice %arg6[%dma_start3A_208, %dma_start3A_209] : memref<102400x16xf32, #tpu.memory_space<vmem_shared>> -> memref<102400x16xf32, #tpu.memory_space<vmem_shared>>
        tpu.enqueue_indirect_dma source(%dma_start3A_204 : memref<744x16xf32, #tpu.memory_space<vmem>>) target(%dma_start3A_210 : memref<102400x16xf32, #tpu.memory_space<vmem_shared>>) offsets(%dma_start3A_207 : memref<744xi32, #tpu.memory_space<vmem>>) semaphore(%arg13 : memref<!tpu.dma_semaphore, #tpu.memory_space<semaphore_mem>>) {add = true}
      } else {
      }
    }
    %scan3A_40 = arith.constant 12 : i32
    %dma_wait3A = arith.constant 1 : i32
    %dma_wait3A_41 = arith.constant 2 : i32
    %dma_wait3A_42 = arith.constant 0 : i32
    %dma_wait3A_43 = arith.constant 0 : i32
    %dma_wait3A_44 = tpu.memref_slice %arg9[%dma_wait3A, %dma_wait3A_42, %dma_wait3A_43] : memref<2x744x16xf32, #tpu.memory_space<vmem>> -> memref<1x744x16xf32, #tpu.memory_space<vmem>>
    %dma_wait3A_45 = tpu.memref_squeeze %dma_wait3A_44 : memref<1x744x16xf32, #tpu.memory_space<vmem>> -> memref<744x16xf32, #tpu.memory_space<vmem>>
    %dma_wait3A_46 = arith.constant 0 : i32
    %dma_wait3A_47 = tpu.memref_slice %arg8[%dma_wait3A_41, %dma_wait3A_46] : memref<3x744xi32, #tpu.memory_space<vmem>> -> memref<1x744xi32, #tpu.memory_space<vmem>>
    %dma_wait3A_48 = tpu.memref_squeeze %dma_wait3A_47 : memref<1x744xi32, #tpu.memory_space<vmem>> -> memref<744xi32, #tpu.memory_space<vmem>>
    %dma_wait3A_49 = arith.constant 0 : i32
    %dma_wait3A_50 = arith.constant 0 : i32
    %dma_wait3A_51 = tpu.memref_slice %arg6[%dma_wait3A_49, %dma_wait3A_50] : memref<102400x16xf32, #tpu.memory_space<vmem_shared>> -> memref<102400x16xf32, #tpu.memory_space<vmem_shared>>
    tpu.wait_indirect_dma semaphore(%arg13 : memref<!tpu.dma_semaphore, #tpu.memory_space<semaphore_mem>>) src(%dma_wait3A_45 : memref<744x16xf32, #tpu.memory_space<vmem>>) dst(%dma_wait3A_51 : memref<102400x16xf32, #tpu.memory_space<vmem_shared>>)
    %dma_wait3A_52 = arith.constant 0 : i32
    %dma_wait3A_53 = arith.constant 0 : i32
    %dma_wait3A_54 = arith.constant 0 : i32
    %dma_wait3A_55 = arith.constant 0 : i32
    %dma_wait3A_56 = tpu.memref_slice %arg9[%dma_wait3A_52, %dma_wait3A_54, %dma_wait3A_55] : memref<2x744x16xf32, #tpu.memory_space<vmem>> -> memref<1x744x16xf32, #tpu.memory_space<vmem>>
    %dma_wait3A_57 = tpu.memref_squeeze %dma_wait3A_56 : memref<1x744x16xf32, #tpu.memory_space<vmem>> -> memref<744x16xf32, #tpu.memory_space<vmem>>
    %dma_wait3A_58 = arith.constant 0 : i32
    %dma_wait3A_59 = tpu.memref_slice %arg8[%dma_wait3A_53, %dma_wait3A_58] : memref<3x744xi32, #tpu.memory_space<vmem>> -> memref<1x744xi32, #tpu.memory_space<vmem>>
    %dma_wait3A_60 = tpu.memref_squeeze %dma_wait3A_59 : memref<1x744xi32, #tpu.memory_space<vmem>> -> memref<744xi32, #tpu.memory_space<vmem>>
    %dma_wait3A_61 = arith.constant 0 : i32
    %dma_wait3A_62 = arith.constant 0 : i32
    %dma_wait3A_63 = tpu.memref_slice %arg6[%dma_wait3A_61, %dma_wait3A_62] : memref<102400x16xf32, #tpu.memory_space<vmem_shared>> -> memref<102400x16xf32, #tpu.memory_space<vmem_shared>>
    tpu.wait_indirect_dma semaphore(%arg12 : memref<!tpu.dma_semaphore, #tpu.memory_space<semaphore_mem>>) src(%dma_wait3A_57 : memref<744x16xf32, #tpu.memory_space<vmem>>) dst(%dma_wait3A_63 : memref<102400x16xf32, #tpu.memory_space<vmem_shared>>)
    %add3A_64 = arith.constant 49848 : i32
    %add3A_65 = arith.addi %mul3A_15, %add3A_64 : i32
    %run_scoped3A = arith.constant 0 : i32
    "tpu.region"() ({
      %run_scoped3A_100 = tpu.sem_alloc : memref<!tpu.dma_semaphore, #tpu.memory_space<semaphore_mem>>
      %dma_start3A_101 = arith.constant 0 : i32
      %dma_start3A_102 = tpu.memref_slice %arg7[%run_scoped3A, %dma_start3A_101] : memref<3x744xi32, #tpu.memory_space<vmem>> -> memref<1x152xi32, #tpu.memory_space<vmem>>
      %dma_start3A_103 = tpu.memref_squeeze %dma_start3A_102 : memref<1x152xi32, #tpu.memory_space<vmem>> -> memref<152xi32, #tpu.memory_space<vmem>>
      %dma_start3A_104 = tpu.memref_slice %arg3[%add3A_65] : memref<1600000xi32, #tpu.memory_space<hbm>> -> memref<152xi32, #tpu.memory_space<hbm>>
      %dma_start3A_105 = arith.constant 0 : i32
      %dma_start3A_106 = tpu.memref_slice %arg7[%run_scoped3A, %dma_start3A_105] : memref<3x744xi32, #tpu.memory_space<vmem>> -> memref<1x152xi32, #tpu.memory_space<vmem>>
      %dma_start3A_107 = tpu.memref_squeeze %dma_start3A_106 : memref<1x152xi32, #tpu.memory_space<vmem>> -> memref<152xi32, #tpu.memory_space<vmem>>
      %dma_start3A_108 = tpu.memref_slice %arg3[%add3A_65] : memref<1600000xi32, #tpu.memory_space<hbm>> -> memref<152xi32, #tpu.memory_space<hbm>>
      tpu.enqueue_dma source(%dma_start3A_108 : memref<152xi32, #tpu.memory_space<hbm>>) target(%dma_start3A_107 : memref<152xi32, #tpu.memory_space<vmem>>) target_semaphore(%run_scoped3A_100 : memref<!tpu.dma_semaphore, #tpu.memory_space<semaphore_mem>>)
      %dma_wait3A_109 = arith.constant 0 : i32
      %dma_wait3A_110 = tpu.memref_slice %arg7[%run_scoped3A, %dma_wait3A_109] : memref<3x744xi32, #tpu.memory_space<vmem>> -> memref<1x152xi32, #tpu.memory_space<vmem>>
      %dma_wait3A_111 = tpu.memref_squeeze %dma_wait3A_110 : memref<1x152xi32, #tpu.memory_space<vmem>> -> memref<152xi32, #tpu.memory_space<vmem>>
      %dma_wait3A_112 = tpu.memref_slice %arg3[%add3A_65] : memref<1600000xi32, #tpu.memory_space<hbm>> -> memref<152xi32, #tpu.memory_space<hbm>>
      %dma_wait3A_113 = arith.constant 0 : i32
      %dma_wait3A_114 = tpu.memref_slice %arg7[%run_scoped3A, %dma_wait3A_113] : memref<3x744xi32, #tpu.memory_space<vmem>> -> memref<1x152xi32, #tpu.memory_space<vmem>>
      %dma_wait3A_115 = tpu.memref_squeeze %dma_wait3A_114 : memref<1x152xi32, #tpu.memory_space<vmem>> -> memref<152xi32, #tpu.memory_space<vmem>>
      %dma_wait3A_116 = tpu.memref_slice %arg3[%add3A_65] : memref<1600000xi32, #tpu.memory_space<hbm>> -> memref<152xi32, #tpu.memory_space<hbm>>
      tpu.wait_dma2 semaphore(%run_scoped3A_100 : memref<!tpu.dma_semaphore, #tpu.memory_space<semaphore_mem>>) src(%dma_wait3A_116 : memref<152xi32, #tpu.memory_space<hbm>>) dst(%dma_wait3A_115 : memref<152xi32, #tpu.memory_space<vmem>>)
      tpu.yield
    }) : () -> ()
    %run_scoped3A_66 = arith.constant 0 : i32
    "tpu.region"() ({
      %run_scoped3A_100 = tpu.sem_alloc : memref<!tpu.dma_semaphore, #tpu.memory_space<semaphore_mem>>
      %dma_start3A_101 = arith.constant 0 : i32
      %dma_start3A_102 = tpu.memref_slice %arg8[%run_scoped3A_66, %dma_start3A_101] : memref<3x744xi32, #tpu.memory_space<vmem>> -> memref<1x152xi32, #tpu.memory_space<vmem>>
      %dma_start3A_103 = tpu.memref_squeeze %dma_start3A_102 : memref<1x152xi32, #tpu.memory_space<vmem>> -> memref<152xi32, #tpu.memory_space<vmem>>
      %dma_start3A_104 = tpu.memref_slice %arg4[%add3A_65] : memref<1600000xi32, #tpu.memory_space<hbm>> -> memref<152xi32, #tpu.memory_space<hbm>>
      %dma_start3A_105 = arith.constant 0 : i32
      %dma_start3A_106 = tpu.memref_slice %arg8[%run_scoped3A_66, %dma_start3A_105] : memref<3x744xi32, #tpu.memory_space<vmem>> -> memref<1x152xi32, #tpu.memory_space<vmem>>
      %dma_start3A_107 = tpu.memref_squeeze %dma_start3A_106 : memref<1x152xi32, #tpu.memory_space<vmem>> -> memref<152xi32, #tpu.memory_space<vmem>>
      %dma_start3A_108 = tpu.memref_slice %arg4[%add3A_65] : memref<1600000xi32, #tpu.memory_space<hbm>> -> memref<152xi32, #tpu.memory_space<hbm>>
      tpu.enqueue_dma source(%dma_start3A_108 : memref<152xi32, #tpu.memory_space<hbm>>) target(%dma_start3A_107 : memref<152xi32, #tpu.memory_space<vmem>>) target_semaphore(%run_scoped3A_100 : memref<!tpu.dma_semaphore, #tpu.memory_space<semaphore_mem>>)
      %dma_wait3A_109 = arith.constant 0 : i32
      %dma_wait3A_110 = tpu.memref_slice %arg8[%run_scoped3A_66, %dma_wait3A_109] : memref<3x744xi32, #tpu.memory_space<vmem>> -> memref<1x152xi32, #tpu.memory_space<vmem>>
      %dma_wait3A_111 = tpu.memref_squeeze %dma_wait3A_110 : memref<1x152xi32, #tpu.memory_space<vmem>> -> memref<152xi32, #tpu.memory_space<vmem>>
      %dma_wait3A_112 = tpu.memref_slice %arg4[%add3A_65] : memref<1600000xi32, #tpu.memory_space<hbm>> -> memref<152xi32, #tpu.memory_space<hbm>>
      %dma_wait3A_113 = arith.constant 0 : i32
      %dma_wait3A_114 = tpu.memref_slice %arg8[%run_scoped3A_66, %dma_wait3A_113] : memref<3x744xi32, #tpu.memory_space<vmem>> -> memref<1x152xi32, #tpu.memory_space<vmem>>
      %dma_wait3A_115 = tpu.memref_squeeze %dma_wait3A_114 : memref<1x152xi32, #tpu.memory_space<vmem>> -> memref<152xi32, #tpu.memory_space<vmem>>
      %dma_wait3A_116 = tpu.memref_slice %arg4[%add3A_65] : memref<1600000xi32, #tpu.memory_space<hbm>> -> memref<152xi32, #tpu.memory_space<hbm>>
      tpu.wait_dma2 semaphore(%run_scoped3A_100 : memref<!tpu.dma_semaphore, #tpu.memory_space<semaphore_mem>>) src(%dma_wait3A_116 : memref<152xi32, #tpu.memory_space<hbm>>) dst(%dma_wait3A_115 : memref<152xi32, #tpu.memory_space<vmem>>)
      tpu.yield
    }) : () -> ()
    %dma_start3A_67 = arith.constant 0 : i32
    %dma_start3A_68 = arith.constant 0 : i32
    %dma_start3A_69 = arith.constant 0 : i32
    %dma_start3A_70 = arith.constant 0 : i32
    %dma_start3A_71 = tpu.memref_slice %arg9[%dma_start3A_68, %dma_start3A_69, %dma_start3A_70] : memref<2x744x16xf32, #tpu.memory_space<vmem>> -> memref<1x152x16xf32, #tpu.memory_space<vmem>>
    %dma_start3A_72 = tpu.memref_squeeze %dma_start3A_71 : memref<1x152x16xf32, #tpu.memory_space<vmem>> -> memref<152x16xf32, #tpu.memory_space<vmem>>
    %dma_start3A_73 = arith.constant 0 : i32
    %dma_start3A_74 = tpu.memref_slice %arg7[%dma_start3A_67, %dma_start3A_73] : memref<3x744xi32, #tpu.memory_space<vmem>> -> memref<1x152xi32, #tpu.memory_space<vmem>>
    %dma_start3A_75 = tpu.memref_squeeze %dma_start3A_74 : memref<1x152xi32, #tpu.memory_space<vmem>> -> memref<152xi32, #tpu.memory_space<vmem>>
    %dma_start3A_76 = arith.constant 0 : i32
    %dma_start3A_77 = arith.constant 0 : i32
    %dma_start3A_78 = tpu.memref_slice %arg2[%dma_start3A_76, %dma_start3A_77] : memref<102400x16xf32, #tpu.memory_space<hbm>> -> memref<102400x16xf32, #tpu.memory_space<hbm>>
    tpu.enqueue_indirect_dma source(%dma_start3A_78 : memref<102400x16xf32, #tpu.memory_space<hbm>>) target(%dma_start3A_72 : memref<152x16xf32, #tpu.memory_space<vmem>>) offsets(%dma_start3A_75 : memref<152xi32, #tpu.memory_space<vmem>>) semaphore(%arg11 : memref<!tpu.dma_semaphore, #tpu.memory_space<semaphore_mem>>)
    %dma_wait3A_79 = arith.constant 0 : i32
    %dma_wait3A_80 = arith.constant 0 : i32
    %dma_wait3A_81 = arith.constant 0 : i32
    %dma_wait3A_82 = arith.constant 0 : i32
    %dma_wait3A_83 = tpu.memref_slice %arg9[%dma_wait3A_80, %dma_wait3A_81, %dma_wait3A_82] : memref<2x744x16xf32, #tpu.memory_space<vmem>> -> memref<1x152x16xf32, #tpu.memory_space<vmem>>
    %dma_wait3A_84 = tpu.memref_squeeze %dma_wait3A_83 : memref<1x152x16xf32, #tpu.memory_space<vmem>> -> memref<152x16xf32, #tpu.memory_space<vmem>>
    %dma_wait3A_85 = arith.constant 0 : i32
    %dma_wait3A_86 = tpu.memref_slice %arg7[%dma_wait3A_79, %dma_wait3A_85] : memref<3x744xi32, #tpu.memory_space<vmem>> -> memref<1x152xi32, #tpu.memory_space<vmem>>
    %dma_wait3A_87 = tpu.memref_squeeze %dma_wait3A_86 : memref<1x152xi32, #tpu.memory_space<vmem>> -> memref<152xi32, #tpu.memory_space<vmem>>
    %dma_wait3A_88 = arith.constant 0 : i32
    %dma_wait3A_89 = arith.constant 0 : i32
    %dma_wait3A_90 = tpu.memref_slice %arg2[%dma_wait3A_88, %dma_wait3A_89] : memref<102400x16xf32, #tpu.memory_space<hbm>> -> memref<102400x16xf32, #tpu.memory_space<hbm>>
    tpu.wait_indirect_dma semaphore(%arg11 : memref<!tpu.dma_semaphore, #tpu.memory_space<semaphore_mem>>) src(%dma_wait3A_90 : memref<102400x16xf32, #tpu.memory_space<hbm>>) dst(%dma_wait3A_84 : memref<152x16xf32, #tpu.memory_space<vmem>>)
    %run_scoped3A_91 = arith.constant 0 : i32
    %run_scoped3A_92 = arith.constant 0 : i32
    "tpu.region"() ({
      %run_scoped3A_100 = tpu.sem_alloc : memref<!tpu.dma_semaphore, #tpu.memory_space<semaphore_mem>>
      %dma_start3A_101 = arith.constant 0 : i32
      %dma_start3A_102 = arith.constant 0 : i32
      %dma_start3A_103 = tpu.memref_slice %arg9[%run_scoped3A_91, %dma_start3A_101, %dma_start3A_102] : memref<2x744x16xf32, #tpu.memory_space<vmem>> -> memref<1x152x16xf32, #tpu.memory_space<vmem>>
      %dma_start3A_104 = tpu.memref_squeeze %dma_start3A_103 : memref<1x152x16xf32, #tpu.memory_space<vmem>> -> memref<152x16xf32, #tpu.memory_space<vmem>>
      %dma_start3A_105 = arith.constant 0 : i32
      %dma_start3A_106 = tpu.memref_slice %arg8[%run_scoped3A_92, %dma_start3A_105] : memref<3x744xi32, #tpu.memory_space<vmem>> -> memref<1x152xi32, #tpu.memory_space<vmem>>
      %dma_start3A_107 = tpu.memref_squeeze %dma_start3A_106 : memref<1x152xi32, #tpu.memory_space<vmem>> -> memref<152xi32, #tpu.memory_space<vmem>>
      %dma_start3A_108 = arith.constant 0 : i32
      %dma_start3A_109 = arith.constant 0 : i32
      %dma_start3A_110 = tpu.memref_slice %arg6[%dma_start3A_108, %dma_start3A_109] : memref<102400x16xf32, #tpu.memory_space<vmem_shared>> -> memref<102400x16xf32, #tpu.memory_space<vmem_shared>>
      tpu.enqueue_indirect_dma source(%dma_start3A_104 : memref<152x16xf32, #tpu.memory_space<vmem>>) target(%dma_start3A_110 : memref<102400x16xf32, #tpu.memory_space<vmem_shared>>) offsets(%dma_start3A_107 : memref<152xi32, #tpu.memory_space<vmem>>) semaphore(%run_scoped3A_100 : memref<!tpu.dma_semaphore, #tpu.memory_space<semaphore_mem>>) {add = true}
      %dma_wait3A_111 = arith.constant 0 : i32
      %dma_wait3A_112 = arith.constant 0 : i32
      %dma_wait3A_113 = tpu.memref_slice %arg9[%run_scoped3A_91, %dma_wait3A_111, %dma_wait3A_112] : memref<2x744x16xf32, #tpu.memory_space<vmem>> -> memref<1x152x16xf32, #tpu.memory_space<vmem>>
      %dma_wait3A_114 = tpu.memref_squeeze %dma_wait3A_113 : memref<1x152x16xf32, #tpu.memory_space<vmem>> -> memref<152x16xf32, #tpu.memory_space<vmem>>
      %dma_wait3A_115 = arith.constant 0 : i32
      %dma_wait3A_116 = tpu.memref_slice %arg8[%run_scoped3A_92, %dma_wait3A_115] : memref<3x744xi32, #tpu.memory_space<vmem>> -> memref<1x152xi32, #tpu.memory_space<vmem>>
      %dma_wait3A_117 = tpu.memref_squeeze %dma_wait3A_116 : memref<1x152xi32, #tpu.memory_space<vmem>> -> memref<152xi32, #tpu.memory_space<vmem>>
      %dma_wait3A_118 = arith.constant 0 : i32
      %dma_wait3A_119 = arith.constant 0 : i32
      %dma_wait3A_120 = tpu.memref_slice %arg6[%dma_wait3A_118, %dma_wait3A_119] : memref<102400x16xf32, #tpu.memory_space<vmem_shared>> -> memref<102400x16xf32, #tpu.memory_space<vmem_shared>>
      tpu.wait_indirect_dma semaphore(%run_scoped3A_100 : memref<!tpu.dma_semaphore, #tpu.memory_space<semaphore_mem>>) src(%dma_wait3A_114 : memref<152x16xf32, #tpu.memory_space<vmem>>) dst(%dma_wait3A_120 : memref<102400x16xf32, #tpu.memory_space<vmem_shared>>)
      tpu.yield
    }) : () -> ()
    %barrier3A_93 = arith.constant 0 : index
    tpu.barrier barrier_id(%barrier3A_93)
    %scan3A_94 = arith.constant 0 : i32
    %scan3A_95 = arith.constant 0 : i32
    %scan3A_96 = arith.constant 16 : i32
    %scan3A_97 = arith.addi %scan3A_95, %scan3A_96 : i32
    %scan3A_98 = arith.constant 1 : i32
    scf.for %scan3A_100 = %scan3A_95 to %scan3A_97 step %scan3A_98  : i32 {
      %mul3A_101 = arith.constant 400 : i32
      %mul3A_102 = arith.muli %scan3A_100, %mul3A_101 : i32
      %add3A_103 = arith.addi %mul3A_0, %mul3A_102 : i32
      %run_scoped3A_104 = arith.constant 0 : i32
      "tpu.region"() ({
        %run_scoped3A_106 = tpu.sem_alloc : memref<!tpu.dma_semaphore, #tpu.memory_space<semaphore_mem>>
        %dma_start3A_107 = arith.constant 0 : i32
        %dma_start3A_108 = arith.constant 0 : i32
        %dma_start3A_109 = tpu.memref_slice %arg9[%run_scoped3A_104, %dma_start3A_107, %dma_start3A_108] : memref<2x744x16xf32, #tpu.memory_space<vmem>> -> memref<1x400x16xf32, #tpu.memory_space<vmem>>
        %dma_start3A_110 = tpu.memref_squeeze %dma_start3A_109 : memref<1x400x16xf32, #tpu.memory_space<vmem>> -> memref<400x16xf32, #tpu.memory_space<vmem>>
        %dma_start3A_111 = arith.constant 0 : i32
        %dma_start3A_112 = tpu.memref_slice %arg6[%add3A_103, %dma_start3A_111] : memref<102400x16xf32, #tpu.memory_space<vmem_shared>> -> memref<400x16xf32, #tpu.memory_space<vmem_shared>>
        %dma_start3A_113 = arith.constant 0 : i32
        %dma_start3A_114 = arith.constant 0 : i32
        %dma_start3A_115 = tpu.memref_slice %arg9[%run_scoped3A_104, %dma_start3A_113, %dma_start3A_114] : memref<2x744x16xf32, #tpu.memory_space<vmem>> -> memref<1x400x16xf32, #tpu.memory_space<vmem>>
        %dma_start3A_116 = tpu.memref_squeeze %dma_start3A_115 : memref<1x400x16xf32, #tpu.memory_space<vmem>> -> memref<400x16xf32, #tpu.memory_space<vmem>>
        %dma_start3A_117 = arith.constant 0 : i32
        %dma_start3A_118 = tpu.memref_slice %arg6[%add3A_103, %dma_start3A_117] : memref<102400x16xf32, #tpu.memory_space<vmem_shared>> -> memref<400x16xf32, #tpu.memory_space<vmem_shared>>
        tpu.enqueue_dma source(%dma_start3A_118 : memref<400x16xf32, #tpu.memory_space<vmem_shared>>) target(%dma_start3A_116 : memref<400x16xf32, #tpu.memory_space<vmem>>) target_semaphore(%run_scoped3A_106 : memref<!tpu.dma_semaphore, #tpu.memory_space<semaphore_mem>>)
        %dma_wait3A_119 = arith.constant 0 : i32
        %dma_wait3A_120 = arith.constant 0 : i32
        %dma_wait3A_121 = tpu.memref_slice %arg9[%run_scoped3A_104, %dma_wait3A_119, %dma_wait3A_120] : memref<2x744x16xf32, #tpu.memory_space<vmem>> -> memref<1x400x16xf32, #tpu.memory_space<vmem>>
        %dma_wait3A_122 = tpu.memref_squeeze %dma_wait3A_121 : memref<1x400x16xf32, #tpu.memory_space<vmem>> -> memref<400x16xf32, #tpu.memory_space<vmem>>
        %dma_wait3A_123 = arith.constant 0 : i32
        %dma_wait3A_124 = tpu.memref_slice %arg6[%add3A_103, %dma_wait3A_123] : memref<102400x16xf32, #tpu.memory_space<vmem_shared>> -> memref<400x16xf32, #tpu.memory_space<vmem_shared>>
        %dma_wait3A_125 = arith.constant 0 : i32
        %dma_wait3A_126 = arith.constant 0 : i32
        %dma_wait3A_127 = tpu.memref_slice %arg9[%run_scoped3A_104, %dma_wait3A_125, %dma_wait3A_126] : memref<2x744x16xf32, #tpu.memory_space<vmem>> -> memref<1x400x16xf32, #tpu.memory_space<vmem>>
        %dma_wait3A_128 = tpu.memref_squeeze %dma_wait3A_127 : memref<1x400x16xf32, #tpu.memory_space<vmem>> -> memref<400x16xf32, #tpu.memory_space<vmem>>
        %dma_wait3A_129 = arith.constant 0 : i32
        %dma_wait3A_130 = tpu.memref_slice %arg6[%add3A_103, %dma_wait3A_129] : memref<102400x16xf32, #tpu.memory_space<vmem_shared>> -> memref<400x16xf32, #tpu.memory_space<vmem_shared>>
        tpu.wait_dma2 semaphore(%run_scoped3A_106 : memref<!tpu.dma_semaphore, #tpu.memory_space<semaphore_mem>>) src(%dma_wait3A_130 : memref<400x16xf32, #tpu.memory_space<vmem_shared>>) dst(%dma_wait3A_128 : memref<400x16xf32, #tpu.memory_space<vmem>>)
        tpu.yield
      }) : () -> ()
      %run_scoped3A_105 = arith.constant 0 : i32
      "tpu.region"() ({
        %run_scoped3A_106 = tpu.sem_alloc : memref<!tpu.dma_semaphore, #tpu.memory_space<semaphore_mem>>
        %dma_start3A_107 = arith.constant 0 : i32
        %dma_start3A_108 = arith.constant 0 : i32
        %dma_start3A_109 = tpu.memref_slice %arg9[%run_scoped3A_105, %dma_start3A_107, %dma_start3A_108] : memref<2x744x16xf32, #tpu.memory_space<vmem>> -> memref<1x400x16xf32, #tpu.memory_space<vmem>>
        %dma_start3A_110 = tpu.memref_squeeze %dma_start3A_109 : memref<1x400x16xf32, #tpu.memory_space<vmem>> -> memref<400x16xf32, #tpu.memory_space<vmem>>
        %dma_start3A_111 = arith.constant 0 : i32
        %dma_start3A_112 = tpu.memref_slice %arg5[%arg0, %add3A_103, %dma_start3A_111] : memref<2x102400x16xf32, #tpu.memory_space<hbm>> -> memref<1x400x16xf32, #tpu.memory_space<hbm>>
        %dma_start3A_113 = tpu.memref_squeeze %dma_start3A_112 : memref<1x400x16xf32, #tpu.memory_space<hbm>> -> memref<400x16xf32, #tpu.memory_space<hbm>>
        %dma_start3A_114 = arith.constant 0 : i32
        %dma_start3A_115 = tpu.memref_slice %arg5[%arg0, %add3A_103, %dma_start3A_114] : memref<2x102400x16xf32, #tpu.memory_space<hbm>> -> memref<1x400x16xf32, #tpu.memory_space<hbm>>
        %dma_start3A_116 = tpu.memref_squeeze %dma_start3A_115 : memref<1x400x16xf32, #tpu.memory_space<hbm>> -> memref<400x16xf32, #tpu.memory_space<hbm>>
        %dma_start3A_117 = arith.constant 0 : i32
        %dma_start3A_118 = arith.constant 0 : i32
        %dma_start3A_119 = tpu.memref_slice %arg9[%run_scoped3A_105, %dma_start3A_117, %dma_start3A_118] : memref<2x744x16xf32, #tpu.memory_space<vmem>> -> memref<1x400x16xf32, #tpu.memory_space<vmem>>
        %dma_start3A_120 = tpu.memref_squeeze %dma_start3A_119 : memref<1x400x16xf32, #tpu.memory_space<vmem>> -> memref<400x16xf32, #tpu.memory_space<vmem>>
        tpu.enqueue_dma source(%dma_start3A_120 : memref<400x16xf32, #tpu.memory_space<vmem>>) target(%dma_start3A_116 : memref<400x16xf32, #tpu.memory_space<hbm>>) target_semaphore(%run_scoped3A_106 : memref<!tpu.dma_semaphore, #tpu.memory_space<semaphore_mem>>)
        %dma_wait3A_121 = arith.constant 0 : i32
        %dma_wait3A_122 = arith.constant 0 : i32
        %dma_wait3A_123 = tpu.memref_slice %arg9[%run_scoped3A_105, %dma_wait3A_121, %dma_wait3A_122] : memref<2x744x16xf32, #tpu.memory_space<vmem>> -> memref<1x400x16xf32, #tpu.memory_space<vmem>>
        %dma_wait3A_124 = tpu.memref_squeeze %dma_wait3A_123 : memref<1x400x16xf32, #tpu.memory_space<vmem>> -> memref<400x16xf32, #tpu.memory_space<vmem>>
        %dma_wait3A_125 = arith.constant 0 : i32
        %dma_wait3A_126 = tpu.memref_slice %arg5[%arg0, %add3A_103, %dma_wait3A_125] : memref<2x102400x16xf32, #tpu.memory_space<hbm>> -> memref<1x400x16xf32, #tpu.memory_space<hbm>>
        %dma_wait3A_127 = tpu.memref_squeeze %dma_wait3A_126 : memref<1x400x16xf32, #tpu.memory_space<hbm>> -> memref<400x16xf32, #tpu.memory_space<hbm>>
        %dma_wait3A_128 = arith.constant 0 : i32
        %dma_wait3A_129 = tpu.memref_slice %arg5[%arg0, %add3A_103, %dma_wait3A_128] : memref<2x102400x16xf32, #tpu.memory_space<hbm>> -> memref<1x400x16xf32, #tpu.memory_space<hbm>>
        %dma_wait3A_130 = tpu.memref_squeeze %dma_wait3A_129 : memref<1x400x16xf32, #tpu.memory_space<hbm>> -> memref<400x16xf32, #tpu.memory_space<hbm>>
        %dma_wait3A_131 = arith.constant 0 : i32
        %dma_wait3A_132 = arith.constant 0 : i32
        %dma_wait3A_133 = tpu.memref_slice %arg9[%run_scoped3A_105, %dma_wait3A_131, %dma_wait3A_132] : memref<2x744x16xf32, #tpu.memory_space<vmem>> -> memref<1x400x16xf32, #tpu.memory_space<vmem>>
        %dma_wait3A_134 = tpu.memref_squeeze %dma_wait3A_133 : memref<1x400x16xf32, #tpu.memory_space<vmem>> -> memref<400x16xf32, #tpu.memory_space<vmem>>
        tpu.wait_dma2 semaphore(%run_scoped3A_106 : memref<!tpu.dma_semaphore, #tpu.memory_space<semaphore_mem>>) src(%dma_wait3A_134 : memref<400x16xf32, #tpu.memory_space<vmem>>) dst(%dma_wait3A_130 : memref<400x16xf32, #tpu.memory_space<hbm>>)
        tpu.yield
      }) : () -> ()
    }
    %scan3A_99 = arith.constant 16 : i32
    return
  }
}

#map = affine_map<(d0, d1) -> (0, 0)>
#map1 = affine_map<(d0, d1) -> (0)>
#map2 = affine_map<(d0, d1) -> (0, 0, 0)>
module attributes {stable_mosaic.version = 14 : i64} {
  func.func @k(%arg0: i32, %arg1: i32, %arg2: memref<102400x16xf32, #tpu.memory_space<hbm>>, %arg3: memref<102400x16xf32, #tpu.memory_space<hbm>>, %arg4: memref<1600000xi32, #tpu.memory_space<hbm>>, %arg5: memref<1600000xi32, #tpu.memory_space<hbm>>, %arg6: memref<2x102400x16xf32, #tpu.memory_space<hbm>>, %arg7: memref<102400x16xf32, #tpu.memory_space<vmem_shared>>, %arg8: memref<3x744xi32, #tpu.memory_space<vmem>>, %arg9: memref<3x744xi32, #tpu.memory_space<vmem>>, %arg10: memref<2x744x16xf32, #tpu.memory_space<vmem>>, %arg11: memref<!tpu.dma_semaphore, #tpu.memory_space<semaphore_mem>>, %arg12: memref<!tpu.dma_semaphore, #tpu.memory_space<semaphore_mem>>, %arg13: memref<!tpu.dma_semaphore, #tpu.memory_space<semaphore_mem>>, %arg14: memref<!tpu.dma_semaphore, #tpu.memory_space<semaphore_mem>>) attributes {dimension_semantics = [#tpu.dimension_semantics<core_parallel>, #tpu.dimension_semantics<subcore_parallel>], iteration_bounds = array<i64: 2, 16>, scalar_prefetch = 0 : i64, scratch_operands = 8 : i64, tpu.core_type = #tpu.core_type<sc_vector_subcore>, window_params = [{transform_indices = #map}, {transform_indices = #map}, {transform_indices = #map1}, {transform_indices = #map1}, {transform_indices = #map2}]} {
    %mul3A = arith.constant 6400 : i32
    %mul3A_0 = arith.muli %arg1, %mul3A : i32
    %scan3A = arith.constant 0 : i32
    %scan3A_1 = arith.constant 0 : i32
    %scan3A_2 = arith.constant 400 : i32
    %scan3A_3 = arith.addi %scan3A_1, %scan3A_2 : i32
    %scan3A_4 = arith.constant 1 : i32
    scf.for %scan3A_28 = %scan3A_1 to %scan3A_3 step %scan3A_4  : i32 {
      %broadcast_in_dim3A = arith.constant 0.000000e+00 : f32
      %broadcast_in_dim3A_29 = vector.broadcast %broadcast_in_dim3A : f32 to vector<16xf32>
      %swap3A = arith.constant 0 : i32
      %swap3A_30 = arith.index_cast %swap3A : i32 to index
      %swap3A_31 = arith.index_cast %scan3A_28 : i32 to index
      %swap3A_32 = arith.constant 0 : index
      %swap3A_33 = tpu.vector_load %arg10[%swap3A_30, %swap3A_31, %swap3A_32] {strides = array<i32>} : memref<2x744x16xf32, #tpu.memory_space<vmem>>, vector<1x1x16xf32>,
      %swap3A_34 = vector.shape_cast %swap3A_33 : vector<1x1x16xf32> to vector<16xf32>
      %swap3A_35 = vector.shape_cast %broadcast_in_dim3A_29 : vector<16xf32> to vector<1x1x16xf32>
      tpu.vector_store %arg10[%swap3A_30, %swap3A_31, %swap3A_32], %swap3A_35 {strides = array<i32>} : memref<2x744x16xf32, #tpu.memory_space<vmem>>, vector<1x1x16xf32>,
    }
    %scan3A_5 = arith.constant 400 : i32
    %scan3A_6 = arith.constant 0 : i32
    %scan3A_7 = arith.constant 0 : i32
    %scan3A_8 = arith.constant 16 : i32
    %scan3A_9 = arith.addi %scan3A_7, %scan3A_8 : i32
    %scan3A_10 = arith.constant 1 : i32
    scf.for %scan3A_28 = %scan3A_7 to %scan3A_9 step %scan3A_10  : i32 {
      %mul3A_29 = arith.constant 400 : i32
      %mul3A_30 = arith.muli %scan3A_28, %mul3A_29 : i32
      %add3A = arith.addi %mul3A_0, %mul3A_30 : i32
      %run_scoped3A = arith.constant 0 : i32
      "tpu.region"() ({
        %run_scoped3A_31 = tpu.sem_alloc : memref<!tpu.dma_semaphore, #tpu.memory_space<semaphore_mem>>
        %dma_start3A = arith.constant 0 : i32
        %dma_start3A_32 = arith.constant 0 : i32
        %dma_start3A_33 = tpu.memref_slice %arg10[%run_scoped3A, %dma_start3A, %dma_start3A_32] : memref<2x744x16xf32, #tpu.memory_space<vmem>> -> memref<1x400x16xf32, #tpu.memory_space<vmem>>
        %dma_start3A_34 = tpu.memref_squeeze %dma_start3A_33 : memref<1x400x16xf32, #tpu.memory_space<vmem>> -> memref<400x16xf32, #tpu.memory_space<vmem>>
        %dma_start3A_35 = arith.constant 0 : i32
        %dma_start3A_36 = tpu.memref_slice %arg7[%add3A, %dma_start3A_35] : memref<102400x16xf32, #tpu.memory_space<vmem_shared>> -> memref<400x16xf32, #tpu.memory_space<vmem_shared>>
        %dma_start3A_37 = arith.constant 0 : i32
        %dma_start3A_38 = tpu.memref_slice %arg7[%add3A, %dma_start3A_37] : memref<102400x16xf32, #tpu.memory_space<vmem_shared>> -> memref<400x16xf32, #tpu.memory_space<vmem_shared>>
        %dma_start3A_39 = arith.constant 0 : i32
        %dma_start3A_40 = arith.constant 0 : i32
        %dma_start3A_41 = tpu.memref_slice %arg10[%run_scoped3A, %dma_start3A_39, %dma_start3A_40] : memref<2x744x16xf32, #tpu.memory_space<vmem>> -> memref<1x400x16xf32, #tpu.memory_space<vmem>>
        %dma_start3A_42 = tpu.memref_squeeze %dma_start3A_41 : memref<1x400x16xf32, #tpu.memory_space<vmem>> -> memref<400x16xf32, #tpu.memory_space<vmem>>
        tpu.enqueue_dma source(%dma_start3A_42 : memref<400x16xf32, #tpu.memory_space<vmem>>) target(%dma_start3A_38 : memref<400x16xf32, #tpu.memory_space<vmem_shared>>) target_semaphore(%run_scoped3A_31 : memref<!tpu.dma_semaphore, #tpu.memory_space<semaphore_mem>>)
        %dma_wait3A = arith.constant 0 : i32
        %dma_wait3A_43 = arith.constant 0 : i32
        %dma_wait3A_44 = tpu.memref_slice %arg10[%run_scoped3A, %dma_wait3A, %dma_wait3A_43] : memref<2x744x16xf32, #tpu.memory_space<vmem>> -> memref<1x400x16xf32, #tpu.memory_space<vmem>>
        %dma_wait3A_45 = tpu.memref_squeeze %dma_wait3A_44 : memref<1x400x16xf32, #tpu.memory_space<vmem>> -> memref<400x16xf32, #tpu.memory_space<vmem>>
        %dma_wait3A_46 = arith.constant 0 : i32
        %dma_wait3A_47 = tpu.memref_slice %arg7[%add3A, %dma_wait3A_46] : memref<102400x16xf32, #tpu.memory_space<vmem_shared>> -> memref<400x16xf32, #tpu.memory_space<vmem_shared>>
        %dma_wait3A_48 = arith.constant 0 : i32
        %dma_wait3A_49 = tpu.memref_slice %arg7[%add3A, %dma_wait3A_48] : memref<102400x16xf32, #tpu.memory_space<vmem_shared>> -> memref<400x16xf32, #tpu.memory_space<vmem_shared>>
        %dma_wait3A_50 = arith.constant 0 : i32
        %dma_wait3A_51 = arith.constant 0 : i32
        %dma_wait3A_52 = tpu.memref_slice %arg10[%run_scoped3A, %dma_wait3A_50, %dma_wait3A_51] : memref<2x744x16xf32, #tpu.memory_space<vmem>> -> memref<1x400x16xf32, #tpu.memory_space<vmem>>
        %dma_wait3A_53 = tpu.memref_squeeze %dma_wait3A_52 : memref<1x400x16xf32, #tpu.memory_space<vmem>> -> memref<400x16xf32, #tpu.memory_space<vmem>>
        tpu.wait_dma2 semaphore(%run_scoped3A_31 : memref<!tpu.dma_semaphore, #tpu.memory_space<semaphore_mem>>) src(%dma_wait3A_53 : memref<400x16xf32, #tpu.memory_space<vmem>>) dst(%dma_wait3A_49 : memref<400x16xf32, #tpu.memory_space<vmem_shared>>)
        tpu.yield
      }) : () -> ()
    }
    %scan3A_11 = arith.constant 16 : i32
    %barrier3A = arith.constant 0 : index
    tpu.barrier barrier_id(%barrier3A)
    %mul3A_12 = arith.constant 100000 : i32
    %mul3A_13 = arith.muli %arg1, %mul3A_12 : i32
    %eq3A = arith.constant 0 : i32
    %eq3A_14 = arith.cmpi eq, %arg0, %eq3A : i32
    %convert_element_type3A = arith.extui %eq3A_14 : i1 to i32
    %cond3A = arith.constant 0 : i32
    %cond3A_15 = arith.cmpi ne, %convert_element_type3A, %cond3A : i32
    scf.if %cond3A_15 {
      %add3A = arith.constant 0 : i32
      %add3A_28 = arith.addi %mul3A_13, %add3A : i32
      %dma_start3A = arith.constant 0 : i32
      %dma_start3A_29 = arith.constant 0 : i32
      %dma_start3A_30 = tpu.memref_slice %arg8[%dma_start3A, %dma_start3A_29] : memref<3x744xi32, #tpu.memory_space<vmem>> -> memref<1x744xi32, #tpu.memory_space<vmem>>
      %dma_start3A_31 = tpu.memref_squeeze %dma_start3A_30 : memref<1x744xi32, #tpu.memory_space<vmem>> -> memref<744xi32, #tpu.memory_space<vmem>>
      %dma_start3A_32 = tpu.memref_slice %arg4[%add3A_28] : memref<1600000xi32, #tpu.memory_space<hbm>> -> memref<744xi32, #tpu.memory_space<hbm>>
      %dma_start3A_33 = arith.constant 0 : i32
      %dma_start3A_34 = tpu.memref_slice %arg8[%dma_start3A, %dma_start3A_33] : memref<3x744xi32, #tpu.memory_space<vmem>> -> memref<1x744xi32, #tpu.memory_space<vmem>>
      %dma_start3A_35 = tpu.memref_squeeze %dma_start3A_34 : memref<1x744xi32, #tpu.memory_space<vmem>> -> memref<744xi32, #tpu.memory_space<vmem>>
      %dma_start3A_36 = tpu.memref_slice %arg4[%add3A_28] : memref<1600000xi32, #tpu.memory_space<hbm>> -> memref<744xi32, #tpu.memory_space<hbm>>
      tpu.enqueue_dma source(%dma_start3A_36 : memref<744xi32, #tpu.memory_space<hbm>>) target(%dma_start3A_35 : memref<744xi32, #tpu.memory_space<vmem>>) target_semaphore(%arg11 : memref<!tpu.dma_semaphore, #tpu.memory_space<semaphore_mem>>)
      %dma_start3A_37 = arith.constant 0 : i32
      %dma_start3A_38 = arith.constant 0 : i32
      %dma_start3A_39 = tpu.memref_slice %arg9[%dma_start3A_37, %dma_start3A_38] : memref<3x744xi32, #tpu.memory_space<vmem>> -> memref<1x744xi32, #tpu.memory_space<vmem>>
      %dma_start3A_40 = tpu.memref_squeeze %dma_start3A_39 : memref<1x744xi32, #tpu.memory_space<vmem>> -> memref<744xi32, #tpu.memory_space<vmem>>
      %dma_start3A_41 = tpu.memref_slice %arg5[%add3A_28] : memref<1600000xi32, #tpu.memory_space<hbm>> -> memref<744xi32, #tpu.memory_space<hbm>>
      %dma_start3A_42 = arith.constant 0 : i32
      %dma_start3A_43 = tpu.memref_slice %arg9[%dma_start3A_37, %dma_start3A_42] : memref<3x744xi32, #tpu.memory_space<vmem>> -> memref<1x744xi32, #tpu.memory_space<vmem>>
      %dma_start3A_44 = tpu.memref_squeeze %dma_start3A_43 : memref<1x744xi32, #tpu.memory_space<vmem>> -> memref<744xi32, #tpu.memory_space<vmem>>
      %dma_start3A_45 = tpu.memref_slice %arg5[%add3A_28] : memref<1600000xi32, #tpu.memory_space<hbm>> -> memref<744xi32, #tpu.memory_space<hbm>>
      tpu.enqueue_dma source(%dma_start3A_45 : memref<744xi32, #tpu.memory_space<hbm>>) target(%dma_start3A_44 : memref<744xi32, #tpu.memory_space<vmem>>) target_semaphore(%arg11 : memref<!tpu.dma_semaphore, #tpu.memory_space<semaphore_mem>>)
      %scan3A_46 = arith.constant 0 : i32
      %scan3A_47 = arith.constant 0 : i32
      %scan3A_48 = arith.constant 23 : i32
      %scan3A_49 = arith.addi %scan3A_47, %scan3A_48 : i32
      %scan3A_50 = arith.constant 1 : i32
      scf.for %scan3A_104 = %scan3A_47 to %scan3A_49 step %scan3A_50  : i32 {
        %mul3A_105 = arith.constant 6 : i32
        %mul3A_106 = arith.muli %scan3A_104, %mul3A_105 : i32
        %add3A_107 = arith.constant 0 : i32
        %add3A_108 = arith.addi %mul3A_106, %add3A_107 : i32
        %lt3A = arith.constant 134 : i32
        %lt3A_109 = arith.cmpi slt, %add3A_108, %lt3A : i32
        %convert_element_type3A_110 = arith.extui %lt3A_109 : i1 to i32
        %cond3A_111 = arith.constant 0 : i32
        %cond3A_112 = arith.cmpi ne, %convert_element_type3A_110, %cond3A_111 : i32
        scf.if %cond3A_112 {
          %dma_wait3A_148 = arith.constant 0 : i32
          %dma_wait3A_149 = arith.constant 0 : i32
          %dma_wait3A_150 = tpu.memref_slice %arg8[%dma_wait3A_148, %dma_wait3A_149] : memref<3x744xi32, #tpu.memory_space<vmem>> -> memref<1x744xi32, #tpu.memory_space<vmem>>
          %dma_wait3A_151 = tpu.memref_squeeze %dma_wait3A_150 : memref<1x744xi32, #tpu.memory_space<vmem>> -> memref<744xi32, #tpu.memory_space<vmem>>
          %dma_wait3A_152 = arith.constant 0 : i32
          %dma_wait3A_153 = tpu.memref_slice %arg4[%dma_wait3A_152] : memref<1600000xi32, #tpu.memory_space<hbm>> -> memref<744xi32, #tpu.memory_space<hbm>>
          %dma_wait3A_154 = arith.constant 0 : i32
          %dma_wait3A_155 = tpu.memref_slice %arg8[%dma_wait3A_148, %dma_wait3A_154] : memref<3x744xi32, #tpu.memory_space<vmem>> -> memref<1x744xi32, #tpu.memory_space<vmem>>
          %dma_wait3A_156 = tpu.memref_squeeze %dma_wait3A_155 : memref<1x744xi32, #tpu.memory_space<vmem>> -> memref<744xi32, #tpu.memory_space<vmem>>
          %dma_wait3A_157 = arith.constant 0 : i32
          %dma_wait3A_158 = tpu.memref_slice %arg4[%dma_wait3A_157] : memref<1600000xi32, #tpu.memory_space<hbm>> -> memref<744xi32, #tpu.memory_space<hbm>>
          tpu.wait_dma2 semaphore(%arg11 : memref<!tpu.dma_semaphore, #tpu.memory_space<semaphore_mem>>) src(%dma_wait3A_158 : memref<744xi32, #tpu.memory_space<hbm>>) dst(%dma_wait3A_156 : memref<744xi32, #tpu.memory_space<vmem>>)
          %dma_wait3A_159 = arith.constant 0 : i32
          %dma_wait3A_160 = arith.constant 0 : i32
          %dma_wait3A_161 = tpu.memref_slice %arg9[%dma_wait3A_159, %dma_wait3A_160] : memref<3x744xi32, #tpu.memory_space<vmem>> -> memref<1x744xi32, #tpu.memory_space<vmem>>
          %dma_wait3A_162 = tpu.memref_squeeze %dma_wait3A_161 : memref<1x744xi32, #tpu.memory_space<vmem>> -> memref<744xi32, #tpu.memory_space<vmem>>
          %dma_wait3A_163 = arith.constant 0 : i32
          %dma_wait3A_164 = tpu.memref_slice %arg5[%dma_wait3A_163] : memref<1600000xi32, #tpu.memory_space<hbm>> -> memref<744xi32, #tpu.memory_space<hbm>>
          %dma_wait3A_165 = arith.constant 0 : i32
          %dma_wait3A_166 = tpu.memref_slice %arg9[%dma_wait3A_159, %dma_wait3A_165] : memref<3x744xi32, #tpu.memory_space<vmem>> -> memref<1x744xi32, #tpu.memory_space<vmem>>
          %dma_wait3A_167 = tpu.memref_squeeze %dma_wait3A_166 : memref<1x744xi32, #tpu.memory_space<vmem>> -> memref<744xi32, #tpu.memory_space<vmem>>
          %dma_wait3A_168 = arith.constant 0 : i32
          %dma_wait3A_169 = tpu.memref_slice %arg5[%dma_wait3A_168] : memref<1600000xi32, #tpu.memory_space<hbm>> -> memref<744xi32, #tpu.memory_space<hbm>>
          tpu.wait_dma2 semaphore(%arg11 : memref<!tpu.dma_semaphore, #tpu.memory_space<semaphore_mem>>) src(%dma_wait3A_169 : memref<744xi32, #tpu.memory_space<hbm>>) dst(%dma_wait3A_167 : memref<744xi32, #tpu.memory_space<vmem>>)
          %ge3A = arith.constant 2 : i32
          %ge3A_170 = arith.cmpi sge, %add3A_108, %ge3A : i32
          %convert_element_type3A_171 = arith.extui %ge3A_170 : i1 to i32
          %cond3A_172 = arith.constant 0 : i32
          %cond3A_173 = arith.cmpi ne, %convert_element_type3A_171, %cond3A_172 : i32
          scf.if %cond3A_173 {
            %dma_wait3A_217 = arith.constant 0 : i32
            %dma_wait3A_218 = arith.constant 1 : i32
            %dma_wait3A_219 = arith.constant 0 : i32
            %dma_wait3A_220 = arith.constant 0 : i32
            %dma_wait3A_221 = tpu.memref_slice %arg10[%dma_wait3A_217, %dma_wait3A_219, %dma_wait3A_220] : memref<2x744x16xf32, #tpu.memory_space<vmem>> -> memref<1x744x16xf32, #tpu.memory_space<vmem>>
            %dma_wait3A_222 = tpu.memref_squeeze %dma_wait3A_221 : memref<1x744x16xf32, #tpu.memory_space<vmem>> -> memref<744x16xf32, #tpu.memory_space<vmem>>
            %dma_wait3A_223 = arith.constant 0 : i32
            %dma_wait3A_224 = tpu.memref_slice %arg9[%dma_wait3A_218, %dma_wait3A_223] : memref<3x744xi32, #tpu.memory_space<vmem>> -> memref<1x744xi32, #tpu.memory_space<vmem>>
            %dma_wait3A_225 = tpu.memref_squeeze %dma_wait3A_224 : memref<1x744xi32, #tpu.memory_space<vmem>> -> memref<744xi32, #tpu.memory_space<vmem>>
            %dma_wait3A_226 = arith.constant 0 : i32
            %dma_wait3A_227 = arith.constant 0 : i32
            %dma_wait3A_228 = tpu.memref_slice %arg7[%dma_wait3A_226, %dma_wait3A_227] : memref<102400x16xf32, #tpu.memory_space<vmem_shared>> -> memref<102400x16xf32, #tpu.memory_space<vmem_shared>>
            tpu.wait_indirect_dma semaphore(%arg13 : memref<!tpu.dma_semaphore, #tpu.memory_space<semaphore_mem>>) src(%dma_wait3A_222 : memref<744x16xf32, #tpu.memory_space<vmem>>) dst(%dma_wait3A_228 : memref<102400x16xf32, #tpu.memory_space<vmem_shared>>)
          } else {
          }
          %add3A_174 = arith.constant 1 : i32
          %add3A_175 = arith.addi %add3A_108, %add3A_174 : i32
          %lt3A_176 = arith.constant 134 : i32
          %lt3A_177 = arith.cmpi slt, %add3A_175, %lt3A_176 : i32
          %convert_element_type3A_178 = arith.extui %lt3A_177 : i1 to i32
          %cond3A_179 = arith.constant 0 : i32
          %cond3A_180 = arith.cmpi ne, %convert_element_type3A_178, %cond3A_179 : i32
          scf.if %cond3A_180 {
            %add3A_217 = arith.constant 1 : i32
            %add3A_218 = arith.addi %add3A_108, %add3A_217 : i32
            %mul3A_219 = arith.constant 744 : i32
            %mul3A_220 = arith.muli %add3A_218, %mul3A_219 : i32
            %add3A_221 = arith.addi %mul3A_13, %mul3A_220 : i32
            %dma_start3A_222 = arith.constant 1 : i32
            %dma_start3A_223 = arith.constant 0 : i32
            %dma_start3A_224 = tpu.memref_slice %arg8[%dma_start3A_222, %dma_start3A_223] : memref<3x744xi32, #tpu.memory_space<vmem>> -> memref<1x744xi32, #tpu.memory_space<vmem>>
            %dma_start3A_225 = tpu.memref_squeeze %dma_start3A_224 : memref<1x744xi32, #tpu.memory_space<vmem>> -> memref<744xi32, #tpu.memory_space<vmem>>
            %dma_start3A_226 = tpu.memref_slice %arg4[%add3A_221] : memref<1600000xi32, #tpu.memory_space<hbm>> -> memref<744xi32, #tpu.memory_space<hbm>>
            %dma_start3A_227 = arith.constant 0 : i32
            %dma_start3A_228 = tpu.memref_slice %arg8[%dma_start3A_222, %dma_start3A_227] : memref<3x744xi32, #tpu.memory_space<vmem>> -> memref<1x744xi32, #tpu.memory_space<vmem>>
            %dma_start3A_229 = tpu.memref_squeeze %dma_start3A_228 : memref<1x744xi32, #tpu.memory_space<vmem>> -> memref<744xi32, #tpu.memory_space<vmem>>
            %dma_start3A_230 = tpu.memref_slice %arg4[%add3A_221] : memref<1600000xi32, #tpu.memory_space<hbm>> -> memref<744xi32, #tpu.memory_space<hbm>>
            tpu.enqueue_dma source(%dma_start3A_230 : memref<744xi32, #tpu.memory_space<hbm>>) target(%dma_start3A_229 : memref<744xi32, #tpu.memory_space<vmem>>) target_semaphore(%arg11 : memref<!tpu.dma_semaphore, #tpu.memory_space<semaphore_mem>>)
            %dma_start3A_231 = arith.constant 1 : i32
            %dma_start3A_232 = arith.constant 0 : i32
            %dma_start3A_233 = tpu.memref_slice %arg9[%dma_start3A_231, %dma_start3A_232] : memref<3x744xi32, #tpu.memory_space<vmem>> -> memref<1x744xi32, #tpu.memory_space<vmem>>
            %dma_start3A_234 = tpu.memref_squeeze %dma_start3A_233 : memref<1x744xi32, #tpu.memory_space<vmem>> -> memref<744xi32, #tpu.memory_space<vmem>>
            %dma_start3A_235 = tpu.memref_slice %arg5[%add3A_221] : memref<1600000xi32, #tpu.memory_space<hbm>> -> memref<744xi32, #tpu.memory_space<hbm>>
            %dma_start3A_236 = arith.constant 0 : i32
            %dma_start3A_237 = tpu.memref_slice %arg9[%dma_start3A_231, %dma_start3A_236] : memref<3x744xi32, #tpu.memory_space<vmem>> -> memref<1x744xi32, #tpu.memory_space<vmem>>
            %dma_start3A_238 = tpu.memref_squeeze %dma_start3A_237 : memref<1x744xi32, #tpu.memory_space<vmem>> -> memref<744xi32, #tpu.memory_space<vmem>>
            %dma_start3A_239 = tpu.memref_slice %arg5[%add3A_221] : memref<1600000xi32, #tpu.memory_space<hbm>> -> memref<744xi32, #tpu.memory_space<hbm>>
            tpu.enqueue_dma source(%dma_start3A_239 : memref<744xi32, #tpu.memory_space<hbm>>) target(%dma_start3A_238 : memref<744xi32, #tpu.memory_space<vmem>>) target_semaphore(%arg11 : memref<!tpu.dma_semaphore, #tpu.memory_space<semaphore_mem>>)
          } else {
          }
          %dma_start3A_181 = arith.constant 0 : i32
          %dma_start3A_182 = arith.constant 0 : i32
          %dma_start3A_183 = arith.constant 0 : i32
          %dma_start3A_184 = arith.constant 0 : i32
          %dma_start3A_185 = tpu.memref_slice %arg10[%dma_start3A_182, %dma_start3A_183, %dma_start3A_184] : memref<2x744x16xf32, #tpu.memory_space<vmem>> -> memref<1x744x16xf32, #tpu.memory_space<vmem>>
          %dma_start3A_186 = tpu.memref_squeeze %dma_start3A_185 : memref<1x744x16xf32, #tpu.memory_space<vmem>> -> memref<744x16xf32, #tpu.memory_space<vmem>>
          %dma_start3A_187 = arith.constant 0 : i32
          %dma_start3A_188 = tpu.memref_slice %arg8[%dma_start3A_181, %dma_start3A_187] : memref<3x744xi32, #tpu.memory_space<vmem>> -> memref<1x744xi32, #tpu.memory_space<vmem>>
          %dma_start3A_189 = tpu.memref_squeeze %dma_start3A_188 : memref<1x744xi32, #tpu.memory_space<vmem>> -> memref<744xi32, #tpu.memory_space<vmem>>
          %dma_start3A_190 = arith.constant 0 : i32
          %dma_start3A_191 = arith.constant 0 : i32
          %dma_start3A_192 = tpu.memref_slice %arg2[%dma_start3A_190, %dma_start3A_191] : memref<102400x16xf32, #tpu.memory_space<hbm>> -> memref<102400x16xf32, #tpu.memory_space<hbm>>
          tpu.enqueue_indirect_dma source(%dma_start3A_192 : memref<102400x16xf32, #tpu.memory_space<hbm>>) target(%dma_start3A_186 : memref<744x16xf32, #tpu.memory_space<vmem>>) offsets(%dma_start3A_189 : memref<744xi32, #tpu.memory_space<vmem>>) semaphore(%arg12 : memref<!tpu.dma_semaphore, #tpu.memory_space<semaphore_mem>>)
          %dma_wait3A_193 = arith.constant 0 : i32
          %dma_wait3A_194 = arith.constant 0 : i32
          %dma_wait3A_195 = arith.constant 0 : i32
          %dma_wait3A_196 = arith.constant 0 : i32
          %dma_wait3A_197 = tpu.memref_slice %arg10[%dma_wait3A_194, %dma_wait3A_195, %dma_wait3A_196] : memref<2x744x16xf32, #tpu.memory_space<vmem>> -> memref<1x744x16xf32, #tpu.memory_space<vmem>>
          %dma_wait3A_198 = tpu.memref_squeeze %dma_wait3A_197 : memref<1x744x16xf32, #tpu.memory_space<vmem>> -> memref<744x16xf32, #tpu.memory_space<vmem>>
          %dma_wait3A_199 = arith.constant 0 : i32
          %dma_wait3A_200 = tpu.memref_slice %arg8[%dma_wait3A_193, %dma_wait3A_199] : memref<3x744xi32, #tpu.memory_space<vmem>> -> memref<1x744xi32, #tpu.memory_space<vmem>>
          %dma_wait3A_201 = tpu.memref_squeeze %dma_wait3A_200 : memref<1x744xi32, #tpu.memory_space<vmem>> -> memref<744xi32, #tpu.memory_space<vmem>>
          %dma_wait3A_202 = arith.constant 0 : i32
          %dma_wait3A_203 = arith.constant 0 : i32
          %dma_wait3A_204 = tpu.memref_slice %arg2[%dma_wait3A_202, %dma_wait3A_203] : memref<102400x16xf32, #tpu.memory_space<hbm>> -> memref<102400x16xf32, #tpu.memory_space<hbm>>
          tpu.wait_indirect_dma semaphore(%arg12 : memref<!tpu.dma_semaphore, #tpu.memory_space<semaphore_mem>>) src(%dma_wait3A_204 : memref<102400x16xf32, #tpu.memory_space<hbm>>) dst(%dma_wait3A_198 : memref<744x16xf32, #tpu.memory_space<vmem>>)
          %dma_start3A_205 = arith.constant 0 : i32
          %dma_start3A_206 = arith.constant 0 : i32
          %dma_start3A_207 = arith.constant 0 : i32
          %dma_start3A_208 = arith.constant 0 : i32
          %dma_start3A_209 = tpu.memref_slice %arg10[%dma_start3A_205, %dma_start3A_207, %dma_start3A_208] : memref<2x744x16xf32, #tpu.memory_space<vmem>> -> memref<1x744x16xf32, #tpu.memory_space<vmem>>
          %dma_start3A_210 = tpu.memref_squeeze %dma_start3A_209 : memref<1x744x16xf32, #tpu.memory_space<vmem>> -> memref<744x16xf32, #tpu.memory_space<vmem>>
          %dma_start3A_211 = arith.constant 0 : i32
          %dma_start3A_212 = tpu.memref_slice %arg9[%dma_start3A_206, %dma_start3A_211] : memref<3x744xi32, #tpu.memory_space<vmem>> -> memref<1x744xi32, #tpu.memory_space<vmem>>
          %dma_start3A_213 = tpu.memref_squeeze %dma_start3A_212 : memref<1x744xi32, #tpu.memory_space<vmem>> -> memref<744xi32, #tpu.memory_space<vmem>>
          %dma_start3A_214 = arith.constant 0 : i32
          %dma_start3A_215 = arith.constant 0 : i32
          %dma_start3A_216 = tpu.memref_slice %arg7[%dma_start3A_214, %dma_start3A_215] : memref<102400x16xf32, #tpu.memory_space<vmem_shared>> -> memref<102400x16xf32, #tpu.memory_space<vmem_shared>>
          tpu.enqueue_indirect_dma source(%dma_start3A_210 : memref<744x16xf32, #tpu.memory_space<vmem>>) target(%dma_start3A_216 : memref<102400x16xf32, #tpu.memory_space<vmem_shared>>) offsets(%dma_start3A_213 : memref<744xi32, #tpu.memory_space<vmem>>) semaphore(%arg13 : memref<!tpu.dma_semaphore, #tpu.memory_space<semaphore_mem>>) {add = true}
        } else {
        }
        %add3A_113 = arith.constant 1 : i32
        %add3A_114 = arith.addi %mul3A_106, %add3A_113 : i32
        %lt3A_115 = arith.constant 134 : i32
        %lt3A_116 = arith.cmpi slt, %add3A_114, %lt3A_115 : i32
        %convert_element_type3A_117 = arith.extui %lt3A_116 : i1 to i32
        %cond3A_118 = arith.constant 0 : i32
        %cond3A_119 = arith.cmpi ne, %convert_element_type3A_117, %cond3A_118 : i32
        scf.if %cond3A_119 {
          %dma_wait3A_148 = arith.constant 1 : i32
          %dma_wait3A_149 = arith.constant 0 : i32
          %dma_wait3A_150 = tpu.memref_slice %arg8[%dma_wait3A_148, %dma_wait3A_149] : memref<3x744xi32, #tpu.memory_space<vmem>> -> memref<1x744xi32, #tpu.memory_space<vmem>>
          %dma_wait3A_151 = tpu.memref_squeeze %dma_wait3A_150 : memref<1x744xi32, #tpu.memory_space<vmem>> -> memref<744xi32, #tpu.memory_space<vmem>>
          %dma_wait3A_152 = arith.constant 0 : i32
          %dma_wait3A_153 = tpu.memref_slice %arg4[%dma_wait3A_152] : memref<1600000xi32, #tpu.memory_space<hbm>> -> memref<744xi32, #tpu.memory_space<hbm>>
          %dma_wait3A_154 = arith.constant 0 : i32
          %dma_wait3A_155 = tpu.memref_slice %arg8[%dma_wait3A_148, %dma_wait3A_154] : memref<3x744xi32, #tpu.memory_space<vmem>> -> memref<1x744xi32, #tpu.memory_space<vmem>>
          %dma_wait3A_156 = tpu.memref_squeeze %dma_wait3A_155 : memref<1x744xi32, #tpu.memory_space<vmem>> -> memref<744xi32, #tpu.memory_space<vmem>>
          %dma_wait3A_157 = arith.constant 0 : i32
          %dma_wait3A_158 = tpu.memref_slice %arg4[%dma_wait3A_157] : memref<1600000xi32, #tpu.memory_space<hbm>> -> memref<744xi32, #tpu.memory_space<hbm>>
          tpu.wait_dma2 semaphore(%arg11 : memref<!tpu.dma_semaphore, #tpu.memory_space<semaphore_mem>>) src(%dma_wait3A_158 : memref<744xi32, #tpu.memory_space<hbm>>) dst(%dma_wait3A_156 : memref<744xi32, #tpu.memory_space<vmem>>)
          %dma_wait3A_159 = arith.constant 1 : i32
          %dma_wait3A_160 = arith.constant 0 : i32
          %dma_wait3A_161 = tpu.memref_slice %arg9[%dma_wait3A_159, %dma_wait3A_160] : memref<3x744xi32, #tpu.memory_space<vmem>> -> memref<1x744xi32, #tpu.memory_space<vmem>>
          %dma_wait3A_162 = tpu.memref_squeeze %dma_wait3A_161 : memref<1x744xi32, #tpu.memory_space<vmem>> -> memref<744xi32, #tpu.memory_space<vmem>>
          %dma_wait3A_163 = arith.constant 0 : i32
          %dma_wait3A_164 = tpu.memref_slice %arg5[%dma_wait3A_163] : memref<1600000xi32, #tpu.memory_space<hbm>> -> memref<744xi32, #tpu.memory_space<hbm>>
          %dma_wait3A_165 = arith.constant 0 : i32
          %dma_wait3A_166 = tpu.memref_slice %arg9[%dma_wait3A_159, %dma_wait3A_165] : memref<3x744xi32, #tpu.memory_space<vmem>> -> memref<1x744xi32, #tpu.memory_space<vmem>>
          %dma_wait3A_167 = tpu.memref_squeeze %dma_wait3A_166 : memref<1x744xi32, #tpu.memory_space<vmem>> -> memref<744xi32, #tpu.memory_space<vmem>>
          %dma_wait3A_168 = arith.constant 0 : i32
          %dma_wait3A_169 = tpu.memref_slice %arg5[%dma_wait3A_168] : memref<1600000xi32, #tpu.memory_space<hbm>> -> memref<744xi32, #tpu.memory_space<hbm>>
          tpu.wait_dma2 semaphore(%arg11 : memref<!tpu.dma_semaphore, #tpu.memory_space<semaphore_mem>>) src(%dma_wait3A_169 : memref<744xi32, #tpu.memory_space<hbm>>) dst(%dma_wait3A_167 : memref<744xi32, #tpu.memory_space<vmem>>)
          %ge3A = arith.constant 2 : i32
          %ge3A_170 = arith.cmpi sge, %add3A_114, %ge3A : i32
          %convert_element_type3A_171 = arith.extui %ge3A_170 : i1 to i32
          %cond3A_172 = arith.constant 0 : i32
          %cond3A_173 = arith.cmpi ne, %convert_element_type3A_171, %cond3A_172 : i32
          scf.if %cond3A_173 {
            %dma_wait3A_217 = arith.constant 1 : i32
            %dma_wait3A_218 = arith.constant 2 : i32
            %dma_wait3A_219 = arith.constant 0 : i32
            %dma_wait3A_220 = arith.constant 0 : i32
            %dma_wait3A_221 = tpu.memref_slice %arg10[%dma_wait3A_217, %dma_wait3A_219, %dma_wait3A_220] : memref<2x744x16xf32, #tpu.memory_space<vmem>> -> memref<1x744x16xf32, #tpu.memory_space<vmem>>
            %dma_wait3A_222 = tpu.memref_squeeze %dma_wait3A_221 : memref<1x744x16xf32, #tpu.memory_space<vmem>> -> memref<744x16xf32, #tpu.memory_space<vmem>>
            %dma_wait3A_223 = arith.constant 0 : i32
            %dma_wait3A_224 = tpu.memref_slice %arg9[%dma_wait3A_218, %dma_wait3A_223] : memref<3x744xi32, #tpu.memory_space<vmem>> -> memref<1x744xi32, #tpu.memory_space<vmem>>
            %dma_wait3A_225 = tpu.memref_squeeze %dma_wait3A_224 : memref<1x744xi32, #tpu.memory_space<vmem>> -> memref<744xi32, #tpu.memory_space<vmem>>
            %dma_wait3A_226 = arith.constant 0 : i32
            %dma_wait3A_227 = arith.constant 0 : i32
            %dma_wait3A_228 = tpu.memref_slice %arg7[%dma_wait3A_226, %dma_wait3A_227] : memref<102400x16xf32, #tpu.memory_space<vmem_shared>> -> memref<102400x16xf32, #tpu.memory_space<vmem_shared>>
            tpu.wait_indirect_dma semaphore(%arg14 : memref<!tpu.dma_semaphore, #tpu.memory_space<semaphore_mem>>) src(%dma_wait3A_222 : memref<744x16xf32, #tpu.memory_space<vmem>>) dst(%dma_wait3A_228 : memref<102400x16xf32, #tpu.memory_space<vmem_shared>>)
          } else {
          }
          %add3A_174 = arith.constant 1 : i32
          %add3A_175 = arith.addi %add3A_114, %add3A_174 : i32
          %lt3A_176 = arith.constant 134 : i32
          %lt3A_177 = arith.cmpi slt, %add3A_175, %lt3A_176 : i32
          %convert_element_type3A_178 = arith.extui %lt3A_177 : i1 to i32
          %cond3A_179 = arith.constant 0 : i32
          %cond3A_180 = arith.cmpi ne, %convert_element_type3A_178, %cond3A_179 : i32
          scf.if %cond3A_180 {
            %add3A_217 = arith.constant 1 : i32
            %add3A_218 = arith.addi %add3A_114, %add3A_217 : i32
            %mul3A_219 = arith.constant 744 : i32
            %mul3A_220 = arith.muli %add3A_218, %mul3A_219 : i32
            %add3A_221 = arith.addi %mul3A_13, %mul3A_220 : i32
            %dma_start3A_222 = arith.constant 2 : i32
            %dma_start3A_223 = arith.constant 0 : i32
            %dma_start3A_224 = tpu.memref_slice %arg8[%dma_start3A_222, %dma_start3A_223] : memref<3x744xi32, #tpu.memory_space<vmem>> -> memref<1x744xi32, #tpu.memory_space<vmem>>
            %dma_start3A_225 = tpu.memref_squeeze %dma_start3A_224 : memref<1x744xi32, #tpu.memory_space<vmem>> -> memref<744xi32, #tpu.memory_space<vmem>>
            %dma_start3A_226 = tpu.memref_slice %arg4[%add3A_221] : memref<1600000xi32, #tpu.memory_space<hbm>> -> memref<744xi32, #tpu.memory_space<hbm>>
            %dma_start3A_227 = arith.constant 0 : i32
            %dma_start3A_228 = tpu.memref_slice %arg8[%dma_start3A_222, %dma_start3A_227] : memref<3x744xi32, #tpu.memory_space<vmem>> -> memref<1x744xi32, #tpu.memory_space<vmem>>
            %dma_start3A_229 = tpu.memref_squeeze %dma_start3A_228 : memref<1x744xi32, #tpu.memory_space<vmem>> -> memref<744xi32, #tpu.memory_space<vmem>>
            %dma_start3A_230 = tpu.memref_slice %arg4[%add3A_221] : memref<1600000xi32, #tpu.memory_space<hbm>> -> memref<744xi32, #tpu.memory_space<hbm>>
            tpu.enqueue_dma source(%dma_start3A_230 : memref<744xi32, #tpu.memory_space<hbm>>) target(%dma_start3A_229 : memref<744xi32, #tpu.memory_space<vmem>>) target_semaphore(%arg11 : memref<!tpu.dma_semaphore, #tpu.memory_space<semaphore_mem>>)
            %dma_start3A_231 = arith.constant 2 : i32
            %dma_start3A_232 = arith.constant 0 : i32
            %dma_start3A_233 = tpu.memref_slice %arg9[%dma_start3A_231, %dma_start3A_232] : memref<3x744xi32, #tpu.memory_space<vmem>> -> memref<1x744xi32, #tpu.memory_space<vmem>>
            %dma_start3A_234 = tpu.memref_squeeze %dma_start3A_233 : memref<1x744xi32, #tpu.memory_space<vmem>> -> memref<744xi32, #tpu.memory_space<vmem>>
            %dma_start3A_235 = tpu.memref_slice %arg5[%add3A_221] : memref<1600000xi32, #tpu.memory_space<hbm>> -> memref<744xi32, #tpu.memory_space<hbm>>
            %dma_start3A_236 = arith.constant 0 : i32
            %dma_start3A_237 = tpu.memref_slice %arg9[%dma_start3A_231, %dma_start3A_236] : memref<3x744xi32, #tpu.memory_space<vmem>> -> memref<1x744xi32, #tpu.memory_space<vmem>>
            %dma_start3A_238 = tpu.memref_squeeze %dma_start3A_237 : memref<1x744xi32, #tpu.memory_space<vmem>> -> memref<744xi32, #tpu.memory_space<vmem>>
            %dma_start3A_239 = tpu.memref_slice %arg5[%add3A_221] : memref<1600000xi32, #tpu.memory_space<hbm>> -> memref<744xi32, #tpu.memory_space<hbm>>
            tpu.enqueue_dma source(%dma_start3A_239 : memref<744xi32, #tpu.memory_space<hbm>>) target(%dma_start3A_238 : memref<744xi32, #tpu.memory_space<vmem>>) target_semaphore(%arg11 : memref<!tpu.dma_semaphore, #tpu.memory_space<semaphore_mem>>)
          } else {
          }
          %dma_start3A_181 = arith.constant 1 : i32
          %dma_start3A_182 = arith.constant 1 : i32
          %dma_start3A_183 = arith.constant 0 : i32
          %dma_start3A_184 = arith.constant 0 : i32
          %dma_start3A_185 = tpu.memref_slice %arg10[%dma_start3A_182, %dma_start3A_183, %dma_start3A_184] : memref<2x744x16xf32, #tpu.memory_space<vmem>> -> memref<1x744x16xf32, #tpu.memory_space<vmem>>
          %dma_start3A_186 = tpu.memref_squeeze %dma_start3A_185 : memref<1x744x16xf32, #tpu.memory_space<vmem>> -> memref<744x16xf32, #tpu.memory_space<vmem>>
          %dma_start3A_187 = arith.constant 0 : i32
          %dma_start3A_188 = tpu.memref_slice %arg8[%dma_start3A_181, %dma_start3A_187] : memref<3x744xi32, #tpu.memory_space<vmem>> -> memref<1x744xi32, #tpu.memory_space<vmem>>
          %dma_start3A_189 = tpu.memref_squeeze %dma_start3A_188 : memref<1x744xi32, #tpu.memory_space<vmem>> -> memref<744xi32, #tpu.memory_space<vmem>>
          %dma_start3A_190 = arith.constant 0 : i32
          %dma_start3A_191 = arith.constant 0 : i32
          %dma_start3A_192 = tpu.memref_slice %arg2[%dma_start3A_190, %dma_start3A_191] : memref<102400x16xf32, #tpu.memory_space<hbm>> -> memref<102400x16xf32, #tpu.memory_space<hbm>>
          tpu.enqueue_indirect_dma source(%dma_start3A_192 : memref<102400x16xf32, #tpu.memory_space<hbm>>) target(%dma_start3A_186 : memref<744x16xf32, #tpu.memory_space<vmem>>) offsets(%dma_start3A_189 : memref<744xi32, #tpu.memory_space<vmem>>) semaphore(%arg12 : memref<!tpu.dma_semaphore, #tpu.memory_space<semaphore_mem>>)
          %dma_wait3A_193 = arith.constant 1 : i32
          %dma_wait3A_194 = arith.constant 1 : i32
          %dma_wait3A_195 = arith.constant 0 : i32
          %dma_wait3A_196 = arith.constant 0 : i32
          %dma_wait3A_197 = tpu.memref_slice %arg10[%dma_wait3A_194, %dma_wait3A_195, %dma_wait3A_196] : memref<2x744x16xf32, #tpu.memory_space<vmem>> -> memref<1x744x16xf32, #tpu.memory_space<vmem>>
          %dma_wait3A_198 = tpu.memref_squeeze %dma_wait3A_197 : memref<1x744x16xf32, #tpu.memory_space<vmem>> -> memref<744x16xf32, #tpu.memory_space<vmem>>
          %dma_wait3A_199 = arith.constant 0 : i32
          %dma_wait3A_200 = tpu.memref_slice %arg8[%dma_wait3A_193, %dma_wait3A_199] : memref<3x744xi32, #tpu.memory_space<vmem>> -> memref<1x744xi32, #tpu.memory_space<vmem>>
          %dma_wait3A_201 = tpu.memref_squeeze %dma_wait3A_200 : memref<1x744xi32, #tpu.memory_space<vmem>> -> memref<744xi32, #tpu.memory_space<vmem>>
          %dma_wait3A_202 = arith.constant 0 : i32
          %dma_wait3A_203 = arith.constant 0 : i32
          %dma_wait3A_204 = tpu.memref_slice %arg2[%dma_wait3A_202, %dma_wait3A_203] : memref<102400x16xf32, #tpu.memory_space<hbm>> -> memref<102400x16xf32, #tpu.memory_space<hbm>>
          tpu.wait_indirect_dma semaphore(%arg12 : memref<!tpu.dma_semaphore, #tpu.memory_space<semaphore_mem>>) src(%dma_wait3A_204 : memref<102400x16xf32, #tpu.memory_space<hbm>>) dst(%dma_wait3A_198 : memref<744x16xf32, #tpu.memory_space<vmem>>)
          %dma_start3A_205 = arith.constant 1 : i32
          %dma_start3A_206 = arith.constant 1 : i32
          %dma_start3A_207 = arith.constant 0 : i32
          %dma_start3A_208 = arith.constant 0 : i32
          %dma_start3A_209 = tpu.memref_slice %arg10[%dma_start3A_205, %dma_start3A_207, %dma_start3A_208] : memref<2x744x16xf32, #tpu.memory_space<vmem>> -> memref<1x744x16xf32, #tpu.memory_space<vmem>>
          %dma_start3A_210 = tpu.memref_squeeze %dma_start3A_209 : memref<1x744x16xf32, #tpu.memory_space<vmem>> -> memref<744x16xf32, #tpu.memory_space<vmem>>
          %dma_start3A_211 = arith.constant 0 : i32
          %dma_start3A_212 = tpu.memref_slice %arg9[%dma_start3A_206, %dma_start3A_211] : memref<3x744xi32, #tpu.memory_space<vmem>> -> memref<1x744xi32, #tpu.memory_space<vmem>>
          %dma_start3A_213 = tpu.memref_squeeze %dma_start3A_212 : memref<1x744xi32, #tpu.memory_space<vmem>> -> memref<744xi32, #tpu.memory_space<vmem>>
          %dma_start3A_214 = arith.constant 0 : i32
          %dma_start3A_215 = arith.constant 0 : i32
          %dma_start3A_216 = tpu.memref_slice %arg7[%dma_start3A_214, %dma_start3A_215] : memref<102400x16xf32, #tpu.memory_space<vmem_shared>> -> memref<102400x16xf32, #tpu.memory_space<vmem_shared>>
          tpu.enqueue_indirect_dma source(%dma_start3A_210 : memref<744x16xf32, #tpu.memory_space<vmem>>) target(%dma_start3A_216 : memref<102400x16xf32, #tpu.memory_space<vmem_shared>>) offsets(%dma_start3A_213 : memref<744xi32, #tpu.memory_space<vmem>>) semaphore(%arg14 : memref<!tpu.dma_semaphore, #tpu.memory_space<semaphore_mem>>) {add = true}
        } else {
        }
        %add3A_120 = arith.constant 2 : i32
        %add3A_121 = arith.addi %mul3A_106, %add3A_120 : i32
        %lt3A_122 = arith.constant 134 : i32
        %lt3A_123 = arith.cmpi slt, %add3A_121, %lt3A_122 : i32
        %convert_element_type3A_124 = arith.extui %lt3A_123 : i1 to i32
        %cond3A_125 = arith.constant 0 : i32
        %cond3A_126 = arith.cmpi ne, %convert_element_type3A_124, %cond3A_125 : i32
        scf.if %cond3A_126 {
          %dma_wait3A_148 = arith.constant 2 : i32
          %dma_wait3A_149 = arith.constant 0 : i32
          %dma_wait3A_150 = tpu.memref_slice %arg8[%dma_wait3A_148, %dma_wait3A_149] : memref<3x744xi32, #tpu.memory_space<vmem>> -> memref<1x744xi32, #tpu.memory_space<vmem>>
          %dma_wait3A_151 = tpu.memref_squeeze %dma_wait3A_150 : memref<1x744xi32, #tpu.memory_space<vmem>> -> memref<744xi32, #tpu.memory_space<vmem>>
          %dma_wait3A_152 = arith.constant 0 : i32
          %dma_wait3A_153 = tpu.memref_slice %arg4[%dma_wait3A_152] : memref<1600000xi32, #tpu.memory_space<hbm>> -> memref<744xi32, #tpu.memory_space<hbm>>
          %dma_wait3A_154 = arith.constant 0 : i32
          %dma_wait3A_155 = tpu.memref_slice %arg8[%dma_wait3A_148, %dma_wait3A_154] : memref<3x744xi32, #tpu.memory_space<vmem>> -> memref<1x744xi32, #tpu.memory_space<vmem>>
          %dma_wait3A_156 = tpu.memref_squeeze %dma_wait3A_155 : memref<1x744xi32, #tpu.memory_space<vmem>> -> memref<744xi32, #tpu.memory_space<vmem>>
          %dma_wait3A_157 = arith.constant 0 : i32
          %dma_wait3A_158 = tpu.memref_slice %arg4[%dma_wait3A_157] : memref<1600000xi32, #tpu.memory_space<hbm>> -> memref<744xi32, #tpu.memory_space<hbm>>
          tpu.wait_dma2 semaphore(%arg11 : memref<!tpu.dma_semaphore, #tpu.memory_space<semaphore_mem>>) src(%dma_wait3A_158 : memref<744xi32, #tpu.memory_space<hbm>>) dst(%dma_wait3A_156 : memref<744xi32, #tpu.memory_space<vmem>>)
          %dma_wait3A_159 = arith.constant 2 : i32
          %dma_wait3A_160 = arith.constant 0 : i32
          %dma_wait3A_161 = tpu.memref_slice %arg9[%dma_wait3A_159, %dma_wait3A_160] : memref<3x744xi32, #tpu.memory_space<vmem>> -> memref<1x744xi32, #tpu.memory_space<vmem>>
          %dma_wait3A_162 = tpu.memref_squeeze %dma_wait3A_161 : memref<1x744xi32, #tpu.memory_space<vmem>> -> memref<744xi32, #tpu.memory_space<vmem>>
          %dma_wait3A_163 = arith.constant 0 : i32
          %dma_wait3A_164 = tpu.memref_slice %arg5[%dma_wait3A_163] : memref<1600000xi32, #tpu.memory_space<hbm>> -> memref<744xi32, #tpu.memory_space<hbm>>
          %dma_wait3A_165 = arith.constant 0 : i32
          %dma_wait3A_166 = tpu.memref_slice %arg9[%dma_wait3A_159, %dma_wait3A_165] : memref<3x744xi32, #tpu.memory_space<vmem>> -> memref<1x744xi32, #tpu.memory_space<vmem>>
          %dma_wait3A_167 = tpu.memref_squeeze %dma_wait3A_166 : memref<1x744xi32, #tpu.memory_space<vmem>> -> memref<744xi32, #tpu.memory_space<vmem>>
          %dma_wait3A_168 = arith.constant 0 : i32
          %dma_wait3A_169 = tpu.memref_slice %arg5[%dma_wait3A_168] : memref<1600000xi32, #tpu.memory_space<hbm>> -> memref<744xi32, #tpu.memory_space<hbm>>
          tpu.wait_dma2 semaphore(%arg11 : memref<!tpu.dma_semaphore, #tpu.memory_space<semaphore_mem>>) src(%dma_wait3A_169 : memref<744xi32, #tpu.memory_space<hbm>>) dst(%dma_wait3A_167 : memref<744xi32, #tpu.memory_space<vmem>>)
          %ge3A = arith.constant 2 : i32
          %ge3A_170 = arith.cmpi sge, %add3A_121, %ge3A : i32
          %convert_element_type3A_171 = arith.extui %ge3A_170 : i1 to i32
          %cond3A_172 = arith.constant 0 : i32
          %cond3A_173 = arith.cmpi ne, %convert_element_type3A_171, %cond3A_172 : i32
          scf.if %cond3A_173 {
            %dma_wait3A_217 = arith.constant 0 : i32
            %dma_wait3A_218 = arith.constant 0 : i32
            %dma_wait3A_219 = arith.constant 0 : i32
            %dma_wait3A_220 = arith.constant 0 : i32
            %dma_wait3A_221 = tpu.memref_slice %arg10[%dma_wait3A_217, %dma_wait3A_219, %dma_wait3A_220] : memref<2x744x16xf32, #tpu.memory_space<vmem>> -> memref<1x744x16xf32, #tpu.memory_space<vmem>>
            %dma_wait3A_222 = tpu.memref_squeeze %dma_wait3A_221 : memref<1x744x16xf32, #tpu.memory_space<vmem>> -> memref<744x16xf32, #tpu.memory_space<vmem>>
            %dma_wait3A_223 = arith.constant 0 : i32
            %dma_wait3A_224 = tpu.memref_slice %arg9[%dma_wait3A_218, %dma_wait3A_223] : memref<3x744xi32, #tpu.memory_space<vmem>> -> memref<1x744xi32, #tpu.memory_space<vmem>>
            %dma_wait3A_225 = tpu.memref_squeeze %dma_wait3A_224 : memref<1x744xi32, #tpu.memory_space<vmem>> -> memref<744xi32, #tpu.memory_space<vmem>>
            %dma_wait3A_226 = arith.constant 0 : i32
            %dma_wait3A_227 = arith.constant 0 : i32
            %dma_wait3A_228 = tpu.memref_slice %arg7[%dma_wait3A_226, %dma_wait3A_227] : memref<102400x16xf32, #tpu.memory_space<vmem_shared>> -> memref<102400x16xf32, #tpu.memory_space<vmem_shared>>
            tpu.wait_indirect_dma semaphore(%arg13 : memref<!tpu.dma_semaphore, #tpu.memory_space<semaphore_mem>>) src(%dma_wait3A_222 : memref<744x16xf32, #tpu.memory_space<vmem>>) dst(%dma_wait3A_228 : memref<102400x16xf32, #tpu.memory_space<vmem_shared>>)
          } else {
          }
          %add3A_174 = arith.constant 1 : i32
          %add3A_175 = arith.addi %add3A_121, %add3A_174 : i32
          %lt3A_176 = arith.constant 134 : i32
          %lt3A_177 = arith.cmpi slt, %add3A_175, %lt3A_176 : i32
          %convert_element_type3A_178 = arith.extui %lt3A_177 : i1 to i32
          %cond3A_179 = arith.constant 0 : i32
          %cond3A_180 = arith.cmpi ne, %convert_element_type3A_178, %cond3A_179 : i32
          scf.if %cond3A_180 {
            %add3A_217 = arith.constant 1 : i32
            %add3A_218 = arith.addi %add3A_121, %add3A_217 : i32
            %mul3A_219 = arith.constant 744 : i32
            %mul3A_220 = arith.muli %add3A_218, %mul3A_219 : i32
            %add3A_221 = arith.addi %mul3A_13, %mul3A_220 : i32
            %dma_start3A_222 = arith.constant 0 : i32
            %dma_start3A_223 = arith.constant 0 : i32
            %dma_start3A_224 = tpu.memref_slice %arg8[%dma_start3A_222, %dma_start3A_223] : memref<3x744xi32, #tpu.memory_space<vmem>> -> memref<1x744xi32, #tpu.memory_space<vmem>>
            %dma_start3A_225 = tpu.memref_squeeze %dma_start3A_224 : memref<1x744xi32, #tpu.memory_space<vmem>> -> memref<744xi32, #tpu.memory_space<vmem>>
            %dma_start3A_226 = tpu.memref_slice %arg4[%add3A_221] : memref<1600000xi32, #tpu.memory_space<hbm>> -> memref<744xi32, #tpu.memory_space<hbm>>
            %dma_start3A_227 = arith.constant 0 : i32
            %dma_start3A_228 = tpu.memref_slice %arg8[%dma_start3A_222, %dma_start3A_227] : memref<3x744xi32, #tpu.memory_space<vmem>> -> memref<1x744xi32, #tpu.memory_space<vmem>>
            %dma_start3A_229 = tpu.memref_squeeze %dma_start3A_228 : memref<1x744xi32, #tpu.memory_space<vmem>> -> memref<744xi32, #tpu.memory_space<vmem>>
            %dma_start3A_230 = tpu.memref_slice %arg4[%add3A_221] : memref<1600000xi32, #tpu.memory_space<hbm>> -> memref<744xi32, #tpu.memory_space<hbm>>
            tpu.enqueue_dma source(%dma_start3A_230 : memref<744xi32, #tpu.memory_space<hbm>>) target(%dma_start3A_229 : memref<744xi32, #tpu.memory_space<vmem>>) target_semaphore(%arg11 : memref<!tpu.dma_semaphore, #tpu.memory_space<semaphore_mem>>)
            %dma_start3A_231 = arith.constant 0 : i32
            %dma_start3A_232 = arith.constant 0 : i32
            %dma_start3A_233 = tpu.memref_slice %arg9[%dma_start3A_231, %dma_start3A_232] : memref<3x744xi32, #tpu.memory_space<vmem>> -> memref<1x744xi32, #tpu.memory_space<vmem>>
            %dma_start3A_234 = tpu.memref_squeeze %dma_start3A_233 : memref<1x744xi32, #tpu.memory_space<vmem>> -> memref<744xi32, #tpu.memory_space<vmem>>
            %dma_start3A_235 = tpu.memref_slice %arg5[%add3A_221] : memref<1600000xi32, #tpu.memory_space<hbm>> -> memref<744xi32, #tpu.memory_space<hbm>>
            %dma_start3A_236 = arith.constant 0 : i32
            %dma_start3A_237 = tpu.memref_slice %arg9[%dma_start3A_231, %dma_start3A_236] : memref<3x744xi32, #tpu.memory_space<vmem>> -> memref<1x744xi32, #tpu.memory_space<vmem>>
            %dma_start3A_238 = tpu.memref_squeeze %dma_start3A_237 : memref<1x744xi32, #tpu.memory_space<vmem>> -> memref<744xi32, #tpu.memory_space<vmem>>
            %dma_start3A_239 = tpu.memref_slice %arg5[%add3A_221] : memref<1600000xi32, #tpu.memory_space<hbm>> -> memref<744xi32, #tpu.memory_space<hbm>>
            tpu.enqueue_dma source(%dma_start3A_239 : memref<744xi32, #tpu.memory_space<hbm>>) target(%dma_start3A_238 : memref<744xi32, #tpu.memory_space<vmem>>) target_semaphore(%arg11 : memref<!tpu.dma_semaphore, #tpu.memory_space<semaphore_mem>>)
          } else {
          }
          %dma_start3A_181 = arith.constant 2 : i32
          %dma_start3A_182 = arith.constant 0 : i32
          %dma_start3A_183 = arith.constant 0 : i32
          %dma_start3A_184 = arith.constant 0 : i32
          %dma_start3A_185 = tpu.memref_slice %arg10[%dma_start3A_182, %dma_start3A_183, %dma_start3A_184] : memref<2x744x16xf32, #tpu.memory_space<vmem>> -> memref<1x744x16xf32, #tpu.memory_space<vmem>>
          %dma_start3A_186 = tpu.memref_squeeze %dma_start3A_185 : memref<1x744x16xf32, #tpu.memory_space<vmem>> -> memref<744x16xf32, #tpu.memory_space<vmem>>
          %dma_start3A_187 = arith.constant 0 : i32
          %dma_start3A_188 = tpu.memref_slice %arg8[%dma_start3A_181, %dma_start3A_187] : memref<3x744xi32, #tpu.memory_space<vmem>> -> memref<1x744xi32, #tpu.memory_space<vmem>>
          %dma_start3A_189 = tpu.memref_squeeze %dma_start3A_188 : memref<1x744xi32, #tpu.memory_space<vmem>> -> memref<744xi32, #tpu.memory_space<vmem>>
          %dma_start3A_190 = arith.constant 0 : i32
          %dma_start3A_191 = arith.constant 0 : i32
          %dma_start3A_192 = tpu.memref_slice %arg2[%dma_start3A_190, %dma_start3A_191] : memref<102400x16xf32, #tpu.memory_space<hbm>> -> memref<102400x16xf32, #tpu.memory_space<hbm>>
          tpu.enqueue_indirect_dma source(%dma_start3A_192 : memref<102400x16xf32, #tpu.memory_space<hbm>>) target(%dma_start3A_186 : memref<744x16xf32, #tpu.memory_space<vmem>>) offsets(%dma_start3A_189 : memref<744xi32, #tpu.memory_space<vmem>>) semaphore(%arg12 : memref<!tpu.dma_semaphore, #tpu.memory_space<semaphore_mem>>)
          %dma_wait3A_193 = arith.constant 2 : i32
          %dma_wait3A_194 = arith.constant 0 : i32
          %dma_wait3A_195 = arith.constant 0 : i32
          %dma_wait3A_196 = arith.constant 0 : i32
          %dma_wait3A_197 = tpu.memref_slice %arg10[%dma_wait3A_194, %dma_wait3A_195, %dma_wait3A_196] : memref<2x744x16xf32, #tpu.memory_space<vmem>> -> memref<1x744x16xf32, #tpu.memory_space<vmem>>
          %dma_wait3A_198 = tpu.memref_squeeze %dma_wait3A_197 : memref<1x744x16xf32, #tpu.memory_space<vmem>> -> memref<744x16xf32, #tpu.memory_space<vmem>>
          %dma_wait3A_199 = arith.constant 0 : i32
          %dma_wait3A_200 = tpu.memref_slice %arg8[%dma_wait3A_193, %dma_wait3A_199] : memref<3x744xi32, #tpu.memory_space<vmem>> -> memref<1x744xi32, #tpu.memory_space<vmem>>
          %dma_wait3A_201 = tpu.memref_squeeze %dma_wait3A_200 : memref<1x744xi32, #tpu.memory_space<vmem>> -> memref<744xi32, #tpu.memory_space<vmem>>
          %dma_wait3A_202 = arith.constant 0 : i32
          %dma_wait3A_203 = arith.constant 0 : i32
          %dma_wait3A_204 = tpu.memref_slice %arg2[%dma_wait3A_202, %dma_wait3A_203] : memref<102400x16xf32, #tpu.memory_space<hbm>> -> memref<102400x16xf32, #tpu.memory_space<hbm>>
          tpu.wait_indirect_dma semaphore(%arg12 : memref<!tpu.dma_semaphore, #tpu.memory_space<semaphore_mem>>) src(%dma_wait3A_204 : memref<102400x16xf32, #tpu.memory_space<hbm>>) dst(%dma_wait3A_198 : memref<744x16xf32, #tpu.memory_space<vmem>>)
          %dma_start3A_205 = arith.constant 0 : i32
          %dma_start3A_206 = arith.constant 2 : i32
          %dma_start3A_207 = arith.constant 0 : i32
          %dma_start3A_208 = arith.constant 0 : i32
          %dma_start3A_209 = tpu.memref_slice %arg10[%dma_start3A_205, %dma_start3A_207, %dma_start3A_208] : memref<2x744x16xf32, #tpu.memory_space<vmem>> -> memref<1x744x16xf32, #tpu.memory_space<vmem>>
          %dma_start3A_210 = tpu.memref_squeeze %dma_start3A_209 : memref<1x744x16xf32, #tpu.memory_space<vmem>> -> memref<744x16xf32, #tpu.memory_space<vmem>>
          %dma_start3A_211 = arith.constant 0 : i32
          %dma_start3A_212 = tpu.memref_slice %arg9[%dma_start3A_206, %dma_start3A_211] : memref<3x744xi32, #tpu.memory_space<vmem>> -> memref<1x744xi32, #tpu.memory_space<vmem>>
          %dma_start3A_213 = tpu.memref_squeeze %dma_start3A_212 : memref<1x744xi32, #tpu.memory_space<vmem>> -> memref<744xi32, #tpu.memory_space<vmem>>
          %dma_start3A_214 = arith.constant 0 : i32
          %dma_start3A_215 = arith.constant 0 : i32
          %dma_start3A_216 = tpu.memref_slice %arg7[%dma_start3A_214, %dma_start3A_215] : memref<102400x16xf32, #tpu.memory_space<vmem_shared>> -> memref<102400x16xf32, #tpu.memory_space<vmem_shared>>
          tpu.enqueue_indirect_dma source(%dma_start3A_210 : memref<744x16xf32, #tpu.memory_space<vmem>>) target(%dma_start3A_216 : memref<102400x16xf32, #tpu.memory_space<vmem_shared>>) offsets(%dma_start3A_213 : memref<744xi32, #tpu.memory_space<vmem>>) semaphore(%arg13 : memref<!tpu.dma_semaphore, #tpu.memory_space<semaphore_mem>>) {add = true}
        } else {
        }
        %add3A_127 = arith.constant 3 : i32
        %add3A_128 = arith.addi %mul3A_106, %add3A_127 : i32
        %lt3A_129 = arith.constant 134 : i32
        %lt3A_130 = arith.cmpi slt, %add3A_128, %lt3A_129 : i32
        %convert_element_type3A_131 = arith.extui %lt3A_130 : i1 to i32
        %cond3A_132 = arith.constant 0 : i32
        %cond3A_133 = arith.cmpi ne, %convert_element_type3A_131, %cond3A_132 : i32
        scf.if %cond3A_133 {
          %dma_wait3A_148 = arith.constant 0 : i32
          %dma_wait3A_149 = arith.constant 0 : i32
          %dma_wait3A_150 = tpu.memref_slice %arg8[%dma_wait3A_148, %dma_wait3A_149] : memref<3x744xi32, #tpu.memory_space<vmem>> -> memref<1x744xi32, #tpu.memory_space<vmem>>
          %dma_wait3A_151 = tpu.memref_squeeze %dma_wait3A_150 : memref<1x744xi32, #tpu.memory_space<vmem>> -> memref<744xi32, #tpu.memory_space<vmem>>
          %dma_wait3A_152 = arith.constant 0 : i32
          %dma_wait3A_153 = tpu.memref_slice %arg4[%dma_wait3A_152] : memref<1600000xi32, #tpu.memory_space<hbm>> -> memref<744xi32, #tpu.memory_space<hbm>>
          %dma_wait3A_154 = arith.constant 0 : i32
          %dma_wait3A_155 = tpu.memref_slice %arg8[%dma_wait3A_148, %dma_wait3A_154] : memref<3x744xi32, #tpu.memory_space<vmem>> -> memref<1x744xi32, #tpu.memory_space<vmem>>
          %dma_wait3A_156 = tpu.memref_squeeze %dma_wait3A_155 : memref<1x744xi32, #tpu.memory_space<vmem>> -> memref<744xi32, #tpu.memory_space<vmem>>
          %dma_wait3A_157 = arith.constant 0 : i32
          %dma_wait3A_158 = tpu.memref_slice %arg4[%dma_wait3A_157] : memref<1600000xi32, #tpu.memory_space<hbm>> -> memref<744xi32, #tpu.memory_space<hbm>>
          tpu.wait_dma2 semaphore(%arg11 : memref<!tpu.dma_semaphore, #tpu.memory_space<semaphore_mem>>) src(%dma_wait3A_158 : memref<744xi32, #tpu.memory_space<hbm>>) dst(%dma_wait3A_156 : memref<744xi32, #tpu.memory_space<vmem>>)
          %dma_wait3A_159 = arith.constant 0 : i32
          %dma_wait3A_160 = arith.constant 0 : i32
          %dma_wait3A_161 = tpu.memref_slice %arg9[%dma_wait3A_159, %dma_wait3A_160] : memref<3x744xi32, #tpu.memory_space<vmem>> -> memref<1x744xi32, #tpu.memory_space<vmem>>
          %dma_wait3A_162 = tpu.memref_squeeze %dma_wait3A_161 : memref<1x744xi32, #tpu.memory_space<vmem>> -> memref<744xi32, #tpu.memory_space<vmem>>
          %dma_wait3A_163 = arith.constant 0 : i32
          %dma_wait3A_164 = tpu.memref_slice %arg5[%dma_wait3A_163] : memref<1600000xi32, #tpu.memory_space<hbm>> -> memref<744xi32, #tpu.memory_space<hbm>>
          %dma_wait3A_165 = arith.constant 0 : i32
          %dma_wait3A_166 = tpu.memref_slice %arg9[%dma_wait3A_159, %dma_wait3A_165] : memref<3x744xi32, #tpu.memory_space<vmem>> -> memref<1x744xi32, #tpu.memory_space<vmem>>
          %dma_wait3A_167 = tpu.memref_squeeze %dma_wait3A_166 : memref<1x744xi32, #tpu.memory_space<vmem>> -> memref<744xi32, #tpu.memory_space<vmem>>
          %dma_wait3A_168 = arith.constant 0 : i32
          %dma_wait3A_169 = tpu.memref_slice %arg5[%dma_wait3A_168] : memref<1600000xi32, #tpu.memory_space<hbm>> -> memref<744xi32, #tpu.memory_space<hbm>>
          tpu.wait_dma2 semaphore(%arg11 : memref<!tpu.dma_semaphore, #tpu.memory_space<semaphore_mem>>) src(%dma_wait3A_169 : memref<744xi32, #tpu.memory_space<hbm>>) dst(%dma_wait3A_167 : memref<744xi32, #tpu.memory_space<vmem>>)
          %ge3A = arith.constant 2 : i32
          %ge3A_170 = arith.cmpi sge, %add3A_128, %ge3A : i32
          %convert_element_type3A_171 = arith.extui %ge3A_170 : i1 to i32
          %cond3A_172 = arith.constant 0 : i32
          %cond3A_173 = arith.cmpi ne, %convert_element_type3A_171, %cond3A_172 : i32
          scf.if %cond3A_173 {
            %dma_wait3A_217 = arith.constant 1 : i32
            %dma_wait3A_218 = arith.constant 1 : i32
            %dma_wait3A_219 = arith.constant 0 : i32
            %dma_wait3A_220 = arith.constant 0 : i32
            %dma_wait3A_221 = tpu.memref_slice %arg10[%dma_wait3A_217, %dma_wait3A_219, %dma_wait3A_220] : memref<2x744x16xf32, #tpu.memory_space<vmem>> -> memref<1x744x16xf32, #tpu.memory_space<vmem>>
            %dma_wait3A_222 = tpu.memref_squeeze %dma_wait3A_221 : memref<1x744x16xf32, #tpu.memory_space<vmem>> -> memref<744x16xf32, #tpu.memory_space<vmem>>
            %dma_wait3A_223 = arith.constant 0 : i32
            %dma_wait3A_224 = tpu.memref_slice %arg9[%dma_wait3A_218, %dma_wait3A_223] : memref<3x744xi32, #tpu.memory_space<vmem>> -> memref<1x744xi32, #tpu.memory_space<vmem>>
            %dma_wait3A_225 = tpu.memref_squeeze %dma_wait3A_224 : memref<1x744xi32, #tpu.memory_space<vmem>> -> memref<744xi32, #tpu.memory_space<vmem>>
            %dma_wait3A_226 = arith.constant 0 : i32
            %dma_wait3A_227 = arith.constant 0 : i32
            %dma_wait3A_228 = tpu.memref_slice %arg7[%dma_wait3A_226, %dma_wait3A_227] : memref<102400x16xf32, #tpu.memory_space<vmem_shared>> -> memref<102400x16xf32, #tpu.memory_space<vmem_shared>>
            tpu.wait_indirect_dma semaphore(%arg14 : memref<!tpu.dma_semaphore, #tpu.memory_space<semaphore_mem>>) src(%dma_wait3A_222 : memref<744x16xf32, #tpu.memory_space<vmem>>) dst(%dma_wait3A_228 : memref<102400x16xf32, #tpu.memory_space<vmem_shared>>)
          } else {
          }
          %add3A_174 = arith.constant 1 : i32
          %add3A_175 = arith.addi %add3A_128, %add3A_174 : i32
          %lt3A_176 = arith.constant 134 : i32
          %lt3A_177 = arith.cmpi slt, %add3A_175, %lt3A_176 : i32
          %convert_element_type3A_178 = arith.extui %lt3A_177 : i1 to i32
          %cond3A_179 = arith.constant 0 : i32
          %cond3A_180 = arith.cmpi ne, %convert_element_type3A_178, %cond3A_179 : i32
          scf.if %cond3A_180 {
            %add3A_217 = arith.constant 1 : i32
            %add3A_218 = arith.addi %add3A_128, %add3A_217 : i32
            %mul3A_219 = arith.constant 744 : i32
            %mul3A_220 = arith.muli %add3A_218, %mul3A_219 : i32
            %add3A_221 = arith.addi %mul3A_13, %mul3A_220 : i32
            %dma_start3A_222 = arith.constant 1 : i32
            %dma_start3A_223 = arith.constant 0 : i32
            %dma_start3A_224 = tpu.memref_slice %arg8[%dma_start3A_222, %dma_start3A_223] : memref<3x744xi32, #tpu.memory_space<vmem>> -> memref<1x744xi32, #tpu.memory_space<vmem>>
            %dma_start3A_225 = tpu.memref_squeeze %dma_start3A_224 : memref<1x744xi32, #tpu.memory_space<vmem>> -> memref<744xi32, #tpu.memory_space<vmem>>
            %dma_start3A_226 = tpu.memref_slice %arg4[%add3A_221] : memref<1600000xi32, #tpu.memory_space<hbm>> -> memref<744xi32, #tpu.memory_space<hbm>>
            %dma_start3A_227 = arith.constant 0 : i32
            %dma_start3A_228 = tpu.memref_slice %arg8[%dma_start3A_222, %dma_start3A_227] : memref<3x744xi32, #tpu.memory_space<vmem>> -> memref<1x744xi32, #tpu.memory_space<vmem>>
            %dma_start3A_229 = tpu.memref_squeeze %dma_start3A_228 : memref<1x744xi32, #tpu.memory_space<vmem>> -> memref<744xi32, #tpu.memory_space<vmem>>
            %dma_start3A_230 = tpu.memref_slice %arg4[%add3A_221] : memref<1600000xi32, #tpu.memory_space<hbm>> -> memref<744xi32, #tpu.memory_space<hbm>>
            tpu.enqueue_dma source(%dma_start3A_230 : memref<744xi32, #tpu.memory_space<hbm>>) target(%dma_start3A_229 : memref<744xi32, #tpu.memory_space<vmem>>) target_semaphore(%arg11 : memref<!tpu.dma_semaphore, #tpu.memory_space<semaphore_mem>>)
            %dma_start3A_231 = arith.constant 1 : i32
            %dma_start3A_232 = arith.constant 0 : i32
            %dma_start3A_233 = tpu.memref_slice %arg9[%dma_start3A_231, %dma_start3A_232] : memref<3x744xi32, #tpu.memory_space<vmem>> -> memref<1x744xi32, #tpu.memory_space<vmem>>
            %dma_start3A_234 = tpu.memref_squeeze %dma_start3A_233 : memref<1x744xi32, #tpu.memory_space<vmem>> -> memref<744xi32, #tpu.memory_space<vmem>>
            %dma_start3A_235 = tpu.memref_slice %arg5[%add3A_221] : memref<1600000xi32, #tpu.memory_space<hbm>> -> memref<744xi32, #tpu.memory_space<hbm>>
            %dma_start3A_236 = arith.constant 0 : i32
            %dma_start3A_237 = tpu.memref_slice %arg9[%dma_start3A_231, %dma_start3A_236] : memref<3x744xi32, #tpu.memory_space<vmem>> -> memref<1x744xi32, #tpu.memory_space<vmem>>
            %dma_start3A_238 = tpu.memref_squeeze %dma_start3A_237 : memref<1x744xi32, #tpu.memory_space<vmem>> -> memref<744xi32, #tpu.memory_space<vmem>>
            %dma_start3A_239 = tpu.memref_slice %arg5[%add3A_221] : memref<1600000xi32, #tpu.memory_space<hbm>> -> memref<744xi32, #tpu.memory_space<hbm>>
            tpu.enqueue_dma source(%dma_start3A_239 : memref<744xi32, #tpu.memory_space<hbm>>) target(%dma_start3A_238 : memref<744xi32, #tpu.memory_space<vmem>>) target_semaphore(%arg11 : memref<!tpu.dma_semaphore, #tpu.memory_space<semaphore_mem>>)
          } else {
          }
          %dma_start3A_181 = arith.constant 0 : i32
          %dma_start3A_182 = arith.constant 1 : i32
          %dma_start3A_183 = arith.constant 0 : i32
          %dma_start3A_184 = arith.constant 0 : i32
          %dma_start3A_185 = tpu.memref_slice %arg10[%dma_start3A_182, %dma_start3A_183, %dma_start3A_184] : memref<2x744x16xf32, #tpu.memory_space<vmem>> -> memref<1x744x16xf32, #tpu.memory_space<vmem>>
          %dma_start3A_186 = tpu.memref_squeeze %dma_start3A_185 : memref<1x744x16xf32, #tpu.memory_space<vmem>> -> memref<744x16xf32, #tpu.memory_space<vmem>>
          %dma_start3A_187 = arith.constant 0 : i32
          %dma_start3A_188 = tpu.memref_slice %arg8[%dma_start3A_181, %dma_start3A_187] : memref<3x744xi32, #tpu.memory_space<vmem>> -> memref<1x744xi32, #tpu.memory_space<vmem>>
          %dma_start3A_189 = tpu.memref_squeeze %dma_start3A_188 : memref<1x744xi32, #tpu.memory_space<vmem>> -> memref<744xi32, #tpu.memory_space<vmem>>
          %dma_start3A_190 = arith.constant 0 : i32
          %dma_start3A_191 = arith.constant 0 : i32
          %dma_start3A_192 = tpu.memref_slice %arg2[%dma_start3A_190, %dma_start3A_191] : memref<102400x16xf32, #tpu.memory_space<hbm>> -> memref<102400x16xf32, #tpu.memory_space<hbm>>
          tpu.enqueue_indirect_dma source(%dma_start3A_192 : memref<102400x16xf32, #tpu.memory_space<hbm>>) target(%dma_start3A_186 : memref<744x16xf32, #tpu.memory_space<vmem>>) offsets(%dma_start3A_189 : memref<744xi32, #tpu.memory_space<vmem>>) semaphore(%arg12 : memref<!tpu.dma_semaphore, #tpu.memory_space<semaphore_mem>>)
          %dma_wait3A_193 = arith.constant 0 : i32
          %dma_wait3A_194 = arith.constant 1 : i32
          %dma_wait3A_195 = arith.constant 0 : i32
          %dma_wait3A_196 = arith.constant 0 : i32
          %dma_wait3A_197 = tpu.memref_slice %arg10[%dma_wait3A_194, %dma_wait3A_195, %dma_wait3A_196] : memref<2x744x16xf32, #tpu.memory_space<vmem>> -> memref<1x744x16xf32, #tpu.memory_space<vmem>>
          %dma_wait3A_198 = tpu.memref_squeeze %dma_wait3A_197 : memref<1x744x16xf32, #tpu.memory_space<vmem>> -> memref<744x16xf32, #tpu.memory_space<vmem>>
          %dma_wait3A_199 = arith.constant 0 : i32
          %dma_wait3A_200 = tpu.memref_slice %arg8[%dma_wait3A_193, %dma_wait3A_199] : memref<3x744xi32, #tpu.memory_space<vmem>> -> memref<1x744xi32, #tpu.memory_space<vmem>>
          %dma_wait3A_201 = tpu.memref_squeeze %dma_wait3A_200 : memref<1x744xi32, #tpu.memory_space<vmem>> -> memref<744xi32, #tpu.memory_space<vmem>>
          %dma_wait3A_202 = arith.constant 0 : i32
          %dma_wait3A_203 = arith.constant 0 : i32
          %dma_wait3A_204 = tpu.memref_slice %arg2[%dma_wait3A_202, %dma_wait3A_203] : memref<102400x16xf32, #tpu.memory_space<hbm>> -> memref<102400x16xf32, #tpu.memory_space<hbm>>
          tpu.wait_indirect_dma semaphore(%arg12 : memref<!tpu.dma_semaphore, #tpu.memory_space<semaphore_mem>>) src(%dma_wait3A_204 : memref<102400x16xf32, #tpu.memory_space<hbm>>) dst(%dma_wait3A_198 : memref<744x16xf32, #tpu.memory_space<vmem>>)
          %dma_start3A_205 = arith.constant 1 : i32
          %dma_start3A_206 = arith.constant 0 : i32
          %dma_start3A_207 = arith.constant 0 : i32
          %dma_start3A_208 = arith.constant 0 : i32
          %dma_start3A_209 = tpu.memref_slice %arg10[%dma_start3A_205, %dma_start3A_207, %dma_start3A_208] : memref<2x744x16xf32, #tpu.memory_space<vmem>> -> memref<1x744x16xf32, #tpu.memory_space<vmem>>
          %dma_start3A_210 = tpu.memref_squeeze %dma_start3A_209 : memref<1x744x16xf32, #tpu.memory_space<vmem>> -> memref<744x16xf32, #tpu.memory_space<vmem>>
          %dma_start3A_211 = arith.constant 0 : i32
          %dma_start3A_212 = tpu.memref_slice %arg9[%dma_start3A_206, %dma_start3A_211] : memref<3x744xi32, #tpu.memory_space<vmem>> -> memref<1x744xi32, #tpu.memory_space<vmem>>
          %dma_start3A_213 = tpu.memref_squeeze %dma_start3A_212 : memref<1x744xi32, #tpu.memory_space<vmem>> -> memref<744xi32, #tpu.memory_space<vmem>>
          %dma_start3A_214 = arith.constant 0 : i32
          %dma_start3A_215 = arith.constant 0 : i32
          %dma_start3A_216 = tpu.memref_slice %arg7[%dma_start3A_214, %dma_start3A_215] : memref<102400x16xf32, #tpu.memory_space<vmem_shared>> -> memref<102400x16xf32, #tpu.memory_space<vmem_shared>>
          tpu.enqueue_indirect_dma source(%dma_start3A_210 : memref<744x16xf32, #tpu.memory_space<vmem>>) target(%dma_start3A_216 : memref<102400x16xf32, #tpu.memory_space<vmem_shared>>) offsets(%dma_start3A_213 : memref<744xi32, #tpu.memory_space<vmem>>) semaphore(%arg14 : memref<!tpu.dma_semaphore, #tpu.memory_space<semaphore_mem>>) {add = true}
        } else {
        }
        %add3A_134 = arith.constant 4 : i32
        %add3A_135 = arith.addi %mul3A_106, %add3A_134 : i32
        %lt3A_136 = arith.constant 134 : i32
        %lt3A_137 = arith.cmpi slt, %add3A_135, %lt3A_136 : i32
        %convert_element_type3A_138 = arith.extui %lt3A_137 : i1 to i32
        %cond3A_139 = arith.constant 0 : i32
        %cond3A_140 = arith.cmpi ne, %convert_element_type3A_138, %cond3A_139 : i32
        scf.if %cond3A_140 {
          %dma_wait3A_148 = arith.constant 1 : i32
          %dma_wait3A_149 = arith.constant 0 : i32
          %dma_wait3A_150 = tpu.memref_slice %arg8[%dma_wait3A_148, %dma_wait3A_149] : memref<3x744xi32, #tpu.memory_space<vmem>> -> memref<1x744xi32, #tpu.memory_space<vmem>>
          %dma_wait3A_151 = tpu.memref_squeeze %dma_wait3A_150 : memref<1x744xi32, #tpu.memory_space<vmem>> -> memref<744xi32, #tpu.memory_space<vmem>>
          %dma_wait3A_152 = arith.constant 0 : i32
          %dma_wait3A_153 = tpu.memref_slice %arg4[%dma_wait3A_152] : memref<1600000xi32, #tpu.memory_space<hbm>> -> memref<744xi32, #tpu.memory_space<hbm>>
          %dma_wait3A_154 = arith.constant 0 : i32
          %dma_wait3A_155 = tpu.memref_slice %arg8[%dma_wait3A_148, %dma_wait3A_154] : memref<3x744xi32, #tpu.memory_space<vmem>> -> memref<1x744xi32, #tpu.memory_space<vmem>>
          %dma_wait3A_156 = tpu.memref_squeeze %dma_wait3A_155 : memref<1x744xi32, #tpu.memory_space<vmem>> -> memref<744xi32, #tpu.memory_space<vmem>>
          %dma_wait3A_157 = arith.constant 0 : i32
          %dma_wait3A_158 = tpu.memref_slice %arg4[%dma_wait3A_157] : memref<1600000xi32, #tpu.memory_space<hbm>> -> memref<744xi32, #tpu.memory_space<hbm>>
          tpu.wait_dma2 semaphore(%arg11 : memref<!tpu.dma_semaphore, #tpu.memory_space<semaphore_mem>>) src(%dma_wait3A_158 : memref<744xi32, #tpu.memory_space<hbm>>) dst(%dma_wait3A_156 : memref<744xi32, #tpu.memory_space<vmem>>)
          %dma_wait3A_159 = arith.constant 1 : i32
          %dma_wait3A_160 = arith.constant 0 : i32
          %dma_wait3A_161 = tpu.memref_slice %arg9[%dma_wait3A_159, %dma_wait3A_160] : memref<3x744xi32, #tpu.memory_space<vmem>> -> memref<1x744xi32, #tpu.memory_space<vmem>>
          %dma_wait3A_162 = tpu.memref_squeeze %dma_wait3A_161 : memref<1x744xi32, #tpu.memory_space<vmem>> -> memref<744xi32, #tpu.memory_space<vmem>>
          %dma_wait3A_163 = arith.constant 0 : i32
          %dma_wait3A_164 = tpu.memref_slice %arg5[%dma_wait3A_163] : memref<1600000xi32, #tpu.memory_space<hbm>> -> memref<744xi32, #tpu.memory_space<hbm>>
          %dma_wait3A_165 = arith.constant 0 : i32
          %dma_wait3A_166 = tpu.memref_slice %arg9[%dma_wait3A_159, %dma_wait3A_165] : memref<3x744xi32, #tpu.memory_space<vmem>> -> memref<1x744xi32, #tpu.memory_space<vmem>>
          %dma_wait3A_167 = tpu.memref_squeeze %dma_wait3A_166 : memref<1x744xi32, #tpu.memory_space<vmem>> -> memref<744xi32, #tpu.memory_space<vmem>>
          %dma_wait3A_168 = arith.constant 0 : i32
          %dma_wait3A_169 = tpu.memref_slice %arg5[%dma_wait3A_168] : memref<1600000xi32, #tpu.memory_space<hbm>> -> memref<744xi32, #tpu.memory_space<hbm>>
          tpu.wait_dma2 semaphore(%arg11 : memref<!tpu.dma_semaphore, #tpu.memory_space<semaphore_mem>>) src(%dma_wait3A_169 : memref<744xi32, #tpu.memory_space<hbm>>) dst(%dma_wait3A_167 : memref<744xi32, #tpu.memory_space<vmem>>)
          %ge3A = arith.constant 2 : i32
          %ge3A_170 = arith.cmpi sge, %add3A_135, %ge3A : i32
          %convert_element_type3A_171 = arith.extui %ge3A_170 : i1 to i32
          %cond3A_172 = arith.constant 0 : i32
          %cond3A_173 = arith.cmpi ne, %convert_element_type3A_171, %cond3A_172 : i32
          scf.if %cond3A_173 {
            %dma_wait3A_217 = arith.constant 0 : i32
            %dma_wait3A_218 = arith.constant 2 : i32
            %dma_wait3A_219 = arith.constant 0 : i32
            %dma_wait3A_220 = arith.constant 0 : i32
            %dma_wait3A_221 = tpu.memref_slice %arg10[%dma_wait3A_217, %dma_wait3A_219, %dma_wait3A_220] : memref<2x744x16xf32, #tpu.memory_space<vmem>> -> memref<1x744x16xf32, #tpu.memory_space<vmem>>
            %dma_wait3A_222 = tpu.memref_squeeze %dma_wait3A_221 : memref<1x744x16xf32, #tpu.memory_space<vmem>> -> memref<744x16xf32, #tpu.memory_space<vmem>>
            %dma_wait3A_223 = arith.constant 0 : i32
            %dma_wait3A_224 = tpu.memref_slice %arg9[%dma_wait3A_218, %dma_wait3A_223] : memref<3x744xi32, #tpu.memory_space<vmem>> -> memref<1x744xi32, #tpu.memory_space<vmem>>
            %dma_wait3A_225 = tpu.memref_squeeze %dma_wait3A_224 : memref<1x744xi32, #tpu.memory_space<vmem>> -> memref<744xi32, #tpu.memory_space<vmem>>
            %dma_wait3A_226 = arith.constant 0 : i32
            %dma_wait3A_227 = arith.constant 0 : i32
            %dma_wait3A_228 = tpu.memref_slice %arg7[%dma_wait3A_226, %dma_wait3A_227] : memref<102400x16xf32, #tpu.memory_space<vmem_shared>> -> memref<102400x16xf32, #tpu.memory_space<vmem_shared>>
            tpu.wait_indirect_dma semaphore(%arg13 : memref<!tpu.dma_semaphore, #tpu.memory_space<semaphore_mem>>) src(%dma_wait3A_222 : memref<744x16xf32, #tpu.memory_space<vmem>>) dst(%dma_wait3A_228 : memref<102400x16xf32, #tpu.memory_space<vmem_shared>>)
          } else {
          }
          %add3A_174 = arith.constant 1 : i32
          %add3A_175 = arith.addi %add3A_135, %add3A_174 : i32
          %lt3A_176 = arith.constant 134 : i32
          %lt3A_177 = arith.cmpi slt, %add3A_175, %lt3A_176 : i32
          %convert_element_type3A_178 = arith.extui %lt3A_177 : i1 to i32
          %cond3A_179 = arith.constant 0 : i32
          %cond3A_180 = arith.cmpi ne, %convert_element_type3A_178, %cond3A_179 : i32
          scf.if %cond3A_180 {
            %add3A_217 = arith.constant 1 : i32
            %add3A_218 = arith.addi %add3A_135, %add3A_217 : i32
            %mul3A_219 = arith.constant 744 : i32
            %mul3A_220 = arith.muli %add3A_218, %mul3A_219 : i32
            %add3A_221 = arith.addi %mul3A_13, %mul3A_220 : i32
            %dma_start3A_222 = arith.constant 2 : i32
            %dma_start3A_223 = arith.constant 0 : i32
            %dma_start3A_224 = tpu.memref_slice %arg8[%dma_start3A_222, %dma_start3A_223] : memref<3x744xi32, #tpu.memory_space<vmem>> -> memref<1x744xi32, #tpu.memory_space<vmem>>
            %dma_start3A_225 = tpu.memref_squeeze %dma_start3A_224 : memref<1x744xi32, #tpu.memory_space<vmem>> -> memref<744xi32, #tpu.memory_space<vmem>>
            %dma_start3A_226 = tpu.memref_slice %arg4[%add3A_221] : memref<1600000xi32, #tpu.memory_space<hbm>> -> memref<744xi32, #tpu.memory_space<hbm>>
            %dma_start3A_227 = arith.constant 0 : i32
            %dma_start3A_228 = tpu.memref_slice %arg8[%dma_start3A_222, %dma_start3A_227] : memref<3x744xi32, #tpu.memory_space<vmem>> -> memref<1x744xi32, #tpu.memory_space<vmem>>
            %dma_start3A_229 = tpu.memref_squeeze %dma_start3A_228 : memref<1x744xi32, #tpu.memory_space<vmem>> -> memref<744xi32, #tpu.memory_space<vmem>>
            %dma_start3A_230 = tpu.memref_slice %arg4[%add3A_221] : memref<1600000xi32, #tpu.memory_space<hbm>> -> memref<744xi32, #tpu.memory_space<hbm>>
            tpu.enqueue_dma source(%dma_start3A_230 : memref<744xi32, #tpu.memory_space<hbm>>) target(%dma_start3A_229 : memref<744xi32, #tpu.memory_space<vmem>>) target_semaphore(%arg11 : memref<!tpu.dma_semaphore, #tpu.memory_space<semaphore_mem>>)
            %dma_start3A_231 = arith.constant 2 : i32
            %dma_start3A_232 = arith.constant 0 : i32
            %dma_start3A_233 = tpu.memref_slice %arg9[%dma_start3A_231, %dma_start3A_232] : memref<3x744xi32, #tpu.memory_space<vmem>> -> memref<1x744xi32, #tpu.memory_space<vmem>>
            %dma_start3A_234 = tpu.memref_squeeze %dma_start3A_233 : memref<1x744xi32, #tpu.memory_space<vmem>> -> memref<744xi32, #tpu.memory_space<vmem>>
            %dma_start3A_235 = tpu.memref_slice %arg5[%add3A_221] : memref<1600000xi32, #tpu.memory_space<hbm>> -> memref<744xi32, #tpu.memory_space<hbm>>
            %dma_start3A_236 = arith.constant 0 : i32
            %dma_start3A_237 = tpu.memref_slice %arg9[%dma_start3A_231, %dma_start3A_236] : memref<3x744xi32, #tpu.memory_space<vmem>> -> memref<1x744xi32, #tpu.memory_space<vmem>>
            %dma_start3A_238 = tpu.memref_squeeze %dma_start3A_237 : memref<1x744xi32, #tpu.memory_space<vmem>> -> memref<744xi32, #tpu.memory_space<vmem>>
            %dma_start3A_239 = tpu.memref_slice %arg5[%add3A_221] : memref<1600000xi32, #tpu.memory_space<hbm>> -> memref<744xi32, #tpu.memory_space<hbm>>
            tpu.enqueue_dma source(%dma_start3A_239 : memref<744xi32, #tpu.memory_space<hbm>>) target(%dma_start3A_238 : memref<744xi32, #tpu.memory_space<vmem>>) target_semaphore(%arg11 : memref<!tpu.dma_semaphore, #tpu.memory_space<semaphore_mem>>)
          } else {
          }
          %dma_start3A_181 = arith.constant 1 : i32
          %dma_start3A_182 = arith.constant 0 : i32
          %dma_start3A_183 = arith.constant 0 : i32
          %dma_start3A_184 = arith.constant 0 : i32
          %dma_start3A_185 = tpu.memref_slice %arg10[%dma_start3A_182, %dma_start3A_183, %dma_start3A_184] : memref<2x744x16xf32, #tpu.memory_space<vmem>> -> memref<1x744x16xf32, #tpu.memory_space<vmem>>
          %dma_start3A_186 = tpu.memref_squeeze %dma_start3A_185 : memref<1x744x16xf32, #tpu.memory_space<vmem>> -> memref<744x16xf32, #tpu.memory_space<vmem>>
          %dma_start3A_187 = arith.constant 0 : i32
          %dma_start3A_188 = tpu.memref_slice %arg8[%dma_start3A_181, %dma_start3A_187] : memref<3x744xi32, #tpu.memory_space<vmem>> -> memref<1x744xi32, #tpu.memory_space<vmem>>
          %dma_start3A_189 = tpu.memref_squeeze %dma_start3A_188 : memref<1x744xi32, #tpu.memory_space<vmem>> -> memref<744xi32, #tpu.memory_space<vmem>>
          %dma_start3A_190 = arith.constant 0 : i32
          %dma_start3A_191 = arith.constant 0 : i32
          %dma_start3A_192 = tpu.memref_slice %arg2[%dma_start3A_190, %dma_start3A_191] : memref<102400x16xf32, #tpu.memory_space<hbm>> -> memref<102400x16xf32, #tpu.memory_space<hbm>>
          tpu.enqueue_indirect_dma source(%dma_start3A_192 : memref<102400x16xf32, #tpu.memory_space<hbm>>) target(%dma_start3A_186 : memref<744x16xf32, #tpu.memory_space<vmem>>) offsets(%dma_start3A_189 : memref<744xi32, #tpu.memory_space<vmem>>) semaphore(%arg12 : memref<!tpu.dma_semaphore, #tpu.memory_space<semaphore_mem>>)
          %dma_wait3A_193 = arith.constant 1 : i32
          %dma_wait3A_194 = arith.constant 0 : i32
          %dma_wait3A_195 = arith.constant 0 : i32
          %dma_wait3A_196 = arith.constant 0 : i32
          %dma_wait3A_197 = tpu.memref_slice %arg10[%dma_wait3A_194, %dma_wait3A_195, %dma_wait3A_196] : memref<2x744x16xf32, #tpu.memory_space<vmem>> -> memref<1x744x16xf32, #tpu.memory_space<vmem>>
          %dma_wait3A_198 = tpu.memref_squeeze %dma_wait3A_197 : memref<1x744x16xf32, #tpu.memory_space<vmem>> -> memref<744x16xf32, #tpu.memory_space<vmem>>
          %dma_wait3A_199 = arith.constant 0 : i32
          %dma_wait3A_200 = tpu.memref_slice %arg8[%dma_wait3A_193, %dma_wait3A_199] : memref<3x744xi32, #tpu.memory_space<vmem>> -> memref<1x744xi32, #tpu.memory_space<vmem>>
          %dma_wait3A_201 = tpu.memref_squeeze %dma_wait3A_200 : memref<1x744xi32, #tpu.memory_space<vmem>> -> memref<744xi32, #tpu.memory_space<vmem>>
          %dma_wait3A_202 = arith.constant 0 : i32
          %dma_wait3A_203 = arith.constant 0 : i32
          %dma_wait3A_204 = tpu.memref_slice %arg2[%dma_wait3A_202, %dma_wait3A_203] : memref<102400x16xf32, #tpu.memory_space<hbm>> -> memref<102400x16xf32, #tpu.memory_space<hbm>>
          tpu.wait_indirect_dma semaphore(%arg12 : memref<!tpu.dma_semaphore, #tpu.memory_space<semaphore_mem>>) src(%dma_wait3A_204 : memref<102400x16xf32, #tpu.memory_space<hbm>>) dst(%dma_wait3A_198 : memref<744x16xf32, #tpu.memory_space<vmem>>)
          %dma_start3A_205 = arith.constant 0 : i32
          %dma_start3A_206 = arith.constant 1 : i32
          %dma_start3A_207 = arith.constant 0 : i32
          %dma_start3A_208 = arith.constant 0 : i32
          %dma_start3A_209 = tpu.memref_slice %arg10[%dma_start3A_205, %dma_start3A_207, %dma_start3A_208] : memref<2x744x16xf32, #tpu.memory_space<vmem>> -> memref<1x744x16xf32, #tpu.memory_space<vmem>>
          %dma_start3A_210 = tpu.memref_squeeze %dma_start3A_209 : memref<1x744x16xf32, #tpu.memory_space<vmem>> -> memref<744x16xf32, #tpu.memory_space<vmem>>
          %dma_start3A_211 = arith.constant 0 : i32
          %dma_start3A_212 = tpu.memref_slice %arg9[%dma_start3A_206, %dma_start3A_211] : memref<3x744xi32, #tpu.memory_space<vmem>> -> memref<1x744xi32, #tpu.memory_space<vmem>>
          %dma_start3A_213 = tpu.memref_squeeze %dma_start3A_212 : memref<1x744xi32, #tpu.memory_space<vmem>> -> memref<744xi32, #tpu.memory_space<vmem>>
          %dma_start3A_214 = arith.constant 0 : i32
          %dma_start3A_215 = arith.constant 0 : i32
          %dma_start3A_216 = tpu.memref_slice %arg7[%dma_start3A_214, %dma_start3A_215] : memref<102400x16xf32, #tpu.memory_space<vmem_shared>> -> memref<102400x16xf32, #tpu.memory_space<vmem_shared>>
          tpu.enqueue_indirect_dma source(%dma_start3A_210 : memref<744x16xf32, #tpu.memory_space<vmem>>) target(%dma_start3A_216 : memref<102400x16xf32, #tpu.memory_space<vmem_shared>>) offsets(%dma_start3A_213 : memref<744xi32, #tpu.memory_space<vmem>>) semaphore(%arg13 : memref<!tpu.dma_semaphore, #tpu.memory_space<semaphore_mem>>) {add = true}
        } else {
        }
        %add3A_141 = arith.constant 5 : i32
        %add3A_142 = arith.addi %mul3A_106, %add3A_141 : i32
        %lt3A_143 = arith.constant 134 : i32
        %lt3A_144 = arith.cmpi slt, %add3A_142, %lt3A_143 : i32
        %convert_element_type3A_145 = arith.extui %lt3A_144 : i1 to i32
        %cond3A_146 = arith.constant 0 : i32
        %cond3A_147 = arith.cmpi ne, %convert_element_type3A_145, %cond3A_146 : i32
        scf.if %cond3A_147 {
          %dma_wait3A_148 = arith.constant 2 : i32
          %dma_wait3A_149 = arith.constant 0 : i32
          %dma_wait3A_150 = tpu.memref_slice %arg8[%dma_wait3A_148, %dma_wait3A_149] : memref<3x744xi32, #tpu.memory_space<vmem>> -> memref<1x744xi32, #tpu.memory_space<vmem>>
          %dma_wait3A_151 = tpu.memref_squeeze %dma_wait3A_150 : memref<1x744xi32, #tpu.memory_space<vmem>> -> memref<744xi32, #tpu.memory_space<vmem>>
          %dma_wait3A_152 = arith.constant 0 : i32
          %dma_wait3A_153 = tpu.memref_slice %arg4[%dma_wait3A_152] : memref<1600000xi32, #tpu.memory_space<hbm>> -> memref<744xi32, #tpu.memory_space<hbm>>
          %dma_wait3A_154 = arith.constant 0 : i32
          %dma_wait3A_155 = tpu.memref_slice %arg8[%dma_wait3A_148, %dma_wait3A_154] : memref<3x744xi32, #tpu.memory_space<vmem>> -> memref<1x744xi32, #tpu.memory_space<vmem>>
          %dma_wait3A_156 = tpu.memref_squeeze %dma_wait3A_155 : memref<1x744xi32, #tpu.memory_space<vmem>> -> memref<744xi32, #tpu.memory_space<vmem>>
          %dma_wait3A_157 = arith.constant 0 : i32
          %dma_wait3A_158 = tpu.memref_slice %arg4[%dma_wait3A_157] : memref<1600000xi32, #tpu.memory_space<hbm>> -> memref<744xi32, #tpu.memory_space<hbm>>
          tpu.wait_dma2 semaphore(%arg11 : memref<!tpu.dma_semaphore, #tpu.memory_space<semaphore_mem>>) src(%dma_wait3A_158 : memref<744xi32, #tpu.memory_space<hbm>>) dst(%dma_wait3A_156 : memref<744xi32, #tpu.memory_space<vmem>>)
          %dma_wait3A_159 = arith.constant 2 : i32
          %dma_wait3A_160 = arith.constant 0 : i32
          %dma_wait3A_161 = tpu.memref_slice %arg9[%dma_wait3A_159, %dma_wait3A_160] : memref<3x744xi32, #tpu.memory_space<vmem>> -> memref<1x744xi32, #tpu.memory_space<vmem>>
          %dma_wait3A_162 = tpu.memref_squeeze %dma_wait3A_161 : memref<1x744xi32, #tpu.memory_space<vmem>> -> memref<744xi32, #tpu.memory_space<vmem>>
          %dma_wait3A_163 = arith.constant 0 : i32
          %dma_wait3A_164 = tpu.memref_slice %arg5[%dma_wait3A_163] : memref<1600000xi32, #tpu.memory_space<hbm>> -> memref<744xi32, #tpu.memory_space<hbm>>
          %dma_wait3A_165 = arith.constant 0 : i32
          %dma_wait3A_166 = tpu.memref_slice %arg9[%dma_wait3A_159, %dma_wait3A_165] : memref<3x744xi32, #tpu.memory_space<vmem>> -> memref<1x744xi32, #tpu.memory_space<vmem>>
          %dma_wait3A_167 = tpu.memref_squeeze %dma_wait3A_166 : memref<1x744xi32, #tpu.memory_space<vmem>> -> memref<744xi32, #tpu.memory_space<vmem>>
          %dma_wait3A_168 = arith.constant 0 : i32
          %dma_wait3A_169 = tpu.memref_slice %arg5[%dma_wait3A_168] : memref<1600000xi32, #tpu.memory_space<hbm>> -> memref<744xi32, #tpu.memory_space<hbm>>
          tpu.wait_dma2 semaphore(%arg11 : memref<!tpu.dma_semaphore, #tpu.memory_space<semaphore_mem>>) src(%dma_wait3A_169 : memref<744xi32, #tpu.memory_space<hbm>>) dst(%dma_wait3A_167 : memref<744xi32, #tpu.memory_space<vmem>>)
          %ge3A = arith.constant 2 : i32
          %ge3A_170 = arith.cmpi sge, %add3A_142, %ge3A : i32
          %convert_element_type3A_171 = arith.extui %ge3A_170 : i1 to i32
          %cond3A_172 = arith.constant 0 : i32
          %cond3A_173 = arith.cmpi ne, %convert_element_type3A_171, %cond3A_172 : i32
          scf.if %cond3A_173 {
            %dma_wait3A_217 = arith.constant 1 : i32
            %dma_wait3A_218 = arith.constant 0 : i32
            %dma_wait3A_219 = arith.constant 0 : i32
            %dma_wait3A_220 = arith.constant 0 : i32
            %dma_wait3A_221 = tpu.memref_slice %arg10[%dma_wait3A_217, %dma_wait3A_219, %dma_wait3A_220] : memref<2x744x16xf32, #tpu.memory_space<vmem>> -> memref<1x744x16xf32, #tpu.memory_space<vmem>>
            %dma_wait3A_222 = tpu.memref_squeeze %dma_wait3A_221 : memref<1x744x16xf32, #tpu.memory_space<vmem>> -> memref<744x16xf32, #tpu.memory_space<vmem>>
            %dma_wait3A_223 = arith.constant 0 : i32
            %dma_wait3A_224 = tpu.memref_slice %arg9[%dma_wait3A_218, %dma_wait3A_223] : memref<3x744xi32, #tpu.memory_space<vmem>> -> memref<1x744xi32, #tpu.memory_space<vmem>>
            %dma_wait3A_225 = tpu.memref_squeeze %dma_wait3A_224 : memref<1x744xi32, #tpu.memory_space<vmem>> -> memref<744xi32, #tpu.memory_space<vmem>>
            %dma_wait3A_226 = arith.constant 0 : i32
            %dma_wait3A_227 = arith.constant 0 : i32
            %dma_wait3A_228 = tpu.memref_slice %arg7[%dma_wait3A_226, %dma_wait3A_227] : memref<102400x16xf32, #tpu.memory_space<vmem_shared>> -> memref<102400x16xf32, #tpu.memory_space<vmem_shared>>
            tpu.wait_indirect_dma semaphore(%arg14 : memref<!tpu.dma_semaphore, #tpu.memory_space<semaphore_mem>>) src(%dma_wait3A_222 : memref<744x16xf32, #tpu.memory_space<vmem>>) dst(%dma_wait3A_228 : memref<102400x16xf32, #tpu.memory_space<vmem_shared>>)
          } else {
          }
          %add3A_174 = arith.constant 1 : i32
          %add3A_175 = arith.addi %add3A_142, %add3A_174 : i32
          %lt3A_176 = arith.constant 134 : i32
          %lt3A_177 = arith.cmpi slt, %add3A_175, %lt3A_176 : i32
          %convert_element_type3A_178 = arith.extui %lt3A_177 : i1 to i32
          %cond3A_179 = arith.constant 0 : i32
          %cond3A_180 = arith.cmpi ne, %convert_element_type3A_178, %cond3A_179 : i32
          scf.if %cond3A_180 {
            %add3A_217 = arith.constant 1 : i32
            %add3A_218 = arith.addi %add3A_142, %add3A_217 : i32
            %mul3A_219 = arith.constant 744 : i32
            %mul3A_220 = arith.muli %add3A_218, %mul3A_219 : i32
            %add3A_221 = arith.addi %mul3A_13, %mul3A_220 : i32
            %dma_start3A_222 = arith.constant 0 : i32
            %dma_start3A_223 = arith.constant 0 : i32
            %dma_start3A_224 = tpu.memref_slice %arg8[%dma_start3A_222, %dma_start3A_223] : memref<3x744xi32, #tpu.memory_space<vmem>> -> memref<1x744xi32, #tpu.memory_space<vmem>>
            %dma_start3A_225 = tpu.memref_squeeze %dma_start3A_224 : memref<1x744xi32, #tpu.memory_space<vmem>> -> memref<744xi32, #tpu.memory_space<vmem>>
            %dma_start3A_226 = tpu.memref_slice %arg4[%add3A_221] : memref<1600000xi32, #tpu.memory_space<hbm>> -> memref<744xi32, #tpu.memory_space<hbm>>
            %dma_start3A_227 = arith.constant 0 : i32
            %dma_start3A_228 = tpu.memref_slice %arg8[%dma_start3A_222, %dma_start3A_227] : memref<3x744xi32, #tpu.memory_space<vmem>> -> memref<1x744xi32, #tpu.memory_space<vmem>>
            %dma_start3A_229 = tpu.memref_squeeze %dma_start3A_228 : memref<1x744xi32, #tpu.memory_space<vmem>> -> memref<744xi32, #tpu.memory_space<vmem>>
            %dma_start3A_230 = tpu.memref_slice %arg4[%add3A_221] : memref<1600000xi32, #tpu.memory_space<hbm>> -> memref<744xi32, #tpu.memory_space<hbm>>
            tpu.enqueue_dma source(%dma_start3A_230 : memref<744xi32, #tpu.memory_space<hbm>>) target(%dma_start3A_229 : memref<744xi32, #tpu.memory_space<vmem>>) target_semaphore(%arg11 : memref<!tpu.dma_semaphore, #tpu.memory_space<semaphore_mem>>)
            %dma_start3A_231 = arith.constant 0 : i32
            %dma_start3A_232 = arith.constant 0 : i32
            %dma_start3A_233 = tpu.memref_slice %arg9[%dma_start3A_231, %dma_start3A_232] : memref<3x744xi32, #tpu.memory_space<vmem>> -> memref<1x744xi32, #tpu.memory_space<vmem>>
            %dma_start3A_234 = tpu.memref_squeeze %dma_start3A_233 : memref<1x744xi32, #tpu.memory_space<vmem>> -> memref<744xi32, #tpu.memory_space<vmem>>
            %dma_start3A_235 = tpu.memref_slice %arg5[%add3A_221] : memref<1600000xi32, #tpu.memory_space<hbm>> -> memref<744xi32, #tpu.memory_space<hbm>>
            %dma_start3A_236 = arith.constant 0 : i32
            %dma_start3A_237 = tpu.memref_slice %arg9[%dma_start3A_231, %dma_start3A_236] : memref<3x744xi32, #tpu.memory_space<vmem>> -> memref<1x744xi32, #tpu.memory_space<vmem>>
            %dma_start3A_238 = tpu.memref_squeeze %dma_start3A_237 : memref<1x744xi32, #tpu.memory_space<vmem>> -> memref<744xi32, #tpu.memory_space<vmem>>
            %dma_start3A_239 = tpu.memref_slice %arg5[%add3A_221] : memref<1600000xi32, #tpu.memory_space<hbm>> -> memref<744xi32, #tpu.memory_space<hbm>>
            tpu.enqueue_dma source(%dma_start3A_239 : memref<744xi32, #tpu.memory_space<hbm>>) target(%dma_start3A_238 : memref<744xi32, #tpu.memory_space<vmem>>) target_semaphore(%arg11 : memref<!tpu.dma_semaphore, #tpu.memory_space<semaphore_mem>>)
          } else {
          }
          %dma_start3A_181 = arith.constant 2 : i32
          %dma_start3A_182 = arith.constant 1 : i32
          %dma_start3A_183 = arith.constant 0 : i32
          %dma_start3A_184 = arith.constant 0 : i32
          %dma_start3A_185 = tpu.memref_slice %arg10[%dma_start3A_182, %dma_start3A_183, %dma_start3A_184] : memref<2x744x16xf32, #tpu.memory_space<vmem>> -> memref<1x744x16xf32, #tpu.memory_space<vmem>>
          %dma_start3A_186 = tpu.memref_squeeze %dma_start3A_185 : memref<1x744x16xf32, #tpu.memory_space<vmem>> -> memref<744x16xf32, #tpu.memory_space<vmem>>
          %dma_start3A_187 = arith.constant 0 : i32
          %dma_start3A_188 = tpu.memref_slice %arg8[%dma_start3A_181, %dma_start3A_187] : memref<3x744xi32, #tpu.memory_space<vmem>> -> memref<1x744xi32, #tpu.memory_space<vmem>>
          %dma_start3A_189 = tpu.memref_squeeze %dma_start3A_188 : memref<1x744xi32, #tpu.memory_space<vmem>> -> memref<744xi32, #tpu.memory_space<vmem>>
          %dma_start3A_190 = arith.constant 0 : i32
          %dma_start3A_191 = arith.constant 0 : i32
          %dma_start3A_192 = tpu.memref_slice %arg2[%dma_start3A_190, %dma_start3A_191] : memref<102400x16xf32, #tpu.memory_space<hbm>> -> memref<102400x16xf32, #tpu.memory_space<hbm>>
          tpu.enqueue_indirect_dma source(%dma_start3A_192 : memref<102400x16xf32, #tpu.memory_space<hbm>>) target(%dma_start3A_186 : memref<744x16xf32, #tpu.memory_space<vmem>>) offsets(%dma_start3A_189 : memref<744xi32, #tpu.memory_space<vmem>>) semaphore(%arg12 : memref<!tpu.dma_semaphore, #tpu.memory_space<semaphore_mem>>)
          %dma_wait3A_193 = arith.constant 2 : i32
          %dma_wait3A_194 = arith.constant 1 : i32
          %dma_wait3A_195 = arith.constant 0 : i32
          %dma_wait3A_196 = arith.constant 0 : i32
          %dma_wait3A_197 = tpu.memref_slice %arg10[%dma_wait3A_194, %dma_wait3A_195, %dma_wait3A_196] : memref<2x744x16xf32, #tpu.memory_space<vmem>> -> memref<1x744x16xf32, #tpu.memory_space<vmem>>
          %dma_wait3A_198 = tpu.memref_squeeze %dma_wait3A_197 : memref<1x744x16xf32, #tpu.memory_space<vmem>> -> memref<744x16xf32, #tpu.memory_space<vmem>>
          %dma_wait3A_199 = arith.constant 0 : i32
          %dma_wait3A_200 = tpu.memref_slice %arg8[%dma_wait3A_193, %dma_wait3A_199] : memref<3x744xi32, #tpu.memory_space<vmem>> -> memref<1x744xi32, #tpu.memory_space<vmem>>
          %dma_wait3A_201 = tpu.memref_squeeze %dma_wait3A_200 : memref<1x744xi32, #tpu.memory_space<vmem>> -> memref<744xi32, #tpu.memory_space<vmem>>
          %dma_wait3A_202 = arith.constant 0 : i32
          %dma_wait3A_203 = arith.constant 0 : i32
          %dma_wait3A_204 = tpu.memref_slice %arg2[%dma_wait3A_202, %dma_wait3A_203] : memref<102400x16xf32, #tpu.memory_space<hbm>> -> memref<102400x16xf32, #tpu.memory_space<hbm>>
          tpu.wait_indirect_dma semaphore(%arg12 : memref<!tpu.dma_semaphore, #tpu.memory_space<semaphore_mem>>) src(%dma_wait3A_204 : memref<102400x16xf32, #tpu.memory_space<hbm>>) dst(%dma_wait3A_198 : memref<744x16xf32, #tpu.memory_space<vmem>>)
          %dma_start3A_205 = arith.constant 1 : i32
          %dma_start3A_206 = arith.constant 2 : i32
          %dma_start3A_207 = arith.constant 0 : i32
          %dma_start3A_208 = arith.constant 0 : i32
          %dma_start3A_209 = tpu.memref_slice %arg10[%dma_start3A_205, %dma_start3A_207, %dma_start3A_208] : memref<2x744x16xf32, #tpu.memory_space<vmem>> -> memref<1x744x16xf32, #tpu.memory_space<vmem>>
          %dma_start3A_210 = tpu.memref_squeeze %dma_start3A_209 : memref<1x744x16xf32, #tpu.memory_space<vmem>> -> memref<744x16xf32, #tpu.memory_space<vmem>>
          %dma_start3A_211 = arith.constant 0 : i32
          %dma_start3A_212 = tpu.memref_slice %arg9[%dma_start3A_206, %dma_start3A_211] : memref<3x744xi32, #tpu.memory_space<vmem>> -> memref<1x744xi32, #tpu.memory_space<vmem>>
          %dma_start3A_213 = tpu.memref_squeeze %dma_start3A_212 : memref<1x744xi32, #tpu.memory_space<vmem>> -> memref<744xi32, #tpu.memory_space<vmem>>
          %dma_start3A_214 = arith.constant 0 : i32
          %dma_start3A_215 = arith.constant 0 : i32
          %dma_start3A_216 = tpu.memref_slice %arg7[%dma_start3A_214, %dma_start3A_215] : memref<102400x16xf32, #tpu.memory_space<vmem_shared>> -> memref<102400x16xf32, #tpu.memory_space<vmem_shared>>
          tpu.enqueue_indirect_dma source(%dma_start3A_210 : memref<744x16xf32, #tpu.memory_space<vmem>>) target(%dma_start3A_216 : memref<102400x16xf32, #tpu.memory_space<vmem_shared>>) offsets(%dma_start3A_213 : memref<744xi32, #tpu.memory_space<vmem>>) semaphore(%arg14 : memref<!tpu.dma_semaphore, #tpu.memory_space<semaphore_mem>>) {add = true}
        } else {
        }
      }
      %scan3A_51 = arith.constant 23 : i32
      %dma_wait3A = arith.constant 0 : i32
      %dma_wait3A_52 = arith.constant 0 : i32
      %dma_wait3A_53 = arith.constant 0 : i32
      %dma_wait3A_54 = arith.constant 0 : i32
      %dma_wait3A_55 = tpu.memref_slice %arg10[%dma_wait3A, %dma_wait3A_53, %dma_wait3A_54] : memref<2x744x16xf32, #tpu.memory_space<vmem>> -> memref<1x744x16xf32, #tpu.memory_space<vmem>>
      %dma_wait3A_56 = tpu.memref_squeeze %dma_wait3A_55 : memref<1x744x16xf32, #tpu.memory_space<vmem>> -> memref<744x16xf32, #tpu.memory_space<vmem>>
      %dma_wait3A_57 = arith.constant 0 : i32
      %dma_wait3A_58 = tpu.memref_slice %arg9[%dma_wait3A_52, %dma_wait3A_57] : memref<3x744xi32, #tpu.memory_space<vmem>> -> memref<1x744xi32, #tpu.memory_space<vmem>>
      %dma_wait3A_59 = tpu.memref_squeeze %dma_wait3A_58 : memref<1x744xi32, #tpu.memory_space<vmem>> -> memref<744xi32, #tpu.memory_space<vmem>>
      %dma_wait3A_60 = arith.constant 0 : i32
      %dma_wait3A_61 = arith.constant 0 : i32
      %dma_wait3A_62 = tpu.memref_slice %arg7[%dma_wait3A_60, %dma_wait3A_61] : memref<102400x16xf32, #tpu.memory_space<vmem_shared>> -> memref<102400x16xf32, #tpu.memory_space<vmem_shared>>
      tpu.wait_indirect_dma semaphore(%arg13 : memref<!tpu.dma_semaphore, #tpu.memory_space<semaphore_mem>>) src(%dma_wait3A_56 : memref<744x16xf32, #tpu.memory_space<vmem>>) dst(%dma_wait3A_62 : memref<102400x16xf32, #tpu.memory_space<vmem_shared>>)
      %dma_wait3A_63 = arith.constant 1 : i32
      %dma_wait3A_64 = arith.constant 1 : i32
      %dma_wait3A_65 = arith.constant 0 : i32
      %dma_wait3A_66 = arith.constant 0 : i32
      %dma_wait3A_67 = tpu.memref_slice %arg10[%dma_wait3A_63, %dma_wait3A_65, %dma_wait3A_66] : memref<2x744x16xf32, #tpu.memory_space<vmem>> -> memref<1x744x16xf32, #tpu.memory_space<vmem>>
      %dma_wait3A_68 = tpu.memref_squeeze %dma_wait3A_67 : memref<1x744x16xf32, #tpu.memory_space<vmem>> -> memref<744x16xf32, #tpu.memory_space<vmem>>
      %dma_wait3A_69 = arith.constant 0 : i32
      %dma_wait3A_70 = tpu.memref_slice %arg9[%dma_wait3A_64, %dma_wait3A_69] : memref<3x744xi32, #tpu.memory_space<vmem>> -> memref<1x744xi32, #tpu.memory_space<vmem>>
      %dma_wait3A_71 = tpu.memref_squeeze %dma_wait3A_70 : memref<1x744xi32, #tpu.memory_space<vmem>> -> memref<744xi32, #tpu.memory_space<vmem>>
      %dma_wait3A_72 = arith.constant 0 : i32
      %dma_wait3A_73 = arith.constant 0 : i32
      %dma_wait3A_74 = tpu.memref_slice %arg7[%dma_wait3A_72, %dma_wait3A_73] : memref<102400x16xf32, #tpu.memory_space<vmem_shared>> -> memref<102400x16xf32, #tpu.memory_space<vmem_shared>>
      tpu.wait_indirect_dma semaphore(%arg14 : memref<!tpu.dma_semaphore, #tpu.memory_space<semaphore_mem>>) src(%dma_wait3A_68 : memref<744x16xf32, #tpu.memory_space<vmem>>) dst(%dma_wait3A_74 : memref<102400x16xf32, #tpu.memory_space<vmem_shared>>)
      %add3A_75 = arith.constant 99696 : i32
      %add3A_76 = arith.addi %mul3A_13, %add3A_75 : i32
      %run_scoped3A = arith.constant 0 : i32
      "tpu.region"() ({
        %run_scoped3A_104 = tpu.sem_alloc : memref<!tpu.dma_semaphore, #tpu.memory_space<semaphore_mem>>
        %dma_start3A_105 = arith.constant 0 : i32
        %dma_start3A_106 = tpu.memref_slice %arg8[%run_scoped3A, %dma_start3A_105] : memref<3x744xi32, #tpu.memory_space<vmem>> -> memref<1x304xi32, #tpu.memory_space<vmem>>
        %dma_start3A_107 = tpu.memref_squeeze %dma_start3A_106 : memref<1x304xi32, #tpu.memory_space<vmem>> -> memref<304xi32, #tpu.memory_space<vmem>>
        %dma_start3A_108 = tpu.memref_slice %arg4[%add3A_76] : memref<1600000xi32, #tpu.memory_space<hbm>> -> memref<304xi32, #tpu.memory_space<hbm>>
        %dma_start3A_109 = arith.constant 0 : i32
        %dma_start3A_110 = tpu.memref_slice %arg8[%run_scoped3A, %dma_start3A_109] : memref<3x744xi32, #tpu.memory_space<vmem>> -> memref<1x304xi32, #tpu.memory_space<vmem>>
        %dma_start3A_111 = tpu.memref_squeeze %dma_start3A_110 : memref<1x304xi32, #tpu.memory_space<vmem>> -> memref<304xi32, #tpu.memory_space<vmem>>
        %dma_start3A_112 = tpu.memref_slice %arg4[%add3A_76] : memref<1600000xi32, #tpu.memory_space<hbm>> -> memref<304xi32, #tpu.memory_space<hbm>>
        tpu.enqueue_dma source(%dma_start3A_112 : memref<304xi32, #tpu.memory_space<hbm>>) target(%dma_start3A_111 : memref<304xi32, #tpu.memory_space<vmem>>) target_semaphore(%run_scoped3A_104 : memref<!tpu.dma_semaphore, #tpu.memory_space<semaphore_mem>>)
        %dma_wait3A_113 = arith.constant 0 : i32
        %dma_wait3A_114 = tpu.memref_slice %arg8[%run_scoped3A, %dma_wait3A_113] : memref<3x744xi32, #tpu.memory_space<vmem>> -> memref<1x304xi32, #tpu.memory_space<vmem>>
        %dma_wait3A_115 = tpu.memref_squeeze %dma_wait3A_114 : memref<1x304xi32, #tpu.memory_space<vmem>> -> memref<304xi32, #tpu.memory_space<vmem>>
        %dma_wait3A_116 = tpu.memref_slice %arg4[%add3A_76] : memref<1600000xi32, #tpu.memory_space<hbm>> -> memref<304xi32, #tpu.memory_space<hbm>>
        %dma_wait3A_117 = arith.constant 0 : i32
        %dma_wait3A_118 = tpu.memref_slice %arg8[%run_scoped3A, %dma_wait3A_117] : memref<3x744xi32, #tpu.memory_space<vmem>> -> memref<1x304xi32, #tpu.memory_space<vmem>>
        %dma_wait3A_119 = tpu.memref_squeeze %dma_wait3A_118 : memref<1x304xi32, #tpu.memory_space<vmem>> -> memref<304xi32, #tpu.memory_space<vmem>>
        %dma_wait3A_120 = tpu.memref_slice %arg4[%add3A_76] : memref<1600000xi32, #tpu.memory_space<hbm>> -> memref<304xi32, #tpu.memory_space<hbm>>
        tpu.wait_dma2 semaphore(%run_scoped3A_104 : memref<!tpu.dma_semaphore, #tpu.memory_space<semaphore_mem>>) src(%dma_wait3A_120 : memref<304xi32, #tpu.memory_space<hbm>>) dst(%dma_wait3A_119 : memref<304xi32, #tpu.memory_space<vmem>>)
        tpu.yield
      }) : () -> ()
      %run_scoped3A_77 = arith.constant 0 : i32
      "tpu.region"() ({
        %run_scoped3A_104 = tpu.sem_alloc : memref<!tpu.dma_semaphore, #tpu.memory_space<semaphore_mem>>
        %dma_start3A_105 = arith.constant 0 : i32
        %dma_start3A_106 = tpu.memref_slice %arg9[%run_scoped3A_77, %dma_start3A_105] : memref<3x744xi32, #tpu.memory_space<vmem>> -> memref<1x304xi32, #tpu.memory_space<vmem>>
        %dma_start3A_107 = tpu.memref_squeeze %dma_start3A_106 : memref<1x304xi32, #tpu.memory_space<vmem>> -> memref<304xi32, #tpu.memory_space<vmem>>
        %dma_start3A_108 = tpu.memref_slice %arg5[%add3A_76] : memref<1600000xi32, #tpu.memory_space<hbm>> -> memref<304xi32, #tpu.memory_space<hbm>>
        %dma_start3A_109 = arith.constant 0 : i32
        %dma_start3A_110 = tpu.memref_slice %arg9[%run_scoped3A_77, %dma_start3A_109] : memref<3x744xi32, #tpu.memory_space<vmem>> -> memref<1x304xi32, #tpu.memory_space<vmem>>
        %dma_start3A_111 = tpu.memref_squeeze %dma_start3A_110 : memref<1x304xi32, #tpu.memory_space<vmem>> -> memref<304xi32, #tpu.memory_space<vmem>>
        %dma_start3A_112 = tpu.memref_slice %arg5[%add3A_76] : memref<1600000xi32, #tpu.memory_space<hbm>> -> memref<304xi32, #tpu.memory_space<hbm>>
        tpu.enqueue_dma source(%dma_start3A_112 : memref<304xi32, #tpu.memory_space<hbm>>) target(%dma_start3A_111 : memref<304xi32, #tpu.memory_space<vmem>>) target_semaphore(%run_scoped3A_104 : memref<!tpu.dma_semaphore, #tpu.memory_space<semaphore_mem>>)
        %dma_wait3A_113 = arith.constant 0 : i32
        %dma_wait3A_114 = tpu.memref_slice %arg9[%run_scoped3A_77, %dma_wait3A_113] : memref<3x744xi32, #tpu.memory_space<vmem>> -> memref<1x304xi32, #tpu.memory_space<vmem>>
        %dma_wait3A_115 = tpu.memref_squeeze %dma_wait3A_114 : memref<1x304xi32, #tpu.memory_space<vmem>> -> memref<304xi32, #tpu.memory_space<vmem>>
        %dma_wait3A_116 = tpu.memref_slice %arg5[%add3A_76] : memref<1600000xi32, #tpu.memory_space<hbm>> -> memref<304xi32, #tpu.memory_space<hbm>>
        %dma_wait3A_117 = arith.constant 0 : i32
        %dma_wait3A_118 = tpu.memref_slice %arg9[%run_scoped3A_77, %dma_wait3A_117] : memref<3x744xi32, #tpu.memory_space<vmem>> -> memref<1x304xi32, #tpu.memory_space<vmem>>
        %dma_wait3A_119 = tpu.memref_squeeze %dma_wait3A_118 : memref<1x304xi32, #tpu.memory_space<vmem>> -> memref<304xi32, #tpu.memory_space<vmem>>
        %dma_wait3A_120 = tpu.memref_slice %arg5[%add3A_76] : memref<1600000xi32, #tpu.memory_space<hbm>> -> memref<304xi32, #tpu.memory_space<hbm>>
        tpu.wait_dma2 semaphore(%run_scoped3A_104 : memref<!tpu.dma_semaphore, #tpu.memory_space<semaphore_mem>>) src(%dma_wait3A_120 : memref<304xi32, #tpu.memory_space<hbm>>) dst(%dma_wait3A_119 : memref<304xi32, #tpu.memory_space<vmem>>)
        tpu.yield
      }) : () -> ()
      %dma_start3A_78 = arith.constant 0 : i32
      %dma_start3A_79 = arith.constant 0 : i32
      %dma_start3A_80 = arith.constant 0 : i32
      %dma_start3A_81 = arith.constant 0 : i32
      %dma_start3A_82 = tpu.memref_slice %arg10[%dma_start3A_79, %dma_start3A_80, %dma_start3A_81] : memref<2x744x16xf32, #tpu.memory_space<vmem>> -> memref<1x304x16xf32, #tpu.memory_space<vmem>>
      %dma_start3A_83 = tpu.memref_squeeze %dma_start3A_82 : memref<1x304x16xf32, #tpu.memory_space<vmem>> -> memref<304x16xf32, #tpu.memory_space<vmem>>
      %dma_start3A_84 = arith.constant 0 : i32
      %dma_start3A_85 = tpu.memref_slice %arg8[%dma_start3A_78, %dma_start3A_84] : memref<3x744xi32, #tpu.memory_space<vmem>> -> memref<1x304xi32, #tpu.memory_space<vmem>>
      %dma_start3A_86 = tpu.memref_squeeze %dma_start3A_85 : memref<1x304xi32, #tpu.memory_space<vmem>> -> memref<304xi32, #tpu.memory_space<vmem>>
      %dma_start3A_87 = arith.constant 0 : i32
      %dma_start3A_88 = arith.constant 0 : i32
      %dma_start3A_89 = tpu.memref_slice %arg2[%dma_start3A_87, %dma_start3A_88] : memref<102400x16xf32, #tpu.memory_space<hbm>> -> memref<102400x16xf32, #tpu.memory_space<hbm>>
      tpu.enqueue_indirect_dma source(%dma_start3A_89 : memref<102400x16xf32, #tpu.memory_space<hbm>>) target(%dma_start3A_83 : memref<304x16xf32, #tpu.memory_space<vmem>>) offsets(%dma_start3A_86 : memref<304xi32, #tpu.memory_space<vmem>>) semaphore(%arg12 : memref<!tpu.dma_semaphore, #tpu.memory_space<semaphore_mem>>)
      %dma_wait3A_90 = arith.constant 0 : i32
      %dma_wait3A_91 = arith.constant 0 : i32
      %dma_wait3A_92 = arith.constant 0 : i32
      %dma_wait3A_93 = arith.constant 0 : i32
      %dma_wait3A_94 = tpu.memref_slice %arg10[%dma_wait3A_91, %dma_wait3A_92, %dma_wait3A_93] : memref<2x744x16xf32, #tpu.memory_space<vmem>> -> memref<1x304x16xf32, #tpu.memory_space<vmem>>
      %dma_wait3A_95 = tpu.memref_squeeze %dma_wait3A_94 : memref<1x304x16xf32, #tpu.memory_space<vmem>> -> memref<304x16xf32, #tpu.memory_space<vmem>>
      %dma_wait3A_96 = arith.constant 0 : i32
      %dma_wait3A_97 = tpu.memref_slice %arg8[%dma_wait3A_90, %dma_wait3A_96] : memref<3x744xi32, #tpu.memory_space<vmem>> -> memref<1x304xi32, #tpu.memory_space<vmem>>
      %dma_wait3A_98 = tpu.memref_squeeze %dma_wait3A_97 : memref<1x304xi32, #tpu.memory_space<vmem>> -> memref<304xi32, #tpu.memory_space<vmem>>
      %dma_wait3A_99 = arith.constant 0 : i32
      %dma_wait3A_100 = arith.constant 0 : i32
      %dma_wait3A_101 = tpu.memref_slice %arg2[%dma_wait3A_99, %dma_wait3A_100] : memref<102400x16xf32, #tpu.memory_space<hbm>> -> memref<102400x16xf32, #tpu.memory_space<hbm>>
      tpu.wait_indirect_dma semaphore(%arg12 : memref<!tpu.dma_semaphore, #tpu.memory_space<semaphore_mem>>) src(%dma_wait3A_101 : memref<102400x16xf32, #tpu.memory_space<hbm>>) dst(%dma_wait3A_95 : memref<304x16xf32, #tpu.memory_space<vmem>>)
      %run_scoped3A_102 = arith.constant 0 : i32
      %run_scoped3A_103 = arith.constant 0 : i32
      "tpu.region"() ({
        %run_scoped3A_104 = tpu.sem_alloc : memref<!tpu.dma_semaphore, #tpu.memory_space<semaphore_mem>>
        %dma_start3A_105 = arith.constant 0 : i32
        %dma_start3A_106 = arith.constant 0 : i32
        %dma_start3A_107 = tpu.memref_slice %arg10[%run_scoped3A_102, %dma_start3A_105, %dma_start3A_106] : memref<2x744x16xf32, #tpu.memory_space<vmem>> -> memref<1x304x16xf32, #tpu.memory_space<vmem>>
        %dma_start3A_108 = tpu.memref_squeeze %dma_start3A_107 : memref<1x304x16xf32, #tpu.memory_space<vmem>> -> memref<304x16xf32, #tpu.memory_space<vmem>>
        %dma_start3A_109 = arith.constant 0 : i32
        %dma_start3A_110 = tpu.memref_slice %arg9[%run_scoped3A_103, %dma_start3A_109] : memref<3x744xi32, #tpu.memory_space<vmem>> -> memref<1x304xi32, #tpu.memory_space<vmem>>
        %dma_start3A_111 = tpu.memref_squeeze %dma_start3A_110 : memref<1x304xi32, #tpu.memory_space<vmem>> -> memref<304xi32, #tpu.memory_space<vmem>>
        %dma_start3A_112 = arith.constant 0 : i32
        %dma_start3A_113 = arith.constant 0 : i32
        %dma_start3A_114 = tpu.memref_slice %arg7[%dma_start3A_112, %dma_start3A_113] : memref<102400x16xf32, #tpu.memory_space<vmem_shared>> -> memref<102400x16xf32, #tpu.memory_space<vmem_shared>>
        tpu.enqueue_indirect_dma source(%dma_start3A_108 : memref<304x16xf32, #tpu.memory_space<vmem>>) target(%dma_start3A_114 : memref<102400x16xf32, #tpu.memory_space<vmem_shared>>) offsets(%dma_start3A_111 : memref<304xi32, #tpu.memory_space<vmem>>) semaphore(%run_scoped3A_104 : memref<!tpu.dma_semaphore, #tpu.memory_space<semaphore_mem>>) {add = true}
        %dma_wait3A_115 = arith.constant 0 : i32
        %dma_wait3A_116 = arith.constant 0 : i32
        %dma_wait3A_117 = tpu.memref_slice %arg10[%run_scoped3A_102, %dma_wait3A_115, %dma_wait3A_116] : memref<2x744x16xf32, #tpu.memory_space<vmem>> -> memref<1x304x16xf32, #tpu.memory_space<vmem>>
        %dma_wait3A_118 = tpu.memref_squeeze %dma_wait3A_117 : memref<1x304x16xf32, #tpu.memory_space<vmem>> -> memref<304x16xf32, #tpu.memory_space<vmem>>
        %dma_wait3A_119 = arith.constant 0 : i32
        %dma_wait3A_120 = tpu.memref_slice %arg9[%run_scoped3A_103, %dma_wait3A_119] : memref<3x744xi32, #tpu.memory_space<vmem>> -> memref<1x304xi32, #tpu.memory_space<vmem>>
        %dma_wait3A_121 = tpu.memref_squeeze %dma_wait3A_120 : memref<1x304xi32, #tpu.memory_space<vmem>> -> memref<304xi32, #tpu.memory_space<vmem>>
        %dma_wait3A_122 = arith.constant 0 : i32
        %dma_wait3A_123 = arith.constant 0 : i32
        %dma_wait3A_124 = tpu.memref_slice %arg7[%dma_wait3A_122, %dma_wait3A_123] : memref<102400x16xf32, #tpu.memory_space<vmem_shared>> -> memref<102400x16xf32, #tpu.memory_space<vmem_shared>>
        tpu.wait_indirect_dma semaphore(%run_scoped3A_104 : memref<!tpu.dma_semaphore, #tpu.memory_space<semaphore_mem>>) src(%dma_wait3A_118 : memref<304x16xf32, #tpu.memory_space<vmem>>) dst(%dma_wait3A_124 : memref<102400x16xf32, #tpu.memory_space<vmem_shared>>)
        tpu.yield
      }) : () -> ()
    } else {
    }
    %eq3A_16 = arith.constant 1 : i32
    %eq3A_17 = arith.cmpi eq, %arg0, %eq3A_16 : i32
    %convert_element_type3A_18 = arith.extui %eq3A_17 : i1 to i32
    %cond3A_19 = arith.constant 0 : i32
    %cond3A_20 = arith.cmpi ne, %convert_element_type3A_18, %cond3A_19 : i32
    scf.if %cond3A_20 {
      %add3A = arith.constant 0 : i32
      %add3A_28 = arith.addi %mul3A_13, %add3A : i32
      %dma_start3A = arith.constant 0 : i32
      %dma_start3A_29 = arith.constant 0 : i32
      %dma_start3A_30 = tpu.memref_slice %arg8[%dma_start3A, %dma_start3A_29] : memref<3x744xi32, #tpu.memory_space<vmem>> -> memref<1x744xi32, #tpu.memory_space<vmem>>
      %dma_start3A_31 = tpu.memref_squeeze %dma_start3A_30 : memref<1x744xi32, #tpu.memory_space<vmem>> -> memref<744xi32, #tpu.memory_space<vmem>>
      %dma_start3A_32 = tpu.memref_slice %arg4[%add3A_28] : memref<1600000xi32, #tpu.memory_space<hbm>> -> memref<744xi32, #tpu.memory_space<hbm>>
      %dma_start3A_33 = arith.constant 0 : i32
      %dma_start3A_34 = tpu.memref_slice %arg8[%dma_start3A, %dma_start3A_33] : memref<3x744xi32, #tpu.memory_space<vmem>> -> memref<1x744xi32, #tpu.memory_space<vmem>>
      %dma_start3A_35 = tpu.memref_squeeze %dma_start3A_34 : memref<1x744xi32, #tpu.memory_space<vmem>> -> memref<744xi32, #tpu.memory_space<vmem>>
      %dma_start3A_36 = tpu.memref_slice %arg4[%add3A_28] : memref<1600000xi32, #tpu.memory_space<hbm>> -> memref<744xi32, #tpu.memory_space<hbm>>
      tpu.enqueue_dma source(%dma_start3A_36 : memref<744xi32, #tpu.memory_space<hbm>>) target(%dma_start3A_35 : memref<744xi32, #tpu.memory_space<vmem>>) target_semaphore(%arg11 : memref<!tpu.dma_semaphore, #tpu.memory_space<semaphore_mem>>)
      %dma_start3A_37 = arith.constant 0 : i32
      %dma_start3A_38 = arith.constant 0 : i32
      %dma_start3A_39 = tpu.memref_slice %arg9[%dma_start3A_37, %dma_start3A_38] : memref<3x744xi32, #tpu.memory_space<vmem>> -> memref<1x744xi32, #tpu.memory_space<vmem>>
      %dma_start3A_40 = tpu.memref_squeeze %dma_start3A_39 : memref<1x744xi32, #tpu.memory_space<vmem>> -> memref<744xi32, #tpu.memory_space<vmem>>
      %dma_start3A_41 = tpu.memref_slice %arg5[%add3A_28] : memref<1600000xi32, #tpu.memory_space<hbm>> -> memref<744xi32, #tpu.memory_space<hbm>>
      %dma_start3A_42 = arith.constant 0 : i32
      %dma_start3A_43 = tpu.memref_slice %arg9[%dma_start3A_37, %dma_start3A_42] : memref<3x744xi32, #tpu.memory_space<vmem>> -> memref<1x744xi32, #tpu.memory_space<vmem>>
      %dma_start3A_44 = tpu.memref_squeeze %dma_start3A_43 : memref<1x744xi32, #tpu.memory_space<vmem>> -> memref<744xi32, #tpu.memory_space<vmem>>
      %dma_start3A_45 = tpu.memref_slice %arg5[%add3A_28] : memref<1600000xi32, #tpu.memory_space<hbm>> -> memref<744xi32, #tpu.memory_space<hbm>>
      tpu.enqueue_dma source(%dma_start3A_45 : memref<744xi32, #tpu.memory_space<hbm>>) target(%dma_start3A_44 : memref<744xi32, #tpu.memory_space<vmem>>) target_semaphore(%arg11 : memref<!tpu.dma_semaphore, #tpu.memory_space<semaphore_mem>>)
      %scan3A_46 = arith.constant 0 : i32
      %scan3A_47 = arith.constant 0 : i32
      %scan3A_48 = arith.constant 23 : i32
      %scan3A_49 = arith.addi %scan3A_47, %scan3A_48 : i32
      %scan3A_50 = arith.constant 1 : i32
      scf.for %scan3A_104 = %scan3A_47 to %scan3A_49 step %scan3A_50  : i32 {
        %mul3A_105 = arith.constant 6 : i32
        %mul3A_106 = arith.muli %scan3A_104, %mul3A_105 : i32
        %add3A_107 = arith.constant 0 : i32
        %add3A_108 = arith.addi %mul3A_106, %add3A_107 : i32
        %lt3A = arith.constant 134 : i32
        %lt3A_109 = arith.cmpi slt, %add3A_108, %lt3A : i32
        %convert_element_type3A_110 = arith.extui %lt3A_109 : i1 to i32
        %cond3A_111 = arith.constant 0 : i32
        %cond3A_112 = arith.cmpi ne, %convert_element_type3A_110, %cond3A_111 : i32
        scf.if %cond3A_112 {
          %dma_wait3A_148 = arith.constant 0 : i32
          %dma_wait3A_149 = arith.constant 0 : i32
          %dma_wait3A_150 = tpu.memref_slice %arg8[%dma_wait3A_148, %dma_wait3A_149] : memref<3x744xi32, #tpu.memory_space<vmem>> -> memref<1x744xi32, #tpu.memory_space<vmem>>
          %dma_wait3A_151 = tpu.memref_squeeze %dma_wait3A_150 : memref<1x744xi32, #tpu.memory_space<vmem>> -> memref<744xi32, #tpu.memory_space<vmem>>
          %dma_wait3A_152 = arith.constant 0 : i32
          %dma_wait3A_153 = tpu.memref_slice %arg4[%dma_wait3A_152] : memref<1600000xi32, #tpu.memory_space<hbm>> -> memref<744xi32, #tpu.memory_space<hbm>>
          %dma_wait3A_154 = arith.constant 0 : i32
          %dma_wait3A_155 = tpu.memref_slice %arg8[%dma_wait3A_148, %dma_wait3A_154] : memref<3x744xi32, #tpu.memory_space<vmem>> -> memref<1x744xi32, #tpu.memory_space<vmem>>
          %dma_wait3A_156 = tpu.memref_squeeze %dma_wait3A_155 : memref<1x744xi32, #tpu.memory_space<vmem>> -> memref<744xi32, #tpu.memory_space<vmem>>
          %dma_wait3A_157 = arith.constant 0 : i32
          %dma_wait3A_158 = tpu.memref_slice %arg4[%dma_wait3A_157] : memref<1600000xi32, #tpu.memory_space<hbm>> -> memref<744xi32, #tpu.memory_space<hbm>>
          tpu.wait_dma2 semaphore(%arg11 : memref<!tpu.dma_semaphore, #tpu.memory_space<semaphore_mem>>) src(%dma_wait3A_158 : memref<744xi32, #tpu.memory_space<hbm>>) dst(%dma_wait3A_156 : memref<744xi32, #tpu.memory_space<vmem>>)
          %dma_wait3A_159 = arith.constant 0 : i32
          %dma_wait3A_160 = arith.constant 0 : i32
          %dma_wait3A_161 = tpu.memref_slice %arg9[%dma_wait3A_159, %dma_wait3A_160] : memref<3x744xi32, #tpu.memory_space<vmem>> -> memref<1x744xi32, #tpu.memory_space<vmem>>
          %dma_wait3A_162 = tpu.memref_squeeze %dma_wait3A_161 : memref<1x744xi32, #tpu.memory_space<vmem>> -> memref<744xi32, #tpu.memory_space<vmem>>
          %dma_wait3A_163 = arith.constant 0 : i32
          %dma_wait3A_164 = tpu.memref_slice %arg5[%dma_wait3A_163] : memref<1600000xi32, #tpu.memory_space<hbm>> -> memref<744xi32, #tpu.memory_space<hbm>>
          %dma_wait3A_165 = arith.constant 0 : i32
          %dma_wait3A_166 = tpu.memref_slice %arg9[%dma_wait3A_159, %dma_wait3A_165] : memref<3x744xi32, #tpu.memory_space<vmem>> -> memref<1x744xi32, #tpu.memory_space<vmem>>
          %dma_wait3A_167 = tpu.memref_squeeze %dma_wait3A_166 : memref<1x744xi32, #tpu.memory_space<vmem>> -> memref<744xi32, #tpu.memory_space<vmem>>
          %dma_wait3A_168 = arith.constant 0 : i32
          %dma_wait3A_169 = tpu.memref_slice %arg5[%dma_wait3A_168] : memref<1600000xi32, #tpu.memory_space<hbm>> -> memref<744xi32, #tpu.memory_space<hbm>>
          tpu.wait_dma2 semaphore(%arg11 : memref<!tpu.dma_semaphore, #tpu.memory_space<semaphore_mem>>) src(%dma_wait3A_169 : memref<744xi32, #tpu.memory_space<hbm>>) dst(%dma_wait3A_167 : memref<744xi32, #tpu.memory_space<vmem>>)
          %ge3A = arith.constant 2 : i32
          %ge3A_170 = arith.cmpi sge, %add3A_108, %ge3A : i32
          %convert_element_type3A_171 = arith.extui %ge3A_170 : i1 to i32
          %cond3A_172 = arith.constant 0 : i32
          %cond3A_173 = arith.cmpi ne, %convert_element_type3A_171, %cond3A_172 : i32
          scf.if %cond3A_173 {
            %dma_wait3A_217 = arith.constant 0 : i32
            %dma_wait3A_218 = arith.constant 1 : i32
            %dma_wait3A_219 = arith.constant 0 : i32
            %dma_wait3A_220 = arith.constant 0 : i32
            %dma_wait3A_221 = tpu.memref_slice %arg10[%dma_wait3A_217, %dma_wait3A_219, %dma_wait3A_220] : memref<2x744x16xf32, #tpu.memory_space<vmem>> -> memref<1x744x16xf32, #tpu.memory_space<vmem>>
            %dma_wait3A_222 = tpu.memref_squeeze %dma_wait3A_221 : memref<1x744x16xf32, #tpu.memory_space<vmem>> -> memref<744x16xf32, #tpu.memory_space<vmem>>
            %dma_wait3A_223 = arith.constant 0 : i32
            %dma_wait3A_224 = tpu.memref_slice %arg9[%dma_wait3A_218, %dma_wait3A_223] : memref<3x744xi32, #tpu.memory_space<vmem>> -> memref<1x744xi32, #tpu.memory_space<vmem>>
            %dma_wait3A_225 = tpu.memref_squeeze %dma_wait3A_224 : memref<1x744xi32, #tpu.memory_space<vmem>> -> memref<744xi32, #tpu.memory_space<vmem>>
            %dma_wait3A_226 = arith.constant 0 : i32
            %dma_wait3A_227 = arith.constant 0 : i32
            %dma_wait3A_228 = tpu.memref_slice %arg7[%dma_wait3A_226, %dma_wait3A_227] : memref<102400x16xf32, #tpu.memory_space<vmem_shared>> -> memref<102400x16xf32, #tpu.memory_space<vmem_shared>>
            tpu.wait_indirect_dma semaphore(%arg13 : memref<!tpu.dma_semaphore, #tpu.memory_space<semaphore_mem>>) src(%dma_wait3A_222 : memref<744x16xf32, #tpu.memory_space<vmem>>) dst(%dma_wait3A_228 : memref<102400x16xf32, #tpu.memory_space<vmem_shared>>)
          } else {
          }
          %add3A_174 = arith.constant 1 : i32
          %add3A_175 = arith.addi %add3A_108, %add3A_174 : i32
          %lt3A_176 = arith.constant 134 : i32
          %lt3A_177 = arith.cmpi slt, %add3A_175, %lt3A_176 : i32
          %convert_element_type3A_178 = arith.extui %lt3A_177 : i1 to i32
          %cond3A_179 = arith.constant 0 : i32
          %cond3A_180 = arith.cmpi ne, %convert_element_type3A_178, %cond3A_179 : i32
          scf.if %cond3A_180 {
            %add3A_217 = arith.constant 1 : i32
            %add3A_218 = arith.addi %add3A_108, %add3A_217 : i32
            %mul3A_219 = arith.constant 744 : i32
            %mul3A_220 = arith.muli %add3A_218, %mul3A_219 : i32
            %add3A_221 = arith.addi %mul3A_13, %mul3A_220 : i32
            %dma_start3A_222 = arith.constant 1 : i32
            %dma_start3A_223 = arith.constant 0 : i32
            %dma_start3A_224 = tpu.memref_slice %arg8[%dma_start3A_222, %dma_start3A_223] : memref<3x744xi32, #tpu.memory_space<vmem>> -> memref<1x744xi32, #tpu.memory_space<vmem>>
            %dma_start3A_225 = tpu.memref_squeeze %dma_start3A_224 : memref<1x744xi32, #tpu.memory_space<vmem>> -> memref<744xi32, #tpu.memory_space<vmem>>
            %dma_start3A_226 = tpu.memref_slice %arg4[%add3A_221] : memref<1600000xi32, #tpu.memory_space<hbm>> -> memref<744xi32, #tpu.memory_space<hbm>>
            %dma_start3A_227 = arith.constant 0 : i32
            %dma_start3A_228 = tpu.memref_slice %arg8[%dma_start3A_222, %dma_start3A_227] : memref<3x744xi32, #tpu.memory_space<vmem>> -> memref<1x744xi32, #tpu.memory_space<vmem>>
            %dma_start3A_229 = tpu.memref_squeeze %dma_start3A_228 : memref<1x744xi32, #tpu.memory_space<vmem>> -> memref<744xi32, #tpu.memory_space<vmem>>
            %dma_start3A_230 = tpu.memref_slice %arg4[%add3A_221] : memref<1600000xi32, #tpu.memory_space<hbm>> -> memref<744xi32, #tpu.memory_space<hbm>>
            tpu.enqueue_dma source(%dma_start3A_230 : memref<744xi32, #tpu.memory_space<hbm>>) target(%dma_start3A_229 : memref<744xi32, #tpu.memory_space<vmem>>) target_semaphore(%arg11 : memref<!tpu.dma_semaphore, #tpu.memory_space<semaphore_mem>>)
            %dma_start3A_231 = arith.constant 1 : i32
            %dma_start3A_232 = arith.constant 0 : i32
            %dma_start3A_233 = tpu.memref_slice %arg9[%dma_start3A_231, %dma_start3A_232] : memref<3x744xi32, #tpu.memory_space<vmem>> -> memref<1x744xi32, #tpu.memory_space<vmem>>
            %dma_start3A_234 = tpu.memref_squeeze %dma_start3A_233 : memref<1x744xi32, #tpu.memory_space<vmem>> -> memref<744xi32, #tpu.memory_space<vmem>>
            %dma_start3A_235 = tpu.memref_slice %arg5[%add3A_221] : memref<1600000xi32, #tpu.memory_space<hbm>> -> memref<744xi32, #tpu.memory_space<hbm>>
            %dma_start3A_236 = arith.constant 0 : i32
            %dma_start3A_237 = tpu.memref_slice %arg9[%dma_start3A_231, %dma_start3A_236] : memref<3x744xi32, #tpu.memory_space<vmem>> -> memref<1x744xi32, #tpu.memory_space<vmem>>
            %dma_start3A_238 = tpu.memref_squeeze %dma_start3A_237 : memref<1x744xi32, #tpu.memory_space<vmem>> -> memref<744xi32, #tpu.memory_space<vmem>>
            %dma_start3A_239 = tpu.memref_slice %arg5[%add3A_221] : memref<1600000xi32, #tpu.memory_space<hbm>> -> memref<744xi32, #tpu.memory_space<hbm>>
            tpu.enqueue_dma source(%dma_start3A_239 : memref<744xi32, #tpu.memory_space<hbm>>) target(%dma_start3A_238 : memref<744xi32, #tpu.memory_space<vmem>>) target_semaphore(%arg11 : memref<!tpu.dma_semaphore, #tpu.memory_space<semaphore_mem>>)
          } else {
          }
          %dma_start3A_181 = arith.constant 0 : i32
          %dma_start3A_182 = arith.constant 0 : i32
          %dma_start3A_183 = arith.constant 0 : i32
          %dma_start3A_184 = arith.constant 0 : i32
          %dma_start3A_185 = tpu.memref_slice %arg10[%dma_start3A_182, %dma_start3A_183, %dma_start3A_184] : memref<2x744x16xf32, #tpu.memory_space<vmem>> -> memref<1x744x16xf32, #tpu.memory_space<vmem>>
          %dma_start3A_186 = tpu.memref_squeeze %dma_start3A_185 : memref<1x744x16xf32, #tpu.memory_space<vmem>> -> memref<744x16xf32, #tpu.memory_space<vmem>>
          %dma_start3A_187 = arith.constant 0 : i32
          %dma_start3A_188 = tpu.memref_slice %arg8[%dma_start3A_181, %dma_start3A_187] : memref<3x744xi32, #tpu.memory_space<vmem>> -> memref<1x744xi32, #tpu.memory_space<vmem>>
          %dma_start3A_189 = tpu.memref_squeeze %dma_start3A_188 : memref<1x744xi32, #tpu.memory_space<vmem>> -> memref<744xi32, #tpu.memory_space<vmem>>
          %dma_start3A_190 = arith.constant 0 : i32
          %dma_start3A_191 = arith.constant 0 : i32
          %dma_start3A_192 = tpu.memref_slice %arg3[%dma_start3A_190, %dma_start3A_191] : memref<102400x16xf32, #tpu.memory_space<hbm>> -> memref<102400x16xf32, #tpu.memory_space<hbm>>
          tpu.enqueue_indirect_dma source(%dma_start3A_192 : memref<102400x16xf32, #tpu.memory_space<hbm>>) target(%dma_start3A_186 : memref<744x16xf32, #tpu.memory_space<vmem>>) offsets(%dma_start3A_189 : memref<744xi32, #tpu.memory_space<vmem>>) semaphore(%arg12 : memref<!tpu.dma_semaphore, #tpu.memory_space<semaphore_mem>>)
          %dma_wait3A_193 = arith.constant 0 : i32
          %dma_wait3A_194 = arith.constant 0 : i32
          %dma_wait3A_195 = arith.constant 0 : i32
          %dma_wait3A_196 = arith.constant 0 : i32
          %dma_wait3A_197 = tpu.memref_slice %arg10[%dma_wait3A_194, %dma_wait3A_195, %dma_wait3A_196] : memref<2x744x16xf32, #tpu.memory_space<vmem>> -> memref<1x744x16xf32, #tpu.memory_space<vmem>>
          %dma_wait3A_198 = tpu.memref_squeeze %dma_wait3A_197 : memref<1x744x16xf32, #tpu.memory_space<vmem>> -> memref<744x16xf32, #tpu.memory_space<vmem>>
          %dma_wait3A_199 = arith.constant 0 : i32
          %dma_wait3A_200 = tpu.memref_slice %arg8[%dma_wait3A_193, %dma_wait3A_199] : memref<3x744xi32, #tpu.memory_space<vmem>> -> memref<1x744xi32, #tpu.memory_space<vmem>>
          %dma_wait3A_201 = tpu.memref_squeeze %dma_wait3A_200 : memref<1x744xi32, #tpu.memory_space<vmem>> -> memref<744xi32, #tpu.memory_space<vmem>>
          %dma_wait3A_202 = arith.constant 0 : i32
          %dma_wait3A_203 = arith.constant 0 : i32
          %dma_wait3A_204 = tpu.memref_slice %arg3[%dma_wait3A_202, %dma_wait3A_203] : memref<102400x16xf32, #tpu.memory_space<hbm>> -> memref<102400x16xf32, #tpu.memory_space<hbm>>
          tpu.wait_indirect_dma semaphore(%arg12 : memref<!tpu.dma_semaphore, #tpu.memory_space<semaphore_mem>>) src(%dma_wait3A_204 : memref<102400x16xf32, #tpu.memory_space<hbm>>) dst(%dma_wait3A_198 : memref<744x16xf32, #tpu.memory_space<vmem>>)
          %dma_start3A_205 = arith.constant 0 : i32
          %dma_start3A_206 = arith.constant 0 : i32
          %dma_start3A_207 = arith.constant 0 : i32
          %dma_start3A_208 = arith.constant 0 : i32
          %dma_start3A_209 = tpu.memref_slice %arg10[%dma_start3A_205, %dma_start3A_207, %dma_start3A_208] : memref<2x744x16xf32, #tpu.memory_space<vmem>> -> memref<1x744x16xf32, #tpu.memory_space<vmem>>
          %dma_start3A_210 = tpu.memref_squeeze %dma_start3A_209 : memref<1x744x16xf32, #tpu.memory_space<vmem>> -> memref<744x16xf32, #tpu.memory_space<vmem>>
          %dma_start3A_211 = arith.constant 0 : i32
          %dma_start3A_212 = tpu.memref_slice %arg9[%dma_start3A_206, %dma_start3A_211] : memref<3x744xi32, #tpu.memory_space<vmem>> -> memref<1x744xi32, #tpu.memory_space<vmem>>
          %dma_start3A_213 = tpu.memref_squeeze %dma_start3A_212 : memref<1x744xi32, #tpu.memory_space<vmem>> -> memref<744xi32, #tpu.memory_space<vmem>>
          %dma_start3A_214 = arith.constant 0 : i32
          %dma_start3A_215 = arith.constant 0 : i32
          %dma_start3A_216 = tpu.memref_slice %arg7[%dma_start3A_214, %dma_start3A_215] : memref<102400x16xf32, #tpu.memory_space<vmem_shared>> -> memref<102400x16xf32, #tpu.memory_space<vmem_shared>>
          tpu.enqueue_indirect_dma source(%dma_start3A_210 : memref<744x16xf32, #tpu.memory_space<vmem>>) target(%dma_start3A_216 : memref<102400x16xf32, #tpu.memory_space<vmem_shared>>) offsets(%dma_start3A_213 : memref<744xi32, #tpu.memory_space<vmem>>) semaphore(%arg13 : memref<!tpu.dma_semaphore, #tpu.memory_space<semaphore_mem>>) {add = true}
        } else {
        }
        %add3A_113 = arith.constant 1 : i32
        %add3A_114 = arith.addi %mul3A_106, %add3A_113 : i32
        %lt3A_115 = arith.constant 134 : i32
        %lt3A_116 = arith.cmpi slt, %add3A_114, %lt3A_115 : i32
        %convert_element_type3A_117 = arith.extui %lt3A_116 : i1 to i32
        %cond3A_118 = arith.constant 0 : i32
        %cond3A_119 = arith.cmpi ne, %convert_element_type3A_117, %cond3A_118 : i32
        scf.if %cond3A_119 {
          %dma_wait3A_148 = arith.constant 1 : i32
          %dma_wait3A_149 = arith.constant 0 : i32
          %dma_wait3A_150 = tpu.memref_slice %arg8[%dma_wait3A_148, %dma_wait3A_149] : memref<3x744xi32, #tpu.memory_space<vmem>> -> memref<1x744xi32, #tpu.memory_space<vmem>>
          %dma_wait3A_151 = tpu.memref_squeeze %dma_wait3A_150 : memref<1x744xi32, #tpu.memory_space<vmem>> -> memref<744xi32, #tpu.memory_space<vmem>>
          %dma_wait3A_152 = arith.constant 0 : i32
          %dma_wait3A_153 = tpu.memref_slice %arg4[%dma_wait3A_152] : memref<1600000xi32, #tpu.memory_space<hbm>> -> memref<744xi32, #tpu.memory_space<hbm>>
          %dma_wait3A_154 = arith.constant 0 : i32
          %dma_wait3A_155 = tpu.memref_slice %arg8[%dma_wait3A_148, %dma_wait3A_154] : memref<3x744xi32, #tpu.memory_space<vmem>> -> memref<1x744xi32, #tpu.memory_space<vmem>>
          %dma_wait3A_156 = tpu.memref_squeeze %dma_wait3A_155 : memref<1x744xi32, #tpu.memory_space<vmem>> -> memref<744xi32, #tpu.memory_space<vmem>>
          %dma_wait3A_157 = arith.constant 0 : i32
          %dma_wait3A_158 = tpu.memref_slice %arg4[%dma_wait3A_157] : memref<1600000xi32, #tpu.memory_space<hbm>> -> memref<744xi32, #tpu.memory_space<hbm>>
          tpu.wait_dma2 semaphore(%arg11 : memref<!tpu.dma_semaphore, #tpu.memory_space<semaphore_mem>>) src(%dma_wait3A_158 : memref<744xi32, #tpu.memory_space<hbm>>) dst(%dma_wait3A_156 : memref<744xi32, #tpu.memory_space<vmem>>)
          %dma_wait3A_159 = arith.constant 1 : i32
          %dma_wait3A_160 = arith.constant 0 : i32
          %dma_wait3A_161 = tpu.memref_slice %arg9[%dma_wait3A_159, %dma_wait3A_160] : memref<3x744xi32, #tpu.memory_space<vmem>> -> memref<1x744xi32, #tpu.memory_space<vmem>>
          %dma_wait3A_162 = tpu.memref_squeeze %dma_wait3A_161 : memref<1x744xi32, #tpu.memory_space<vmem>> -> memref<744xi32, #tpu.memory_space<vmem>>
          %dma_wait3A_163 = arith.constant 0 : i32
          %dma_wait3A_164 = tpu.memref_slice %arg5[%dma_wait3A_163] : memref<1600000xi32, #tpu.memory_space<hbm>> -> memref<744xi32, #tpu.memory_space<hbm>>
          %dma_wait3A_165 = arith.constant 0 : i32
          %dma_wait3A_166 = tpu.memref_slice %arg9[%dma_wait3A_159, %dma_wait3A_165] : memref<3x744xi32, #tpu.memory_space<vmem>> -> memref<1x744xi32, #tpu.memory_space<vmem>>
          %dma_wait3A_167 = tpu.memref_squeeze %dma_wait3A_166 : memref<1x744xi32, #tpu.memory_space<vmem>> -> memref<744xi32, #tpu.memory_space<vmem>>
          %dma_wait3A_168 = arith.constant 0 : i32
          %dma_wait3A_169 = tpu.memref_slice %arg5[%dma_wait3A_168] : memref<1600000xi32, #tpu.memory_space<hbm>> -> memref<744xi32, #tpu.memory_space<hbm>>
          tpu.wait_dma2 semaphore(%arg11 : memref<!tpu.dma_semaphore, #tpu.memory_space<semaphore_mem>>) src(%dma_wait3A_169 : memref<744xi32, #tpu.memory_space<hbm>>) dst(%dma_wait3A_167 : memref<744xi32, #tpu.memory_space<vmem>>)
          %ge3A = arith.constant 2 : i32
          %ge3A_170 = arith.cmpi sge, %add3A_114, %ge3A : i32
          %convert_element_type3A_171 = arith.extui %ge3A_170 : i1 to i32
          %cond3A_172 = arith.constant 0 : i32
          %cond3A_173 = arith.cmpi ne, %convert_element_type3A_171, %cond3A_172 : i32
          scf.if %cond3A_173 {
            %dma_wait3A_217 = arith.constant 1 : i32
            %dma_wait3A_218 = arith.constant 2 : i32
            %dma_wait3A_219 = arith.constant 0 : i32
            %dma_wait3A_220 = arith.constant 0 : i32
            %dma_wait3A_221 = tpu.memref_slice %arg10[%dma_wait3A_217, %dma_wait3A_219, %dma_wait3A_220] : memref<2x744x16xf32, #tpu.memory_space<vmem>> -> memref<1x744x16xf32, #tpu.memory_space<vmem>>
            %dma_wait3A_222 = tpu.memref_squeeze %dma_wait3A_221 : memref<1x744x16xf32, #tpu.memory_space<vmem>> -> memref<744x16xf32, #tpu.memory_space<vmem>>
            %dma_wait3A_223 = arith.constant 0 : i32
            %dma_wait3A_224 = tpu.memref_slice %arg9[%dma_wait3A_218, %dma_wait3A_223] : memref<3x744xi32, #tpu.memory_space<vmem>> -> memref<1x744xi32, #tpu.memory_space<vmem>>
            %dma_wait3A_225 = tpu.memref_squeeze %dma_wait3A_224 : memref<1x744xi32, #tpu.memory_space<vmem>> -> memref<744xi32, #tpu.memory_space<vmem>>
            %dma_wait3A_226 = arith.constant 0 : i32
            %dma_wait3A_227 = arith.constant 0 : i32
            %dma_wait3A_228 = tpu.memref_slice %arg7[%dma_wait3A_226, %dma_wait3A_227] : memref<102400x16xf32, #tpu.memory_space<vmem_shared>> -> memref<102400x16xf32, #tpu.memory_space<vmem_shared>>
            tpu.wait_indirect_dma semaphore(%arg14 : memref<!tpu.dma_semaphore, #tpu.memory_space<semaphore_mem>>) src(%dma_wait3A_222 : memref<744x16xf32, #tpu.memory_space<vmem>>) dst(%dma_wait3A_228 : memref<102400x16xf32, #tpu.memory_space<vmem_shared>>)
          } else {
          }
          %add3A_174 = arith.constant 1 : i32
          %add3A_175 = arith.addi %add3A_114, %add3A_174 : i32
          %lt3A_176 = arith.constant 134 : i32
          %lt3A_177 = arith.cmpi slt, %add3A_175, %lt3A_176 : i32
          %convert_element_type3A_178 = arith.extui %lt3A_177 : i1 to i32
          %cond3A_179 = arith.constant 0 : i32
          %cond3A_180 = arith.cmpi ne, %convert_element_type3A_178, %cond3A_179 : i32
          scf.if %cond3A_180 {
            %add3A_217 = arith.constant 1 : i32
            %add3A_218 = arith.addi %add3A_114, %add3A_217 : i32
            %mul3A_219 = arith.constant 744 : i32
            %mul3A_220 = arith.muli %add3A_218, %mul3A_219 : i32
            %add3A_221 = arith.addi %mul3A_13, %mul3A_220 : i32
            %dma_start3A_222 = arith.constant 2 : i32
            %dma_start3A_223 = arith.constant 0 : i32
            %dma_start3A_224 = tpu.memref_slice %arg8[%dma_start3A_222, %dma_start3A_223] : memref<3x744xi32, #tpu.memory_space<vmem>> -> memref<1x744xi32, #tpu.memory_space<vmem>>
            %dma_start3A_225 = tpu.memref_squeeze %dma_start3A_224 : memref<1x744xi32, #tpu.memory_space<vmem>> -> memref<744xi32, #tpu.memory_space<vmem>>
            %dma_start3A_226 = tpu.memref_slice %arg4[%add3A_221] : memref<1600000xi32, #tpu.memory_space<hbm>> -> memref<744xi32, #tpu.memory_space<hbm>>
            %dma_start3A_227 = arith.constant 0 : i32
            %dma_start3A_228 = tpu.memref_slice %arg8[%dma_start3A_222, %dma_start3A_227] : memref<3x744xi32, #tpu.memory_space<vmem>> -> memref<1x744xi32, #tpu.memory_space<vmem>>
            %dma_start3A_229 = tpu.memref_squeeze %dma_start3A_228 : memref<1x744xi32, #tpu.memory_space<vmem>> -> memref<744xi32, #tpu.memory_space<vmem>>
            %dma_start3A_230 = tpu.memref_slice %arg4[%add3A_221] : memref<1600000xi32, #tpu.memory_space<hbm>> -> memref<744xi32, #tpu.memory_space<hbm>>
            tpu.enqueue_dma source(%dma_start3A_230 : memref<744xi32, #tpu.memory_space<hbm>>) target(%dma_start3A_229 : memref<744xi32, #tpu.memory_space<vmem>>) target_semaphore(%arg11 : memref<!tpu.dma_semaphore, #tpu.memory_space<semaphore_mem>>)
            %dma_start3A_231 = arith.constant 2 : i32
            %dma_start3A_232 = arith.constant 0 : i32
            %dma_start3A_233 = tpu.memref_slice %arg9[%dma_start3A_231, %dma_start3A_232] : memref<3x744xi32, #tpu.memory_space<vmem>> -> memref<1x744xi32, #tpu.memory_space<vmem>>
            %dma_start3A_234 = tpu.memref_squeeze %dma_start3A_233 : memref<1x744xi32, #tpu.memory_space<vmem>> -> memref<744xi32, #tpu.memory_space<vmem>>
            %dma_start3A_235 = tpu.memref_slice %arg5[%add3A_221] : memref<1600000xi32, #tpu.memory_space<hbm>> -> memref<744xi32, #tpu.memory_space<hbm>>
            %dma_start3A_236 = arith.constant 0 : i32
            %dma_start3A_237 = tpu.memref_slice %arg9[%dma_start3A_231, %dma_start3A_236] : memref<3x744xi32, #tpu.memory_space<vmem>> -> memref<1x744xi32, #tpu.memory_space<vmem>>
            %dma_start3A_238 = tpu.memref_squeeze %dma_start3A_237 : memref<1x744xi32, #tpu.memory_space<vmem>> -> memref<744xi32, #tpu.memory_space<vmem>>
            %dma_start3A_239 = tpu.memref_slice %arg5[%add3A_221] : memref<1600000xi32, #tpu.memory_space<hbm>> -> memref<744xi32, #tpu.memory_space<hbm>>
            tpu.enqueue_dma source(%dma_start3A_239 : memref<744xi32, #tpu.memory_space<hbm>>) target(%dma_start3A_238 : memref<744xi32, #tpu.memory_space<vmem>>) target_semaphore(%arg11 : memref<!tpu.dma_semaphore, #tpu.memory_space<semaphore_mem>>)
          } else {
          }
          %dma_start3A_181 = arith.constant 1 : i32
          %dma_start3A_182 = arith.constant 1 : i32
          %dma_start3A_183 = arith.constant 0 : i32
          %dma_start3A_184 = arith.constant 0 : i32
          %dma_start3A_185 = tpu.memref_slice %arg10[%dma_start3A_182, %dma_start3A_183, %dma_start3A_184] : memref<2x744x16xf32, #tpu.memory_space<vmem>> -> memref<1x744x16xf32, #tpu.memory_space<vmem>>
          %dma_start3A_186 = tpu.memref_squeeze %dma_start3A_185 : memref<1x744x16xf32, #tpu.memory_space<vmem>> -> memref<744x16xf32, #tpu.memory_space<vmem>>
          %dma_start3A_187 = arith.constant 0 : i32
          %dma_start3A_188 = tpu.memref_slice %arg8[%dma_start3A_181, %dma_start3A_187] : memref<3x744xi32, #tpu.memory_space<vmem>> -> memref<1x744xi32, #tpu.memory_space<vmem>>
          %dma_start3A_189 = tpu.memref_squeeze %dma_start3A_188 : memref<1x744xi32, #tpu.memory_space<vmem>> -> memref<744xi32, #tpu.memory_space<vmem>>
          %dma_start3A_190 = arith.constant 0 : i32
          %dma_start3A_191 = arith.constant 0 : i32
          %dma_start3A_192 = tpu.memref_slice %arg3[%dma_start3A_190, %dma_start3A_191] : memref<102400x16xf32, #tpu.memory_space<hbm>> -> memref<102400x16xf32, #tpu.memory_space<hbm>>
          tpu.enqueue_indirect_dma source(%dma_start3A_192 : memref<102400x16xf32, #tpu.memory_space<hbm>>) target(%dma_start3A_186 : memref<744x16xf32, #tpu.memory_space<vmem>>) offsets(%dma_start3A_189 : memref<744xi32, #tpu.memory_space<vmem>>) semaphore(%arg12 : memref<!tpu.dma_semaphore, #tpu.memory_space<semaphore_mem>>)
          %dma_wait3A_193 = arith.constant 1 : i32
          %dma_wait3A_194 = arith.constant 1 : i32
          %dma_wait3A_195 = arith.constant 0 : i32
          %dma_wait3A_196 = arith.constant 0 : i32
          %dma_wait3A_197 = tpu.memref_slice %arg10[%dma_wait3A_194, %dma_wait3A_195, %dma_wait3A_196] : memref<2x744x16xf32, #tpu.memory_space<vmem>> -> memref<1x744x16xf32, #tpu.memory_space<vmem>>
          %dma_wait3A_198 = tpu.memref_squeeze %dma_wait3A_197 : memref<1x744x16xf32, #tpu.memory_space<vmem>> -> memref<744x16xf32, #tpu.memory_space<vmem>>
          %dma_wait3A_199 = arith.constant 0 : i32
          %dma_wait3A_200 = tpu.memref_slice %arg8[%dma_wait3A_193, %dma_wait3A_199] : memref<3x744xi32, #tpu.memory_space<vmem>> -> memref<1x744xi32, #tpu.memory_space<vmem>>
          %dma_wait3A_201 = tpu.memref_squeeze %dma_wait3A_200 : memref<1x744xi32, #tpu.memory_space<vmem>> -> memref<744xi32, #tpu.memory_space<vmem>>
          %dma_wait3A_202 = arith.constant 0 : i32
          %dma_wait3A_203 = arith.constant 0 : i32
          %dma_wait3A_204 = tpu.memref_slice %arg3[%dma_wait3A_202, %dma_wait3A_203] : memref<102400x16xf32, #tpu.memory_space<hbm>> -> memref<102400x16xf32, #tpu.memory_space<hbm>>
          tpu.wait_indirect_dma semaphore(%arg12 : memref<!tpu.dma_semaphore, #tpu.memory_space<semaphore_mem>>) src(%dma_wait3A_204 : memref<102400x16xf32, #tpu.memory_space<hbm>>) dst(%dma_wait3A_198 : memref<744x16xf32, #tpu.memory_space<vmem>>)
          %dma_start3A_205 = arith.constant 1 : i32
          %dma_start3A_206 = arith.constant 1 : i32
          %dma_start3A_207 = arith.constant 0 : i32
          %dma_start3A_208 = arith.constant 0 : i32
          %dma_start3A_209 = tpu.memref_slice %arg10[%dma_start3A_205, %dma_start3A_207, %dma_start3A_208] : memref<2x744x16xf32, #tpu.memory_space<vmem>> -> memref<1x744x16xf32, #tpu.memory_space<vmem>>
          %dma_start3A_210 = tpu.memref_squeeze %dma_start3A_209 : memref<1x744x16xf32, #tpu.memory_space<vmem>> -> memref<744x16xf32, #tpu.memory_space<vmem>>
          %dma_start3A_211 = arith.constant 0 : i32
          %dma_start3A_212 = tpu.memref_slice %arg9[%dma_start3A_206, %dma_start3A_211] : memref<3x744xi32, #tpu.memory_space<vmem>> -> memref<1x744xi32, #tpu.memory_space<vmem>>
          %dma_start3A_213 = tpu.memref_squeeze %dma_start3A_212 : memref<1x744xi32, #tpu.memory_space<vmem>> -> memref<744xi32, #tpu.memory_space<vmem>>
          %dma_start3A_214 = arith.constant 0 : i32
          %dma_start3A_215 = arith.constant 0 : i32
          %dma_start3A_216 = tpu.memref_slice %arg7[%dma_start3A_214, %dma_start3A_215] : memref<102400x16xf32, #tpu.memory_space<vmem_shared>> -> memref<102400x16xf32, #tpu.memory_space<vmem_shared>>
          tpu.enqueue_indirect_dma source(%dma_start3A_210 : memref<744x16xf32, #tpu.memory_space<vmem>>) target(%dma_start3A_216 : memref<102400x16xf32, #tpu.memory_space<vmem_shared>>) offsets(%dma_start3A_213 : memref<744xi32, #tpu.memory_space<vmem>>) semaphore(%arg14 : memref<!tpu.dma_semaphore, #tpu.memory_space<semaphore_mem>>) {add = true}
        } else {
        }
        %add3A_120 = arith.constant 2 : i32
        %add3A_121 = arith.addi %mul3A_106, %add3A_120 : i32
        %lt3A_122 = arith.constant 134 : i32
        %lt3A_123 = arith.cmpi slt, %add3A_121, %lt3A_122 : i32
        %convert_element_type3A_124 = arith.extui %lt3A_123 : i1 to i32
        %cond3A_125 = arith.constant 0 : i32
        %cond3A_126 = arith.cmpi ne, %convert_element_type3A_124, %cond3A_125 : i32
        scf.if %cond3A_126 {
          %dma_wait3A_148 = arith.constant 2 : i32
          %dma_wait3A_149 = arith.constant 0 : i32
          %dma_wait3A_150 = tpu.memref_slice %arg8[%dma_wait3A_148, %dma_wait3A_149] : memref<3x744xi32, #tpu.memory_space<vmem>> -> memref<1x744xi32, #tpu.memory_space<vmem>>
          %dma_wait3A_151 = tpu.memref_squeeze %dma_wait3A_150 : memref<1x744xi32, #tpu.memory_space<vmem>> -> memref<744xi32, #tpu.memory_space<vmem>>
          %dma_wait3A_152 = arith.constant 0 : i32
          %dma_wait3A_153 = tpu.memref_slice %arg4[%dma_wait3A_152] : memref<1600000xi32, #tpu.memory_space<hbm>> -> memref<744xi32, #tpu.memory_space<hbm>>
          %dma_wait3A_154 = arith.constant 0 : i32
          %dma_wait3A_155 = tpu.memref_slice %arg8[%dma_wait3A_148, %dma_wait3A_154] : memref<3x744xi32, #tpu.memory_space<vmem>> -> memref<1x744xi32, #tpu.memory_space<vmem>>
          %dma_wait3A_156 = tpu.memref_squeeze %dma_wait3A_155 : memref<1x744xi32, #tpu.memory_space<vmem>> -> memref<744xi32, #tpu.memory_space<vmem>>
          %dma_wait3A_157 = arith.constant 0 : i32
          %dma_wait3A_158 = tpu.memref_slice %arg4[%dma_wait3A_157] : memref<1600000xi32, #tpu.memory_space<hbm>> -> memref<744xi32, #tpu.memory_space<hbm>>
          tpu.wait_dma2 semaphore(%arg11 : memref<!tpu.dma_semaphore, #tpu.memory_space<semaphore_mem>>) src(%dma_wait3A_158 : memref<744xi32, #tpu.memory_space<hbm>>) dst(%dma_wait3A_156 : memref<744xi32, #tpu.memory_space<vmem>>)
          %dma_wait3A_159 = arith.constant 2 : i32
          %dma_wait3A_160 = arith.constant 0 : i32
          %dma_wait3A_161 = tpu.memref_slice %arg9[%dma_wait3A_159, %dma_wait3A_160] : memref<3x744xi32, #tpu.memory_space<vmem>> -> memref<1x744xi32, #tpu.memory_space<vmem>>
          %dma_wait3A_162 = tpu.memref_squeeze %dma_wait3A_161 : memref<1x744xi32, #tpu.memory_space<vmem>> -> memref<744xi32, #tpu.memory_space<vmem>>
          %dma_wait3A_163 = arith.constant 0 : i32
          %dma_wait3A_164 = tpu.memref_slice %arg5[%dma_wait3A_163] : memref<1600000xi32, #tpu.memory_space<hbm>> -> memref<744xi32, #tpu.memory_space<hbm>>
          %dma_wait3A_165 = arith.constant 0 : i32
          %dma_wait3A_166 = tpu.memref_slice %arg9[%dma_wait3A_159, %dma_wait3A_165] : memref<3x744xi32, #tpu.memory_space<vmem>> -> memref<1x744xi32, #tpu.memory_space<vmem>>
          %dma_wait3A_167 = tpu.memref_squeeze %dma_wait3A_166 : memref<1x744xi32, #tpu.memory_space<vmem>> -> memref<744xi32, #tpu.memory_space<vmem>>
          %dma_wait3A_168 = arith.constant 0 : i32
          %dma_wait3A_169 = tpu.memref_slice %arg5[%dma_wait3A_168] : memref<1600000xi32, #tpu.memory_space<hbm>> -> memref<744xi32, #tpu.memory_space<hbm>>
          tpu.wait_dma2 semaphore(%arg11 : memref<!tpu.dma_semaphore, #tpu.memory_space<semaphore_mem>>) src(%dma_wait3A_169 : memref<744xi32, #tpu.memory_space<hbm>>) dst(%dma_wait3A_167 : memref<744xi32, #tpu.memory_space<vmem>>)
          %ge3A = arith.constant 2 : i32
          %ge3A_170 = arith.cmpi sge, %add3A_121, %ge3A : i32
          %convert_element_type3A_171 = arith.extui %ge3A_170 : i1 to i32
          %cond3A_172 = arith.constant 0 : i32
          %cond3A_173 = arith.cmpi ne, %convert_element_type3A_171, %cond3A_172 : i32
          scf.if %cond3A_173 {
            %dma_wait3A_217 = arith.constant 0 : i32
            %dma_wait3A_218 = arith.constant 0 : i32
            %dma_wait3A_219 = arith.constant 0 : i32
            %dma_wait3A_220 = arith.constant 0 : i32
            %dma_wait3A_221 = tpu.memref_slice %arg10[%dma_wait3A_217, %dma_wait3A_219, %dma_wait3A_220] : memref<2x744x16xf32, #tpu.memory_space<vmem>> -> memref<1x744x16xf32, #tpu.memory_space<vmem>>
            %dma_wait3A_222 = tpu.memref_squeeze %dma_wait3A_221 : memref<1x744x16xf32, #tpu.memory_space<vmem>> -> memref<744x16xf32, #tpu.memory_space<vmem>>
            %dma_wait3A_223 = arith.constant 0 : i32
            %dma_wait3A_224 = tpu.memref_slice %arg9[%dma_wait3A_218, %dma_wait3A_223] : memref<3x744xi32, #tpu.memory_space<vmem>> -> memref<1x744xi32, #tpu.memory_space<vmem>>
            %dma_wait3A_225 = tpu.memref_squeeze %dma_wait3A_224 : memref<1x744xi32, #tpu.memory_space<vmem>> -> memref<744xi32, #tpu.memory_space<vmem>>
            %dma_wait3A_226 = arith.constant 0 : i32
            %dma_wait3A_227 = arith.constant 0 : i32
            %dma_wait3A_228 = tpu.memref_slice %arg7[%dma_wait3A_226, %dma_wait3A_227] : memref<102400x16xf32, #tpu.memory_space<vmem_shared>> -> memref<102400x16xf32, #tpu.memory_space<vmem_shared>>
            tpu.wait_indirect_dma semaphore(%arg13 : memref<!tpu.dma_semaphore, #tpu.memory_space<semaphore_mem>>) src(%dma_wait3A_222 : memref<744x16xf32, #tpu.memory_space<vmem>>) dst(%dma_wait3A_228 : memref<102400x16xf32, #tpu.memory_space<vmem_shared>>)
          } else {
          }
          %add3A_174 = arith.constant 1 : i32
          %add3A_175 = arith.addi %add3A_121, %add3A_174 : i32
          %lt3A_176 = arith.constant 134 : i32
          %lt3A_177 = arith.cmpi slt, %add3A_175, %lt3A_176 : i32
          %convert_element_type3A_178 = arith.extui %lt3A_177 : i1 to i32
          %cond3A_179 = arith.constant 0 : i32
          %cond3A_180 = arith.cmpi ne, %convert_element_type3A_178, %cond3A_179 : i32
          scf.if %cond3A_180 {
            %add3A_217 = arith.constant 1 : i32
            %add3A_218 = arith.addi %add3A_121, %add3A_217 : i32
            %mul3A_219 = arith.constant 744 : i32
            %mul3A_220 = arith.muli %add3A_218, %mul3A_219 : i32
            %add3A_221 = arith.addi %mul3A_13, %mul3A_220 : i32
            %dma_start3A_222 = arith.constant 0 : i32
            %dma_start3A_223 = arith.constant 0 : i32
            %dma_start3A_224 = tpu.memref_slice %arg8[%dma_start3A_222, %dma_start3A_223] : memref<3x744xi32, #tpu.memory_space<vmem>> -> memref<1x744xi32, #tpu.memory_space<vmem>>
            %dma_start3A_225 = tpu.memref_squeeze %dma_start3A_224 : memref<1x744xi32, #tpu.memory_space<vmem>> -> memref<744xi32, #tpu.memory_space<vmem>>
            %dma_start3A_226 = tpu.memref_slice %arg4[%add3A_221] : memref<1600000xi32, #tpu.memory_space<hbm>> -> memref<744xi32, #tpu.memory_space<hbm>>
            %dma_start3A_227 = arith.constant 0 : i32
            %dma_start3A_228 = tpu.memref_slice %arg8[%dma_start3A_222, %dma_start3A_227] : memref<3x744xi32, #tpu.memory_space<vmem>> -> memref<1x744xi32, #tpu.memory_space<vmem>>
            %dma_start3A_229 = tpu.memref_squeeze %dma_start3A_228 : memref<1x744xi32, #tpu.memory_space<vmem>> -> memref<744xi32, #tpu.memory_space<vmem>>
            %dma_start3A_230 = tpu.memref_slice %arg4[%add3A_221] : memref<1600000xi32, #tpu.memory_space<hbm>> -> memref<744xi32, #tpu.memory_space<hbm>>
            tpu.enqueue_dma source(%dma_start3A_230 : memref<744xi32, #tpu.memory_space<hbm>>) target(%dma_start3A_229 : memref<744xi32, #tpu.memory_space<vmem>>) target_semaphore(%arg11 : memref<!tpu.dma_semaphore, #tpu.memory_space<semaphore_mem>>)
            %dma_start3A_231 = arith.constant 0 : i32
            %dma_start3A_232 = arith.constant 0 : i32
            %dma_start3A_233 = tpu.memref_slice %arg9[%dma_start3A_231, %dma_start3A_232] : memref<3x744xi32, #tpu.memory_space<vmem>> -> memref<1x744xi32, #tpu.memory_space<vmem>>
            %dma_start3A_234 = tpu.memref_squeeze %dma_start3A_233 : memref<1x744xi32, #tpu.memory_space<vmem>> -> memref<744xi32, #tpu.memory_space<vmem>>
            %dma_start3A_235 = tpu.memref_slice %arg5[%add3A_221] : memref<1600000xi32, #tpu.memory_space<hbm>> -> memref<744xi32, #tpu.memory_space<hbm>>
            %dma_start3A_236 = arith.constant 0 : i32
            %dma_start3A_237 = tpu.memref_slice %arg9[%dma_start3A_231, %dma_start3A_236] : memref<3x744xi32, #tpu.memory_space<vmem>> -> memref<1x744xi32, #tpu.memory_space<vmem>>
            %dma_start3A_238 = tpu.memref_squeeze %dma_start3A_237 : memref<1x744xi32, #tpu.memory_space<vmem>> -> memref<744xi32, #tpu.memory_space<vmem>>
            %dma_start3A_239 = tpu.memref_slice %arg5[%add3A_221] : memref<1600000xi32, #tpu.memory_space<hbm>> -> memref<744xi32, #tpu.memory_space<hbm>>
            tpu.enqueue_dma source(%dma_start3A_239 : memref<744xi32, #tpu.memory_space<hbm>>) target(%dma_start3A_238 : memref<744xi32, #tpu.memory_space<vmem>>) target_semaphore(%arg11 : memref<!tpu.dma_semaphore, #tpu.memory_space<semaphore_mem>>)
          } else {
          }
          %dma_start3A_181 = arith.constant 2 : i32
          %dma_start3A_182 = arith.constant 0 : i32
          %dma_start3A_183 = arith.constant 0 : i32
          %dma_start3A_184 = arith.constant 0 : i32
          %dma_start3A_185 = tpu.memref_slice %arg10[%dma_start3A_182, %dma_start3A_183, %dma_start3A_184] : memref<2x744x16xf32, #tpu.memory_space<vmem>> -> memref<1x744x16xf32, #tpu.memory_space<vmem>>
          %dma_start3A_186 = tpu.memref_squeeze %dma_start3A_185 : memref<1x744x16xf32, #tpu.memory_space<vmem>> -> memref<744x16xf32, #tpu.memory_space<vmem>>
          %dma_start3A_187 = arith.constant 0 : i32
          %dma_start3A_188 = tpu.memref_slice %arg8[%dma_start3A_181, %dma_start3A_187] : memref<3x744xi32, #tpu.memory_space<vmem>> -> memref<1x744xi32, #tpu.memory_space<vmem>>
          %dma_start3A_189 = tpu.memref_squeeze %dma_start3A_188 : memref<1x744xi32, #tpu.memory_space<vmem>> -> memref<744xi32, #tpu.memory_space<vmem>>
          %dma_start3A_190 = arith.constant 0 : i32
          %dma_start3A_191 = arith.constant 0 : i32
          %dma_start3A_192 = tpu.memref_slice %arg3[%dma_start3A_190, %dma_start3A_191] : memref<102400x16xf32, #tpu.memory_space<hbm>> -> memref<102400x16xf32, #tpu.memory_space<hbm>>
          tpu.enqueue_indirect_dma source(%dma_start3A_192 : memref<102400x16xf32, #tpu.memory_space<hbm>>) target(%dma_start3A_186 : memref<744x16xf32, #tpu.memory_space<vmem>>) offsets(%dma_start3A_189 : memref<744xi32, #tpu.memory_space<vmem>>) semaphore(%arg12 : memref<!tpu.dma_semaphore, #tpu.memory_space<semaphore_mem>>)
          %dma_wait3A_193 = arith.constant 2 : i32
          %dma_wait3A_194 = arith.constant 0 : i32
          %dma_wait3A_195 = arith.constant 0 : i32
          %dma_wait3A_196 = arith.constant 0 : i32
          %dma_wait3A_197 = tpu.memref_slice %arg10[%dma_wait3A_194, %dma_wait3A_195, %dma_wait3A_196] : memref<2x744x16xf32, #tpu.memory_space<vmem>> -> memref<1x744x16xf32, #tpu.memory_space<vmem>>
          %dma_wait3A_198 = tpu.memref_squeeze %dma_wait3A_197 : memref<1x744x16xf32, #tpu.memory_space<vmem>> -> memref<744x16xf32, #tpu.memory_space<vmem>>
          %dma_wait3A_199 = arith.constant 0 : i32
          %dma_wait3A_200 = tpu.memref_slice %arg8[%dma_wait3A_193, %dma_wait3A_199] : memref<3x744xi32, #tpu.memory_space<vmem>> -> memref<1x744xi32, #tpu.memory_space<vmem>>
          %dma_wait3A_201 = tpu.memref_squeeze %dma_wait3A_200 : memref<1x744xi32, #tpu.memory_space<vmem>> -> memref<744xi32, #tpu.memory_space<vmem>>
          %dma_wait3A_202 = arith.constant 0 : i32
          %dma_wait3A_203 = arith.constant 0 : i32
          %dma_wait3A_204 = tpu.memref_slice %arg3[%dma_wait3A_202, %dma_wait3A_203] : memref<102400x16xf32, #tpu.memory_space<hbm>> -> memref<102400x16xf32, #tpu.memory_space<hbm>>
          tpu.wait_indirect_dma semaphore(%arg12 : memref<!tpu.dma_semaphore, #tpu.memory_space<semaphore_mem>>) src(%dma_wait3A_204 : memref<102400x16xf32, #tpu.memory_space<hbm>>) dst(%dma_wait3A_198 : memref<744x16xf32, #tpu.memory_space<vmem>>)
          %dma_start3A_205 = arith.constant 0 : i32
          %dma_start3A_206 = arith.constant 2 : i32
          %dma_start3A_207 = arith.constant 0 : i32
          %dma_start3A_208 = arith.constant 0 : i32
          %dma_start3A_209 = tpu.memref_slice %arg10[%dma_start3A_205, %dma_start3A_207, %dma_start3A_208] : memref<2x744x16xf32, #tpu.memory_space<vmem>> -> memref<1x744x16xf32, #tpu.memory_space<vmem>>
          %dma_start3A_210 = tpu.memref_squeeze %dma_start3A_209 : memref<1x744x16xf32, #tpu.memory_space<vmem>> -> memref<744x16xf32, #tpu.memory_space<vmem>>
          %dma_start3A_211 = arith.constant 0 : i32
          %dma_start3A_212 = tpu.memref_slice %arg9[%dma_start3A_206, %dma_start3A_211] : memref<3x744xi32, #tpu.memory_space<vmem>> -> memref<1x744xi32, #tpu.memory_space<vmem>>
          %dma_start3A_213 = tpu.memref_squeeze %dma_start3A_212 : memref<1x744xi32, #tpu.memory_space<vmem>> -> memref<744xi32, #tpu.memory_space<vmem>>
          %dma_start3A_214 = arith.constant 0 : i32
          %dma_start3A_215 = arith.constant 0 : i32
          %dma_start3A_216 = tpu.memref_slice %arg7[%dma_start3A_214, %dma_start3A_215] : memref<102400x16xf32, #tpu.memory_space<vmem_shared>> -> memref<102400x16xf32, #tpu.memory_space<vmem_shared>>
          tpu.enqueue_indirect_dma source(%dma_start3A_210 : memref<744x16xf32, #tpu.memory_space<vmem>>) target(%dma_start3A_216 : memref<102400x16xf32, #tpu.memory_space<vmem_shared>>) offsets(%dma_start3A_213 : memref<744xi32, #tpu.memory_space<vmem>>) semaphore(%arg13 : memref<!tpu.dma_semaphore, #tpu.memory_space<semaphore_mem>>) {add = true}
        } else {
        }
        %add3A_127 = arith.constant 3 : i32
        %add3A_128 = arith.addi %mul3A_106, %add3A_127 : i32
        %lt3A_129 = arith.constant 134 : i32
        %lt3A_130 = arith.cmpi slt, %add3A_128, %lt3A_129 : i32
        %convert_element_type3A_131 = arith.extui %lt3A_130 : i1 to i32
        %cond3A_132 = arith.constant 0 : i32
        %cond3A_133 = arith.cmpi ne, %convert_element_type3A_131, %cond3A_132 : i32
        scf.if %cond3A_133 {
          %dma_wait3A_148 = arith.constant 0 : i32
          %dma_wait3A_149 = arith.constant 0 : i32
          %dma_wait3A_150 = tpu.memref_slice %arg8[%dma_wait3A_148, %dma_wait3A_149] : memref<3x744xi32, #tpu.memory_space<vmem>> -> memref<1x744xi32, #tpu.memory_space<vmem>>
          %dma_wait3A_151 = tpu.memref_squeeze %dma_wait3A_150 : memref<1x744xi32, #tpu.memory_space<vmem>> -> memref<744xi32, #tpu.memory_space<vmem>>
          %dma_wait3A_152 = arith.constant 0 : i32
          %dma_wait3A_153 = tpu.memref_slice %arg4[%dma_wait3A_152] : memref<1600000xi32, #tpu.memory_space<hbm>> -> memref<744xi32, #tpu.memory_space<hbm>>
          %dma_wait3A_154 = arith.constant 0 : i32
          %dma_wait3A_155 = tpu.memref_slice %arg8[%dma_wait3A_148, %dma_wait3A_154] : memref<3x744xi32, #tpu.memory_space<vmem>> -> memref<1x744xi32, #tpu.memory_space<vmem>>
          %dma_wait3A_156 = tpu.memref_squeeze %dma_wait3A_155 : memref<1x744xi32, #tpu.memory_space<vmem>> -> memref<744xi32, #tpu.memory_space<vmem>>
          %dma_wait3A_157 = arith.constant 0 : i32
          %dma_wait3A_158 = tpu.memref_slice %arg4[%dma_wait3A_157] : memref<1600000xi32, #tpu.memory_space<hbm>> -> memref<744xi32, #tpu.memory_space<hbm>>
          tpu.wait_dma2 semaphore(%arg11 : memref<!tpu.dma_semaphore, #tpu.memory_space<semaphore_mem>>) src(%dma_wait3A_158 : memref<744xi32, #tpu.memory_space<hbm>>) dst(%dma_wait3A_156 : memref<744xi32, #tpu.memory_space<vmem>>)
          %dma_wait3A_159 = arith.constant 0 : i32
          %dma_wait3A_160 = arith.constant 0 : i32
          %dma_wait3A_161 = tpu.memref_slice %arg9[%dma_wait3A_159, %dma_wait3A_160] : memref<3x744xi32, #tpu.memory_space<vmem>> -> memref<1x744xi32, #tpu.memory_space<vmem>>
          %dma_wait3A_162 = tpu.memref_squeeze %dma_wait3A_161 : memref<1x744xi32, #tpu.memory_space<vmem>> -> memref<744xi32, #tpu.memory_space<vmem>>
          %dma_wait3A_163 = arith.constant 0 : i32
          %dma_wait3A_164 = tpu.memref_slice %arg5[%dma_wait3A_163] : memref<1600000xi32, #tpu.memory_space<hbm>> -> memref<744xi32, #tpu.memory_space<hbm>>
          %dma_wait3A_165 = arith.constant 0 : i32
          %dma_wait3A_166 = tpu.memref_slice %arg9[%dma_wait3A_159, %dma_wait3A_165] : memref<3x744xi32, #tpu.memory_space<vmem>> -> memref<1x744xi32, #tpu.memory_space<vmem>>
          %dma_wait3A_167 = tpu.memref_squeeze %dma_wait3A_166 : memref<1x744xi32, #tpu.memory_space<vmem>> -> memref<744xi32, #tpu.memory_space<vmem>>
          %dma_wait3A_168 = arith.constant 0 : i32
          %dma_wait3A_169 = tpu.memref_slice %arg5[%dma_wait3A_168] : memref<1600000xi32, #tpu.memory_space<hbm>> -> memref<744xi32, #tpu.memory_space<hbm>>
          tpu.wait_dma2 semaphore(%arg11 : memref<!tpu.dma_semaphore, #tpu.memory_space<semaphore_mem>>) src(%dma_wait3A_169 : memref<744xi32, #tpu.memory_space<hbm>>) dst(%dma_wait3A_167 : memref<744xi32, #tpu.memory_space<vmem>>)
          %ge3A = arith.constant 2 : i32
          %ge3A_170 = arith.cmpi sge, %add3A_128, %ge3A : i32
          %convert_element_type3A_171 = arith.extui %ge3A_170 : i1 to i32
          %cond3A_172 = arith.constant 0 : i32
          %cond3A_173 = arith.cmpi ne, %convert_element_type3A_171, %cond3A_172 : i32
          scf.if %cond3A_173 {
            %dma_wait3A_217 = arith.constant 1 : i32
            %dma_wait3A_218 = arith.constant 1 : i32
            %dma_wait3A_219 = arith.constant 0 : i32
            %dma_wait3A_220 = arith.constant 0 : i32
            %dma_wait3A_221 = tpu.memref_slice %arg10[%dma_wait3A_217, %dma_wait3A_219, %dma_wait3A_220] : memref<2x744x16xf32, #tpu.memory_space<vmem>> -> memref<1x744x16xf32, #tpu.memory_space<vmem>>
            %dma_wait3A_222 = tpu.memref_squeeze %dma_wait3A_221 : memref<1x744x16xf32, #tpu.memory_space<vmem>> -> memref<744x16xf32, #tpu.memory_space<vmem>>
            %dma_wait3A_223 = arith.constant 0 : i32
            %dma_wait3A_224 = tpu.memref_slice %arg9[%dma_wait3A_218, %dma_wait3A_223] : memref<3x744xi32, #tpu.memory_space<vmem>> -> memref<1x744xi32, #tpu.memory_space<vmem>>
            %dma_wait3A_225 = tpu.memref_squeeze %dma_wait3A_224 : memref<1x744xi32, #tpu.memory_space<vmem>> -> memref<744xi32, #tpu.memory_space<vmem>>
            %dma_wait3A_226 = arith.constant 0 : i32
            %dma_wait3A_227 = arith.constant 0 : i32
            %dma_wait3A_228 = tpu.memref_slice %arg7[%dma_wait3A_226, %dma_wait3A_227] : memref<102400x16xf32, #tpu.memory_space<vmem_shared>> -> memref<102400x16xf32, #tpu.memory_space<vmem_shared>>
            tpu.wait_indirect_dma semaphore(%arg14 : memref<!tpu.dma_semaphore, #tpu.memory_space<semaphore_mem>>) src(%dma_wait3A_222 : memref<744x16xf32, #tpu.memory_space<vmem>>) dst(%dma_wait3A_228 : memref<102400x16xf32, #tpu.memory_space<vmem_shared>>)
          } else {
          }
          %add3A_174 = arith.constant 1 : i32
          %add3A_175 = arith.addi %add3A_128, %add3A_174 : i32
          %lt3A_176 = arith.constant 134 : i32
          %lt3A_177 = arith.cmpi slt, %add3A_175, %lt3A_176 : i32
          %convert_element_type3A_178 = arith.extui %lt3A_177 : i1 to i32
          %cond3A_179 = arith.constant 0 : i32
          %cond3A_180 = arith.cmpi ne, %convert_element_type3A_178, %cond3A_179 : i32
          scf.if %cond3A_180 {
            %add3A_217 = arith.constant 1 : i32
            %add3A_218 = arith.addi %add3A_128, %add3A_217 : i32
            %mul3A_219 = arith.constant 744 : i32
            %mul3A_220 = arith.muli %add3A_218, %mul3A_219 : i32
            %add3A_221 = arith.addi %mul3A_13, %mul3A_220 : i32
            %dma_start3A_222 = arith.constant 1 : i32
            %dma_start3A_223 = arith.constant 0 : i32
            %dma_start3A_224 = tpu.memref_slice %arg8[%dma_start3A_222, %dma_start3A_223] : memref<3x744xi32, #tpu.memory_space<vmem>> -> memref<1x744xi32, #tpu.memory_space<vmem>>
            %dma_start3A_225 = tpu.memref_squeeze %dma_start3A_224 : memref<1x744xi32, #tpu.memory_space<vmem>> -> memref<744xi32, #tpu.memory_space<vmem>>
            %dma_start3A_226 = tpu.memref_slice %arg4[%add3A_221] : memref<1600000xi32, #tpu.memory_space<hbm>> -> memref<744xi32, #tpu.memory_space<hbm>>
            %dma_start3A_227 = arith.constant 0 : i32
            %dma_start3A_228 = tpu.memref_slice %arg8[%dma_start3A_222, %dma_start3A_227] : memref<3x744xi32, #tpu.memory_space<vmem>> -> memref<1x744xi32, #tpu.memory_space<vmem>>
            %dma_start3A_229 = tpu.memref_squeeze %dma_start3A_228 : memref<1x744xi32, #tpu.memory_space<vmem>> -> memref<744xi32, #tpu.memory_space<vmem>>
            %dma_start3A_230 = tpu.memref_slice %arg4[%add3A_221] : memref<1600000xi32, #tpu.memory_space<hbm>> -> memref<744xi32, #tpu.memory_space<hbm>>
            tpu.enqueue_dma source(%dma_start3A_230 : memref<744xi32, #tpu.memory_space<hbm>>) target(%dma_start3A_229 : memref<744xi32, #tpu.memory_space<vmem>>) target_semaphore(%arg11 : memref<!tpu.dma_semaphore, #tpu.memory_space<semaphore_mem>>)
            %dma_start3A_231 = arith.constant 1 : i32
            %dma_start3A_232 = arith.constant 0 : i32
            %dma_start3A_233 = tpu.memref_slice %arg9[%dma_start3A_231, %dma_start3A_232] : memref<3x744xi32, #tpu.memory_space<vmem>> -> memref<1x744xi32, #tpu.memory_space<vmem>>
            %dma_start3A_234 = tpu.memref_squeeze %dma_start3A_233 : memref<1x744xi32, #tpu.memory_space<vmem>> -> memref<744xi32, #tpu.memory_space<vmem>>
            %dma_start3A_235 = tpu.memref_slice %arg5[%add3A_221] : memref<1600000xi32, #tpu.memory_space<hbm>> -> memref<744xi32, #tpu.memory_space<hbm>>
            %dma_start3A_236 = arith.constant 0 : i32
            %dma_start3A_237 = tpu.memref_slice %arg9[%dma_start3A_231, %dma_start3A_236] : memref<3x744xi32, #tpu.memory_space<vmem>> -> memref<1x744xi32, #tpu.memory_space<vmem>>
            %dma_start3A_238 = tpu.memref_squeeze %dma_start3A_237 : memref<1x744xi32, #tpu.memory_space<vmem>> -> memref<744xi32, #tpu.memory_space<vmem>>
            %dma_start3A_239 = tpu.memref_slice %arg5[%add3A_221] : memref<1600000xi32, #tpu.memory_space<hbm>> -> memref<744xi32, #tpu.memory_space<hbm>>
            tpu.enqueue_dma source(%dma_start3A_239 : memref<744xi32, #tpu.memory_space<hbm>>) target(%dma_start3A_238 : memref<744xi32, #tpu.memory_space<vmem>>) target_semaphore(%arg11 : memref<!tpu.dma_semaphore, #tpu.memory_space<semaphore_mem>>)
          } else {
          }
          %dma_start3A_181 = arith.constant 0 : i32
          %dma_start3A_182 = arith.constant 1 : i32
          %dma_start3A_183 = arith.constant 0 : i32
          %dma_start3A_184 = arith.constant 0 : i32
          %dma_start3A_185 = tpu.memref_slice %arg10[%dma_start3A_182, %dma_start3A_183, %dma_start3A_184] : memref<2x744x16xf32, #tpu.memory_space<vmem>> -> memref<1x744x16xf32, #tpu.memory_space<vmem>>
          %dma_start3A_186 = tpu.memref_squeeze %dma_start3A_185 : memref<1x744x16xf32, #tpu.memory_space<vmem>> -> memref<744x16xf32, #tpu.memory_space<vmem>>
          %dma_start3A_187 = arith.constant 0 : i32
          %dma_start3A_188 = tpu.memref_slice %arg8[%dma_start3A_181, %dma_start3A_187] : memref<3x744xi32, #tpu.memory_space<vmem>> -> memref<1x744xi32, #tpu.memory_space<vmem>>
          %dma_start3A_189 = tpu.memref_squeeze %dma_start3A_188 : memref<1x744xi32, #tpu.memory_space<vmem>> -> memref<744xi32, #tpu.memory_space<vmem>>
          %dma_start3A_190 = arith.constant 0 : i32
          %dma_start3A_191 = arith.constant 0 : i32
          %dma_start3A_192 = tpu.memref_slice %arg3[%dma_start3A_190, %dma_start3A_191] : memref<102400x16xf32, #tpu.memory_space<hbm>> -> memref<102400x16xf32, #tpu.memory_space<hbm>>
          tpu.enqueue_indirect_dma source(%dma_start3A_192 : memref<102400x16xf32, #tpu.memory_space<hbm>>) target(%dma_start3A_186 : memref<744x16xf32, #tpu.memory_space<vmem>>) offsets(%dma_start3A_189 : memref<744xi32, #tpu.memory_space<vmem>>) semaphore(%arg12 : memref<!tpu.dma_semaphore, #tpu.memory_space<semaphore_mem>>)
          %dma_wait3A_193 = arith.constant 0 : i32
          %dma_wait3A_194 = arith.constant 1 : i32
          %dma_wait3A_195 = arith.constant 0 : i32
          %dma_wait3A_196 = arith.constant 0 : i32
          %dma_wait3A_197 = tpu.memref_slice %arg10[%dma_wait3A_194, %dma_wait3A_195, %dma_wait3A_196] : memref<2x744x16xf32, #tpu.memory_space<vmem>> -> memref<1x744x16xf32, #tpu.memory_space<vmem>>
          %dma_wait3A_198 = tpu.memref_squeeze %dma_wait3A_197 : memref<1x744x16xf32, #tpu.memory_space<vmem>> -> memref<744x16xf32, #tpu.memory_space<vmem>>
          %dma_wait3A_199 = arith.constant 0 : i32
          %dma_wait3A_200 = tpu.memref_slice %arg8[%dma_wait3A_193, %dma_wait3A_199] : memref<3x744xi32, #tpu.memory_space<vmem>> -> memref<1x744xi32, #tpu.memory_space<vmem>>
          %dma_wait3A_201 = tpu.memref_squeeze %dma_wait3A_200 : memref<1x744xi32, #tpu.memory_space<vmem>> -> memref<744xi32, #tpu.memory_space<vmem>>
          %dma_wait3A_202 = arith.constant 0 : i32
          %dma_wait3A_203 = arith.constant 0 : i32
          %dma_wait3A_204 = tpu.memref_slice %arg3[%dma_wait3A_202, %dma_wait3A_203] : memref<102400x16xf32, #tpu.memory_space<hbm>> -> memref<102400x16xf32, #tpu.memory_space<hbm>>
          tpu.wait_indirect_dma semaphore(%arg12 : memref<!tpu.dma_semaphore, #tpu.memory_space<semaphore_mem>>) src(%dma_wait3A_204 : memref<102400x16xf32, #tpu.memory_space<hbm>>) dst(%dma_wait3A_198 : memref<744x16xf32, #tpu.memory_space<vmem>>)
          %dma_start3A_205 = arith.constant 1 : i32
          %dma_start3A_206 = arith.constant 0 : i32
          %dma_start3A_207 = arith.constant 0 : i32
          %dma_start3A_208 = arith.constant 0 : i32
          %dma_start3A_209 = tpu.memref_slice %arg10[%dma_start3A_205, %dma_start3A_207, %dma_start3A_208] : memref<2x744x16xf32, #tpu.memory_space<vmem>> -> memref<1x744x16xf32, #tpu.memory_space<vmem>>
          %dma_start3A_210 = tpu.memref_squeeze %dma_start3A_209 : memref<1x744x16xf32, #tpu.memory_space<vmem>> -> memref<744x16xf32, #tpu.memory_space<vmem>>
          %dma_start3A_211 = arith.constant 0 : i32
          %dma_start3A_212 = tpu.memref_slice %arg9[%dma_start3A_206, %dma_start3A_211] : memref<3x744xi32, #tpu.memory_space<vmem>> -> memref<1x744xi32, #tpu.memory_space<vmem>>
          %dma_start3A_213 = tpu.memref_squeeze %dma_start3A_212 : memref<1x744xi32, #tpu.memory_space<vmem>> -> memref<744xi32, #tpu.memory_space<vmem>>
          %dma_start3A_214 = arith.constant 0 : i32
          %dma_start3A_215 = arith.constant 0 : i32
          %dma_start3A_216 = tpu.memref_slice %arg7[%dma_start3A_214, %dma_start3A_215] : memref<102400x16xf32, #tpu.memory_space<vmem_shared>> -> memref<102400x16xf32, #tpu.memory_space<vmem_shared>>
          tpu.enqueue_indirect_dma source(%dma_start3A_210 : memref<744x16xf32, #tpu.memory_space<vmem>>) target(%dma_start3A_216 : memref<102400x16xf32, #tpu.memory_space<vmem_shared>>) offsets(%dma_start3A_213 : memref<744xi32, #tpu.memory_space<vmem>>) semaphore(%arg14 : memref<!tpu.dma_semaphore, #tpu.memory_space<semaphore_mem>>) {add = true}
        } else {
        }
        %add3A_134 = arith.constant 4 : i32
        %add3A_135 = arith.addi %mul3A_106, %add3A_134 : i32
        %lt3A_136 = arith.constant 134 : i32
        %lt3A_137 = arith.cmpi slt, %add3A_135, %lt3A_136 : i32
        %convert_element_type3A_138 = arith.extui %lt3A_137 : i1 to i32
        %cond3A_139 = arith.constant 0 : i32
        %cond3A_140 = arith.cmpi ne, %convert_element_type3A_138, %cond3A_139 : i32
        scf.if %cond3A_140 {
          %dma_wait3A_148 = arith.constant 1 : i32
          %dma_wait3A_149 = arith.constant 0 : i32
          %dma_wait3A_150 = tpu.memref_slice %arg8[%dma_wait3A_148, %dma_wait3A_149] : memref<3x744xi32, #tpu.memory_space<vmem>> -> memref<1x744xi32, #tpu.memory_space<vmem>>
          %dma_wait3A_151 = tpu.memref_squeeze %dma_wait3A_150 : memref<1x744xi32, #tpu.memory_space<vmem>> -> memref<744xi32, #tpu.memory_space<vmem>>
          %dma_wait3A_152 = arith.constant 0 : i32
          %dma_wait3A_153 = tpu.memref_slice %arg4[%dma_wait3A_152] : memref<1600000xi32, #tpu.memory_space<hbm>> -> memref<744xi32, #tpu.memory_space<hbm>>
          %dma_wait3A_154 = arith.constant 0 : i32
          %dma_wait3A_155 = tpu.memref_slice %arg8[%dma_wait3A_148, %dma_wait3A_154] : memref<3x744xi32, #tpu.memory_space<vmem>> -> memref<1x744xi32, #tpu.memory_space<vmem>>
          %dma_wait3A_156 = tpu.memref_squeeze %dma_wait3A_155 : memref<1x744xi32, #tpu.memory_space<vmem>> -> memref<744xi32, #tpu.memory_space<vmem>>
          %dma_wait3A_157 = arith.constant 0 : i32
          %dma_wait3A_158 = tpu.memref_slice %arg4[%dma_wait3A_157] : memref<1600000xi32, #tpu.memory_space<hbm>> -> memref<744xi32, #tpu.memory_space<hbm>>
          tpu.wait_dma2 semaphore(%arg11 : memref<!tpu.dma_semaphore, #tpu.memory_space<semaphore_mem>>) src(%dma_wait3A_158 : memref<744xi32, #tpu.memory_space<hbm>>) dst(%dma_wait3A_156 : memref<744xi32, #tpu.memory_space<vmem>>)
          %dma_wait3A_159 = arith.constant 1 : i32
          %dma_wait3A_160 = arith.constant 0 : i32
          %dma_wait3A_161 = tpu.memref_slice %arg9[%dma_wait3A_159, %dma_wait3A_160] : memref<3x744xi32, #tpu.memory_space<vmem>> -> memref<1x744xi32, #tpu.memory_space<vmem>>
          %dma_wait3A_162 = tpu.memref_squeeze %dma_wait3A_161 : memref<1x744xi32, #tpu.memory_space<vmem>> -> memref<744xi32, #tpu.memory_space<vmem>>
          %dma_wait3A_163 = arith.constant 0 : i32
          %dma_wait3A_164 = tpu.memref_slice %arg5[%dma_wait3A_163] : memref<1600000xi32, #tpu.memory_space<hbm>> -> memref<744xi32, #tpu.memory_space<hbm>>
          %dma_wait3A_165 = arith.constant 0 : i32
          %dma_wait3A_166 = tpu.memref_slice %arg9[%dma_wait3A_159, %dma_wait3A_165] : memref<3x744xi32, #tpu.memory_space<vmem>> -> memref<1x744xi32, #tpu.memory_space<vmem>>
          %dma_wait3A_167 = tpu.memref_squeeze %dma_wait3A_166 : memref<1x744xi32, #tpu.memory_space<vmem>> -> memref<744xi32, #tpu.memory_space<vmem>>
          %dma_wait3A_168 = arith.constant 0 : i32
          %dma_wait3A_169 = tpu.memref_slice %arg5[%dma_wait3A_168] : memref<1600000xi32, #tpu.memory_space<hbm>> -> memref<744xi32, #tpu.memory_space<hbm>>
          tpu.wait_dma2 semaphore(%arg11 : memref<!tpu.dma_semaphore, #tpu.memory_space<semaphore_mem>>) src(%dma_wait3A_169 : memref<744xi32, #tpu.memory_space<hbm>>) dst(%dma_wait3A_167 : memref<744xi32, #tpu.memory_space<vmem>>)
          %ge3A = arith.constant 2 : i32
          %ge3A_170 = arith.cmpi sge, %add3A_135, %ge3A : i32
          %convert_element_type3A_171 = arith.extui %ge3A_170 : i1 to i32
          %cond3A_172 = arith.constant 0 : i32
          %cond3A_173 = arith.cmpi ne, %convert_element_type3A_171, %cond3A_172 : i32
          scf.if %cond3A_173 {
            %dma_wait3A_217 = arith.constant 0 : i32
            %dma_wait3A_218 = arith.constant 2 : i32
            %dma_wait3A_219 = arith.constant 0 : i32
            %dma_wait3A_220 = arith.constant 0 : i32
            %dma_wait3A_221 = tpu.memref_slice %arg10[%dma_wait3A_217, %dma_wait3A_219, %dma_wait3A_220] : memref<2x744x16xf32, #tpu.memory_space<vmem>> -> memref<1x744x16xf32, #tpu.memory_space<vmem>>
            %dma_wait3A_222 = tpu.memref_squeeze %dma_wait3A_221 : memref<1x744x16xf32, #tpu.memory_space<vmem>> -> memref<744x16xf32, #tpu.memory_space<vmem>>
            %dma_wait3A_223 = arith.constant 0 : i32
            %dma_wait3A_224 = tpu.memref_slice %arg9[%dma_wait3A_218, %dma_wait3A_223] : memref<3x744xi32, #tpu.memory_space<vmem>> -> memref<1x744xi32, #tpu.memory_space<vmem>>
            %dma_wait3A_225 = tpu.memref_squeeze %dma_wait3A_224 : memref<1x744xi32, #tpu.memory_space<vmem>> -> memref<744xi32, #tpu.memory_space<vmem>>
            %dma_wait3A_226 = arith.constant 0 : i32
            %dma_wait3A_227 = arith.constant 0 : i32
            %dma_wait3A_228 = tpu.memref_slice %arg7[%dma_wait3A_226, %dma_wait3A_227] : memref<102400x16xf32, #tpu.memory_space<vmem_shared>> -> memref<102400x16xf32, #tpu.memory_space<vmem_shared>>
            tpu.wait_indirect_dma semaphore(%arg13 : memref<!tpu.dma_semaphore, #tpu.memory_space<semaphore_mem>>) src(%dma_wait3A_222 : memref<744x16xf32, #tpu.memory_space<vmem>>) dst(%dma_wait3A_228 : memref<102400x16xf32, #tpu.memory_space<vmem_shared>>)
          } else {
          }
          %add3A_174 = arith.constant 1 : i32
          %add3A_175 = arith.addi %add3A_135, %add3A_174 : i32
          %lt3A_176 = arith.constant 134 : i32
          %lt3A_177 = arith.cmpi slt, %add3A_175, %lt3A_176 : i32
          %convert_element_type3A_178 = arith.extui %lt3A_177 : i1 to i32
          %cond3A_179 = arith.constant 0 : i32
          %cond3A_180 = arith.cmpi ne, %convert_element_type3A_178, %cond3A_179 : i32
          scf.if %cond3A_180 {
            %add3A_217 = arith.constant 1 : i32
            %add3A_218 = arith.addi %add3A_135, %add3A_217 : i32
            %mul3A_219 = arith.constant 744 : i32
            %mul3A_220 = arith.muli %add3A_218, %mul3A_219 : i32
            %add3A_221 = arith.addi %mul3A_13, %mul3A_220 : i32
            %dma_start3A_222 = arith.constant 2 : i32
            %dma_start3A_223 = arith.constant 0 : i32
            %dma_start3A_224 = tpu.memref_slice %arg8[%dma_start3A_222, %dma_start3A_223] : memref<3x744xi32, #tpu.memory_space<vmem>> -> memref<1x744xi32, #tpu.memory_space<vmem>>
            %dma_start3A_225 = tpu.memref_squeeze %dma_start3A_224 : memref<1x744xi32, #tpu.memory_space<vmem>> -> memref<744xi32, #tpu.memory_space<vmem>>
            %dma_start3A_226 = tpu.memref_slice %arg4[%add3A_221] : memref<1600000xi32, #tpu.memory_space<hbm>> -> memref<744xi32, #tpu.memory_space<hbm>>
            %dma_start3A_227 = arith.constant 0 : i32
            %dma_start3A_228 = tpu.memref_slice %arg8[%dma_start3A_222, %dma_start3A_227] : memref<3x744xi32, #tpu.memory_space<vmem>> -> memref<1x744xi32, #tpu.memory_space<vmem>>
            %dma_start3A_229 = tpu.memref_squeeze %dma_start3A_228 : memref<1x744xi32, #tpu.memory_space<vmem>> -> memref<744xi32, #tpu.memory_space<vmem>>
            %dma_start3A_230 = tpu.memref_slice %arg4[%add3A_221] : memref<1600000xi32, #tpu.memory_space<hbm>> -> memref<744xi32, #tpu.memory_space<hbm>>
            tpu.enqueue_dma source(%dma_start3A_230 : memref<744xi32, #tpu.memory_space<hbm>>) target(%dma_start3A_229 : memref<744xi32, #tpu.memory_space<vmem>>) target_semaphore(%arg11 : memref<!tpu.dma_semaphore, #tpu.memory_space<semaphore_mem>>)
            %dma_start3A_231 = arith.constant 2 : i32
            %dma_start3A_232 = arith.constant 0 : i32
            %dma_start3A_233 = tpu.memref_slice %arg9[%dma_start3A_231, %dma_start3A_232] : memref<3x744xi32, #tpu.memory_space<vmem>> -> memref<1x744xi32, #tpu.memory_space<vmem>>
            %dma_start3A_234 = tpu.memref_squeeze %dma_start3A_233 : memref<1x744xi32, #tpu.memory_space<vmem>> -> memref<744xi32, #tpu.memory_space<vmem>>
            %dma_start3A_235 = tpu.memref_slice %arg5[%add3A_221] : memref<1600000xi32, #tpu.memory_space<hbm>> -> memref<744xi32, #tpu.memory_space<hbm>>
            %dma_start3A_236 = arith.constant 0 : i32
            %dma_start3A_237 = tpu.memref_slice %arg9[%dma_start3A_231, %dma_start3A_236] : memref<3x744xi32, #tpu.memory_space<vmem>> -> memref<1x744xi32, #tpu.memory_space<vmem>>
            %dma_start3A_238 = tpu.memref_squeeze %dma_start3A_237 : memref<1x744xi32, #tpu.memory_space<vmem>> -> memref<744xi32, #tpu.memory_space<vmem>>
            %dma_start3A_239 = tpu.memref_slice %arg5[%add3A_221] : memref<1600000xi32, #tpu.memory_space<hbm>> -> memref<744xi32, #tpu.memory_space<hbm>>
            tpu.enqueue_dma source(%dma_start3A_239 : memref<744xi32, #tpu.memory_space<hbm>>) target(%dma_start3A_238 : memref<744xi32, #tpu.memory_space<vmem>>) target_semaphore(%arg11 : memref<!tpu.dma_semaphore, #tpu.memory_space<semaphore_mem>>)
          } else {
          }
          %dma_start3A_181 = arith.constant 1 : i32
          %dma_start3A_182 = arith.constant 0 : i32
          %dma_start3A_183 = arith.constant 0 : i32
          %dma_start3A_184 = arith.constant 0 : i32
          %dma_start3A_185 = tpu.memref_slice %arg10[%dma_start3A_182, %dma_start3A_183, %dma_start3A_184] : memref<2x744x16xf32, #tpu.memory_space<vmem>> -> memref<1x744x16xf32, #tpu.memory_space<vmem>>
          %dma_start3A_186 = tpu.memref_squeeze %dma_start3A_185 : memref<1x744x16xf32, #tpu.memory_space<vmem>> -> memref<744x16xf32, #tpu.memory_space<vmem>>
          %dma_start3A_187 = arith.constant 0 : i32
          %dma_start3A_188 = tpu.memref_slice %arg8[%dma_start3A_181, %dma_start3A_187] : memref<3x744xi32, #tpu.memory_space<vmem>> -> memref<1x744xi32, #tpu.memory_space<vmem>>
          %dma_start3A_189 = tpu.memref_squeeze %dma_start3A_188 : memref<1x744xi32, #tpu.memory_space<vmem>> -> memref<744xi32, #tpu.memory_space<vmem>>
          %dma_start3A_190 = arith.constant 0 : i32
          %dma_start3A_191 = arith.constant 0 : i32
          %dma_start3A_192 = tpu.memref_slice %arg3[%dma_start3A_190, %dma_start3A_191] : memref<102400x16xf32, #tpu.memory_space<hbm>> -> memref<102400x16xf32, #tpu.memory_space<hbm>>
          tpu.enqueue_indirect_dma source(%dma_start3A_192 : memref<102400x16xf32, #tpu.memory_space<hbm>>) target(%dma_start3A_186 : memref<744x16xf32, #tpu.memory_space<vmem>>) offsets(%dma_start3A_189 : memref<744xi32, #tpu.memory_space<vmem>>) semaphore(%arg12 : memref<!tpu.dma_semaphore, #tpu.memory_space<semaphore_mem>>)
          %dma_wait3A_193 = arith.constant 1 : i32
          %dma_wait3A_194 = arith.constant 0 : i32
          %dma_wait3A_195 = arith.constant 0 : i32
          %dma_wait3A_196 = arith.constant 0 : i32
          %dma_wait3A_197 = tpu.memref_slice %arg10[%dma_wait3A_194, %dma_wait3A_195, %dma_wait3A_196] : memref<2x744x16xf32, #tpu.memory_space<vmem>> -> memref<1x744x16xf32, #tpu.memory_space<vmem>>
          %dma_wait3A_198 = tpu.memref_squeeze %dma_wait3A_197 : memref<1x744x16xf32, #tpu.memory_space<vmem>> -> memref<744x16xf32, #tpu.memory_space<vmem>>
          %dma_wait3A_199 = arith.constant 0 : i32
          %dma_wait3A_200 = tpu.memref_slice %arg8[%dma_wait3A_193, %dma_wait3A_199] : memref<3x744xi32, #tpu.memory_space<vmem>> -> memref<1x744xi32, #tpu.memory_space<vmem>>
          %dma_wait3A_201 = tpu.memref_squeeze %dma_wait3A_200 : memref<1x744xi32, #tpu.memory_space<vmem>> -> memref<744xi32, #tpu.memory_space<vmem>>
          %dma_wait3A_202 = arith.constant 0 : i32
          %dma_wait3A_203 = arith.constant 0 : i32
          %dma_wait3A_204 = tpu.memref_slice %arg3[%dma_wait3A_202, %dma_wait3A_203] : memref<102400x16xf32, #tpu.memory_space<hbm>> -> memref<102400x16xf32, #tpu.memory_space<hbm>>
          tpu.wait_indirect_dma semaphore(%arg12 : memref<!tpu.dma_semaphore, #tpu.memory_space<semaphore_mem>>) src(%dma_wait3A_204 : memref<102400x16xf32, #tpu.memory_space<hbm>>) dst(%dma_wait3A_198 : memref<744x16xf32, #tpu.memory_space<vmem>>)
          %dma_start3A_205 = arith.constant 0 : i32
          %dma_start3A_206 = arith.constant 1 : i32
          %dma_start3A_207 = arith.constant 0 : i32
          %dma_start3A_208 = arith.constant 0 : i32
          %dma_start3A_209 = tpu.memref_slice %arg10[%dma_start3A_205, %dma_start3A_207, %dma_start3A_208] : memref<2x744x16xf32, #tpu.memory_space<vmem>> -> memref<1x744x16xf32, #tpu.memory_space<vmem>>
          %dma_start3A_210 = tpu.memref_squeeze %dma_start3A_209 : memref<1x744x16xf32, #tpu.memory_space<vmem>> -> memref<744x16xf32, #tpu.memory_space<vmem>>
          %dma_start3A_211 = arith.constant 0 : i32
          %dma_start3A_212 = tpu.memref_slice %arg9[%dma_start3A_206, %dma_start3A_211] : memref<3x744xi32, #tpu.memory_space<vmem>> -> memref<1x744xi32, #tpu.memory_space<vmem>>
          %dma_start3A_213 = tpu.memref_squeeze %dma_start3A_212 : memref<1x744xi32, #tpu.memory_space<vmem>> -> memref<744xi32, #tpu.memory_space<vmem>>
          %dma_start3A_214 = arith.constant 0 : i32
          %dma_start3A_215 = arith.constant 0 : i32
          %dma_start3A_216 = tpu.memref_slice %arg7[%dma_start3A_214, %dma_start3A_215] : memref<102400x16xf32, #tpu.memory_space<vmem_shared>> -> memref<102400x16xf32, #tpu.memory_space<vmem_shared>>
          tpu.enqueue_indirect_dma source(%dma_start3A_210 : memref<744x16xf32, #tpu.memory_space<vmem>>) target(%dma_start3A_216 : memref<102400x16xf32, #tpu.memory_space<vmem_shared>>) offsets(%dma_start3A_213 : memref<744xi32, #tpu.memory_space<vmem>>) semaphore(%arg13 : memref<!tpu.dma_semaphore, #tpu.memory_space<semaphore_mem>>) {add = true}
        } else {
        }
        %add3A_141 = arith.constant 5 : i32
        %add3A_142 = arith.addi %mul3A_106, %add3A_141 : i32
        %lt3A_143 = arith.constant 134 : i32
        %lt3A_144 = arith.cmpi slt, %add3A_142, %lt3A_143 : i32
        %convert_element_type3A_145 = arith.extui %lt3A_144 : i1 to i32
        %cond3A_146 = arith.constant 0 : i32
        %cond3A_147 = arith.cmpi ne, %convert_element_type3A_145, %cond3A_146 : i32
        scf.if %cond3A_147 {
          %dma_wait3A_148 = arith.constant 2 : i32
          %dma_wait3A_149 = arith.constant 0 : i32
          %dma_wait3A_150 = tpu.memref_slice %arg8[%dma_wait3A_148, %dma_wait3A_149] : memref<3x744xi32, #tpu.memory_space<vmem>> -> memref<1x744xi32, #tpu.memory_space<vmem>>
          %dma_wait3A_151 = tpu.memref_squeeze %dma_wait3A_150 : memref<1x744xi32, #tpu.memory_space<vmem>> -> memref<744xi32, #tpu.memory_space<vmem>>
          %dma_wait3A_152 = arith.constant 0 : i32
          %dma_wait3A_153 = tpu.memref_slice %arg4[%dma_wait3A_152] : memref<1600000xi32, #tpu.memory_space<hbm>> -> memref<744xi32, #tpu.memory_space<hbm>>
          %dma_wait3A_154 = arith.constant 0 : i32
          %dma_wait3A_155 = tpu.memref_slice %arg8[%dma_wait3A_148, %dma_wait3A_154] : memref<3x744xi32, #tpu.memory_space<vmem>> -> memref<1x744xi32, #tpu.memory_space<vmem>>
          %dma_wait3A_156 = tpu.memref_squeeze %dma_wait3A_155 : memref<1x744xi32, #tpu.memory_space<vmem>> -> memref<744xi32, #tpu.memory_space<vmem>>
          %dma_wait3A_157 = arith.constant 0 : i32
          %dma_wait3A_158 = tpu.memref_slice %arg4[%dma_wait3A_157] : memref<1600000xi32, #tpu.memory_space<hbm>> -> memref<744xi32, #tpu.memory_space<hbm>>
          tpu.wait_dma2 semaphore(%arg11 : memref<!tpu.dma_semaphore, #tpu.memory_space<semaphore_mem>>) src(%dma_wait3A_158 : memref<744xi32, #tpu.memory_space<hbm>>) dst(%dma_wait3A_156 : memref<744xi32, #tpu.memory_space<vmem>>)
          %dma_wait3A_159 = arith.constant 2 : i32
          %dma_wait3A_160 = arith.constant 0 : i32
          %dma_wait3A_161 = tpu.memref_slice %arg9[%dma_wait3A_159, %dma_wait3A_160] : memref<3x744xi32, #tpu.memory_space<vmem>> -> memref<1x744xi32, #tpu.memory_space<vmem>>
          %dma_wait3A_162 = tpu.memref_squeeze %dma_wait3A_161 : memref<1x744xi32, #tpu.memory_space<vmem>> -> memref<744xi32, #tpu.memory_space<vmem>>
          %dma_wait3A_163 = arith.constant 0 : i32
          %dma_wait3A_164 = tpu.memref_slice %arg5[%dma_wait3A_163] : memref<1600000xi32, #tpu.memory_space<hbm>> -> memref<744xi32, #tpu.memory_space<hbm>>
          %dma_wait3A_165 = arith.constant 0 : i32
          %dma_wait3A_166 = tpu.memref_slice %arg9[%dma_wait3A_159, %dma_wait3A_165] : memref<3x744xi32, #tpu.memory_space<vmem>> -> memref<1x744xi32, #tpu.memory_space<vmem>>
          %dma_wait3A_167 = tpu.memref_squeeze %dma_wait3A_166 : memref<1x744xi32, #tpu.memory_space<vmem>> -> memref<744xi32, #tpu.memory_space<vmem>>
          %dma_wait3A_168 = arith.constant 0 : i32
          %dma_wait3A_169 = tpu.memref_slice %arg5[%dma_wait3A_168] : memref<1600000xi32, #tpu.memory_space<hbm>> -> memref<744xi32, #tpu.memory_space<hbm>>
          tpu.wait_dma2 semaphore(%arg11 : memref<!tpu.dma_semaphore, #tpu.memory_space<semaphore_mem>>) src(%dma_wait3A_169 : memref<744xi32, #tpu.memory_space<hbm>>) dst(%dma_wait3A_167 : memref<744xi32, #tpu.memory_space<vmem>>)
          %ge3A = arith.constant 2 : i32
          %ge3A_170 = arith.cmpi sge, %add3A_142, %ge3A : i32
          %convert_element_type3A_171 = arith.extui %ge3A_170 : i1 to i32
          %cond3A_172 = arith.constant 0 : i32
          %cond3A_173 = arith.cmpi ne, %convert_element_type3A_171, %cond3A_172 : i32
          scf.if %cond3A_173 {
            %dma_wait3A_217 = arith.constant 1 : i32
            %dma_wait3A_218 = arith.constant 0 : i32
            %dma_wait3A_219 = arith.constant 0 : i32
            %dma_wait3A_220 = arith.constant 0 : i32
            %dma_wait3A_221 = tpu.memref_slice %arg10[%dma_wait3A_217, %dma_wait3A_219, %dma_wait3A_220] : memref<2x744x16xf32, #tpu.memory_space<vmem>> -> memref<1x744x16xf32, #tpu.memory_space<vmem>>
            %dma_wait3A_222 = tpu.memref_squeeze %dma_wait3A_221 : memref<1x744x16xf32, #tpu.memory_space<vmem>> -> memref<744x16xf32, #tpu.memory_space<vmem>>
            %dma_wait3A_223 = arith.constant 0 : i32
            %dma_wait3A_224 = tpu.memref_slice %arg9[%dma_wait3A_218, %dma_wait3A_223] : memref<3x744xi32, #tpu.memory_space<vmem>> -> memref<1x744xi32, #tpu.memory_space<vmem>>
            %dma_wait3A_225 = tpu.memref_squeeze %dma_wait3A_224 : memref<1x744xi32, #tpu.memory_space<vmem>> -> memref<744xi32, #tpu.memory_space<vmem>>
            %dma_wait3A_226 = arith.constant 0 : i32
            %dma_wait3A_227 = arith.constant 0 : i32
            %dma_wait3A_228 = tpu.memref_slice %arg7[%dma_wait3A_226, %dma_wait3A_227] : memref<102400x16xf32, #tpu.memory_space<vmem_shared>> -> memref<102400x16xf32, #tpu.memory_space<vmem_shared>>
            tpu.wait_indirect_dma semaphore(%arg14 : memref<!tpu.dma_semaphore, #tpu.memory_space<semaphore_mem>>) src(%dma_wait3A_222 : memref<744x16xf32, #tpu.memory_space<vmem>>) dst(%dma_wait3A_228 : memref<102400x16xf32, #tpu.memory_space<vmem_shared>>)
          } else {
          }
          %add3A_174 = arith.constant 1 : i32
          %add3A_175 = arith.addi %add3A_142, %add3A_174 : i32
          %lt3A_176 = arith.constant 134 : i32
          %lt3A_177 = arith.cmpi slt, %add3A_175, %lt3A_176 : i32
          %convert_element_type3A_178 = arith.extui %lt3A_177 : i1 to i32
          %cond3A_179 = arith.constant 0 : i32
          %cond3A_180 = arith.cmpi ne, %convert_element_type3A_178, %cond3A_179 : i32
          scf.if %cond3A_180 {
            %add3A_217 = arith.constant 1 : i32
            %add3A_218 = arith.addi %add3A_142, %add3A_217 : i32
            %mul3A_219 = arith.constant 744 : i32
            %mul3A_220 = arith.muli %add3A_218, %mul3A_219 : i32
            %add3A_221 = arith.addi %mul3A_13, %mul3A_220 : i32
            %dma_start3A_222 = arith.constant 0 : i32
            %dma_start3A_223 = arith.constant 0 : i32
            %dma_start3A_224 = tpu.memref_slice %arg8[%dma_start3A_222, %dma_start3A_223] : memref<3x744xi32, #tpu.memory_space<vmem>> -> memref<1x744xi32, #tpu.memory_space<vmem>>
            %dma_start3A_225 = tpu.memref_squeeze %dma_start3A_224 : memref<1x744xi32, #tpu.memory_space<vmem>> -> memref<744xi32, #tpu.memory_space<vmem>>
            %dma_start3A_226 = tpu.memref_slice %arg4[%add3A_221] : memref<1600000xi32, #tpu.memory_space<hbm>> -> memref<744xi32, #tpu.memory_space<hbm>>
            %dma_start3A_227 = arith.constant 0 : i32
            %dma_start3A_228 = tpu.memref_slice %arg8[%dma_start3A_222, %dma_start3A_227] : memref<3x744xi32, #tpu.memory_space<vmem>> -> memref<1x744xi32, #tpu.memory_space<vmem>>
            %dma_start3A_229 = tpu.memref_squeeze %dma_start3A_228 : memref<1x744xi32, #tpu.memory_space<vmem>> -> memref<744xi32, #tpu.memory_space<vmem>>
            %dma_start3A_230 = tpu.memref_slice %arg4[%add3A_221] : memref<1600000xi32, #tpu.memory_space<hbm>> -> memref<744xi32, #tpu.memory_space<hbm>>
            tpu.enqueue_dma source(%dma_start3A_230 : memref<744xi32, #tpu.memory_space<hbm>>) target(%dma_start3A_229 : memref<744xi32, #tpu.memory_space<vmem>>) target_semaphore(%arg11 : memref<!tpu.dma_semaphore, #tpu.memory_space<semaphore_mem>>)
            %dma_start3A_231 = arith.constant 0 : i32
            %dma_start3A_232 = arith.constant 0 : i32
            %dma_start3A_233 = tpu.memref_slice %arg9[%dma_start3A_231, %dma_start3A_232] : memref<3x744xi32, #tpu.memory_space<vmem>> -> memref<1x744xi32, #tpu.memory_space<vmem>>
            %dma_start3A_234 = tpu.memref_squeeze %dma_start3A_233 : memref<1x744xi32, #tpu.memory_space<vmem>> -> memref<744xi32, #tpu.memory_space<vmem>>
            %dma_start3A_235 = tpu.memref_slice %arg5[%add3A_221] : memref<1600000xi32, #tpu.memory_space<hbm>> -> memref<744xi32, #tpu.memory_space<hbm>>
            %dma_start3A_236 = arith.constant 0 : i32
            %dma_start3A_237 = tpu.memref_slice %arg9[%dma_start3A_231, %dma_start3A_236] : memref<3x744xi32, #tpu.memory_space<vmem>> -> memref<1x744xi32, #tpu.memory_space<vmem>>
            %dma_start3A_238 = tpu.memref_squeeze %dma_start3A_237 : memref<1x744xi32, #tpu.memory_space<vmem>> -> memref<744xi32, #tpu.memory_space<vmem>>
            %dma_start3A_239 = tpu.memref_slice %arg5[%add3A_221] : memref<1600000xi32, #tpu.memory_space<hbm>> -> memref<744xi32, #tpu.memory_space<hbm>>
            tpu.enqueue_dma source(%dma_start3A_239 : memref<744xi32, #tpu.memory_space<hbm>>) target(%dma_start3A_238 : memref<744xi32, #tpu.memory_space<vmem>>) target_semaphore(%arg11 : memref<!tpu.dma_semaphore, #tpu.memory_space<semaphore_mem>>)
          } else {
          }
          %dma_start3A_181 = arith.constant 2 : i32
          %dma_start3A_182 = arith.constant 1 : i32
          %dma_start3A_183 = arith.constant 0 : i32
          %dma_start3A_184 = arith.constant 0 : i32
          %dma_start3A_185 = tpu.memref_slice %arg10[%dma_start3A_182, %dma_start3A_183, %dma_start3A_184] : memref<2x744x16xf32, #tpu.memory_space<vmem>> -> memref<1x744x16xf32, #tpu.memory_space<vmem>>
          %dma_start3A_186 = tpu.memref_squeeze %dma_start3A_185 : memref<1x744x16xf32, #tpu.memory_space<vmem>> -> memref<744x16xf32, #tpu.memory_space<vmem>>
          %dma_start3A_187 = arith.constant 0 : i32
          %dma_start3A_188 = tpu.memref_slice %arg8[%dma_start3A_181, %dma_start3A_187] : memref<3x744xi32, #tpu.memory_space<vmem>> -> memref<1x744xi32, #tpu.memory_space<vmem>>
          %dma_start3A_189 = tpu.memref_squeeze %dma_start3A_188 : memref<1x744xi32, #tpu.memory_space<vmem>> -> memref<744xi32, #tpu.memory_space<vmem>>
          %dma_start3A_190 = arith.constant 0 : i32
          %dma_start3A_191 = arith.constant 0 : i32
          %dma_start3A_192 = tpu.memref_slice %arg3[%dma_start3A_190, %dma_start3A_191] : memref<102400x16xf32, #tpu.memory_space<hbm>> -> memref<102400x16xf32, #tpu.memory_space<hbm>>
          tpu.enqueue_indirect_dma source(%dma_start3A_192 : memref<102400x16xf32, #tpu.memory_space<hbm>>) target(%dma_start3A_186 : memref<744x16xf32, #tpu.memory_space<vmem>>) offsets(%dma_start3A_189 : memref<744xi32, #tpu.memory_space<vmem>>) semaphore(%arg12 : memref<!tpu.dma_semaphore, #tpu.memory_space<semaphore_mem>>)
          %dma_wait3A_193 = arith.constant 2 : i32
          %dma_wait3A_194 = arith.constant 1 : i32
          %dma_wait3A_195 = arith.constant 0 : i32
          %dma_wait3A_196 = arith.constant 0 : i32
          %dma_wait3A_197 = tpu.memref_slice %arg10[%dma_wait3A_194, %dma_wait3A_195, %dma_wait3A_196] : memref<2x744x16xf32, #tpu.memory_space<vmem>> -> memref<1x744x16xf32, #tpu.memory_space<vmem>>
          %dma_wait3A_198 = tpu.memref_squeeze %dma_wait3A_197 : memref<1x744x16xf32, #tpu.memory_space<vmem>> -> memref<744x16xf32, #tpu.memory_space<vmem>>
          %dma_wait3A_199 = arith.constant 0 : i32
          %dma_wait3A_200 = tpu.memref_slice %arg8[%dma_wait3A_193, %dma_wait3A_199] : memref<3x744xi32, #tpu.memory_space<vmem>> -> memref<1x744xi32, #tpu.memory_space<vmem>>
          %dma_wait3A_201 = tpu.memref_squeeze %dma_wait3A_200 : memref<1x744xi32, #tpu.memory_space<vmem>> -> memref<744xi32, #tpu.memory_space<vmem>>
          %dma_wait3A_202 = arith.constant 0 : i32
          %dma_wait3A_203 = arith.constant 0 : i32
          %dma_wait3A_204 = tpu.memref_slice %arg3[%dma_wait3A_202, %dma_wait3A_203] : memref<102400x16xf32, #tpu.memory_space<hbm>> -> memref<102400x16xf32, #tpu.memory_space<hbm>>
          tpu.wait_indirect_dma semaphore(%arg12 : memref<!tpu.dma_semaphore, #tpu.memory_space<semaphore_mem>>) src(%dma_wait3A_204 : memref<102400x16xf32, #tpu.memory_space<hbm>>) dst(%dma_wait3A_198 : memref<744x16xf32, #tpu.memory_space<vmem>>)
          %dma_start3A_205 = arith.constant 1 : i32
          %dma_start3A_206 = arith.constant 2 : i32
          %dma_start3A_207 = arith.constant 0 : i32
          %dma_start3A_208 = arith.constant 0 : i32
          %dma_start3A_209 = tpu.memref_slice %arg10[%dma_start3A_205, %dma_start3A_207, %dma_start3A_208] : memref<2x744x16xf32, #tpu.memory_space<vmem>> -> memref<1x744x16xf32, #tpu.memory_space<vmem>>
          %dma_start3A_210 = tpu.memref_squeeze %dma_start3A_209 : memref<1x744x16xf32, #tpu.memory_space<vmem>> -> memref<744x16xf32, #tpu.memory_space<vmem>>
          %dma_start3A_211 = arith.constant 0 : i32
          %dma_start3A_212 = tpu.memref_slice %arg9[%dma_start3A_206, %dma_start3A_211] : memref<3x744xi32, #tpu.memory_space<vmem>> -> memref<1x744xi32, #tpu.memory_space<vmem>>
          %dma_start3A_213 = tpu.memref_squeeze %dma_start3A_212 : memref<1x744xi32, #tpu.memory_space<vmem>> -> memref<744xi32, #tpu.memory_space<vmem>>
          %dma_start3A_214 = arith.constant 0 : i32
          %dma_start3A_215 = arith.constant 0 : i32
          %dma_start3A_216 = tpu.memref_slice %arg7[%dma_start3A_214, %dma_start3A_215] : memref<102400x16xf32, #tpu.memory_space<vmem_shared>> -> memref<102400x16xf32, #tpu.memory_space<vmem_shared>>
          tpu.enqueue_indirect_dma source(%dma_start3A_210 : memref<744x16xf32, #tpu.memory_space<vmem>>) target(%dma_start3A_216 : memref<102400x16xf32, #tpu.memory_space<vmem_shared>>) offsets(%dma_start3A_213 : memref<744xi32, #tpu.memory_space<vmem>>) semaphore(%arg14 : memref<!tpu.dma_semaphore, #tpu.memory_space<semaphore_mem>>) {add = true}
        } else {
        }
      }
      %scan3A_51 = arith.constant 23 : i32
      %dma_wait3A = arith.constant 0 : i32
      %dma_wait3A_52 = arith.constant 0 : i32
      %dma_wait3A_53 = arith.constant 0 : i32
      %dma_wait3A_54 = arith.constant 0 : i32
      %dma_wait3A_55 = tpu.memref_slice %arg10[%dma_wait3A, %dma_wait3A_53, %dma_wait3A_54] : memref<2x744x16xf32, #tpu.memory_space<vmem>> -> memref<1x744x16xf32, #tpu.memory_space<vmem>>
      %dma_wait3A_56 = tpu.memref_squeeze %dma_wait3A_55 : memref<1x744x16xf32, #tpu.memory_space<vmem>> -> memref<744x16xf32, #tpu.memory_space<vmem>>
      %dma_wait3A_57 = arith.constant 0 : i32
      %dma_wait3A_58 = tpu.memref_slice %arg9[%dma_wait3A_52, %dma_wait3A_57] : memref<3x744xi32, #tpu.memory_space<vmem>> -> memref<1x744xi32, #tpu.memory_space<vmem>>
      %dma_wait3A_59 = tpu.memref_squeeze %dma_wait3A_58 : memref<1x744xi32, #tpu.memory_space<vmem>> -> memref<744xi32, #tpu.memory_space<vmem>>
      %dma_wait3A_60 = arith.constant 0 : i32
      %dma_wait3A_61 = arith.constant 0 : i32
      %dma_wait3A_62 = tpu.memref_slice %arg7[%dma_wait3A_60, %dma_wait3A_61] : memref<102400x16xf32, #tpu.memory_space<vmem_shared>> -> memref<102400x16xf32, #tpu.memory_space<vmem_shared>>
      tpu.wait_indirect_dma semaphore(%arg13 : memref<!tpu.dma_semaphore, #tpu.memory_space<semaphore_mem>>) src(%dma_wait3A_56 : memref<744x16xf32, #tpu.memory_space<vmem>>) dst(%dma_wait3A_62 : memref<102400x16xf32, #tpu.memory_space<vmem_shared>>)
      %dma_wait3A_63 = arith.constant 1 : i32
      %dma_wait3A_64 = arith.constant 1 : i32
      %dma_wait3A_65 = arith.constant 0 : i32
      %dma_wait3A_66 = arith.constant 0 : i32
      %dma_wait3A_67 = tpu.memref_slice %arg10[%dma_wait3A_63, %dma_wait3A_65, %dma_wait3A_66] : memref<2x744x16xf32, #tpu.memory_space<vmem>> -> memref<1x744x16xf32, #tpu.memory_space<vmem>>
      %dma_wait3A_68 = tpu.memref_squeeze %dma_wait3A_67 : memref<1x744x16xf32, #tpu.memory_space<vmem>> -> memref<744x16xf32, #tpu.memory_space<vmem>>
      %dma_wait3A_69 = arith.constant 0 : i32
      %dma_wait3A_70 = tpu.memref_slice %arg9[%dma_wait3A_64, %dma_wait3A_69] : memref<3x744xi32, #tpu.memory_space<vmem>> -> memref<1x744xi32, #tpu.memory_space<vmem>>
      %dma_wait3A_71 = tpu.memref_squeeze %dma_wait3A_70 : memref<1x744xi32, #tpu.memory_space<vmem>> -> memref<744xi32, #tpu.memory_space<vmem>>
      %dma_wait3A_72 = arith.constant 0 : i32
      %dma_wait3A_73 = arith.constant 0 : i32
      %dma_wait3A_74 = tpu.memref_slice %arg7[%dma_wait3A_72, %dma_wait3A_73] : memref<102400x16xf32, #tpu.memory_space<vmem_shared>> -> memref<102400x16xf32, #tpu.memory_space<vmem_shared>>
      tpu.wait_indirect_dma semaphore(%arg14 : memref<!tpu.dma_semaphore, #tpu.memory_space<semaphore_mem>>) src(%dma_wait3A_68 : memref<744x16xf32, #tpu.memory_space<vmem>>) dst(%dma_wait3A_74 : memref<102400x16xf32, #tpu.memory_space<vmem_shared>>)
      %add3A_75 = arith.constant 99696 : i32
      %add3A_76 = arith.addi %mul3A_13, %add3A_75 : i32
      %run_scoped3A = arith.constant 0 : i32
      "tpu.region"() ({
        %run_scoped3A_104 = tpu.sem_alloc : memref<!tpu.dma_semaphore, #tpu.memory_space<semaphore_mem>>
        %dma_start3A_105 = arith.constant 0 : i32
        %dma_start3A_106 = tpu.memref_slice %arg8[%run_scoped3A, %dma_start3A_105] : memref<3x744xi32, #tpu.memory_space<vmem>> -> memref<1x304xi32, #tpu.memory_space<vmem>>
        %dma_start3A_107 = tpu.memref_squeeze %dma_start3A_106 : memref<1x304xi32, #tpu.memory_space<vmem>> -> memref<304xi32, #tpu.memory_space<vmem>>
        %dma_start3A_108 = tpu.memref_slice %arg4[%add3A_76] : memref<1600000xi32, #tpu.memory_space<hbm>> -> memref<304xi32, #tpu.memory_space<hbm>>
        %dma_start3A_109 = arith.constant 0 : i32
        %dma_start3A_110 = tpu.memref_slice %arg8[%run_scoped3A, %dma_start3A_109] : memref<3x744xi32, #tpu.memory_space<vmem>> -> memref<1x304xi32, #tpu.memory_space<vmem>>
        %dma_start3A_111 = tpu.memref_squeeze %dma_start3A_110 : memref<1x304xi32, #tpu.memory_space<vmem>> -> memref<304xi32, #tpu.memory_space<vmem>>
        %dma_start3A_112 = tpu.memref_slice %arg4[%add3A_76] : memref<1600000xi32, #tpu.memory_space<hbm>> -> memref<304xi32, #tpu.memory_space<hbm>>
        tpu.enqueue_dma source(%dma_start3A_112 : memref<304xi32, #tpu.memory_space<hbm>>) target(%dma_start3A_111 : memref<304xi32, #tpu.memory_space<vmem>>) target_semaphore(%run_scoped3A_104 : memref<!tpu.dma_semaphore, #tpu.memory_space<semaphore_mem>>)
        %dma_wait3A_113 = arith.constant 0 : i32
        %dma_wait3A_114 = tpu.memref_slice %arg8[%run_scoped3A, %dma_wait3A_113] : memref<3x744xi32, #tpu.memory_space<vmem>> -> memref<1x304xi32, #tpu.memory_space<vmem>>
        %dma_wait3A_115 = tpu.memref_squeeze %dma_wait3A_114 : memref<1x304xi32, #tpu.memory_space<vmem>> -> memref<304xi32, #tpu.memory_space<vmem>>
        %dma_wait3A_116 = tpu.memref_slice %arg4[%add3A_76] : memref<1600000xi32, #tpu.memory_space<hbm>> -> memref<304xi32, #tpu.memory_space<hbm>>
        %dma_wait3A_117 = arith.constant 0 : i32
        %dma_wait3A_118 = tpu.memref_slice %arg8[%run_scoped3A, %dma_wait3A_117] : memref<3x744xi32, #tpu.memory_space<vmem>> -> memref<1x304xi32, #tpu.memory_space<vmem>>
        %dma_wait3A_119 = tpu.memref_squeeze %dma_wait3A_118 : memref<1x304xi32, #tpu.memory_space<vmem>> -> memref<304xi32, #tpu.memory_space<vmem>>
        %dma_wait3A_120 = tpu.memref_slice %arg4[%add3A_76] : memref<1600000xi32, #tpu.memory_space<hbm>> -> memref<304xi32, #tpu.memory_space<hbm>>
        tpu.wait_dma2 semaphore(%run_scoped3A_104 : memref<!tpu.dma_semaphore, #tpu.memory_space<semaphore_mem>>) src(%dma_wait3A_120 : memref<304xi32, #tpu.memory_space<hbm>>) dst(%dma_wait3A_119 : memref<304xi32, #tpu.memory_space<vmem>>)
        tpu.yield
      }) : () -> ()
      %run_scoped3A_77 = arith.constant 0 : i32
      "tpu.region"() ({
        %run_scoped3A_104 = tpu.sem_alloc : memref<!tpu.dma_semaphore, #tpu.memory_space<semaphore_mem>>
        %dma_start3A_105 = arith.constant 0 : i32
        %dma_start3A_106 = tpu.memref_slice %arg9[%run_scoped3A_77, %dma_start3A_105] : memref<3x744xi32, #tpu.memory_space<vmem>> -> memref<1x304xi32, #tpu.memory_space<vmem>>
        %dma_start3A_107 = tpu.memref_squeeze %dma_start3A_106 : memref<1x304xi32, #tpu.memory_space<vmem>> -> memref<304xi32, #tpu.memory_space<vmem>>
        %dma_start3A_108 = tpu.memref_slice %arg5[%add3A_76] : memref<1600000xi32, #tpu.memory_space<hbm>> -> memref<304xi32, #tpu.memory_space<hbm>>
        %dma_start3A_109 = arith.constant 0 : i32
        %dma_start3A_110 = tpu.memref_slice %arg9[%run_scoped3A_77, %dma_start3A_109] : memref<3x744xi32, #tpu.memory_space<vmem>> -> memref<1x304xi32, #tpu.memory_space<vmem>>
        %dma_start3A_111 = tpu.memref_squeeze %dma_start3A_110 : memref<1x304xi32, #tpu.memory_space<vmem>> -> memref<304xi32, #tpu.memory_space<vmem>>
        %dma_start3A_112 = tpu.memref_slice %arg5[%add3A_76] : memref<1600000xi32, #tpu.memory_space<hbm>> -> memref<304xi32, #tpu.memory_space<hbm>>
        tpu.enqueue_dma source(%dma_start3A_112 : memref<304xi32, #tpu.memory_space<hbm>>) target(%dma_start3A_111 : memref<304xi32, #tpu.memory_space<vmem>>) target_semaphore(%run_scoped3A_104 : memref<!tpu.dma_semaphore, #tpu.memory_space<semaphore_mem>>)
        %dma_wait3A_113 = arith.constant 0 : i32
        %dma_wait3A_114 = tpu.memref_slice %arg9[%run_scoped3A_77, %dma_wait3A_113] : memref<3x744xi32, #tpu.memory_space<vmem>> -> memref<1x304xi32, #tpu.memory_space<vmem>>
        %dma_wait3A_115 = tpu.memref_squeeze %dma_wait3A_114 : memref<1x304xi32, #tpu.memory_space<vmem>> -> memref<304xi32, #tpu.memory_space<vmem>>
        %dma_wait3A_116 = tpu.memref_slice %arg5[%add3A_76] : memref<1600000xi32, #tpu.memory_space<hbm>> -> memref<304xi32, #tpu.memory_space<hbm>>
        %dma_wait3A_117 = arith.constant 0 : i32
        %dma_wait3A_118 = tpu.memref_slice %arg9[%run_scoped3A_77, %dma_wait3A_117] : memref<3x744xi32, #tpu.memory_space<vmem>> -> memref<1x304xi32, #tpu.memory_space<vmem>>
        %dma_wait3A_119 = tpu.memref_squeeze %dma_wait3A_118 : memref<1x304xi32, #tpu.memory_space<vmem>> -> memref<304xi32, #tpu.memory_space<vmem>>
        %dma_wait3A_120 = tpu.memref_slice %arg5[%add3A_76] : memref<1600000xi32, #tpu.memory_space<hbm>> -> memref<304xi32, #tpu.memory_space<hbm>>
        tpu.wait_dma2 semaphore(%run_scoped3A_104 : memref<!tpu.dma_semaphore, #tpu.memory_space<semaphore_mem>>) src(%dma_wait3A_120 : memref<304xi32, #tpu.memory_space<hbm>>) dst(%dma_wait3A_119 : memref<304xi32, #tpu.memory_space<vmem>>)
        tpu.yield
      }) : () -> ()
      %dma_start3A_78 = arith.constant 0 : i32
      %dma_start3A_79 = arith.constant 0 : i32
      %dma_start3A_80 = arith.constant 0 : i32
      %dma_start3A_81 = arith.constant 0 : i32
      %dma_start3A_82 = tpu.memref_slice %arg10[%dma_start3A_79, %dma_start3A_80, %dma_start3A_81] : memref<2x744x16xf32, #tpu.memory_space<vmem>> -> memref<1x304x16xf32, #tpu.memory_space<vmem>>
      %dma_start3A_83 = tpu.memref_squeeze %dma_start3A_82 : memref<1x304x16xf32, #tpu.memory_space<vmem>> -> memref<304x16xf32, #tpu.memory_space<vmem>>
      %dma_start3A_84 = arith.constant 0 : i32
      %dma_start3A_85 = tpu.memref_slice %arg8[%dma_start3A_78, %dma_start3A_84] : memref<3x744xi32, #tpu.memory_space<vmem>> -> memref<1x304xi32, #tpu.memory_space<vmem>>
      %dma_start3A_86 = tpu.memref_squeeze %dma_start3A_85 : memref<1x304xi32, #tpu.memory_space<vmem>> -> memref<304xi32, #tpu.memory_space<vmem>>
      %dma_start3A_87 = arith.constant 0 : i32
      %dma_start3A_88 = arith.constant 0 : i32
      %dma_start3A_89 = tpu.memref_slice %arg3[%dma_start3A_87, %dma_start3A_88] : memref<102400x16xf32, #tpu.memory_space<hbm>> -> memref<102400x16xf32, #tpu.memory_space<hbm>>
      tpu.enqueue_indirect_dma source(%dma_start3A_89 : memref<102400x16xf32, #tpu.memory_space<hbm>>) target(%dma_start3A_83 : memref<304x16xf32, #tpu.memory_space<vmem>>) offsets(%dma_start3A_86 : memref<304xi32, #tpu.memory_space<vmem>>) semaphore(%arg12 : memref<!tpu.dma_semaphore, #tpu.memory_space<semaphore_mem>>)
      %dma_wait3A_90 = arith.constant 0 : i32
      %dma_wait3A_91 = arith.constant 0 : i32
      %dma_wait3A_92 = arith.constant 0 : i32
      %dma_wait3A_93 = arith.constant 0 : i32
      %dma_wait3A_94 = tpu.memref_slice %arg10[%dma_wait3A_91, %dma_wait3A_92, %dma_wait3A_93] : memref<2x744x16xf32, #tpu.memory_space<vmem>> -> memref<1x304x16xf32, #tpu.memory_space<vmem>>
      %dma_wait3A_95 = tpu.memref_squeeze %dma_wait3A_94 : memref<1x304x16xf32, #tpu.memory_space<vmem>> -> memref<304x16xf32, #tpu.memory_space<vmem>>
      %dma_wait3A_96 = arith.constant 0 : i32
      %dma_wait3A_97 = tpu.memref_slice %arg8[%dma_wait3A_90, %dma_wait3A_96] : memref<3x744xi32, #tpu.memory_space<vmem>> -> memref<1x304xi32, #tpu.memory_space<vmem>>
      %dma_wait3A_98 = tpu.memref_squeeze %dma_wait3A_97 : memref<1x304xi32, #tpu.memory_space<vmem>> -> memref<304xi32, #tpu.memory_space<vmem>>
      %dma_wait3A_99 = arith.constant 0 : i32
      %dma_wait3A_100 = arith.constant 0 : i32
      %dma_wait3A_101 = tpu.memref_slice %arg3[%dma_wait3A_99, %dma_wait3A_100] : memref<102400x16xf32, #tpu.memory_space<hbm>> -> memref<102400x16xf32, #tpu.memory_space<hbm>>
      tpu.wait_indirect_dma semaphore(%arg12 : memref<!tpu.dma_semaphore, #tpu.memory_space<semaphore_mem>>) src(%dma_wait3A_101 : memref<102400x16xf32, #tpu.memory_space<hbm>>) dst(%dma_wait3A_95 : memref<304x16xf32, #tpu.memory_space<vmem>>)
      %run_scoped3A_102 = arith.constant 0 : i32
      %run_scoped3A_103 = arith.constant 0 : i32
      "tpu.region"() ({
        %run_scoped3A_104 = tpu.sem_alloc : memref<!tpu.dma_semaphore, #tpu.memory_space<semaphore_mem>>
        %dma_start3A_105 = arith.constant 0 : i32
        %dma_start3A_106 = arith.constant 0 : i32
        %dma_start3A_107 = tpu.memref_slice %arg10[%run_scoped3A_102, %dma_start3A_105, %dma_start3A_106] : memref<2x744x16xf32, #tpu.memory_space<vmem>> -> memref<1x304x16xf32, #tpu.memory_space<vmem>>
        %dma_start3A_108 = tpu.memref_squeeze %dma_start3A_107 : memref<1x304x16xf32, #tpu.memory_space<vmem>> -> memref<304x16xf32, #tpu.memory_space<vmem>>
        %dma_start3A_109 = arith.constant 0 : i32
        %dma_start3A_110 = tpu.memref_slice %arg9[%run_scoped3A_103, %dma_start3A_109] : memref<3x744xi32, #tpu.memory_space<vmem>> -> memref<1x304xi32, #tpu.memory_space<vmem>>
        %dma_start3A_111 = tpu.memref_squeeze %dma_start3A_110 : memref<1x304xi32, #tpu.memory_space<vmem>> -> memref<304xi32, #tpu.memory_space<vmem>>
        %dma_start3A_112 = arith.constant 0 : i32
        %dma_start3A_113 = arith.constant 0 : i32
        %dma_start3A_114 = tpu.memref_slice %arg7[%dma_start3A_112, %dma_start3A_113] : memref<102400x16xf32, #tpu.memory_space<vmem_shared>> -> memref<102400x16xf32, #tpu.memory_space<vmem_shared>>
        tpu.enqueue_indirect_dma source(%dma_start3A_108 : memref<304x16xf32, #tpu.memory_space<vmem>>) target(%dma_start3A_114 : memref<102400x16xf32, #tpu.memory_space<vmem_shared>>) offsets(%dma_start3A_111 : memref<304xi32, #tpu.memory_space<vmem>>) semaphore(%run_scoped3A_104 : memref<!tpu.dma_semaphore, #tpu.memory_space<semaphore_mem>>) {add = true}
        %dma_wait3A_115 = arith.constant 0 : i32
        %dma_wait3A_116 = arith.constant 0 : i32
        %dma_wait3A_117 = tpu.memref_slice %arg10[%run_scoped3A_102, %dma_wait3A_115, %dma_wait3A_116] : memref<2x744x16xf32, #tpu.memory_space<vmem>> -> memref<1x304x16xf32, #tpu.memory_space<vmem>>
        %dma_wait3A_118 = tpu.memref_squeeze %dma_wait3A_117 : memref<1x304x16xf32, #tpu.memory_space<vmem>> -> memref<304x16xf32, #tpu.memory_space<vmem>>
        %dma_wait3A_119 = arith.constant 0 : i32
        %dma_wait3A_120 = tpu.memref_slice %arg9[%run_scoped3A_103, %dma_wait3A_119] : memref<3x744xi32, #tpu.memory_space<vmem>> -> memref<1x304xi32, #tpu.memory_space<vmem>>
        %dma_wait3A_121 = tpu.memref_squeeze %dma_wait3A_120 : memref<1x304xi32, #tpu.memory_space<vmem>> -> memref<304xi32, #tpu.memory_space<vmem>>
        %dma_wait3A_122 = arith.constant 0 : i32
        %dma_wait3A_123 = arith.constant 0 : i32
        %dma_wait3A_124 = tpu.memref_slice %arg7[%dma_wait3A_122, %dma_wait3A_123] : memref<102400x16xf32, #tpu.memory_space<vmem_shared>> -> memref<102400x16xf32, #tpu.memory_space<vmem_shared>>
        tpu.wait_indirect_dma semaphore(%run_scoped3A_104 : memref<!tpu.dma_semaphore, #tpu.memory_space<semaphore_mem>>) src(%dma_wait3A_118 : memref<304x16xf32, #tpu.memory_space<vmem>>) dst(%dma_wait3A_124 : memref<102400x16xf32, #tpu.memory_space<vmem_shared>>)
        tpu.yield
      }) : () -> ()
    } else {
    }
    %barrier3A_21 = arith.constant 0 : index
    tpu.barrier barrier_id(%barrier3A_21)
    %scan3A_22 = arith.constant 0 : i32
    %scan3A_23 = arith.constant 0 : i32
    %scan3A_24 = arith.constant 16 : i32
    %scan3A_25 = arith.addi %scan3A_23, %scan3A_24 : i32
    %scan3A_26 = arith.constant 1 : i32
    scf.for %scan3A_28 = %scan3A_23 to %scan3A_25 step %scan3A_26  : i32 {
      %mul3A_29 = arith.constant 400 : i32
      %mul3A_30 = arith.muli %scan3A_28, %mul3A_29 : i32
      %add3A = arith.addi %mul3A_0, %mul3A_30 : i32
      %run_scoped3A = arith.constant 0 : i32
      "tpu.region"() ({
        %run_scoped3A_32 = tpu.sem_alloc : memref<!tpu.dma_semaphore, #tpu.memory_space<semaphore_mem>>
        %dma_start3A = arith.constant 0 : i32
        %dma_start3A_33 = arith.constant 0 : i32
        %dma_start3A_34 = tpu.memref_slice %arg10[%run_scoped3A, %dma_start3A, %dma_start3A_33] : memref<2x744x16xf32, #tpu.memory_space<vmem>> -> memref<1x400x16xf32, #tpu.memory_space<vmem>>
        %dma_start3A_35 = tpu.memref_squeeze %dma_start3A_34 : memref<1x400x16xf32, #tpu.memory_space<vmem>> -> memref<400x16xf32, #tpu.memory_space<vmem>>
        %dma_start3A_36 = arith.constant 0 : i32
        %dma_start3A_37 = tpu.memref_slice %arg7[%add3A, %dma_start3A_36] : memref<102400x16xf32, #tpu.memory_space<vmem_shared>> -> memref<400x16xf32, #tpu.memory_space<vmem_shared>>
        %dma_start3A_38 = arith.constant 0 : i32
        %dma_start3A_39 = arith.constant 0 : i32
        %dma_start3A_40 = tpu.memref_slice %arg10[%run_scoped3A, %dma_start3A_38, %dma_start3A_39] : memref<2x744x16xf32, #tpu.memory_space<vmem>> -> memref<1x400x16xf32, #tpu.memory_space<vmem>>
        %dma_start3A_41 = tpu.memref_squeeze %dma_start3A_40 : memref<1x400x16xf32, #tpu.memory_space<vmem>> -> memref<400x16xf32, #tpu.memory_space<vmem>>
        %dma_start3A_42 = arith.constant 0 : i32
        %dma_start3A_43 = tpu.memref_slice %arg7[%add3A, %dma_start3A_42] : memref<102400x16xf32, #tpu.memory_space<vmem_shared>> -> memref<400x16xf32, #tpu.memory_space<vmem_shared>>
        tpu.enqueue_dma source(%dma_start3A_43 : memref<400x16xf32, #tpu.memory_space<vmem_shared>>) target(%dma_start3A_41 : memref<400x16xf32, #tpu.memory_space<vmem>>) target_semaphore(%run_scoped3A_32 : memref<!tpu.dma_semaphore, #tpu.memory_space<semaphore_mem>>)
        %dma_wait3A = arith.constant 0 : i32
        %dma_wait3A_44 = arith.constant 0 : i32
        %dma_wait3A_45 = tpu.memref_slice %arg10[%run_scoped3A, %dma_wait3A, %dma_wait3A_44] : memref<2x744x16xf32, #tpu.memory_space<vmem>> -> memref<1x400x16xf32, #tpu.memory_space<vmem>>
        %dma_wait3A_46 = tpu.memref_squeeze %dma_wait3A_45 : memref<1x400x16xf32, #tpu.memory_space<vmem>> -> memref<400x16xf32, #tpu.memory_space<vmem>>
        %dma_wait3A_47 = arith.constant 0 : i32
        %dma_wait3A_48 = tpu.memref_slice %arg7[%add3A, %dma_wait3A_47] : memref<102400x16xf32, #tpu.memory_space<vmem_shared>> -> memref<400x16xf32, #tpu.memory_space<vmem_shared>>
        %dma_wait3A_49 = arith.constant 0 : i32
        %dma_wait3A_50 = arith.constant 0 : i32
        %dma_wait3A_51 = tpu.memref_slice %arg10[%run_scoped3A, %dma_wait3A_49, %dma_wait3A_50] : memref<2x744x16xf32, #tpu.memory_space<vmem>> -> memref<1x400x16xf32, #tpu.memory_space<vmem>>
        %dma_wait3A_52 = tpu.memref_squeeze %dma_wait3A_51 : memref<1x400x16xf32, #tpu.memory_space<vmem>> -> memref<400x16xf32, #tpu.memory_space<vmem>>
        %dma_wait3A_53 = arith.constant 0 : i32
        %dma_wait3A_54 = tpu.memref_slice %arg7[%add3A, %dma_wait3A_53] : memref<102400x16xf32, #tpu.memory_space<vmem_shared>> -> memref<400x16xf32, #tpu.memory_space<vmem_shared>>
        tpu.wait_dma2 semaphore(%run_scoped3A_32 : memref<!tpu.dma_semaphore, #tpu.memory_space<semaphore_mem>>) src(%dma_wait3A_54 : memref<400x16xf32, #tpu.memory_space<vmem_shared>>) dst(%dma_wait3A_52 : memref<400x16xf32, #tpu.memory_space<vmem>>)
        tpu.yield
      }) : () -> ()
      %run_scoped3A_31 = arith.constant 0 : i32
      "tpu.region"() ({
        %run_scoped3A_32 = tpu.sem_alloc : memref<!tpu.dma_semaphore, #tpu.memory_space<semaphore_mem>>
        %dma_start3A = arith.constant 0 : i32
        %dma_start3A_33 = arith.constant 0 : i32
        %dma_start3A_34 = tpu.memref_slice %arg10[%run_scoped3A_31, %dma_start3A, %dma_start3A_33] : memref<2x744x16xf32, #tpu.memory_space<vmem>> -> memref<1x400x16xf32, #tpu.memory_space<vmem>>
        %dma_start3A_35 = tpu.memref_squeeze %dma_start3A_34 : memref<1x400x16xf32, #tpu.memory_space<vmem>> -> memref<400x16xf32, #tpu.memory_space<vmem>>
        %dma_start3A_36 = arith.constant 0 : i32
        %dma_start3A_37 = tpu.memref_slice %arg6[%arg0, %add3A, %dma_start3A_36] : memref<2x102400x16xf32, #tpu.memory_space<hbm>> -> memref<1x400x16xf32, #tpu.memory_space<hbm>>
        %dma_start3A_38 = tpu.memref_squeeze %dma_start3A_37 : memref<1x400x16xf32, #tpu.memory_space<hbm>> -> memref<400x16xf32, #tpu.memory_space<hbm>>
        %dma_start3A_39 = arith.constant 0 : i32
        %dma_start3A_40 = tpu.memref_slice %arg6[%arg0, %add3A, %dma_start3A_39] : memref<2x102400x16xf32, #tpu.memory_space<hbm>> -> memref<1x400x16xf32, #tpu.memory_space<hbm>>
        %dma_start3A_41 = tpu.memref_squeeze %dma_start3A_40 : memref<1x400x16xf32, #tpu.memory_space<hbm>> -> memref<400x16xf32, #tpu.memory_space<hbm>>
        %dma_start3A_42 = arith.constant 0 : i32
        %dma_start3A_43 = arith.constant 0 : i32
        %dma_start3A_44 = tpu.memref_slice %arg10[%run_scoped3A_31, %dma_start3A_42, %dma_start3A_43] : memref<2x744x16xf32, #tpu.memory_space<vmem>> -> memref<1x400x16xf32, #tpu.memory_space<vmem>>
        %dma_start3A_45 = tpu.memref_squeeze %dma_start3A_44 : memref<1x400x16xf32, #tpu.memory_space<vmem>> -> memref<400x16xf32, #tpu.memory_space<vmem>>
        tpu.enqueue_dma source(%dma_start3A_45 : memref<400x16xf32, #tpu.memory_space<vmem>>) target(%dma_start3A_41 : memref<400x16xf32, #tpu.memory_space<hbm>>) target_semaphore(%run_scoped3A_32 : memref<!tpu.dma_semaphore, #tpu.memory_space<semaphore_mem>>)
        %dma_wait3A = arith.constant 0 : i32
        %dma_wait3A_46 = arith.constant 0 : i32
        %dma_wait3A_47 = tpu.memref_slice %arg10[%run_scoped3A_31, %dma_wait3A, %dma_wait3A_46] : memref<2x744x16xf32, #tpu.memory_space<vmem>> -> memref<1x400x16xf32, #tpu.memory_space<vmem>>
        %dma_wait3A_48 = tpu.memref_squeeze %dma_wait3A_47 : memref<1x400x16xf32, #tpu.memory_space<vmem>> -> memref<400x16xf32, #tpu.memory_space<vmem>>
        %dma_wait3A_49 = arith.constant 0 : i32
        %dma_wait3A_50 = tpu.memref_slice %arg6[%arg0, %add3A, %dma_wait3A_49] : memref<2x102400x16xf32, #tpu.memory_space<hbm>> -> memref<1x400x16xf32, #tpu.memory_space<hbm>>
        %dma_wait3A_51 = tpu.memref_squeeze %dma_wait3A_50 : memref<1x400x16xf32, #tpu.memory_space<hbm>> -> memref<400x16xf32, #tpu.memory_space<hbm>>
        %dma_wait3A_52 = arith.constant 0 : i32
        %dma_wait3A_53 = tpu.memref_slice %arg6[%arg0, %add3A, %dma_wait3A_52] : memref<2x102400x16xf32, #tpu.memory_space<hbm>> -> memref<1x400x16xf32, #tpu.memory_space<hbm>>
        %dma_wait3A_54 = tpu.memref_squeeze %dma_wait3A_53 : memref<1x400x16xf32, #tpu.memory_space<hbm>> -> memref<400x16xf32, #tpu.memory_space<hbm>>
        %dma_wait3A_55 = arith.constant 0 : i32
        %dma_wait3A_56 = arith.constant 0 : i32
        %dma_wait3A_57 = tpu.memref_slice %arg10[%run_scoped3A_31, %dma_wait3A_55, %dma_wait3A_56] : memref<2x744x16xf32, #tpu.memory_space<vmem>> -> memref<1x400x16xf32, #tpu.memory_space<vmem>>
        %dma_wait3A_58 = tpu.memref_squeeze %dma_wait3A_57 : memref<1x400x16xf32, #tpu.memory_space<vmem>> -> memref<400x16xf32, #tpu.memory_space<vmem>>
        tpu.wait_dma2 semaphore(%run_scoped3A_32 : memref<!tpu.dma_semaphore, #tpu.memory_space<semaphore_mem>>) src(%dma_wait3A_58 : memref<400x16xf32, #tpu.memory_space<vmem>>) dst(%dma_wait3A_54 : memref<400x16xf32, #tpu.memory_space<hbm>>)
        tpu.yield
      }) : () -> ()
    }
    %scan3A_27 = arith.constant 16 : i32
    return
  }
}

module attributes {stable_mosaic.version = 14 : i64} {
  func.func @body(%arg0: i32, %arg1: memref<2x400x128xf32, #tpu.memory_space<vmem>>, %arg2: memref<400x128xf32, #tpu.memory_space<vmem>>, %arg3: memref<128x128xf32, #tpu.memory_space<vmem>>, %arg4: memref<128x128xf32, #tpu.memory_space<vmem>>, %arg5: memref<128x128xf32, #tpu.memory_space<vmem>>, %arg6: memref<128x128xf32, #tpu.memory_space<vmem>>, %arg7: memref<1x128xf32, #tpu.memory_space<vmem>>, %arg8: memref<1x128xf32, #tpu.memory_space<vmem>>, %arg9: memref<128x128xf32, #tpu.memory_space<vmem>>, %arg10: memref<400x128xf32, #tpu.memory_space<vmem>>, %arg11: memref<400x128xf32, #tpu.memory_space<vmem>>) attributes {dimension_semantics = [#tpu.dimension_semantics<arbitrary>], iteration_bounds = array<i64: 32>, scalar_prefetch = 0 : i64, scratch_operands = 0 : i64, tpu.core_type = #tpu.core_type<tc>, window_params = [{transform_indices = @transform_0, window_bounds = array<i64: 2, 400, 128>}, {transform_indices = @transform_1, window_bounds = array<i64: 400, 128>}, {pipeline_mode = #tpu.pipeline_mode<synchronous>, transform_indices = @transform_2, window_bounds = array<i64: 128, 128>}, {pipeline_mode = #tpu.pipeline_mode<synchronous>, transform_indices = @transform_3, window_bounds = array<i64: 128, 128>}, {pipeline_mode = #tpu.pipeline_mode<synchronous>, transform_indices = @transform_4, window_bounds = array<i64: 128, 128>}, {pipeline_mode = #tpu.pipeline_mode<synchronous>, transform_indices = @transform_5, window_bounds = array<i64: 128, 128>}, {pipeline_mode = #tpu.pipeline_mode<synchronous>, transform_indices = @transform_6, window_bounds = array<i64: 1, 128>}, {pipeline_mode = #tpu.pipeline_mode<synchronous>, transform_indices = @transform_7, window_bounds = array<i64: 1, 128>}, {pipeline_mode = #tpu.pipeline_mode<synchronous>, transform_indices = @transform_8, window_bounds = array<i64: 128, 128>}, {transform_indices = @transform_9, window_bounds = array<i64: 400, 128>}, {transform_indices = @transform_10, window_bounds = array<i64: 400, 128>}]} {
    %get3A = arith.constant 0 : index
    %get3A_0 = arith.constant 0 : index
    %get3A_1 = arith.constant 0 : index
    %get3A_2 = vector.load %arg1[%get3A, %get3A_0, %get3A_1] : memref<2x400x128xf32, #tpu.memory_space<vmem>>, vector<1x400x128xf32>
    %get3A_3 = vector.shape_cast %get3A_2 : vector<1x400x128xf32> to vector<400x128xf32>
    %get3A_4 = arith.constant 1 : index
    %get3A_5 = arith.constant 0 : index
    %get3A_6 = arith.constant 0 : index
    %get3A_7 = vector.load %arg1[%get3A_4, %get3A_5, %get3A_6] : memref<2x400x128xf32, #tpu.memory_space<vmem>>, vector<1x400x128xf32>
    %get3A_8 = vector.shape_cast %get3A_7 : vector<1x400x128xf32> to vector<400x128xf32>
    %add3A = arith.addf %get3A_3, %get3A_8 : vector<400x128xf32>
    %get3A_9 = arith.constant 0 : index
    %get3A_10 = arith.constant 0 : index
    %get3A_11 = vector.load %arg9[%get3A_9, %get3A_10] : memref<128x128xf32, #tpu.memory_space<vmem>>, vector<128x128xf32>
    %dot_general3A = arith.constant dense<0.000000e+00> : vector<400x128xf32>
    %dot_general3A_12 = tpu.matmul %add3A, %get3A_11, %dot_general3A {dimension_numbers = #tpu.dot_dimension_numbers<[1], [0], [0], [1], [0, 0, 1, 1], [], []>, transpose_lhs_hint = false} : vector<400x128xf32>, vector<128x128xf32>, vector<400x128xf32> -> vector<400x128xf32>
    %max3A = arith.constant 1.000000e+00 : f32
    %max3A_13 = vector.broadcast %max3A : f32 to vector<400x128xf32>
    %max3A_14 = arith.maximumf %dot_general3A_12, %max3A_13 : vector<400x128xf32>
    %div3A = arith.divf %add3A, %max3A_14 : vector<400x128xf32>
    %get3A_15 = arith.constant 0 : index
    %get3A_16 = arith.constant 0 : index
    %get3A_17 = vector.load %arg2[%get3A_15, %get3A_16] : memref<400x128xf32, #tpu.memory_space<vmem>>, vector<400x128xf32>
    %get3A_18 = arith.constant 0 : index
    %get3A_19 = arith.constant 0 : index
    %get3A_20 = vector.load %arg3[%get3A_18, %get3A_19] : memref<128x128xf32, #tpu.memory_space<vmem>>, vector<128x128xf32>
    %dot_general3A_21 = arith.constant dense<0.000000e+00> : vector<400x128xf32>
    %dot_general3A_22 = tpu.matmul %div3A, %get3A_20, %dot_general3A_21 {dimension_numbers = #tpu.dot_dimension_numbers<[1], [0], [0], [1], [0, 0, 1, 1], [], []>, transpose_lhs_hint = false} : vector<400x128xf32>, vector<128x128xf32>, vector<400x128xf32> -> vector<400x128xf32>
    %get3A_23 = arith.constant 0 : index
    %get3A_24 = arith.constant 0 : index
    %get3A_25 = vector.load %arg5[%get3A_23, %get3A_24] : memref<128x128xf32, #tpu.memory_space<vmem>>, vector<128x128xf32>
    %dot_general3A_26 = arith.constant dense<0.000000e+00> : vector<400x128xf32>
    %dot_general3A_27 = tpu.matmul %get3A_17, %get3A_25, %dot_general3A_26 {dimension_numbers = #tpu.dot_dimension_numbers<[1], [0], [0], [1], [0, 0, 1, 1], [], []>, transpose_lhs_hint = false} : vector<400x128xf32>, vector<128x128xf32>, vector<400x128xf32> -> vector<400x128xf32>
    %add3A_28 = arith.addf %dot_general3A_22, %dot_general3A_27 : vector<400x128xf32>
    %get3A_29 = arith.constant 0 : index
    %get3A_30 = arith.constant 0 : index
    %get3A_31 = vector.load %arg7[%get3A_29, %get3A_30] : memref<1x128xf32, #tpu.memory_space<vmem>>, vector<1x128xf32>
    %add3A_32 = vector.broadcast %get3A_31 : vector<1x128xf32> to vector<400x128xf32>
    %add3A_33 = arith.addf %add3A_28, %add3A_32 : vector<400x128xf32>
    %max3A_34 = arith.constant 0.000000e+00 : f32
    %max3A_35 = vector.broadcast %max3A_34 : f32 to vector<400x128xf32>
    %max3A_36 = arith.maximumf %add3A_33, %max3A_35 : vector<400x128xf32>
    %swap3A = arith.constant 0 : index
    %swap3A_37 = arith.constant 0 : index
    %swap3A_38 = vector.load %arg10[%swap3A, %swap3A_37] : memref<400x128xf32, #tpu.memory_space<vmem>>, vector<400x128xf32>
    tpu.vector_store %arg10[%swap3A, %swap3A_37], %max3A_36 {strides = array<i32>} : memref<400x128xf32, #tpu.memory_space<vmem>>, vector<400x128xf32>,
    %get3A_39 = arith.constant 0 : index
    %get3A_40 = arith.constant 0 : index
    %get3A_41 = vector.load %arg4[%get3A_39, %get3A_40] : memref<128x128xf32, #tpu.memory_space<vmem>>, vector<128x128xf32>
    %dot_general3A_42 = arith.constant dense<0.000000e+00> : vector<400x128xf32>
    %dot_general3A_43 = tpu.matmul %div3A, %get3A_41, %dot_general3A_42 {dimension_numbers = #tpu.dot_dimension_numbers<[1], [0], [0], [1], [0, 0, 1, 1], [], []>, transpose_lhs_hint = false} : vector<400x128xf32>, vector<128x128xf32>, vector<400x128xf32> -> vector<400x128xf32>
    %get3A_44 = arith.constant 0 : index
    %get3A_45 = arith.constant 0 : index
    %get3A_46 = vector.load %arg6[%get3A_44, %get3A_45] : memref<128x128xf32, #tpu.memory_space<vmem>>, vector<128x128xf32>
    %dot_general3A_47 = arith.constant dense<0.000000e+00> : vector<400x128xf32>
    %dot_general3A_48 = tpu.matmul %get3A_17, %get3A_46, %dot_general3A_47 {dimension_numbers = #tpu.dot_dimension_numbers<[1], [0], [0], [1], [0, 0, 1, 1], [], []>, transpose_lhs_hint = false} : vector<400x128xf32>, vector<128x128xf32>, vector<400x128xf32> -> vector<400x128xf32>
    %add3A_49 = arith.addf %dot_general3A_43, %dot_general3A_48 : vector<400x128xf32>
    %get3A_50 = arith.constant 0 : index
    %get3A_51 = arith.constant 0 : index
    %get3A_52 = vector.load %arg8[%get3A_50, %get3A_51] : memref<1x128xf32, #tpu.memory_space<vmem>>, vector<1x128xf32>
    %add3A_53 = vector.broadcast %get3A_52 : vector<1x128xf32> to vector<400x128xf32>
    %add3A_54 = arith.addf %add3A_49, %add3A_53 : vector<400x128xf32>
    %max3A_55 = arith.constant 0.000000e+00 : f32
    %max3A_56 = vector.broadcast %max3A_55 : f32 to vector<400x128xf32>
    %max3A_57 = arith.maximumf %add3A_54, %max3A_56 : vector<400x128xf32>
    %swap3A_58 = arith.constant 0 : index
    %swap3A_59 = arith.constant 0 : index
    %swap3A_60 = vector.load %arg11[%swap3A_58, %swap3A_59] : memref<400x128xf32, #tpu.memory_space<vmem>>, vector<400x128xf32>
    tpu.vector_store %arg11[%swap3A_58, %swap3A_59], %max3A_57 {strides = array<i32>} : memref<400x128xf32, #tpu.memory_space<vmem>>, vector<400x128xf32>,
    return
  }
  func.func @transform_0(%arg0: i32) -> (i32, i32, i32) {
    %c0_i32 = arith.constant 0 : i32
    %c0_i32_0 = arith.constant 0 : i32
    %c0_i32_1 = arith.constant 0 : i32
    return %c0_i32, %arg0, %c0_i32_0 : i32, i32, i32
  }
  func.func @transform_1(%arg0: i32) -> (i32, i32) {
    %c0_i32 = arith.constant 0 : i32
    %c0_i32_0 = arith.constant 0 : i32
    return %arg0, %c0_i32 : i32, i32
  }
  func.func @transform_2(%arg0: i32) -> (i32, i32) {
    %c0_i32 = arith.constant 0 : i32
    %c0_i32_0 = arith.constant 0 : i32
    %c0_i32_1 = arith.constant 0 : i32
    return %c0_i32, %c0_i32_0 : i32, i32
  }
  func.func @transform_3(%arg0: i32) -> (i32, i32) {
    %c0_i32 = arith.constant 0 : i32
    %c0_i32_0 = arith.constant 0 : i32
    %c0_i32_1 = arith.constant 0 : i32
    return %c0_i32, %c0_i32_0 : i32, i32
  }
  func.func @transform_4(%arg0: i32) -> (i32, i32) {
    %c0_i32 = arith.constant 0 : i32
    %c0_i32_0 = arith.constant 0 : i32
    %c0_i32_1 = arith.constant 0 : i32
    return %c0_i32, %c0_i32_0 : i32, i32
  }
  func.func @transform_5(%arg0: i32) -> (i32, i32) {
    %c0_i32 = arith.constant 0 : i32
    %c0_i32_0 = arith.constant 0 : i32
    %c0_i32_1 = arith.constant 0 : i32
    return %c0_i32, %c0_i32_0 : i32, i32
  }
  func.func @transform_6(%arg0: i32) -> (i32, i32) {
    %c0_i32 = arith.constant 0 : i32
    %c0_i32_0 = arith.constant 0 : i32
    %c0_i32_1 = arith.constant 0 : i32
    return %c0_i32, %c0_i32_0 : i32, i32
  }
  func.func @transform_7(%arg0: i32) -> (i32, i32) {
    %c0_i32 = arith.constant 0 : i32
    %c0_i32_0 = arith.constant 0 : i32
    %c0_i32_1 = arith.constant 0 : i32
    return %c0_i32, %c0_i32_0 : i32, i32
  }
  func.func @transform_8(%arg0: i32) -> (i32, i32) {
    %c0_i32 = arith.constant 0 : i32
    %c0_i32_0 = arith.constant 0 : i32
    %c0_i32_1 = arith.constant 0 : i32
    return %c0_i32, %c0_i32_0 : i32, i32
  }
  func.func @transform_9(%arg0: i32) -> (i32, i32) {
    %c0_i32 = arith.constant 0 : i32
    %c0_i32_0 = arith.constant 0 : i32
    return %arg0, %c0_i32 : i32, i32
  }
  func.func @transform_10(%arg0: i32) -> (i32, i32) {
    %c0_i32 = arith.constant 0 : i32
    %c0_i32_0 = arith.constant 0 : i32
    return %arg0, %c0_i32 : i32, i32
  }
}

module attributes {stable_mosaic.version = 14 : i64} {
  func.func @body(%arg0: i32, %arg1: memref<400x128xf32, #tpu.memory_space<vmem>>, %arg2: memref<400x128xf32, #tpu.memory_space<vmem>>, %arg3: memref<2x400x128xf32, #tpu.memory_space<vmem>>, %arg4: memref<128x128xf32, #tpu.memory_space<vmem>>, %arg5: memref<128x128xf32, #tpu.memory_space<vmem>>, %arg6: memref<128x128xf32, #tpu.memory_space<vmem>>, %arg7: memref<128x128xf32, #tpu.memory_space<vmem>>, %arg8: memref<1x128xf32, #tpu.memory_space<vmem>>, %arg9: memref<1x128xf32, #tpu.memory_space<vmem>>, %arg10: memref<128x128xf32, #tpu.memory_space<vmem>>, %arg11: memref<400x128xf32, #tpu.memory_space<vmem>>, %arg12: memref<400x128xf32, #tpu.memory_space<vmem>>, %arg13: memref<400x128xf32, #tpu.memory_space<vmem>>) attributes {dimension_semantics = [#tpu.dimension_semantics<arbitrary>], iteration_bounds = array<i64: 32>, scalar_prefetch = 0 : i64, scratch_operands = 0 : i64, tpu.core_type = #tpu.core_type<tc>, window_params = [{transform_indices = @transform_0, window_bounds = array<i64: 400, 128>}, {transform_indices = @transform_1, window_bounds = array<i64: 400, 128>}, {transform_indices = @transform_2, window_bounds = array<i64: 2, 400, 128>}, {pipeline_mode = #tpu.pipeline_mode<synchronous>, transform_indices = @transform_3, window_bounds = array<i64: 128, 128>}, {pipeline_mode = #tpu.pipeline_mode<synchronous>, transform_indices = @transform_4, window_bounds = array<i64: 128, 128>}, {pipeline_mode = #tpu.pipeline_mode<synchronous>, transform_indices = @transform_5, window_bounds = array<i64: 128, 128>}, {pipeline_mode = #tpu.pipeline_mode<synchronous>, transform_indices = @transform_6, window_bounds = array<i64: 128, 128>}, {pipeline_mode = #tpu.pipeline_mode<synchronous>, transform_indices = @transform_7, window_bounds = array<i64: 1, 128>}, {pipeline_mode = #tpu.pipeline_mode<synchronous>, transform_indices = @transform_8, window_bounds = array<i64: 1, 128>}, {pipeline_mode = #tpu.pipeline_mode<synchronous>, transform_indices = @transform_9, window_bounds = array<i64: 128, 128>}, {transform_indices = @transform_10, window_bounds = array<i64: 400, 128>}, {transform_indices = @transform_11, window_bounds = array<i64: 400, 128>}, {transform_indices = @transform_12, window_bounds = array<i64: 400, 128>}]} {
    %get3A = arith.constant 0 : index
    %get3A_0 = arith.constant 0 : index
    %get3A_1 = vector.load %arg1[%get3A, %get3A_0] : memref<400x128xf32, #tpu.memory_space<vmem>>, vector<400x128xf32>
    %get3A_2 = arith.constant 0 : index
    %get3A_3 = arith.constant 0 : index
    %get3A_4 = vector.load %arg2[%get3A_2, %get3A_3] : memref<400x128xf32, #tpu.memory_space<vmem>>, vector<400x128xf32>
    %get3A_5 = arith.constant 0 : index
    %get3A_6 = arith.constant 0 : index
    %get3A_7 = vector.load %arg4[%get3A_5, %get3A_6] : memref<128x128xf32, #tpu.memory_space<vmem>>, vector<128x128xf32>
    %dot_general3A = arith.constant dense<0.000000e+00> : vector<400x128xf32>
    %dot_general3A_8 = tpu.matmul %get3A_1, %get3A_7, %dot_general3A {dimension_numbers = #tpu.dot_dimension_numbers<[1], [0], [0], [1], [0, 0, 1, 1], [], []>, transpose_lhs_hint = false} : vector<400x128xf32>, vector<128x128xf32>, vector<400x128xf32> -> vector<400x128xf32>
    %get3A_9 = arith.constant 0 : index
    %get3A_10 = arith.constant 0 : index
    %get3A_11 = vector.load %arg5[%get3A_9, %get3A_10] : memref<128x128xf32, #tpu.memory_space<vmem>>, vector<128x128xf32>
    %dot_general3A_12 = arith.constant dense<0.000000e+00> : vector<400x128xf32>
    %dot_general3A_13 = tpu.matmul %get3A_4, %get3A_11, %dot_general3A_12 {dimension_numbers = #tpu.dot_dimension_numbers<[1], [0], [0], [1], [0, 0, 1, 1], [], []>, transpose_lhs_hint = false} : vector<400x128xf32>, vector<128x128xf32>, vector<400x128xf32> -> vector<400x128xf32>
    %add3A = arith.addf %dot_general3A_8, %dot_general3A_13 : vector<400x128xf32>
    %get3A_14 = arith.constant 0 : index
    %get3A_15 = arith.constant 0 : index
    %get3A_16 = vector.load %arg8[%get3A_14, %get3A_15] : memref<1x128xf32, #tpu.memory_space<vmem>>, vector<1x128xf32>
    %add3A_17 = vector.broadcast %get3A_16 : vector<1x128xf32> to vector<400x128xf32>
    %add3A_18 = arith.addf %add3A, %add3A_17 : vector<400x128xf32>
    %swap3A = arith.constant 0 : index
    %swap3A_19 = arith.constant 0 : index
    %swap3A_20 = vector.load %arg11[%swap3A, %swap3A_19] : memref<400x128xf32, #tpu.memory_space<vmem>>, vector<400x128xf32>
    tpu.vector_store %arg11[%swap3A, %swap3A_19], %add3A_18 {strides = array<i32>} : memref<400x128xf32, #tpu.memory_space<vmem>>, vector<400x128xf32>,
    %get3A_21 = arith.constant 0 : index
    %get3A_22 = arith.constant 0 : index
    %get3A_23 = vector.load %arg6[%get3A_21, %get3A_22] : memref<128x128xf32, #tpu.memory_space<vmem>>, vector<128x128xf32>
    %dot_general3A_24 = arith.constant dense<0.000000e+00> : vector<400x128xf32>
    %dot_general3A_25 = tpu.matmul %get3A_1, %get3A_23, %dot_general3A_24 {dimension_numbers = #tpu.dot_dimension_numbers<[1], [0], [0], [1], [0, 0, 1, 1], [], []>, transpose_lhs_hint = false} : vector<400x128xf32>, vector<128x128xf32>, vector<400x128xf32> -> vector<400x128xf32>
    %get3A_26 = arith.constant 0 : index
    %get3A_27 = arith.constant 0 : index
    %get3A_28 = vector.load %arg7[%get3A_26, %get3A_27] : memref<128x128xf32, #tpu.memory_space<vmem>>, vector<128x128xf32>
    %dot_general3A_29 = arith.constant dense<0.000000e+00> : vector<400x128xf32>
    %dot_general3A_30 = tpu.matmul %get3A_4, %get3A_28, %dot_general3A_29 {dimension_numbers = #tpu.dot_dimension_numbers<[1], [0], [0], [1], [0, 0, 1, 1], [], []>, transpose_lhs_hint = false} : vector<400x128xf32>, vector<128x128xf32>, vector<400x128xf32> -> vector<400x128xf32>
    %add3A_31 = arith.addf %dot_general3A_25, %dot_general3A_30 : vector<400x128xf32>
    %get3A_32 = arith.constant 0 : index
    %get3A_33 = arith.constant 0 : index
    %get3A_34 = vector.load %arg9[%get3A_32, %get3A_33] : memref<1x128xf32, #tpu.memory_space<vmem>>, vector<1x128xf32>
    %add3A_35 = vector.broadcast %get3A_34 : vector<1x128xf32> to vector<400x128xf32>
    %add3A_36 = arith.addf %add3A_31, %add3A_35 : vector<400x128xf32>
    %swap3A_37 = arith.constant 0 : index
    %swap3A_38 = arith.constant 0 : index
    %swap3A_39 = vector.load %arg12[%swap3A_37, %swap3A_38] : memref<400x128xf32, #tpu.memory_space<vmem>>, vector<400x128xf32>
    tpu.vector_store %arg12[%swap3A_37, %swap3A_38], %add3A_36 {strides = array<i32>} : memref<400x128xf32, #tpu.memory_space<vmem>>, vector<400x128xf32>,
    %get3A_40 = arith.constant 0 : index
    %get3A_41 = arith.constant 0 : index
    %get3A_42 = arith.constant 0 : index
    %get3A_43 = vector.load %arg3[%get3A_40, %get3A_41, %get3A_42] : memref<2x400x128xf32, #tpu.memory_space<vmem>>, vector<1x400x128xf32>
    %get3A_44 = vector.shape_cast %get3A_43 : vector<1x400x128xf32> to vector<400x128xf32>
    %get3A_45 = arith.constant 1 : index
    %get3A_46 = arith.constant 0 : index
    %get3A_47 = arith.constant 0 : index
    %get3A_48 = vector.load %arg3[%get3A_45, %get3A_46, %get3A_47] : memref<2x400x128xf32, #tpu.memory_space<vmem>>, vector<1x400x128xf32>
    %get3A_49 = vector.shape_cast %get3A_48 : vector<1x400x128xf32> to vector<400x128xf32>
    %add3A_50 = arith.addf %get3A_44, %get3A_49 : vector<400x128xf32>
    %get3A_51 = arith.constant 0 : index
    %get3A_52 = arith.constant 0 : index
    %get3A_53 = vector.load %arg10[%get3A_51, %get3A_52] : memref<128x128xf32, #tpu.memory_space<vmem>>, vector<128x128xf32>
    %dot_general3A_54 = arith.constant dense<0.000000e+00> : vector<400x128xf32>
    %dot_general3A_55 = tpu.matmul %add3A_50, %get3A_53, %dot_general3A_54 {dimension_numbers = #tpu.dot_dimension_numbers<[1], [0], [0], [1], [0, 0, 1, 1], [], []>, transpose_lhs_hint = false} : vector<400x128xf32>, vector<128x128xf32>, vector<400x128xf32> -> vector<400x128xf32>
    %max3A = arith.constant 1.000000e+00 : f32
    %max3A_56 = vector.broadcast %max3A : f32 to vector<400x128xf32>
    %max3A_57 = arith.maximumf %dot_general3A_55, %max3A_56 : vector<400x128xf32>
    %swap3A_58 = arith.constant 0 : index
    %swap3A_59 = arith.constant 0 : index
    %swap3A_60 = vector.load %arg13[%swap3A_58, %swap3A_59] : memref<400x128xf32, #tpu.memory_space<vmem>>, vector<400x128xf32>
    tpu.vector_store %arg13[%swap3A_58, %swap3A_59], %max3A_57 {strides = array<i32>} : memref<400x128xf32, #tpu.memory_space<vmem>>, vector<400x128xf32>,
    return
  }
  func.func @transform_0(%arg0: i32) -> (i32, i32) {
    %c0_i32 = arith.constant 0 : i32
    %c0_i32_0 = arith.constant 0 : i32
    return %arg0, %c0_i32 : i32, i32
  }
  func.func @transform_1(%arg0: i32) -> (i32, i32) {
    %c0_i32 = arith.constant 0 : i32
    %c0_i32_0 = arith.constant 0 : i32
    return %arg0, %c0_i32 : i32, i32
  }
  func.func @transform_2(%arg0: i32) -> (i32, i32, i32) {
    %c0_i32 = arith.constant 0 : i32
    %c0_i32_0 = arith.constant 0 : i32
    %c0_i32_1 = arith.constant 0 : i32
    return %c0_i32, %arg0, %c0_i32_0 : i32, i32, i32
  }
  func.func @transform_3(%arg0: i32) -> (i32, i32) {
    %c0_i32 = arith.constant 0 : i32
    %c0_i32_0 = arith.constant 0 : i32
    %c0_i32_1 = arith.constant 0 : i32
    return %c0_i32, %c0_i32_0 : i32, i32
  }
  func.func @transform_4(%arg0: i32) -> (i32, i32) {
    %c0_i32 = arith.constant 0 : i32
    %c0_i32_0 = arith.constant 0 : i32
    %c0_i32_1 = arith.constant 0 : i32
    return %c0_i32, %c0_i32_0 : i32, i32
  }
  func.func @transform_5(%arg0: i32) -> (i32, i32) {
    %c0_i32 = arith.constant 0 : i32
    %c0_i32_0 = arith.constant 0 : i32
    %c0_i32_1 = arith.constant 0 : i32
    return %c0_i32, %c0_i32_0 : i32, i32
  }
  func.func @transform_6(%arg0: i32) -> (i32, i32) {
    %c0_i32 = arith.constant 0 : i32
    %c0_i32_0 = arith.constant 0 : i32
    %c0_i32_1 = arith.constant 0 : i32
    return %c0_i32, %c0_i32_0 : i32, i32
  }
  func.func @transform_7(%arg0: i32) -> (i32, i32) {
    %c0_i32 = arith.constant 0 : i32
    %c0_i32_0 = arith.constant 0 : i32
    %c0_i32_1 = arith.constant 0 : i32
    return %c0_i32, %c0_i32_0 : i32, i32
  }
  func.func @transform_8(%arg0: i32) -> (i32, i32) {
    %c0_i32 = arith.constant 0 : i32
    %c0_i32_0 = arith.constant 0 : i32
    %c0_i32_1 = arith.constant 0 : i32
    return %c0_i32, %c0_i32_0 : i32, i32
  }
  func.func @transform_9(%arg0: i32) -> (i32, i32) {
    %c0_i32 = arith.constant 0 : i32
    %c0_i32_0 = arith.constant 0 : i32
    %c0_i32_1 = arith.constant 0 : i32
    return %c0_i32, %c0_i32_0 : i32, i32
  }
  func.func @transform_10(%arg0: i32) -> (i32, i32) {
    %c0_i32 = arith.constant 0 : i32
    %c0_i32_0 = arith.constant 0 : i32
    return %arg0, %c0_i32 : i32, i32
  }
  func.func @transform_11(%arg0: i32) -> (i32, i32) {
    %c0_i32 = arith.constant 0 : i32
    %c0_i32_0 = arith.constant 0 : i32
    return %arg0, %c0_i32 : i32, i32
  }
  func.func @transform_12(%arg0: i32) -> (i32, i32) {
    %c0_i32 = arith.constant 0 : i32
    %c0_i32_0 = arith.constant 0 : i32
    return %arg0, %c0_i32 : i32, i32
  }
}

module attributes {stable_mosaic.version = 14 : i64} {
  func.func @body(%arg0: i32, %arg1: memref<2x128x128xf32, #tpu.memory_space<vmem>>, %arg2: memref<128x128xf32, #tpu.memory_space<vmem>>, %arg3: memref<128x128xf32, #tpu.memory_space<vmem>>, %arg4: memref<128x128xf32, #tpu.memory_space<vmem>>, %arg5: memref<128x128xf32, #tpu.memory_space<vmem>>, %arg6: memref<128x128xf32, #tpu.memory_space<vmem>>, %arg7: memref<128x128xf32, #tpu.memory_space<vmem>>, %arg8: memref<128x128xf32, #tpu.memory_space<vmem>>, %arg9: memref<128x128xf32, #tpu.memory_space<vmem>>, %arg10: memref<128x128xf32, #tpu.memory_space<vmem>>, %arg11: memref<1x128xf32, #tpu.memory_space<vmem>>, %arg12: memref<128x128xf32, #tpu.memory_space<vmem>>, %arg13: memref<128x128xf32, #tpu.memory_space<vmem>>, %arg14: memref<128x128xf32, #tpu.memory_space<vmem>>, %arg15: memref<128x128xf32, #tpu.memory_space<vmem>>, %arg16: memref<128x128xf32, #tpu.memory_space<vmem>>, %arg17: memref<128x128xf32, #tpu.memory_space<vmem>>, %arg18: memref<8x128x1024xf32, #tpu.memory_space<vmem>>, %arg19: memref<5x1024xf32, #tpu.memory_space<vmem>>) attributes {dimension_semantics = [#tpu.dimension_semantics<arbitrary>], iteration_bounds = array<i64: 100>, scalar_prefetch = 0 : i64, scratch_operands = 0 : i64, tpu.core_type = #tpu.core_type<tc>, window_params = [{transform_indices = @transform_0, window_bounds = array<i64: 2, 128, 128>}, {transform_indices = @transform_1, window_bounds = array<i64: 128, 128>}, {transform_indices = @transform_2, window_bounds = array<i64: 128, 128>}, {transform_indices = @transform_3, window_bounds = array<i64: 128, 128>}, {pipeline_mode = #tpu.pipeline_mode<synchronous>, transform_indices = @transform_4, window_bounds = array<i64: 128, 128>}, {pipeline_mode = #tpu.pipeline_mode<synchronous>, transform_indices = @transform_5, window_bounds = array<i64: 128, 128>}, {pipeline_mode = #tpu.pipeline_mode<synchronous>, transform_indices = @transform_6, window_bounds = array<i64: 128, 128>}, {pipeline_mode = #tpu.pipeline_mode<synchronous>, transform_indices = @transform_7, window_bounds = array<i64: 128, 128>}, {pipeline_mode = #tpu.pipeline_mode<synchronous>, transform_indices = @transform_8, window_bounds = array<i64: 128, 128>}, {pipeline_mode = #tpu.pipeline_mode<synchronous>, transform_indices = @transform_9, window_bounds = array<i64: 128, 128>}, {pipeline_mode = #tpu.pipeline_mode<synchronous>, transform_indices = @transform_10, window_bounds = array<i64: 1, 128>}, {pipeline_mode = #tpu.pipeline_mode<synchronous>, transform_indices = @transform_11, window_bounds = array<i64: 128, 128>}, {pipeline_mode = #tpu.pipeline_mode<synchronous>, transform_indices = @transform_12, window_bounds = array<i64: 128, 128>}, {pipeline_mode = #tpu.pipeline_mode<synchronous>, transform_indices = @transform_13, window_bounds = array<i64: 128, 128>}, {pipeline_mode = #tpu.pipeline_mode<synchronous>, transform_indices = @transform_14, window_bounds = array<i64: 128, 128>}, {pipeline_mode = #tpu.pipeline_mode<synchronous>, transform_indices = @transform_15, window_bounds = array<i64: 128, 128>}, {pipeline_mode = #tpu.pipeline_mode<synchronous>, transform_indices = @transform_16, window_bounds = array<i64: 128, 128>}, {pipeline_mode = #tpu.pipeline_mode<synchronous>, transform_indices = @transform_17, window_bounds = array<i64: 8, 128, 1024>}, {transform_indices = @transform_18, window_bounds = array<i64: 5, 1024>}]} {
    %get3A = arith.constant 0 : index
    %get3A_0 = arith.constant 0 : index
    %get3A_1 = vector.load %arg4[%get3A, %get3A_0] : memref<128x128xf32, #tpu.memory_space<vmem>>, vector<128x128xf32>
    %get3A_2 = arith.constant 0 : index
    %get3A_3 = arith.constant 0 : index
    %get3A_4 = arith.constant 0 : index
    %get3A_5 = vector.load %arg1[%get3A_2, %get3A_3, %get3A_4] : memref<2x128x128xf32, #tpu.memory_space<vmem>>, vector<1x128x128xf32>
    %get3A_6 = vector.shape_cast %get3A_5 : vector<1x128x128xf32> to vector<128x128xf32>
    %div3A = arith.divf %get3A_6, %get3A_1 : vector<128x128xf32>
    %get3A_7 = arith.constant 1 : index
    %get3A_8 = arith.constant 0 : index
    %get3A_9 = arith.constant 0 : index
    %get3A_10 = vector.load %arg1[%get3A_7, %get3A_8, %get3A_9] : memref<2x128x128xf32, #tpu.memory_space<vmem>>, vector<1x128x128xf32>
    %get3A_11 = vector.shape_cast %get3A_10 : vector<1x128x128xf32> to vector<128x128xf32>
    %div3A_12 = arith.divf %get3A_11, %get3A_1 : vector<128x128xf32>
    %get3A_13 = arith.constant 0 : index
    %get3A_14 = arith.constant 0 : index
    %get3A_15 = vector.load %arg5[%get3A_13, %get3A_14] : memref<128x128xf32, #tpu.memory_space<vmem>>, vector<128x128xf32>
    %dot_general3A = arith.constant dense<0.000000e+00> : vector<128x128xf32>
    %dot_general3A_16 = tpu.matmul %div3A, %get3A_15, %dot_general3A {dimension_numbers = #tpu.dot_dimension_numbers<[1], [0], [0], [1], [0, 0, 1, 1], [], []>, transpose_lhs_hint = false} : vector<128x128xf32>, vector<128x128xf32>, vector<128x128xf32> -> vector<128x128xf32>
    %get3A_17 = arith.constant 0 : index
    %get3A_18 = arith.constant 0 : index
    %get3A_19 = vector.load %arg6[%get3A_17, %get3A_18] : memref<128x128xf32, #tpu.memory_space<vmem>>, vector<128x128xf32>
    %dot_general3A_20 = arith.constant dense<0.000000e+00> : vector<128x128xf32>
    %dot_general3A_21 = tpu.matmul %div3A_12, %get3A_19, %dot_general3A_20 {dimension_numbers = #tpu.dot_dimension_numbers<[1], [0], [0], [1], [0, 0, 1, 1], [], []>, transpose_lhs_hint = false} : vector<128x128xf32>, vector<128x128xf32>, vector<128x128xf32> -> vector<128x128xf32>
    %add3A = arith.addf %dot_general3A_16, %dot_general3A_21 : vector<128x128xf32>
    %get3A_22 = arith.constant 0 : index
    %get3A_23 = arith.constant 0 : index
    %get3A_24 = vector.load %arg2[%get3A_22, %get3A_23] : memref<128x128xf32, #tpu.memory_space<vmem>>, vector<128x128xf32>
    %add3A_25 = arith.addf %add3A, %get3A_24 : vector<128x128xf32>
    %max3A = arith.constant 0.000000e+00 : f32
    %max3A_26 = vector.broadcast %max3A : f32 to vector<128x128xf32>
    %max3A_27 = arith.maximumf %add3A_25, %max3A_26 : vector<128x128xf32>
    %get3A_28 = arith.constant 0 : index
    %get3A_29 = arith.constant 0 : index
    %get3A_30 = vector.load %arg7[%get3A_28, %get3A_29] : memref<128x128xf32, #tpu.memory_space<vmem>>, vector<128x128xf32>
    %dot_general3A_31 = arith.constant dense<0.000000e+00> : vector<128x128xf32>
    %dot_general3A_32 = tpu.matmul %div3A, %get3A_30, %dot_general3A_31 {dimension_numbers = #tpu.dot_dimension_numbers<[1], [0], [0], [1], [0, 0, 1, 1], [], []>, transpose_lhs_hint = false} : vector<128x128xf32>, vector<128x128xf32>, vector<128x128xf32> -> vector<128x128xf32>
    %get3A_33 = arith.constant 0 : index
    %get3A_34 = arith.constant 0 : index
    %get3A_35 = vector.load %arg8[%get3A_33, %get3A_34] : memref<128x128xf32, #tpu.memory_space<vmem>>, vector<128x128xf32>
    %dot_general3A_36 = arith.constant dense<0.000000e+00> : vector<128x128xf32>
    %dot_general3A_37 = tpu.matmul %div3A_12, %get3A_35, %dot_general3A_36 {dimension_numbers = #tpu.dot_dimension_numbers<[1], [0], [0], [1], [0, 0, 1, 1], [], []>, transpose_lhs_hint = false} : vector<128x128xf32>, vector<128x128xf32>, vector<128x128xf32> -> vector<128x128xf32>
    %add3A_38 = arith.addf %dot_general3A_32, %dot_general3A_37 : vector<128x128xf32>
    %get3A_39 = arith.constant 0 : index
    %get3A_40 = arith.constant 0 : index
    %get3A_41 = vector.load %arg3[%get3A_39, %get3A_40] : memref<128x128xf32, #tpu.memory_space<vmem>>, vector<128x128xf32>
    %add3A_42 = arith.addf %add3A_38, %get3A_41 : vector<128x128xf32>
    %max3A_43 = arith.constant 0.000000e+00 : f32
    %max3A_44 = vector.broadcast %max3A_43 : f32 to vector<128x128xf32>
    %max3A_45 = arith.maximumf %add3A_42, %max3A_44 : vector<128x128xf32>
    %get3A_46 = arith.constant 0 : index
    %get3A_47 = arith.constant 0 : index
    %get3A_48 = vector.load %arg9[%get3A_46, %get3A_47] : memref<128x128xf32, #tpu.memory_space<vmem>>, vector<128x128xf32>
    %dot_general3A_49 = arith.constant dense<0.000000e+00> : vector<128x128xf32>
    %dot_general3A_50 = tpu.matmul %max3A_27, %get3A_48, %dot_general3A_49 {dimension_numbers = #tpu.dot_dimension_numbers<[1], [0], [0], [1], [0, 0, 1, 1], [], []>, transpose_lhs_hint = false} : vector<128x128xf32>, vector<128x128xf32>, vector<128x128xf32> -> vector<128x128xf32>
    %get3A_51 = arith.constant 0 : index
    %get3A_52 = arith.constant 0 : index
    %get3A_53 = vector.load %arg10[%get3A_51, %get3A_52] : memref<128x128xf32, #tpu.memory_space<vmem>>, vector<128x128xf32>
    %dot_general3A_54 = arith.constant dense<0.000000e+00> : vector<128x128xf32>
    %dot_general3A_55 = tpu.matmul %max3A_45, %get3A_53, %dot_general3A_54 {dimension_numbers = #tpu.dot_dimension_numbers<[1], [0], [0], [1], [0, 0, 1, 1], [], []>, transpose_lhs_hint = false} : vector<128x128xf32>, vector<128x128xf32>, vector<128x128xf32> -> vector<128x128xf32>
    %add3A_56 = arith.addf %dot_general3A_50, %dot_general3A_55 : vector<128x128xf32>
    %get3A_57 = arith.constant 0 : index
    %get3A_58 = arith.constant 0 : index
    %get3A_59 = vector.load %arg11[%get3A_57, %get3A_58] : memref<1x128xf32, #tpu.memory_space<vmem>>, vector<1x128xf32>
    %add3A_60 = vector.broadcast %get3A_59 : vector<1x128xf32> to vector<128x128xf32>
    %add3A_61 = arith.addf %add3A_56, %add3A_60 : vector<128x128xf32>
    %get3A_62 = arith.constant 0 : index
    %get3A_63 = arith.constant 0 : index
    %get3A_64 = vector.load %arg12[%get3A_62, %get3A_63] : memref<128x128xf32, #tpu.memory_space<vmem>>, vector<128x128xf32>
    %dot_general3A_65 = arith.constant dense<0.000000e+00> : vector<128x128xf32>
    %dot_general3A_66 = tpu.matmul %add3A_61, %get3A_64, %dot_general3A_65 {dimension_numbers = #tpu.dot_dimension_numbers<[1], [0], [0], [1], [0, 0, 1, 1], [], []>, transpose_lhs_hint = false} : vector<128x128xf32>, vector<128x128xf32>, vector<128x128xf32> -> vector<128x128xf32>
    %max3A_67 = arith.maximumf %add3A_61, %dot_general3A_66 : vector<128x128xf32>
    %get3A_68 = arith.constant 0 : index
    %get3A_69 = arith.constant 0 : index
    %get3A_70 = vector.load %arg13[%get3A_68, %get3A_69] : memref<128x128xf32, #tpu.memory_space<vmem>>, vector<128x128xf32>
    %dot_general3A_71 = arith.constant dense<0.000000e+00> : vector<128x128xf32>
    %dot_general3A_72 = tpu.matmul %add3A_61, %get3A_70, %dot_general3A_71 {dimension_numbers = #tpu.dot_dimension_numbers<[1], [0], [0], [1], [0, 0, 1, 1], [], []>, transpose_lhs_hint = false} : vector<128x128xf32>, vector<128x128xf32>, vector<128x128xf32> -> vector<128x128xf32>
    %max3A_73 = arith.maximumf %max3A_67, %dot_general3A_72 : vector<128x128xf32>
    %get3A_74 = arith.constant 0 : index
    %get3A_75 = arith.constant 0 : index
    %get3A_76 = vector.load %arg14[%get3A_74, %get3A_75] : memref<128x128xf32, #tpu.memory_space<vmem>>, vector<128x128xf32>
    %dot_general3A_77 = arith.constant dense<0.000000e+00> : vector<128x128xf32>
    %dot_general3A_78 = tpu.matmul %add3A_61, %get3A_76, %dot_general3A_77 {dimension_numbers = #tpu.dot_dimension_numbers<[1], [0], [0], [1], [0, 0, 1, 1], [], []>, transpose_lhs_hint = false} : vector<128x128xf32>, vector<128x128xf32>, vector<128x128xf32> -> vector<128x128xf32>
    %max3A_79 = arith.maximumf %max3A_73, %dot_general3A_78 : vector<128x128xf32>
    %get3A_80 = arith.constant 0 : index
    %get3A_81 = arith.constant 0 : index
    %get3A_82 = vector.load %arg15[%get3A_80, %get3A_81] : memref<128x128xf32, #tpu.memory_space<vmem>>, vector<128x128xf32>
    %dot_general3A_83 = arith.constant dense<0.000000e+00> : vector<128x128xf32>
    %dot_general3A_84 = tpu.matmul %add3A_61, %get3A_82, %dot_general3A_83 {dimension_numbers = #tpu.dot_dimension_numbers<[1], [0], [0], [1], [0, 0, 1, 1], [], []>, transpose_lhs_hint = false} : vector<128x128xf32>, vector<128x128xf32>, vector<128x128xf32> -> vector<128x128xf32>
    %max3A_85 = arith.maximumf %max3A_79, %dot_general3A_84 : vector<128x128xf32>
    %get3A_86 = arith.constant 0 : index
    %get3A_87 = arith.constant 0 : index
    %get3A_88 = vector.load %arg16[%get3A_86, %get3A_87] : memref<128x128xf32, #tpu.memory_space<vmem>>, vector<128x128xf32>
    %dot_general3A_89 = arith.constant dense<0.000000e+00> : vector<128x128xf32>
    %dot_general3A_90 = tpu.matmul %max3A_85, %get3A_88, %dot_general3A_89 {dimension_numbers = #tpu.dot_dimension_numbers<[1], [0], [0], [1], [0, 0, 1, 1], [], []>, transpose_lhs_hint = false} : vector<128x128xf32>, vector<128x128xf32>, vector<128x128xf32> -> vector<128x128xf32>
    %sub3A = arith.subf %add3A_61, %dot_general3A_90 : vector<128x128xf32>
    %exp3A = math.exp %sub3A : vector<128x128xf32>
    %get3A_91 = arith.constant 0 : index
    %get3A_92 = arith.constant 0 : index
    %get3A_93 = vector.load %arg17[%get3A_91, %get3A_92] : memref<128x128xf32, #tpu.memory_space<vmem>>, vector<128x128xf32>
    %dot_general3A_94 = arith.constant dense<0.000000e+00> : vector<128x128xf32>
    %dot_general3A_95 = tpu.matmul %exp3A, %get3A_93, %dot_general3A_94 {dimension_numbers = #tpu.dot_dimension_numbers<[1], [0], [0], [1], [0, 0, 1, 1], [], []>, transpose_lhs_hint = false} : vector<128x128xf32>, vector<128x128xf32>, vector<128x128xf32> -> vector<128x128xf32>
    %div3A_96 = arith.divf %exp3A, %dot_general3A_95 : vector<128x128xf32>
    %transpose3A = tpu.transpose %div3A_96, [1, 0] : vector<128x128xf32> -> vector<128x128xf32>
    %slice3A = vector.extract_strided_slice %transpose3A {offsets = [0, 0], sizes = [5, 128], strides = [1, 1]} : vector<128x128xf32> to vector<5x128xf32>
    %get3A_97 = arith.constant 0 : index
    %get3A_98 = arith.constant 0 : index
    %get3A_99 = arith.constant 0 : index
    %get3A_100 = vector.load %arg18[%get3A_97, %get3A_98, %get3A_99] : memref<8x128x1024xf32, #tpu.memory_space<vmem>>, vector<1x128x1024xf32>
    %get3A_101 = vector.shape_cast %get3A_100 : vector<1x128x1024xf32> to vector<128x1024xf32>
    %dot_general3A_102 = arith.constant dense<0.000000e+00> : vector<5x1024xf32>
    %dot_general3A_103 = tpu.matmul %slice3A, %get3A_101, %dot_general3A_102 {dimension_numbers = #tpu.dot_dimension_numbers<[1], [0], [0], [1], [0, 0, 1, 1], [], []>, transpose_lhs_hint = false} : vector<5x128xf32>, vector<128x1024xf32>, vector<5x1024xf32> -> vector<5x1024xf32>
    %slice3A_104 = vector.extract_strided_slice %transpose3A {offsets = [16, 0], sizes = [5, 128], strides = [1, 1]} : vector<128x128xf32> to vector<5x128xf32>
    %get3A_105 = arith.constant 1 : index
    %get3A_106 = arith.constant 0 : index
    %get3A_107 = arith.constant 0 : index
    %get3A_108 = vector.load %arg18[%get3A_105, %get3A_106, %get3A_107] : memref<8x128x1024xf32, #tpu.memory_space<vmem>>, vector<1x128x1024xf32>
    %get3A_109 = vector.shape_cast %get3A_108 : vector<1x128x1024xf32> to vector<128x1024xf32>
    %dot_general3A_110 = arith.constant dense<0.000000e+00> : vector<5x1024xf32>
    %dot_general3A_111 = tpu.matmul %slice3A_104, %get3A_109, %dot_general3A_110 {dimension_numbers = #tpu.dot_dimension_numbers<[1], [0], [0], [1], [0, 0, 1, 1], [], []>, transpose_lhs_hint = false} : vector<5x128xf32>, vector<128x1024xf32>, vector<5x1024xf32> -> vector<5x1024xf32>
    %add3A_112 = arith.addf %dot_general3A_103, %dot_general3A_111 : vector<5x1024xf32>
    %slice3A_113 = vector.extract_strided_slice %transpose3A {offsets = [32, 0], sizes = [5, 128], strides = [1, 1]} : vector<128x128xf32> to vector<5x128xf32>
    %get3A_114 = arith.constant 2 : index
    %get3A_115 = arith.constant 0 : index
    %get3A_116 = arith.constant 0 : index
    %get3A_117 = vector.load %arg18[%get3A_114, %get3A_115, %get3A_116] : memref<8x128x1024xf32, #tpu.memory_space<vmem>>, vector<1x128x1024xf32>
    %get3A_118 = vector.shape_cast %get3A_117 : vector<1x128x1024xf32> to vector<128x1024xf32>
    %dot_general3A_119 = arith.constant dense<0.000000e+00> : vector<5x1024xf32>
    %dot_general3A_120 = tpu.matmul %slice3A_113, %get3A_118, %dot_general3A_119 {dimension_numbers = #tpu.dot_dimension_numbers<[1], [0], [0], [1], [0, 0, 1, 1], [], []>, transpose_lhs_hint = false} : vector<5x128xf32>, vector<128x1024xf32>, vector<5x1024xf32> -> vector<5x1024xf32>
    %add3A_121 = arith.addf %add3A_112, %dot_general3A_120 : vector<5x1024xf32>
    %slice3A_122 = vector.extract_strided_slice %transpose3A {offsets = [48, 0], sizes = [5, 128], strides = [1, 1]} : vector<128x128xf32> to vector<5x128xf32>
    %get3A_123 = arith.constant 3 : index
    %get3A_124 = arith.constant 0 : index
    %get3A_125 = arith.constant 0 : index
    %get3A_126 = vector.load %arg18[%get3A_123, %get3A_124, %get3A_125] : memref<8x128x1024xf32, #tpu.memory_space<vmem>>, vector<1x128x1024xf32>
    %get3A_127 = vector.shape_cast %get3A_126 : vector<1x128x1024xf32> to vector<128x1024xf32>
    %dot_general3A_128 = arith.constant dense<0.000000e+00> : vector<5x1024xf32>
    %dot_general3A_129 = tpu.matmul %slice3A_122, %get3A_127, %dot_general3A_128 {dimension_numbers = #tpu.dot_dimension_numbers<[1], [0], [0], [1], [0, 0, 1, 1], [], []>, transpose_lhs_hint = false} : vector<5x128xf32>, vector<128x1024xf32>, vector<5x1024xf32> -> vector<5x1024xf32>
    %add3A_130 = arith.addf %add3A_121, %dot_general3A_129 : vector<5x1024xf32>
    %slice3A_131 = vector.extract_strided_slice %transpose3A {offsets = [64, 0], sizes = [5, 128], strides = [1, 1]} : vector<128x128xf32> to vector<5x128xf32>
    %get3A_132 = arith.constant 4 : index
    %get3A_133 = arith.constant 0 : index
    %get3A_134 = arith.constant 0 : index
    %get3A_135 = vector.load %arg18[%get3A_132, %get3A_133, %get3A_134] : memref<8x128x1024xf32, #tpu.memory_space<vmem>>, vector<1x128x1024xf32>
    %get3A_136 = vector.shape_cast %get3A_135 : vector<1x128x1024xf32> to vector<128x1024xf32>
    %dot_general3A_137 = arith.constant dense<0.000000e+00> : vector<5x1024xf32>
    %dot_general3A_138 = tpu.matmul %slice3A_131, %get3A_136, %dot_general3A_137 {dimension_numbers = #tpu.dot_dimension_numbers<[1], [0], [0], [1], [0, 0, 1, 1], [], []>, transpose_lhs_hint = false} : vector<5x128xf32>, vector<128x1024xf32>, vector<5x1024xf32> -> vector<5x1024xf32>
    %add3A_139 = arith.addf %add3A_130, %dot_general3A_138 : vector<5x1024xf32>
    %slice3A_140 = vector.extract_strided_slice %transpose3A {offsets = [80, 0], sizes = [5, 128], strides = [1, 1]} : vector<128x128xf32> to vector<5x128xf32>
    %get3A_141 = arith.constant 5 : index
    %get3A_142 = arith.constant 0 : index
    %get3A_143 = arith.constant 0 : index
    %get3A_144 = vector.load %arg18[%get3A_141, %get3A_142, %get3A_143] : memref<8x128x1024xf32, #tpu.memory_space<vmem>>, vector<1x128x1024xf32>
    %get3A_145 = vector.shape_cast %get3A_144 : vector<1x128x1024xf32> to vector<128x1024xf32>
    %dot_general3A_146 = arith.constant dense<0.000000e+00> : vector<5x1024xf32>
    %dot_general3A_147 = tpu.matmul %slice3A_140, %get3A_145, %dot_general3A_146 {dimension_numbers = #tpu.dot_dimension_numbers<[1], [0], [0], [1], [0, 0, 1, 1], [], []>, transpose_lhs_hint = false} : vector<5x128xf32>, vector<128x1024xf32>, vector<5x1024xf32> -> vector<5x1024xf32>
    %add3A_148 = arith.addf %add3A_139, %dot_general3A_147 : vector<5x1024xf32>
    %slice3A_149 = vector.extract_strided_slice %transpose3A {offsets = [96, 0], sizes = [5, 128], strides = [1, 1]} : vector<128x128xf32> to vector<5x128xf32>
    %get3A_150 = arith.constant 6 : index
    %get3A_151 = arith.constant 0 : index
    %get3A_152 = arith.constant 0 : index
    %get3A_153 = vector.load %arg18[%get3A_150, %get3A_151, %get3A_152] : memref<8x128x1024xf32, #tpu.memory_space<vmem>>, vector<1x128x1024xf32>
    %get3A_154 = vector.shape_cast %get3A_153 : vector<1x128x1024xf32> to vector<128x1024xf32>
    %dot_general3A_155 = arith.constant dense<0.000000e+00> : vector<5x1024xf32>
    %dot_general3A_156 = tpu.matmul %slice3A_149, %get3A_154, %dot_general3A_155 {dimension_numbers = #tpu.dot_dimension_numbers<[1], [0], [0], [1], [0, 0, 1, 1], [], []>, transpose_lhs_hint = false} : vector<5x128xf32>, vector<128x1024xf32>, vector<5x1024xf32> -> vector<5x1024xf32>
    %add3A_157 = arith.addf %add3A_148, %dot_general3A_156 : vector<5x1024xf32>
    %slice3A_158 = vector.extract_strided_slice %transpose3A {offsets = [112, 0], sizes = [5, 128], strides = [1, 1]} : vector<128x128xf32> to vector<5x128xf32>
    %get3A_159 = arith.constant 7 : index
    %get3A_160 = arith.constant 0 : index
    %get3A_161 = arith.constant 0 : index
    %get3A_162 = vector.load %arg18[%get3A_159, %get3A_160, %get3A_161] : memref<8x128x1024xf32, #tpu.memory_space<vmem>>, vector<1x128x1024xf32>
    %get3A_163 = vector.shape_cast %get3A_162 : vector<1x128x1024xf32> to vector<128x1024xf32>
    %dot_general3A_164 = arith.constant dense<0.000000e+00> : vector<5x1024xf32>
    %dot_general3A_165 = tpu.matmul %slice3A_158, %get3A_163, %dot_general3A_164 {dimension_numbers = #tpu.dot_dimension_numbers<[1], [0], [0], [1], [0, 0, 1, 1], [], []>, transpose_lhs_hint = false} : vector<5x128xf32>, vector<128x1024xf32>, vector<5x1024xf32> -> vector<5x1024xf32>
    %add3A_166 = arith.addf %add3A_157, %dot_general3A_165 : vector<5x1024xf32>
    %swap3A = arith.constant 0 : index
    %swap3A_167 = arith.constant 0 : index
    %swap3A_168 = vector.load %arg19[%swap3A, %swap3A_167] : memref<5x1024xf32, #tpu.memory_space<vmem>>, vector<5x1024xf32>
    tpu.vector_store %arg19[%swap3A, %swap3A_167], %add3A_166 {strides = array<i32>} : memref<5x1024xf32, #tpu.memory_space<vmem>>, vector<5x1024xf32>,
    return
  }
  func.func @transform_0(%arg0: i32) -> (i32, i32, i32) {
    %c0_i32 = arith.constant 0 : i32
    %c0_i32_0 = arith.constant 0 : i32
    %c0_i32_1 = arith.constant 0 : i32
    return %c0_i32, %arg0, %c0_i32_0 : i32, i32, i32
  }
  func.func @transform_1(%arg0: i32) -> (i32, i32) {
    %c0_i32 = arith.constant 0 : i32
    %c0_i32_0 = arith.constant 0 : i32
    return %arg0, %c0_i32 : i32, i32
  }
  func.func @transform_2(%arg0: i32) -> (i32, i32) {
    %c0_i32 = arith.constant 0 : i32
    %c0_i32_0 = arith.constant 0 : i32
    return %arg0, %c0_i32 : i32, i32
  }
  func.func @transform_3(%arg0: i32) -> (i32, i32) {
    %c0_i32 = arith.constant 0 : i32
    %c0_i32_0 = arith.constant 0 : i32
    return %arg0, %c0_i32 : i32, i32
  }
  func.func @transform_4(%arg0: i32) -> (i32, i32) {
    %c0_i32 = arith.constant 0 : i32
    %c0_i32_0 = arith.constant 0 : i32
    %c0_i32_1 = arith.constant 0 : i32
    return %c0_i32, %c0_i32_0 : i32, i32
  }
  func.func @transform_5(%arg0: i32) -> (i32, i32) {
    %c0_i32 = arith.constant 0 : i32
    %c0_i32_0 = arith.constant 0 : i32
    %c0_i32_1 = arith.constant 0 : i32
    return %c0_i32, %c0_i32_0 : i32, i32
  }
  func.func @transform_6(%arg0: i32) -> (i32, i32) {
    %c0_i32 = arith.constant 0 : i32
    %c0_i32_0 = arith.constant 0 : i32
    %c0_i32_1 = arith.constant 0 : i32
    return %c0_i32, %c0_i32_0 : i32, i32
  }
  func.func @transform_7(%arg0: i32) -> (i32, i32) {
    %c0_i32 = arith.constant 0 : i32
    %c0_i32_0 = arith.constant 0 : i32
    %c0_i32_1 = arith.constant 0 : i32
    return %c0_i32, %c0_i32_0 : i32, i32
  }
  func.func @transform_8(%arg0: i32) -> (i32, i32) {
    %c0_i32 = arith.constant 0 : i32
    %c0_i32_0 = arith.constant 0 : i32
    %c0_i32_1 = arith.constant 0 : i32
    return %c0_i32, %c0_i32_0 : i32, i32
  }
  func.func @transform_9(%arg0: i32) -> (i32, i32) {
    %c0_i32 = arith.constant 0 : i32
    %c0_i32_0 = arith.constant 0 : i32
    %c0_i32_1 = arith.constant 0 : i32
    return %c0_i32, %c0_i32_0 : i32, i32
  }
  func.func @transform_10(%arg0: i32) -> (i32, i32) {
    %c0_i32 = arith.constant 0 : i32
    %c0_i32_0 = arith.constant 0 : i32
    %c0_i32_1 = arith.constant 0 : i32
    return %c0_i32, %c0_i32_0 : i32, i32
  }
  func.func @transform_11(%arg0: i32) -> (i32, i32) {
    %c0_i32 = arith.constant 0 : i32
    %c0_i32_0 = arith.constant 0 : i32
    %c0_i32_1 = arith.constant 0 : i32
    return %c0_i32, %c0_i32_0 : i32, i32
  }
  func.func @transform_12(%arg0: i32) -> (i32, i32) {
    %c0_i32 = arith.constant 0 : i32
    %c0_i32_0 = arith.constant 0 : i32
    %c0_i32_1 = arith.constant 0 : i32
    return %c0_i32, %c0_i32_0 : i32, i32
  }
  func.func @transform_13(%arg0: i32) -> (i32, i32) {
    %c0_i32 = arith.constant 0 : i32
    %c0_i32_0 = arith.constant 0 : i32
    %c0_i32_1 = arith.constant 0 : i32
    return %c0_i32, %c0_i32_0 : i32, i32
  }
  func.func @transform_14(%arg0: i32) -> (i32, i32) {
    %c0_i32 = arith.constant 0 : i32
    %c0_i32_0 = arith.constant 0 : i32
    %c0_i32_1 = arith.constant 0 : i32
    return %c0_i32, %c0_i32_0 : i32, i32
  }
  func.func @transform_15(%arg0: i32) -> (i32, i32) {
    %c0_i32 = arith.constant 0 : i32
    %c0_i32_0 = arith.constant 0 : i32
    %c0_i32_1 = arith.constant 0 : i32
    return %c0_i32, %c0_i32_0 : i32, i32
  }
  func.func @transform_16(%arg0: i32) -> (i32, i32) {
    %c0_i32 = arith.constant 0 : i32
    %c0_i32_0 = arith.constant 0 : i32
    %c0_i32_1 = arith.constant 0 : i32
    return %c0_i32, %c0_i32_0 : i32, i32
  }
  func.func @transform_17(%arg0: i32) -> (i32, i32, i32) {
    %c0_i32 = arith.constant 0 : i32
    %c0_i32_0 = arith.constant 0 : i32
    %c0_i32_1 = arith.constant 0 : i32
    %c0_i32_2 = arith.constant 0 : i32
    return %c0_i32, %c0_i32_0, %c0_i32_1 : i32, i32, i32
  }
  func.func @transform_18(%arg0: i32) -> (i32, i32) {
    %c0_i32 = arith.constant 0 : i32
    %c0_i32_0 = arith.constant 0 : i32
    return %c0_i32, %arg0 : i32, i32
  }
}

</mosaic_0001>

<sc_bundles>
// kernel: kernel.10.cloned.1.call-start
scs
__scs_entry_jumppad:
0x0: {  	(pc) =	sbr.rel $0x88, $3  }
0x1: {  	(tag) =	ssettag $0x0;
	lr =	simm.s32 $0x1  }
0x2: {  	[smem:$0x3F97] =	sst lr;
	_ =	strace $0xD0000000  }
0x3: {  	_ = 	snop  }
0x4: {  	_ = 	snop  }
0x5: {  	_ = 	snop  }
0x6: {  	_ = 	snop  }
0x7: {  	_ = 	snop  }
__scs_overlays_trampoline_lowered:
0x8: {  	[smem:$0x3FA6] =	sst s0  }
0x9: {  	[smem:$0x3FA7] =	sst s1  }
0xa: {  	[smem:$0x3FA8] =	sst s2  }
0xb: {  	[smem:$0x3FA9] =	sst s3  }
0xc: {  	[smem:$0x3FAA] =	sst s4  }
0xd: {  	[smem:$0x3FAB] =	sst s5  }
0xe: {  	[smem:$0x3FAC] =	sst s6  }
0xf: {  	[smem:$0x3FAD] =	sst s7  }
0x10: {  	[smem:$0x3FAE] =	sst s8  }
0x11: {  	[smem:$0x3FAF] =	sst s9;
	s0 =	simm.s32 @!p0 $0x0  }
0x12: {  	s1 =	sld [smem:$0x3F95];
	s0 =	simm.s32 @p0 $0x1  }
0x13: {  	[smem:$0x3FB0] =	sst s0;
	s0 =	simm.s32 @!p1 $0x0  }
0x14: {  	s2 =	sld [smem:$0x3F94];
	s0 =	simm.s32 @p1 $0x1  }
0x15: {  	[smem:$0x3FB1] =	sst s0;
	s0 =	simm.s32 @!p2 $0x0  }
0x16: {  	s3 =	sld [smem:$0x3FDB];
	s0 =	simm.s32 @p2 $0x1  }
0x17: {  	s4 =	simm.s32 $0x1BF5;
	[smem:$0x3FB3] =	sst s0  }
0x18: {  	s0 =	sld [smem:$0x3F96];
	_ =	swait.ge [sflag:s4], $0x0  }
0x19: {  	s7 =	sld [smem:$0x3F97]  }
0x1a: {  	s8 =	sadd.s32 $0xFFFFE003, lr  }
0x1b: {  	s9 =	sadd.s32 $0xFFFFFEF7, lr;
	s5 =	simm.s32 $0xFFFFFFFF;
	p2 =	slt.u32 s8, $0xFFFFF086  }
0x1c: {  	p1 =	slt.u32 s9, $0xF7A;
	s5 =	simm.s32 @!p2 $0x0  }
0x1d: {  	s5 =	simm.s32 @p1 $0x1;
	p0 =	seq.s32 s7, s2  }
0x1e: {  	s7 =	smul.u32 @!p0 $0xF7A, s2;
	p2 =	seq.s32 @!p0 s5, $0x0  }
0x1f: {  	s9 =	smul.u32 $0xF7A, s1;
	s8 =	simm.s32 @!p0 $0x1BF5;
	p2 =	por !p2, p0  }
0x20: {  	[sflag:s8] =	ssyncset.s32 @!p0 $0xFFFFF086;
	s6 =	sadd.s32 @!p0 s3, s7;
	s7 =	simm.s32 @!p0 $0x108  }
0x21: {  	s3 =	sadd.s32 s3, s9;
	s6 =	sadd.s32 @!p0 $0x88, s6;
	s7 =	simm.s32 @p2 $0x1082  }
0x22: {  	[simem:s7], [sflag:s8] =	dma.local @!p0 [hbm:s6], $0xF7A  }
0x23: {  	s9 =	sor.u32 $0xD0000000, s2;
	s6 =	simm.s32 $0x108;
	_ =	swait.ge @!p0 [sflag:s8], $0x0  }
0x24: {  	s3 =	sadd.s32 $0x88, s3;
	s6 =	simm.s32 @!p1 $0x1082;
	[sflag:s4] =	ssyncset.s32 $0xFFFFF086  }
0x25: {  	[simem:s6], [sflag:s4] =	dma.local [hbm:s3], $0xF7A  }
0x26: {  	[smem:$0x3F97] =	sst s1;
	(tag) =	ssettag s2;
	_ =	strace s9  }
0x27: {  	s1 =	sld [smem:$0x3FA7]  }
0x28: {  	s2 =	sld [smem:$0x3FA8]  }
0x29: {  	s4 =	sld [smem:$0x3FAA]  }
0x2a: {  	p0 =	seq.s32 s5, $0x0;
	s5 =	sld [smem:$0x3FAB]  }
0x2b: {  	s6 =	sld [smem:$0x3FAC]  }
0x2c: {  	s7 =	sld [smem:$0x3FAD]  }
0x2d: {  	s3 =	simm.s32 $0x108;
	s8 =	sld [smem:$0x3FAE]  }
0x2e: {  	s3 =	simm.s32 @!p0 $0x1082;
	s9 =	sld [smem:$0x3FAF]  }
0x2f: {  	lr =	sadd.s32 s0, s3;
	s0 =	sld [smem:$0x3FA6]  }
0x30: {  	s3 =	sld [smem:$0x3FA9]  }
0x31: {  	[smem:$0x3FB2] =	sst s10  }
0x32: {  	s10 =	sld [smem:$0x3FB0];
	_ =	sdelay $0x3  }
0x33: {  	p0 =	seq.s32 s10, $0x1;
	s10 =	sld [smem:$0x3FB2];
	_ =	sdelay $0x3  }
0x34: {  	[smem:$0x3FB2] =	sst s10  }
0x35: {  	s10 =	sld [smem:$0x3FB1];
	_ =	sdelay $0x3  }
0x36: {  	p1 =	seq.s32 s10, $0x1;
	s10 =	sld [smem:$0x3FB2];
	_ =	sdelay $0x3  }
0x37: {  	[smem:$0x3FB2] =	sst s10  }
0x38: {  	s10 =	sld [smem:$0x3FB3]  }
0x39: {  	_ = 	snop;
	(pc) =	sbr.ind lr, $3  }
0x3a: {  	_ = 	snop  }
0x3b: {  	_ = 	snop  }
0x3c: {  	p2 =	seq.s32 s10, $0x1;
	s10 =	sld [smem:$0x3FB2]  }
0x3d: {  	_ =	shalt  }
0x3e: {  	_ =	shalt  }
0x3f: {  	_ =	shalt  }
0x40: {  	_ =	shalt  }
0x41: {  	_ =	shalt  }
0x42: {  	_ =	shalt  }
0x43: {  	_ =	shalt  }
0x44: {  	_ =	shalt  }
0x45: {  	_ =	shalt  }
0x46: {  	_ =	shalt  }
0x47: {  	_ =	shalt  }
0x48: {  	_ =	shalt  }
0x49: {  	_ =	shalt  }
0x4a: {  	_ =	shalt  }
0x4b: {  	_ =	shalt  }
0x4c: {  	_ =	shalt  }
0x4d: {  	_ =	shalt  }
0x4e: {  	_ =	shalt  }
0x4f: {  	_ =	shalt  }
0x50: {  	_ =	shalt  }
0x51: {  	_ =	shalt  }
0x52: {  	_ =	shalt  }
0x53: {  	_ =	shalt  }
0x54: {  	_ =	shalt  }
0x55: {  	_ =	shalt  }
0x56: {  	_ =	shalt  }
0x57: {  	_ =	shalt  }
0x58: {  	_ =	shalt  }
0x59: {  	_ =	shalt  }
0x5a: {  	_ =	shalt  }
0x5b: {  	_ =	shalt  }
0x5c: {  	_ =	shalt  }
0x5d: {  	_ =	shalt  }
0x5e: {  	_ =	shalt  }
0x5f: {  	_ =	shalt  }
0x60: {  	_ =	shalt  }
0x61: {  	_ =	shalt  }
0x62: {  	_ =	shalt  }
0x63: {  	_ =	shalt  }
0x64: {  	_ =	shalt  }
0x65: {  	_ =	shalt  }
0x66: {  	_ =	shalt  }
0x67: {  	_ =	shalt  }
0x68: {  	_ =	shalt  }
0x69: {  	_ =	shalt  }
0x6a: {  	_ =	shalt  }
0x6b: {  	_ =	shalt  }
0x6c: {  	_ =	shalt  }
0x6d: {  	_ =	shalt  }
0x6e: {  	_ =	shalt  }
0x6f: {  	_ =	shalt  }
0x70: {  	_ =	shalt  }
0x71: {  	_ =	shalt  }
0x72: {  	_ =	shalt  }
0x73: {  	_ =	shalt  }
0x74: {  	_ =	shalt  }
0x75: {  	_ =	shalt  }
0x76: {  	_ =	shalt  }
0x77: {  	_ =	shalt  }
0x78: {  	_ =	shalt  }
0x79: {  	_ =	shalt  }
0x7a: {  	_ =	shalt  }
0x7b: {  	_ =	shalt  }
0x7c: {  	_ =	shalt  }
0x7d: {  	_ =	shalt  }
0x7e: {  	_ =	shalt  }
0x7f: {  	_ =	shalt  }
0x80: {  	_ =	shalt  }
0x81: {  	_ =	shalt  }
0x82: {  	_ =	shalt  }
0x83: {  	_ =	shalt  }
0x84: {  	_ =	shalt  }
0x85: {  	_ =	shalt  }
0x86: {  	_ =	shalt  }
0x87: {  	_ =	shalt  }
.Lfunc_end0:
.L_simem_size_0:
called_computation.1_lowered:
.L_overlay_start_0:
0x88: {  	s2 =	sld [smem:$0x3FD9]  }
0x89: {  	s3 =	sld [smem:$0x3FFE];
	_ =	sdelay $0x1  }
0x8a: {  	s1 =	srdreg.scid  }
0x8b: {  	s0 =	sand.u32 $0x1, s1  }
0x8c: {  	s16 =	sshll.u32 s0, $0xA;
	s2 =	sadd.s32 s3, s2  }
0x8d: {  	s2 =	sadd.s32 s2, s16  }
0x8e: {  	[smem:$0x3FBE] =	sst s2  }
0x8f: {  	_ = 	snop  }
0x90: {  	(tm) =	ssettm $0x1  }
0x91: {  	s17 =	sld [smem:$0x3FFB];
	_ =	sdelay $0x3  }
0x92: {  	_ =	strace s17  }
0x93: {  	s2 =	sld [smem:$0x3FFC];
	_ =	sdelay $0x3  }
0x94: {  	_ =	strace s2  }
0x95: {  	s2 =	sld [smem:$0x3FFD];
	_ =	sdelay $0x3  }
0x96: {  	_ =	strace s2  }
0x97: {  	_ =	strace $0x8FFFFFFF  }
0x98: {  	s18 =	sld [smem:$0x3FDB];
	_ =	sdelay $0x1  }
0x99: {  	s19 =	simm.s32 $_scs_section_size  }
0x9a: {  	s4 =	simm.s32 $_size__tile_overlayer_lowered;
	s5 =	simm.s32 $_tile_overlayer_lowered  }
0x9b: {  	s22 =	simm.s32 $0x1BFF;
	s21 =	sshll.u32 s5, $0x1;
	s2 =	sadd.s32 s19, s18  }
0x9c: {  	s6 =	simm.s32 $0x0;
	s20 =	sshll.u32 s4, $0x1;
	s4 =	sadd.s32 s21, s2  }
0x9d: {  	[timem:s6], [sflag:s22] =	dma.local [hbm:s4], s20  }
0x9e: {  	_ =	swait.ge [sflag:s22], s20  }
0x9f: {  	s3 =	ssub.s32 $0x0, s20;
	[sflag:s22] =	ssyncset.done $0x0  }
0xa0: {  	[sflag:s22] =	ssyncadd.s32 s3;
	_ =	sdelay $0x1  }
0xa1: {  	s23 =	simm.s32 $0x1B8B  }
0xa2: {  	_ =	swait.ge [sflag:s23], $0x1  }
0xa3: {  	[sflag:s23] =	ssyncset.done $0x0  }
0xa4: {  	s25 =	simm.s32 $0x1B8E;
	s24 =	sld [smem:$0x3FFE];
	[sflag:s23] =	ssyncadd.s32 $0xFFFFFFFF  }
0xa5: {  	s26 =	simm.s32 $execute0_lowered;
	[smem:$0x3FD2] =	sst s25  }
0xa6: {  	s4 =	sshll.u32 s26, $0x1;
	_ =	strace $0x80000049;
	[dreg:$0x1] =	wrdreg $0xFFFFFFFF  }
0xa7: {  	s28 =	simm.s32 $_size_execute0_lowered;
	s2 =	sadd.s32 s2, s4;
	[dreg:$0x0] =	wrdreg $0x0  }
0xa8: {  	s4 =	sshll.u32 s28, $0x1;
	[dreg:$0x2] =	wrdreg s2  }
0xa9: {  	[dreg:$0x3] =	wrdreg s4  }
0xaa: {  	[dreg:$0x4] =	wrdreg $0xC0  }
0xab: {  	_ =	task [dreg:s6], $0x5FFFF  }
0xac: {  	[dreg:$0x1] =	wrdreg $0xFFFFFFFF  }
0xad: {  	[dreg:$0x0] =	wrdreg $0x60  }
0xae: {  	[dreg:$0x2] =	wrdreg s24  }
0xaf: {  	[dreg:$0x3] =	wrdreg $0x0  }
0xb0: {  	[dreg:$0x4] =	wrdreg $0x9  }
0xb1: {  	_ =	task.clear_ibuf [dreg:s6], $0x5FFFF;
	_ =	strace $0x90000049  }
0xb2: {  	s29 =	simm.s32 $0x9;
	_ =	strace $0x8000004B  }
0xb3: {  	_ =	swait.ge [sflag:s29], $0x1  }
0xb4: {  	[sflag:s29] =	ssyncadd.s32 $0xFFFFFFFF  }
0xb5: {  	_ =	strace $0x9000004B  }
0xb6: {  	_ =	sfence  }
0xb7: {  	s30 =	sld [smem:$0x0];
	_ =	sdelay $0x2  }
0xb8: {  	s31 =	sshll.u32 s1, $0xD;
	s1 =	sshrl.u32 s1, $0x2  }
0xb9: {  	s3 =	sand.u32 $0x4000, s31;
	s1 =	sadd.s32 s1, s30  }
0xba: {  	s0 =	sor.u32 s3, s0;
	s1 =	sshll.u32 s1, $0x11  }
0xbb: {  	s0 =	sor.u32 s1, s0  }
0xbc: {  	s0 =	sadd.s32 $0x8F2B, s0  }
0xbd: {  	[sflag:s0] =	ssyncadd.remote.s32 $0x1  }
0xbe: {  	_ =	sfence.sel $0xFFFF  }
0xbf: {  	[dreg:$0x0] =	wrdreg $0xFFFFFFFF;
	(pc) =	sbr.abs _section_cstart, $3  }
0xc0: {  	[dreg:$0x1] =	wrdreg $0xFFFFFFFF  }
0xc1: {  	_ =	task.clear_ibuf [dreg:s6], $0x2FFFF;
	_ =	strace $0x9FFFFFFF  }
0xc2: {  	(tm) =	ssettm $0x7FFFFFFF  }
0xc3: {  	_ =	shalt  }
tec
execute0_lowered:
.L_overlay_start_1:
0x0: {  	(tag) =	ssettag $0x1  }
0x1: {  	s0 =	rddreg [dreg:$0x0]  }
0x2: {  	s1 =	rddreg [dreg:$0x1];
	s12 =	stileid.u32  }
0x3: {  	s2 =	srdreg.scid;
	s3 =	simm.s32 $0x0;
	s7 =	smul.u32 $0x19000, s12  }
0x4: {  	s2 =	sand.u32 $0x1, s2;
	[smem:$0x7FF] =	sst s3;
	s8 =	smul.u32 $0x186A0, s12  }
0x5: {  	s4 =	sadd.s32 $0x65400, s0;
	s5 =	sadd.s32 $0xFB400, s0;
	s11 =	smul.u32 $0x64000, s12  }
0x6: {  	s9 =	sadd.s32 $0x3800, s0;
	s6 =	smul.u32 $0x190000, s2;
	s22 =	ssub.s32 $0x2, s2  }
0x7: {  	_ =	strace $0x8000004A;
	p0 =	seq.s32 s2, $0x1;
	s10 =	sshrl.u32 s22, $0x1  }
0x8: {  	s8 =	sshrl.u32 s8, $0x3;
	s26 =	sshrl.u32 s11, $0x2;
	s6 =	sadd.s32 s7, s6  }
0x9: {  	s7 =	sadd.s32 $0x34600, s0;
	s24 =	sadd.s32 s9, s8;
	s25 =	sadd.s32 $0x30AE, s8  }
0xa: {  	s6 =	sshrl.u32 s6, $0x3;
	s23 =	sadd.s32 s7, s8;
	[dreg:$0x4] =	wrdreg s24  }
0xb: {  	s11 =	sadd.s32 s7, s25;
	s2 =	sadd.s32 s9, s25;
	[dreg:$0x3] =	wrdreg s23  }
0xc: {  	s0 =	sadd.s32 s6, s0;
	s6 =	ssub.s32 s22, s10;
	[dreg:$0x5] =	wrdreg s11  }
0xd: {  	[dreg:$0x6] =	wrdreg s2;
	s10 =	sadd.s32 s26, s1;
	s13 =	smax.u32 s6, $0x1  }
0xe: {  	s31 =	simm.s32 $0x1A170;
	s14 =	sadd.s32 $0x1900, s10;
	[dreg:$0x7] =	wrdreg s13  }
0xf: {  	s21 =	smul.u32 $0x30D4, s12;
	s15 =	sadd.s32 $0x3200, s10;
	[dreg:$0x8] =	wrdreg s14  }
0x10: {  	s12 =	simm.s32 $0x2;
	s16 =	sadd.s32 $0x4B00, s10;
	[dreg:$0x9] =	wrdreg s15  }
0x11: {  	s8 =	simm.s32 $0x192E8;
	s17 =	sadd.s32 $0x6400, s10;
	[dreg:$0xa] =	wrdreg s16  }
0x12: {  	s2 =	simm.s32 $0x19000;
	s18 =	sadd.s32 $0x7D00, s10;
	[dreg:$0xb] =	wrdreg s17  }
0x13: {  	s11 =	simm.s32 $0x2E8;
	s19 =	sadd.s32 $0x9600, s10;
	[dreg:$0xc] =	wrdreg s18  }
0x14: {  	s20 =	sadd.s32 $0xAF00, s10;
	s22 =	sadd.s32 $0xC800, s10;
	[dreg:$0xd] =	wrdreg s19  }
0x15: {  	s23 =	sadd.s32 $0xE100, s10;
	s24 =	sadd.s32 $0xFA00, s10;
	[dreg:$0xe] =	wrdreg s20  }
0x16: {  	s25 =	sadd.s32 $0x11300, s10;
	s26 =	sadd.s32 $0x12C00, s10;
	[dreg:$0xf] =	wrdreg s22  }
0x17: {  	s28 =	sadd.s32 $0x14500, s10;
	s29 =	sadd.s32 $0x15E00, s10;
	[dreg:$0x10] =	wrdreg s23  }
0x18: {  	s30 =	sadd.s32 $0x17700, s10;
	s6 =	simm.s32 $0x198B8;
	[dreg:$0x11] =	wrdreg s24  }
0x19: {  	s22 =	sadd.s32 s21, s9;
	s23 =	sadd.s32 s21, s7;
	[dreg:$0x12] =	wrdreg s25  }
0x1a: {  	s25 =	sadd.s32 $0x12D400, s0;
	[dreg:$0x13] =	wrdreg s26;
	s0 =	simm.s32 $0x5  }
0x1b: {  	s7 =	simm.s32 $0x1;
	s9 =	simm.s32 $0x19BA0;
	s13 =	simm.s32 $0x1CFF0  }
0x1c: {  	s14 =	simm.s32 $0x3;
	s15 =	simm.s32 $0x195D0;
	s16 =	simm.s32 $0x19E88  }
0x1d: {  	v0 =	vimm.f32 $0.0e+00;
	s17 =	simm.s32 $0x4;
	s18 =	simm.s32 $0x130;
	s19 =	simm.s32 $0x0  }
.LBB2_1:
0x1e: {  	s20 =	simm.s32 $0x40;
	s21 =	simm.s32 $0x0  }
.LBB2_2:
0x1f: {  	p1 =	sne.s32 s20, $0x63C0;
	[tilespmem:s21+$0x1A170] =	vst v0;
	s21 =	smov.u32 s20;
	s20 =	sadd.s32 $0x40, s20  }
.Ltmp0:
0x20: {  	(pc) =	sbr.rel @p1 .LBB2_2-.Ltmp0, $2  }
0x21: {  	_ =	sdelay $0x2  }
0x22: {  	s21 =	sshra.s32 s21, $0x2  }
0x23: {  	[tilespmem:s21+$0x1A170] =	vst v0  }
0x24: {  	[spmem:s10] =	stream.linear.scatter [tilespmem:s31], [sflag:$0x5], $0x1900, $0x38;
	[tilespmem:$0x1FE70] =	vst v63  }
0x25: {  	_ =	swait.ge [sflag:s0], $0x1900  }
0x26: {  	[sflag:s0] =	ssyncset.done $0x0  }
0x27: {  	s20 =	rddreg [dreg:$0x8];
	[sflag:s0] =	ssyncadd.s32 $0xFFFFE700  }
0x28: {  	[spmem:s20] =	stream.linear.scatter [tilespmem:s31], [sflag:$0x5], $0x1900, $0x38;
	[tilespmem:$0x1FE70] =	vst v63  }
0x29: {  	_ =	swait.ge [sflag:s0], $0x1900  }
0x2a: {  	[sflag:s0] =	ssyncset.done $0x0  }
0x2b: {  	s26 =	rddreg [dreg:$0x9];
	[sflag:s0] =	ssyncadd.s32 $0xFFFFE700  }
0x2c: {  	[spmem:s26] =	stream.linear.scatter [tilespmem:s31], [sflag:$0x5], $0x1900, $0x38;
	[tilespmem:$0x1FE70] =	vst v63  }
0x2d: {  	_ =	swait.ge [sflag:s0], $0x1900  }
0x2e: {  	[sflag:s0] =	ssyncset.done $0x0  }
0x2f: {  	s21 =	rddreg [dreg:$0xa];
	[sflag:s0] =	ssyncadd.s32 $0xFFFFE700  }
0x30: {  	[spmem:s21] =	stream.linear.scatter [tilespmem:s31], [sflag:$0x5], $0x1900, $0x38;
	[tilespmem:$0x1FE70] =	vst v63  }
0x31: {  	_ =	swait.ge [sflag:s0], $0x1900  }
0x32: {  	[sflag:s0] =	ssyncset.done $0x0  }
0x33: {  	s24 =	rddreg [dreg:$0xb];
	[sflag:s0] =	ssyncadd.s32 $0xFFFFE700  }
0x34: {  	[spmem:s24] =	stream.linear.scatter [tilespmem:s31], [sflag:$0x5], $0x1900, $0x38;
	[tilespmem:$0x1FE70] =	vst v63  }
0x35: {  	_ =	swait.ge [sflag:s0], $0x1900  }
0x36: {  	[sflag:s0] =	ssyncset.done $0x0  }
0x37: {  	s26 =	rddreg [dreg:$0xc];
	[sflag:s0] =	ssyncadd.s32 $0xFFFFE700  }
0x38: {  	[spmem:s26] =	stream.linear.scatter [tilespmem:s31], [sflag:$0x5], $0x1900, $0x38;
	[tilespmem:$0x1FE70] =	vst v63  }
0x39: {  	_ =	swait.ge [sflag:s0], $0x1900  }
0x3a: {  	[sflag:s0] =	ssyncset.done $0x0  }
0x3b: {  	s21 =	rddreg [dreg:$0xd];
	[sflag:s0] =	ssyncadd.s32 $0xFFFFE700  }
0x3c: {  	[spmem:s21] =	stream.linear.scatter [tilespmem:s31], [sflag:$0x5], $0x1900, $0x38;
	[tilespmem:$0x1FE70] =	vst v63  }
0x3d: {  	_ =	swait.ge [sflag:s0], $0x1900  }
0x3e: {  	[sflag:s0] =	ssyncset.done $0x0  }
0x3f: {  	s24 =	rddreg [dreg:$0xe];
	[sflag:s0] =	ssyncadd.s32 $0xFFFFE700  }
0x40: {  	[spmem:s24] =	stream.linear.scatter [tilespmem:s31], [sflag:$0x5], $0x1900, $0x38;
	[tilespmem:$0x1FE70] =	vst v63  }
0x41: {  	_ =	swait.ge [sflag:s0], $0x1900  }
0x42: {  	[sflag:s0] =	ssyncset.done $0x0  }
0x43: {  	s26 =	rddreg [dreg:$0xf];
	[sflag:s0] =	ssyncadd.s32 $0xFFFFE700  }
0x44: {  	[spmem:s26] =	stream.linear.scatter [tilespmem:s31], [sflag:$0x5], $0x1900, $0x38;
	[tilespmem:$0x1FE70] =	vst v63  }
0x45: {  	_ =	swait.ge [sflag:s0], $0x1900  }
0x46: {  	[sflag:s0] =	ssyncset.done $0x0  }
0x47: {  	s21 =	rddreg [dreg:$0x10];
	[sflag:s0] =	ssyncadd.s32 $0xFFFFE700  }
0x48: {  	[spmem:s21] =	stream.linear.scatter [tilespmem:s31], [sflag:$0x5], $0x1900, $0x38;
	[tilespmem:$0x1FE70] =	vst v63  }
0x49: {  	_ =	swait.ge [sflag:s0], $0x1900  }
0x4a: {  	[sflag:s0] =	ssyncset.done $0x0  }
0x4b: {  	s24 =	rddreg [dreg:$0x11];
	[sflag:s0] =	ssyncadd.s32 $0xFFFFE700  }
0x4c: {  	[spmem:s24] =	stream.linear.scatter [tilespmem:s31], [sflag:$0x5], $0x1900, $0x38;
	[tilespmem:$0x1FE70] =	vst v63  }
0x4d: {  	_ =	swait.ge [sflag:s0], $0x1900  }
0x4e: {  	[sflag:s0] =	ssyncset.done $0x0  }
0x4f: {  	s26 =	rddreg [dreg:$0x12];
	[sflag:s0] =	ssyncadd.s32 $0xFFFFE700  }
0x50: {  	[spmem:s26] =	stream.linear.scatter [tilespmem:s31], [sflag:$0x5], $0x1900, $0x38;
	[tilespmem:$0x1FE70] =	vst v63  }
0x51: {  	_ =	swait.ge [sflag:s0], $0x1900  }
0x52: {  	[sflag:s0] =	ssyncset.done $0x0  }
0x53: {  	s21 =	rddreg [dreg:$0x13];
	[sflag:s0] =	ssyncadd.s32 $0xFFFFE700  }
0x54: {  	[spmem:s21] =	stream.linear.scatter [tilespmem:s31], [sflag:$0x5], $0x1900, $0x38;
	[tilespmem:$0x1FE70] =	vst v63  }
0x55: {  	_ =	swait.ge [sflag:s0], $0x1900  }
0x56: {  	[sflag:s0] =	ssyncset.done $0x0  }
0x57: {  	[sflag:s0] =	ssyncadd.s32 $0xFFFFE700  }
0x58: {  	[spmem:s28] =	stream.linear.scatter [tilespmem:s31], [sflag:$0x5], $0x1900, $0x38;
	[tilespmem:$0x1FE70] =	vst v63  }
0x59: {  	_ =	swait.ge [sflag:s0], $0x1900  }
0x5a: {  	[sflag:s0] =	ssyncset.done $0x0  }
0x5b: {  	[sflag:s0] =	ssyncadd.s32 $0xFFFFE700  }
0x5c: {  	[spmem:s29] =	stream.linear.scatter [tilespmem:s31], [sflag:$0x5], $0x1900, $0x38;
	[tilespmem:$0x1FE70] =	vst v63  }
0x5d: {  	_ =	swait.ge [sflag:s0], $0x1900  }
0x5e: {  	[sflag:s0] =	ssyncset.done $0x0  }
0x5f: {  	[sflag:s0] =	ssyncadd.s32 $0xFFFFE700  }
0x60: {  	[spmem:s30] =	stream.linear.scatter [tilespmem:s31], [sflag:$0x5], $0x1900, $0x38;
	[tilespmem:$0x1FE70] =	vst v63  }
0x61: {  	_ =	swait.ge [sflag:s0], $0x1900  }
0x62: {  	[sflag:s0] =	ssyncset.done $0x0  }
0x63: {  	[sflag:s0] =	ssyncadd.s32 $0xFFFFE700  }
.Ltmp1:
0x64: {  	[bflag:$0x0] =	sbarrier.arrive $0xFFFF;
	(pc) =	sbr.rel @!p0 .LBB2_4-.Ltmp1, $4  }
0x65: {  	s20 =	simm.s32 $0x0;
	s24 =	rddreg [dreg:$0x3]  }
0x66: {  	[tilespmem:s2], [sflag:$0x1] =	stream.linear.gather [hbm4b:s24+s20], $0x2E8, $0x38;
	[tilespmem:$0x1FE70] =	vst v63  }
0x67: {  	s26 =	rddreg [dreg:$0x4]  }
0x68: {  	[tilespmem:s6], [sflag:$0x1] =	stream.linear.gather [hbm4b:s26+s20], $0x2E8, $0x38;
	[tilespmem:$0x1FE70] =	vst v63  }
.LBB2_8:
0x69: {  	_ =	swait.ge [sflag:s7], $0x2E8  }
0x6a: {  	[sflag:s7] =	ssyncset.done $0x0  }
0x6b: {  	[sflag:s7] =	ssyncadd.s32 $0xFFFFFD18  }
0x6c: {  	_ =	swait.ge [sflag:s7], $0x2E8  }
0x6d: {  	p1 =	seq.s32 s20, $0x0;
	[sflag:s7] =	ssyncset.done $0x0  }
0x6e: {  	s24 =	simm.s32 @!p1 $0x3;
	[sflag:s7] =	ssyncadd.s32 $0xFFFFFD18  }
0x6f: {  	_ =	swait.ge @!p1 [sflag:s24], $0x2E80  }
0x70: {  	s21 =	sadd.s32 s20, s23;
	[sflag:s24] =	ssyncset.done @!p1 $0x0  }
0x71: {  	s26 =	sadd.s32 $0x5D, s21;
	[sflag:s24] =	ssyncadd.s32 @!p1 $0xFFFFD180;
	s24 =	sadd.s32 s20, s22  }
0x72: {  	[tilespmem:s8], [sflag:$0x1] =	stream.linear.gather [hbm4b:s26+s3], $0x2E8, $0x38;
	[tilespmem:$0x1FE70] =	vst v63  }
0x73: {  	s26 =	sadd.s32 $0x5D, s24  }
0x74: {  	[tilespmem:s9], [sflag:$0x1] =	stream.linear.gather [hbm4b:s26+s3], $0x2E8, $0x38;
	[tilespmem:$0x1FE70] =	vst v63  }
0x75: {  	_ = 	snop  }
0x76: {  	[tilespmem:s31], [sflag:$0x2] =	stream.indirect.gather [hbm4b:s5+s11], $0x10, s2, s11, $0xb8;
	[tilespmem:$0x1FE70] =	vst v63  }
0x77: {  	_ =	swait.ge [sflag:s12], $0x2E80  }
0x78: {  	[sflag:s12] =	ssyncset.done $0x0  }
0x79: {  	[sflag:s12] =	ssyncadd.s32 $0xFFFFD180  }
0x7a: {  	[spmem:s1] =	stream.indirect.scatter.add.f32 [tilespmem:s31], [sflag:$0x3], $0x10, s6, s11, $0xb8;
	[tilespmem:$0x1FE70] =	vst v63  }
0x7b: {  	_ =	swait.ge [sflag:s7], $0x2E8  }
0x7c: {  	[sflag:s7] =	ssyncset.done $0x0  }
0x7d: {  	[sflag:s7] =	ssyncadd.s32 $0xFFFFFD18  }
0x7e: {  	_ =	swait.ge [sflag:s7], $0x2E8  }
0x7f: {  	[sflag:s7] =	ssyncset.done $0x0  }
0x80: {  	s26 =	simm.s32 @!p1 $0x4;
	[sflag:s7] =	ssyncadd.s32 $0xFFFFFD18  }
0x81: {  	p2 =	seq.s32 @!p1 s20, $0x2FF4;
	_ =	swait.ge @!p1 [sflag:s26], $0x2E80  }
0x82: {  	p2 =	por p1, !p2;
	[sflag:s26] =	ssyncset.done @!p1 $0x0  }
0x83: {  	[sflag:s26] =	ssyncadd.s32 @!p1 $0xFFFFD180;
	s26 =	sadd.s32 @p2 $0xBA, s21  }
0x84: {  	[tilespmem:s15], [sflag:$0x1] =	stream.linear.gather @p2 [hbm4b:s26+s3], $0x2E8, $0x38;
	[tilespmem:$0x1FE70] =	vst v63  }
0x85: {  	s26 =	sadd.s32 @p2 $0xBA, s24  }
0x86: {  	[tilespmem:s16], [sflag:$0x1] =	stream.linear.gather @p2 [hbm4b:s26+s3], $0x2E8, $0x38;
	[tilespmem:$0x1FE70] =	vst v63  }
0x87: {  	p1 =	seq.s32 s20, $0x2FF4  }
0x88: {  	[tilespmem:s13], [sflag:$0x2] =	stream.indirect.gather [hbm4b:s5+s11], $0x10, s8, s11, $0xb8;
	[tilespmem:$0x1FE70] =	vst v63  }
.Ltmp2:
0x89: {  	_ = 	snop;
	(pc) =	sbr.rel @p1 .LBB2_9-.Ltmp2, $4  }
0x8a: {  	_ =	swait.ge [sflag:s12], $0x2E80  }
0x8b: {  	[sflag:s12] =	ssyncset.done $0x0  }
0x8c: {  	[sflag:s12] =	ssyncadd.s32 $0xFFFFD180  }
0x8d: {  	[spmem:s1] =	stream.indirect.scatter.add.f32 [tilespmem:s13], [sflag:$0x4], $0x10, s9, s11, $0xb8;
	[tilespmem:$0x1FE70] =	vst v63  }
0x8e: {  	_ =	swait.ge [sflag:s7], $0x2E8  }
0x8f: {  	[sflag:s7] =	ssyncset.done $0x0  }
0x90: {  	[sflag:s7] =	ssyncadd.s32 $0xFFFFFD18  }
0x91: {  	_ =	swait.ge [sflag:s7], $0x2E8  }
0x92: {  	[sflag:s7] =	ssyncset.done $0x0  }
0x93: {  	[sflag:s7] =	ssyncadd.s32 $0xFFFFFD18  }
0x94: {  	_ =	swait.ge [sflag:s14], $0x2E80  }
0x95: {  	[sflag:s14] =	ssyncset.done $0x0  }
0x96: {  	s26 =	sadd.s32 $0x117, s21;
	[sflag:s14] =	ssyncadd.s32 $0xFFFFD180  }
0x97: {  	[tilespmem:s2], [sflag:$0x1] =	stream.linear.gather [hbm4b:s26+s3], $0x2E8, $0x38;
	[tilespmem:$0x1FE70] =	vst v63  }
0x98: {  	s26 =	sadd.s32 $0x117, s24  }
0x99: {  	[tilespmem:s6], [sflag:$0x1] =	stream.linear.gather [hbm4b:s26+s3], $0x2E8, $0x38;
	[tilespmem:$0x1FE70] =	vst v63  }
0x9a: {  	_ = 	snop  }
0x9b: {  	[tilespmem:s31], [sflag:$0x2] =	stream.indirect.gather [hbm4b:s5+s11], $0x10, s15, s11, $0xb8;
	[tilespmem:$0x1FE70] =	vst v63  }
0x9c: {  	_ =	swait.ge [sflag:s12], $0x2E80  }
0x9d: {  	[sflag:s12] =	ssyncset.done $0x0  }
0x9e: {  	[sflag:s12] =	ssyncadd.s32 $0xFFFFD180  }
0x9f: {  	[spmem:s1] =	stream.indirect.scatter.add.f32 [tilespmem:s31], [sflag:$0x3], $0x10, s16, s11, $0xb8;
	[tilespmem:$0x1FE70] =	vst v63  }
0xa0: {  	_ =	swait.ge [sflag:s7], $0x2E8  }
0xa1: {  	[sflag:s7] =	ssyncset.done $0x0  }
0xa2: {  	[sflag:s7] =	ssyncadd.s32 $0xFFFFFD18  }
0xa3: {  	_ =	swait.ge [sflag:s7], $0x2E8  }
0xa4: {  	[sflag:s7] =	ssyncset.done $0x0  }
0xa5: {  	[sflag:s7] =	ssyncadd.s32 $0xFFFFFD18  }
0xa6: {  	_ =	swait.ge [sflag:s17], $0x2E80  }
0xa7: {  	[sflag:s17] =	ssyncset.done $0x0  }
0xa8: {  	s26 =	sadd.s32 $0x174, s21;
	[sflag:s17] =	ssyncadd.s32 $0xFFFFD180  }
0xa9: {  	[tilespmem:s8], [sflag:$0x1] =	stream.linear.gather [hbm4b:s26+s3], $0x2E8, $0x38;
	[tilespmem:$0x1FE70] =	vst v63  }
0xaa: {  	s26 =	sadd.s32 $0x174, s24  }
0xab: {  	[tilespmem:s9], [sflag:$0x1] =	stream.linear.gather [hbm4b:s26+s3], $0x2E8, $0x38;
	[tilespmem:$0x1FE70] =	vst v63  }
0xac: {  	_ = 	snop  }
0xad: {  	[tilespmem:s13], [sflag:$0x2] =	stream.indirect.gather [hbm4b:s5+s11], $0x10, s2, s11, $0xb8;
	[tilespmem:$0x1FE70] =	vst v63  }
0xae: {  	_ =	swait.ge [sflag:s12], $0x2E80  }
0xaf: {  	[sflag:s12] =	ssyncset.done $0x0  }
0xb0: {  	[sflag:s12] =	ssyncadd.s32 $0xFFFFD180  }
0xb1: {  	[spmem:s1] =	stream.indirect.scatter.add.f32 [tilespmem:s13], [sflag:$0x4], $0x10, s6, s11, $0xb8;
	[tilespmem:$0x1FE70] =	vst v63  }
0xb2: {  	_ =	swait.ge [sflag:s7], $0x2E8  }
0xb3: {  	[sflag:s7] =	ssyncset.done $0x0  }
0xb4: {  	[sflag:s7] =	ssyncadd.s32 $0xFFFFFD18  }
0xb5: {  	_ =	swait.ge [sflag:s7], $0x2E8  }
0xb6: {  	[sflag:s7] =	ssyncset.done $0x0  }
0xb7: {  	[sflag:s7] =	ssyncadd.s32 $0xFFFFFD18  }
0xb8: {  	_ =	swait.ge [sflag:s14], $0x2E80  }
0xb9: {  	[sflag:s14] =	ssyncset.done $0x0  }
0xba: {  	s26 =	sadd.s32 $0x1D1, s21;
	[sflag:s14] =	ssyncadd.s32 $0xFFFFD180  }
0xbb: {  	[tilespmem:s15], [sflag:$0x1] =	stream.linear.gather [hbm4b:s26+s3], $0x2E8, $0x38;
	[tilespmem:$0x1FE70] =	vst v63  }
0xbc: {  	s26 =	sadd.s32 $0x1D1, s24  }
0xbd: {  	[tilespmem:s16], [sflag:$0x1] =	stream.linear.gather [hbm4b:s26+s3], $0x2E8, $0x38;
	[tilespmem:$0x1FE70] =	vst v63  }
0xbe: {  	_ = 	snop  }
0xbf: {  	[tilespmem:s31], [sflag:$0x2] =	stream.indirect.gather [hbm4b:s5+s11], $0x10, s8, s11, $0xb8;
	[tilespmem:$0x1FE70] =	vst v63  }
0xc0: {  	_ =	swait.ge [sflag:s12], $0x2E80  }
0xc1: {  	[sflag:s12] =	ssyncset.done $0x0  }
0xc2: {  	[sflag:s12] =	ssyncadd.s32 $0xFFFFD180  }
0xc3: {  	[spmem:s1] =	stream.indirect.scatter.add.f32 [tilespmem:s31], [sflag:$0x3], $0x10, s9, s11, $0xb8;
	[tilespmem:$0x1FE70] =	vst v63  }
0xc4: {  	_ =	swait.ge [sflag:s7], $0x2E8  }
0xc5: {  	[sflag:s7] =	ssyncset.done $0x0  }
0xc6: {  	[sflag:s7] =	ssyncadd.s32 $0xFFFFFD18  }
0xc7: {  	_ =	swait.ge [sflag:s7], $0x2E8  }
0xc8: {  	[sflag:s7] =	ssyncset.done $0x0  }
0xc9: {  	[sflag:s7] =	ssyncadd.s32 $0xFFFFFD18  }
0xca: {  	_ =	swait.ge [sflag:s17], $0x2E80  }
0xcb: {  	[sflag:s17] =	ssyncset.done $0x0  }
0xcc: {  	s26 =	sadd.s32 $0x22E, s21;
	[sflag:s17] =	ssyncadd.s32 $0xFFFFD180  }
0xcd: {  	[tilespmem:s2], [sflag:$0x1] =	stream.linear.gather [hbm4b:s26+s3], $0x2E8, $0x38;
	[tilespmem:$0x1FE70] =	vst v63  }
0xce: {  	s26 =	sadd.s32 $0x22E, s24  }
0xcf: {  	[tilespmem:s6], [sflag:$0x1] =	stream.linear.gather [hbm4b:s26+s3], $0x2E8, $0x38;
	[tilespmem:$0x1FE70] =	vst v63  }
0xd0: {  	_ = 	snop  }
0xd1: {  	[tilespmem:s13], [sflag:$0x2] =	stream.indirect.gather [hbm4b:s5+s11], $0x10, s15, s11, $0xb8;
	[tilespmem:$0x1FE70] =	vst v63  }
.Ltmp3:
0xd2: {  	_ = 	snop;
	(pc) =	sbr.rel .LBB2_8-.Ltmp3, $4  }
0xd3: {  	_ =	swait.ge [sflag:s12], $0x2E80  }
0xd4: {  	[sflag:s12] =	ssyncset.done $0x0  }
0xd5: {  	s20 =	sadd.s32 $0x22E, s20;
	[sflag:s12] =	ssyncadd.s32 $0xFFFFD180  }
0xd6: {  	[spmem:s1] =	stream.indirect.scatter.add.f32 [tilespmem:s13], [sflag:$0x4], $0x10, s16, s11, $0xb8;
	[tilespmem:$0x1FE70] =	vst v63  }
.LBB2_4:
0xd7: {  	_ =	swait.ge [sflag:s7], $0x2E8  }
0xd8: {  	[sflag:s7] =	ssyncset.done $0x0  }
0xd9: {  	[sflag:s7] =	ssyncadd.s32 $0xFFFFFD18  }
0xda: {  	_ =	swait.ge [sflag:s7], $0x2E8  }
0xdb: {  	p1 =	seq.s32 s20, $0x0;
	[sflag:s7] =	ssyncset.done $0x0  }
0xdc: {  	s24 =	simm.s32 @!p1 $0x3;
	[sflag:s7] =	ssyncadd.s32 $0xFFFFFD18  }
0xdd: {  	_ =	swait.ge @!p1 [sflag:s24], $0x2E80  }
0xde: {  	s21 =	sadd.s32 s20, s23;
	[sflag:s24] =	ssyncset.done @!p1 $0x0  }
0xdf: {  	s26 =	sadd.s32 $0x5D, s21;
	[sflag:s24] =	ssyncadd.s32 @!p1 $0xFFFFD180;
	s24 =	sadd.s32 s20, s22  }
0xe0: {  	[tilespmem:s8], [sflag:$0x1] =	stream.linear.gather [hbm4b:s26+s3], $0x2E8, $0x38;
	[tilespmem:$0x1FE70] =	vst v63  }
0xe1: {  	s26 =	sadd.s32 $0x5D, s24  }
0xe2: {  	[tilespmem:s9], [sflag:$0x1] =	stream.linear.gather [hbm4b:s26+s3], $0x2E8, $0x38;
	[tilespmem:$0x1FE70] =	vst v63  }
0xe3: {  	_ = 	snop  }
0xe4: {  	[tilespmem:s31], [sflag:$0x2] =	stream.indirect.gather [hbm4b:s4+s11], $0x10, s2, s11, $0xb8;
	[tilespmem:$0x1FE70] =	vst v63  }
0xe5: {  	_ =	swait.ge [sflag:s12], $0x2E80  }
0xe6: {  	[sflag:s12] =	ssyncset.done $0x0  }
0xe7: {  	[sflag:s12] =	ssyncadd.s32 $0xFFFFD180  }
0xe8: {  	[spmem:s1] =	stream.indirect.scatter.add.f32 [tilespmem:s31], [sflag:$0x3], $0x10, s6, s11, $0xb8;
	[tilespmem:$0x1FE70] =	vst v63  }
0xe9: {  	_ =	swait.ge [sflag:s7], $0x2E8  }
0xea: {  	[sflag:s7] =	ssyncset.done $0x0  }
0xeb: {  	[sflag:s7] =	ssyncadd.s32 $0xFFFFFD18  }
0xec: {  	_ =	swait.ge [sflag:s7], $0x2E8  }
0xed: {  	[sflag:s7] =	ssyncset.done $0x0  }
0xee: {  	s26 =	simm.s32 @!p1 $0x4;
	[sflag:s7] =	ssyncadd.s32 $0xFFFFFD18  }
0xef: {  	p2 =	seq.s32 @!p1 s20, $0x2FF4;
	_ =	swait.ge @!p1 [sflag:s26], $0x2E80  }
0xf0: {  	p2 =	por p1, !p2;
	[sflag:s26] =	ssyncset.done @!p1 $0x0  }
0xf1: {  	[sflag:s26] =	ssyncadd.s32 @!p1 $0xFFFFD180;
	s26 =	sadd.s32 @p2 $0xBA, s21  }
0xf2: {  	[tilespmem:s15], [sflag:$0x1] =	stream.linear.gather @p2 [hbm4b:s26+s3], $0x2E8, $0x38;
	[tilespmem:$0x1FE70] =	vst v63  }
0xf3: {  	s26 =	sadd.s32 @p2 $0xBA, s24  }
0xf4: {  	[tilespmem:s16], [sflag:$0x1] =	stream.linear.gather @p2 [hbm4b:s26+s3], $0x2E8, $0x38;
	[tilespmem:$0x1FE70] =	vst v63  }
0xf5: {  	p1 =	seq.s32 s20, $0x2FF4  }
0xf6: {  	[tilespmem:s13], [sflag:$0x2] =	stream.indirect.gather [hbm4b:s4+s11], $0x10, s8, s11, $0xb8;
	[tilespmem:$0x1FE70] =	vst v63  }
.Ltmp4:
0xf7: {  	_ = 	snop;
	(pc) =	sbr.rel @p1 .LBB2_5-.Ltmp4, $4  }
0xf8: {  	_ =	swait.ge [sflag:s12], $0x2E80  }
0xf9: {  	[sflag:s12] =	ssyncset.done $0x0  }
0xfa: {  	[sflag:s12] =	ssyncadd.s32 $0xFFFFD180  }
0xfb: {  	[spmem:s1] =	stream.indirect.scatter.add.f32 [tilespmem:s13], [sflag:$0x4], $0x10, s9, s11, $0xb8;
	[tilespmem:$0x1FE70] =	vst v63  }
0xfc: {  	_ =	swait.ge [sflag:s7], $0x2E8  }
0xfd: {  	[sflag:s7] =	ssyncset.done $0x0  }
0xfe: {  	[sflag:s7] =	ssyncadd.s32 $0xFFFFFD18  }
0xff: {  	_ =	swait.ge [sflag:s7], $0x2E8  }
0x100: {  	[sflag:s7] =	ssyncset.done $0x0  }
0x101: {  	[sflag:s7] =	ssyncadd.s32 $0xFFFFFD18  }
0x102: {  	_ =	swait.ge [sflag:s14], $0x2E80  }
0x103: {  	[sflag:s14] =	ssyncset.done $0x0  }
0x104: {  	s26 =	sadd.s32 $0x117, s21;
	[sflag:s14] =	ssyncadd.s32 $0xFFFFD180  }
0x105: {  	[tilespmem:s2], [sflag:$0x1] =	stream.linear.gather [hbm4b:s26+s3], $0x2E8, $0x38;
	[tilespmem:$0x1FE70] =	vst v63  }
0x106: {  	s26 =	sadd.s32 $0x117, s24  }
0x107: {  	[tilespmem:s6], [sflag:$0x1] =	stream.linear.gather [hbm4b:s26+s3], $0x2E8, $0x38;
	[tilespmem:$0x1FE70] =	vst v63  }
0x108: {  	_ = 	snop  }
0x109: {  	[tilespmem:s31], [sflag:$0x2] =	stream.indirect.gather [hbm4b:s4+s11], $0x10, s15, s11, $0xb8;
	[tilespmem:$0x1FE70] =	vst v63  }
0x10a: {  	_ =	swait.ge [sflag:s12], $0x2E80  }
0x10b: {  	[sflag:s12] =	ssyncset.done $0x0  }
0x10c: {  	[sflag:s12] =	ssyncadd.s32 $0xFFFFD180  }
0x10d: {  	[spmem:s1] =	stream.indirect.scatter.add.f32 [tilespmem:s31], [sflag:$0x3], $0x10, s16, s11, $0xb8;
	[tilespmem:$0x1FE70] =	vst v63  }
0x10e: {  	_ =	swait.ge [sflag:s7], $0x2E8  }
0x10f: {  	[sflag:s7] =	ssyncset.done $0x0  }
0x110: {  	[sflag:s7] =	ssyncadd.s32 $0xFFFFFD18  }
0x111: {  	_ =	swait.ge [sflag:s7], $0x2E8  }
0x112: {  	[sflag:s7] =	ssyncset.done $0x0  }
0x113: {  	[sflag:s7] =	ssyncadd.s32 $0xFFFFFD18  }
0x114: {  	_ =	swait.ge [sflag:s17], $0x2E80  }
0x115: {  	[sflag:s17] =	ssyncset.done $0x0  }
0x116: {  	s26 =	sadd.s32 $0x174, s21;
	[sflag:s17] =	ssyncadd.s32 $0xFFFFD180  }
0x117: {  	[tilespmem:s8], [sflag:$0x1] =	stream.linear.gather [hbm4b:s26+s3], $0x2E8, $0x38;
	[tilespmem:$0x1FE70] =	vst v63  }
0x118: {  	s26 =	sadd.s32 $0x174, s24  }
0x119: {  	[tilespmem:s9], [sflag:$0x1] =	stream.linear.gather [hbm4b:s26+s3], $0x2E8, $0x38;
	[tilespmem:$0x1FE70] =	vst v63  }
0x11a: {  	_ = 	snop  }
0x11b: {  	[tilespmem:s13], [sflag:$0x2] =	stream.indirect.gather [hbm4b:s4+s11], $0x10, s2, s11, $0xb8;
	[tilespmem:$0x1FE70] =	vst v63  }
0x11c: {  	_ =	swait.ge [sflag:s12], $0x2E80  }
0x11d: {  	[sflag:s12] =	ssyncset.done $0x0  }
0x11e: {  	[sflag:s12] =	ssyncadd.s32 $0xFFFFD180  }
0x11f: {  	[spmem:s1] =	stream.indirect.scatter.add.f32 [tilespmem:s13], [sflag:$0x4], $0x10, s6, s11, $0xb8;
	[tilespmem:$0x1FE70] =	vst v63  }
0x120: {  	_ =	swait.ge [sflag:s7], $0x2E8  }
0x121: {  	[sflag:s7] =	ssyncset.done $0x0  }
0x122: {  	[sflag:s7] =	ssyncadd.s32 $0xFFFFFD18  }
0x123: {  	_ =	swait.ge [sflag:s7], $0x2E8  }
0x124: {  	[sflag:s7] =	ssyncset.done $0x0  }
0x125: {  	[sflag:s7] =	ssyncadd.s32 $0xFFFFFD18  }
0x126: {  	_ =	swait.ge [sflag:s14], $0x2E80  }
0x127: {  	[sflag:s14] =	ssyncset.done $0x0  }
0x128: {  	s26 =	sadd.s32 $0x1D1, s21;
	[sflag:s14] =	ssyncadd.s32 $0xFFFFD180  }
0x129: {  	[tilespmem:s15], [sflag:$0x1] =	stream.linear.gather [hbm4b:s26+s3], $0x2E8, $0x38;
	[tilespmem:$0x1FE70] =	vst v63  }
0x12a: {  	s26 =	sadd.s32 $0x1D1, s24  }
0x12b: {  	[tilespmem:s16], [sflag:$0x1] =	stream.linear.gather [hbm4b:s26+s3], $0x2E8, $0x38;
	[tilespmem:$0x1FE70] =	vst v63  }
0x12c: {  	_ = 	snop  }
0x12d: {  	[tilespmem:s31], [sflag:$0x2] =	stream.indirect.gather [hbm4b:s4+s11], $0x10, s8, s11, $0xb8;
	[tilespmem:$0x1FE70] =	vst v63  }
0x12e: {  	_ =	swait.ge [sflag:s12], $0x2E80  }
0x12f: {  	[sflag:s12] =	ssyncset.done $0x0  }
0x130: {  	[sflag:s12] =	ssyncadd.s32 $0xFFFFD180  }
0x131: {  	[spmem:s1] =	stream.indirect.scatter.add.f32 [tilespmem:s31], [sflag:$0x3], $0x10, s9, s11, $0xb8;
	[tilespmem:$0x1FE70] =	vst v63  }
0x132: {  	_ =	swait.ge [sflag:s7], $0x2E8  }
0x133: {  	[sflag:s7] =	ssyncset.done $0x0  }
0x134: {  	[sflag:s7] =	ssyncadd.s32 $0xFFFFFD18  }
0x135: {  	_ =	swait.ge [sflag:s7], $0x2E8  }
0x136: {  	[sflag:s7] =	ssyncset.done $0x0  }
0x137: {  	[sflag:s7] =	ssyncadd.s32 $0xFFFFFD18  }
0x138: {  	_ =	swait.ge [sflag:s17], $0x2E80  }
0x139: {  	[sflag:s17] =	ssyncset.done $0x0  }
0x13a: {  	s26 =	sadd.s32 $0x22E, s21;
	[sflag:s17] =	ssyncadd.s32 $0xFFFFD180  }
0x13b: {  	[tilespmem:s2], [sflag:$0x1] =	stream.linear.gather [hbm4b:s26+s3], $0x2E8, $0x38;
	[tilespmem:$0x1FE70] =	vst v63  }
0x13c: {  	s26 =	sadd.s32 $0x22E, s24  }
0x13d: {  	[tilespmem:s6], [sflag:$0x1] =	stream.linear.gather [hbm4b:s26+s3], $0x2E8, $0x38;
	[tilespmem:$0x1FE70] =	vst v63  }
0x13e: {  	_ = 	snop  }
0x13f: {  	[tilespmem:s13], [sflag:$0x2] =	stream.indirect.gather [hbm4b:s4+s11], $0x10, s15, s11, $0xb8;
	[tilespmem:$0x1FE70] =	vst v63  }
.Ltmp5:
0x140: {  	_ = 	snop;
	(pc) =	sbr.rel .LBB2_4-.Ltmp5, $4  }
0x141: {  	_ =	swait.ge [sflag:s12], $0x2E80  }
0x142: {  	[sflag:s12] =	ssyncset.done $0x0  }
0x143: {  	s20 =	sadd.s32 $0x22E, s20;
	[sflag:s12] =	ssyncadd.s32 $0xFFFFD180  }
0x144: {  	[spmem:s1] =	stream.indirect.scatter.add.f32 [tilespmem:s13], [sflag:$0x4], $0x10, s16, s11, $0xb8;
	[tilespmem:$0x1FE70] =	vst v63  }
.LBB2_9:
.Ltmp6:
0x145: {  	(pc) =	sbr.rel .LBB2_10-.Ltmp6, $2  }
0x146: {  	_ =	sdelay $0x2  }
0x147: {  	s20 =	smov.u32 s5  }
.LBB2_5:
0x148: {  	s20 =	smov.u32 s4  }
.LBB2_10:
0x149: {  	_ =	swait.ge [sflag:s14], $0x2E80  }
0x14a: {  	[sflag:s14] =	ssyncset.done $0x0  }
0x14b: {  	[sflag:s14] =	ssyncadd.s32 $0xFFFFD180  }
0x14c: {  	_ =	swait.ge [sflag:s17], $0x2E80  }
0x14d: {  	[sflag:s17] =	ssyncset.done $0x0  }
0x14e: {  	s21 =	simm.s32 $0x0;
	s24 =	rddreg [dreg:$0x5];
	[sflag:s17] =	ssyncadd.s32 $0xFFFFD180  }
0x14f: {  	[tilespmem:s2], [sflag:$0x5] =	stream.linear.gather [hbm4b:s24+s21], $0x130, $0x38;
	[tilespmem:$0x1FE70] =	vst v63  }
0x150: {  	_ =	swait.ge [sflag:s0], $0x130  }
0x151: {  	[sflag:s0] =	ssyncset.done $0x0  }
0x152: {  	s26 =	rddreg [dreg:$0x6];
	[sflag:s0] =	ssyncadd.s32 $0xFFFFFED0  }
0x153: {  	[tilespmem:s6], [sflag:$0x5] =	stream.linear.gather [hbm4b:s26+s21], $0x130, $0x38;
	[tilespmem:$0x1FE70] =	vst v63  }
0x154: {  	_ =	swait.ge [sflag:s0], $0x130  }
0x155: {  	[sflag:s0] =	ssyncset.done $0x0  }
0x156: {  	[sflag:s0] =	ssyncadd.s32 $0xFFFFFED0  }
0x157: {  	[tilespmem:s31], [sflag:$0x2] =	stream.indirect.gather [hbm4b:s20+s18], $0x10, s2, s18, $0xb8;
	[tilespmem:$0x1FE70] =	vst v63  }
0x158: {  	_ =	swait.ge [sflag:s12], $0x1300  }
0x159: {  	[sflag:s12] =	ssyncset.done $0x0  }
0x15a: {  	[sflag:s12] =	ssyncadd.s32 $0xFFFFED00  }
0x15b: {  	[spmem:s1] =	stream.indirect.scatter.add.f32 [tilespmem:s31], [sflag:$0x5], $0x10, s6, s18, $0xb8;
	[tilespmem:$0x1FE70] =	vst v63  }
0x15c: {  	_ =	swait.ge [sflag:s0], $0x1300  }
0x15d: {  	[sflag:s0] =	ssyncset.done $0x0  }
0x15e: {  	[sflag:s0] =	ssyncadd.s32 $0xFFFFED00  }
0x15f: {  	[bflag:$0x0] =	sbarrier.arrive $0xFFFF  }
0x160: {  	[tilespmem:s31], [sflag:$0x5] =	stream.linear.gather [spmem:s10], $0x1900, $0x38;
	[tilespmem:$0x1FE70] =	vst v63  }
0x161: {  	_ =	swait.ge [sflag:s0], $0x1900  }
0x162: {  	[sflag:s0] =	ssyncset.done $0x0  }
0x163: {  	s26 =	sadd.s32 $0x0, s25;
	[sflag:s0] =	ssyncadd.s32 $0xFFFFE700  }
0x164: {  	[hbm4b:s26+s3] =	stream.linear.scatter [tilespmem:s31], [sflag:$0x5], $0x1900, $0x38;
	[tilespmem:$0x1FE70] =	vst v63  }
0x165: {  	_ =	swait.ge [sflag:s0], $0x1900  }
0x166: {  	s21 =	smov.u32 s10;
	s20 =	simm.s32 $0x320;
	[sflag:s0] =	ssyncset.done $0x0  }
.LBB2_11:
0x167: {  	p1 =	sne.s32 s20, $0x2EE0;
	[sflag:s0] =	ssyncadd.s32 $0xFFFFE700;
	s21 =	sadd.s32 $0x1900, s21  }
0x168: {  	[tilespmem:s31], [sflag:$0x5] =	stream.linear.gather [spmem:s21], $0x1900, $0x38;
	[tilespmem:$0x1FE70] =	vst v63  }
0x169: {  	s24 =	smov.u32 s20;
	s20 =	sadd.s32 $0x320, s20;
	_ =	swait.ge [sflag:s0], $0x1900  }
.Ltmp7:
0x16a: {  	[sflag:s0] =	ssyncset.done $0x0;
	(pc) =	sbr.rel @p1 .LBB2_11-.Ltmp7, $4  }
0x16b: {  	s24 =	sadd.s32 s24, s25;
	[sflag:s0] =	ssyncadd.s32 $0xFFFFE700  }
0x16c: {  	[hbm4b:s24+s3] =	stream.linear.scatter [tilespmem:s31], [sflag:$0x5], $0x1900, $0x38;
	[tilespmem:$0x1FE70] =	vst v63  }
0x16d: {  	_ =	swait.ge [sflag:s0], $0x1900  }
0x16e: {  	[sflag:s0] =	ssyncset.done $0x0  }
0x16f: {  	s19 =	sadd.s32 $0x1, s19;
	s20 =	rddreg [dreg:$0x7]  }
0x170: {  	p1 =	sne.s32 s19, s20  }
.Ltmp8:
0x171: {  	_ = 	snop;
	(pc) =	sbr.rel @p1 .LBB2_1-.Ltmp8, $2  }
0x172: {  	_ =	sdelay $0x2  }
0x173: {  	[sflag:s0] =	ssyncadd.s32 $0xFFFFE700  }
0x174: {  	_ =	sfence.sel $0x180000  }
0x175: {  	[bflag:$0x0] =	sbarrier.arrive $0xFFFF  }
0x176: {  	_ =	strace $0x9000004A  }
0x177: {  	s0 =	stileid.u32;
	[bflag:$0x2] =	sbarrier.arrive $0xFFFF  }
0x178: {  	p0 =	sne.s32 s0, $0x0;
	s0 =	rddreg [dreg:$0x2]  }
0x179: {  	s0 =	sadd.s32 @!p0 $0x100000, s0  }
0x17a: {  	[sflag:s0] =	ssyncadd.tile.s32 @!p0 $0x1;
	_ =	shalt  }
.Lfunc_end2:
_tile_overlayer_lowered:
.L_overlay_start_2:
0x17b: {  	(tag) =	ssettag $0x2  }
0x17c: {  	s0 =	rddreg [dreg:$0x0];
	s2 =	stileid.u32  }
0x17d: {  	s1 =	rddreg [dreg:$0x1];
	p0 =	sne.s32 s2, $0x0  }
0x17e: {  	s3 =	rddreg [dreg:$0x2];
	[bflag:$0x3] =	sbarrier.arrive $0xFFFF;
	s2 =	simm.s32 @!p0 $0x1C05  }
0x17f: {  	[timem:s3], [sflag:s2] =	dma.local @!p0 [hbm:s0], s1  }
0x180: {  	s0 =	simm.s32 @!p0 $0x5  }
0x181: {  	_ =	swait.ge @!p0 [sflag:s0], s1  }
0x182: {  	s1 =	ssub.s32 @!p0 $0x0, s1;
	[sflag:s0] =	ssyncset.done @!p0 $0x0  }
0x183: {  	[sflag:s0] =	ssyncadd.s32 @!p0 s1  }
0x184: {  	[bflag:$0x3] =	sbarrier.arrive $0xFFFF  }
0x185: {  	_ =	shalt  }

// kernel: kernel.7.cloned.1.call-start
scs
__scs_entry_jumppad:
0x0: {  	(pc) =	sbr.rel $0x88, $3  }
0x1: {  	(tag) =	ssettag $0x0;
	lr =	simm.s32 $0x1  }
0x2: {  	[smem:$0x3F97] =	sst lr;
	_ =	strace $0xD0000000  }
0x3: {  	_ = 	snop  }
0x4: {  	_ = 	snop  }
0x5: {  	_ = 	snop  }
0x6: {  	_ = 	snop  }
0x7: {  	_ = 	snop  }
__scs_overlays_trampoline_lowered:
0x8: {  	[smem:$0x3FA6] =	sst s0  }
0x9: {  	[smem:$0x3FA7] =	sst s1  }
0xa: {  	[smem:$0x3FA8] =	sst s2  }
0xb: {  	[smem:$0x3FA9] =	sst s3  }
0xc: {  	[smem:$0x3FAA] =	sst s4  }
0xd: {  	[smem:$0x3FAB] =	sst s5  }
0xe: {  	[smem:$0x3FAC] =	sst s6  }
0xf: {  	[smem:$0x3FAD] =	sst s7  }
0x10: {  	[smem:$0x3FAE] =	sst s8  }
0x11: {  	[smem:$0x3FAF] =	sst s9;
	s0 =	simm.s32 @!p0 $0x0  }
0x12: {  	s1 =	sld [smem:$0x3F95];
	s0 =	simm.s32 @p0 $0x1  }
0x13: {  	[smem:$0x3FB0] =	sst s0;
	s0 =	simm.s32 @!p1 $0x0  }
0x14: {  	s2 =	sld [smem:$0x3F94];
	s0 =	simm.s32 @p1 $0x1  }
0x15: {  	[smem:$0x3FB1] =	sst s0;
	s0 =	simm.s32 @!p2 $0x0  }
0x16: {  	s3 =	sld [smem:$0x3FDB];
	s0 =	simm.s32 @p2 $0x1  }
0x17: {  	s4 =	simm.s32 $0x1BF5;
	[smem:$0x3FB3] =	sst s0  }
0x18: {  	s0 =	sld [smem:$0x3F96];
	_ =	swait.ge [sflag:s4], $0x0  }
0x19: {  	s7 =	sld [smem:$0x3F97]  }
0x1a: {  	s8 =	sadd.s32 $0xFFFFE003, lr  }
0x1b: {  	s9 =	sadd.s32 $0xFFFFFEF7, lr;
	s5 =	simm.s32 $0xFFFFFFFF;
	p2 =	slt.u32 s8, $0xFFFFF086  }
0x1c: {  	p1 =	slt.u32 s9, $0xF7A;
	s5 =	simm.s32 @!p2 $0x0  }
0x1d: {  	s5 =	simm.s32 @p1 $0x1;
	p0 =	seq.s32 s7, s2  }
0x1e: {  	s7 =	smul.u32 @!p0 $0xF7A, s2;
	p2 =	seq.s32 @!p0 s5, $0x0  }
0x1f: {  	s9 =	smul.u32 $0xF7A, s1;
	s8 =	simm.s32 @!p0 $0x1BF5;
	p2 =	por !p2, p0  }
0x20: {  	[sflag:s8] =	ssyncset.s32 @!p0 $0xFFFFF086;
	s6 =	sadd.s32 @!p0 s3, s7;
	s7 =	simm.s32 @!p0 $0x108  }
0x21: {  	s3 =	sadd.s32 s3, s9;
	s6 =	sadd.s32 @!p0 $0x88, s6;
	s7 =	simm.s32 @p2 $0x1082  }
0x22: {  	[simem:s7], [sflag:s8] =	dma.local @!p0 [hbm:s6], $0xF7A  }
0x23: {  	s9 =	sor.u32 $0xD0000000, s2;
	s6 =	simm.s32 $0x108;
	_ =	swait.ge @!p0 [sflag:s8], $0x0  }
0x24: {  	s3 =	sadd.s32 $0x88, s3;
	s6 =	simm.s32 @!p1 $0x1082;
	[sflag:s4] =	ssyncset.s32 $0xFFFFF086  }
0x25: {  	[simem:s6], [sflag:s4] =	dma.local [hbm:s3], $0xF7A  }
0x26: {  	[smem:$0x3F97] =	sst s1;
	(tag) =	ssettag s2;
	_ =	strace s9  }
0x27: {  	s1 =	sld [smem:$0x3FA7]  }
0x28: {  	s2 =	sld [smem:$0x3FA8]  }
0x29: {  	s4 =	sld [smem:$0x3FAA]  }
0x2a: {  	p0 =	seq.s32 s5, $0x0;
	s5 =	sld [smem:$0x3FAB]  }
0x2b: {  	s6 =	sld [smem:$0x3FAC]  }
0x2c: {  	s7 =	sld [smem:$0x3FAD]  }
0x2d: {  	s3 =	simm.s32 $0x108;
	s8 =	sld [smem:$0x3FAE]  }
0x2e: {  	s3 =	simm.s32 @!p0 $0x1082;
	s9 =	sld [smem:$0x3FAF]  }
0x2f: {  	lr =	sadd.s32 s0, s3;
	s0 =	sld [smem:$0x3FA6]  }
0x30: {  	s3 =	sld [smem:$0x3FA9]  }
0x31: {  	[smem:$0x3FB2] =	sst s10  }
0x32: {  	s10 =	sld [smem:$0x3FB0];
	_ =	sdelay $0x3  }
0x33: {  	p0 =	seq.s32 s10, $0x1;
	s10 =	sld [smem:$0x3FB2];
	_ =	sdelay $0x3  }
0x34: {  	[smem:$0x3FB2] =	sst s10  }
0x35: {  	s10 =	sld [smem:$0x3FB1];
	_ =	sdelay $0x3  }
0x36: {  	p1 =	seq.s32 s10, $0x1;
	s10 =	sld [smem:$0x3FB2];
	_ =	sdelay $0x3  }
0x37: {  	[smem:$0x3FB2] =	sst s10  }
0x38: {  	s10 =	sld [smem:$0x3FB3]  }
0x39: {  	_ = 	snop;
	(pc) =	sbr.ind lr, $3  }
0x3a: {  	_ = 	snop  }
0x3b: {  	_ = 	snop  }
0x3c: {  	p2 =	seq.s32 s10, $0x1;
	s10 =	sld [smem:$0x3FB2]  }
0x3d: {  	_ =	shalt  }
0x3e: {  	_ =	shalt  }
0x3f: {  	_ =	shalt  }
0x40: {  	_ =	shalt  }
0x41: {  	_ =	shalt  }
0x42: {  	_ =	shalt  }
0x43: {  	_ =	shalt  }
0x44: {  	_ =	shalt  }
0x45: {  	_ =	shalt  }
0x46: {  	_ =	shalt  }
0x47: {  	_ =	shalt  }
0x48: {  	_ =	shalt  }
0x49: {  	_ =	shalt  }
0x4a: {  	_ =	shalt  }
0x4b: {  	_ =	shalt  }
0x4c: {  	_ =	shalt  }
0x4d: {  	_ =	shalt  }
0x4e: {  	_ =	shalt  }
0x4f: {  	_ =	shalt  }
0x50: {  	_ =	shalt  }
0x51: {  	_ =	shalt  }
0x52: {  	_ =	shalt  }
0x53: {  	_ =	shalt  }
0x54: {  	_ =	shalt  }
0x55: {  	_ =	shalt  }
0x56: {  	_ =	shalt  }
0x57: {  	_ =	shalt  }
0x58: {  	_ =	shalt  }
0x59: {  	_ =	shalt  }
0x5a: {  	_ =	shalt  }
0x5b: {  	_ =	shalt  }
0x5c: {  	_ =	shalt  }
0x5d: {  	_ =	shalt  }
0x5e: {  	_ =	shalt  }
0x5f: {  	_ =	shalt  }
0x60: {  	_ =	shalt  }
0x61: {  	_ =	shalt  }
0x62: {  	_ =	shalt  }
0x63: {  	_ =	shalt  }
0x64: {  	_ =	shalt  }
0x65: {  	_ =	shalt  }
0x66: {  	_ =	shalt  }
0x67: {  	_ =	shalt  }
0x68: {  	_ =	shalt  }
0x69: {  	_ =	shalt  }
0x6a: {  	_ =	shalt  }
0x6b: {  	_ =	shalt  }
0x6c: {  	_ =	shalt  }
0x6d: {  	_ =	shalt  }
0x6e: {  	_ =	shalt  }
0x6f: {  	_ =	shalt  }
0x70: {  	_ =	shalt  }
0x71: {  	_ =	shalt  }
0x72: {  	_ =	shalt  }
0x73: {  	_ =	shalt  }
0x74: {  	_ =	shalt  }
0x75: {  	_ =	shalt  }
0x76: {  	_ =	shalt  }
0x77: {  	_ =	shalt  }
0x78: {  	_ =	shalt  }
0x79: {  	_ =	shalt  }
0x7a: {  	_ =	shalt  }
0x7b: {  	_ =	shalt  }
0x7c: {  	_ =	shalt  }
0x7d: {  	_ =	shalt  }
0x7e: {  	_ =	shalt  }
0x7f: {  	_ =	shalt  }
0x80: {  	_ =	shalt  }
0x81: {  	_ =	shalt  }
0x82: {  	_ =	shalt  }
0x83: {  	_ =	shalt  }
0x84: {  	_ =	shalt  }
0x85: {  	_ =	shalt  }
0x86: {  	_ =	shalt  }
0x87: {  	_ =	shalt  }
.Lfunc_end0:
.L_simem_size_0:
called_computation_lowered:
.L_overlay_start_0:
0x88: {  	s2 =	sld [smem:$0x3FD9]  }
0x89: {  	s3 =	sld [smem:$0x3FFE];
	_ =	sdelay $0x1  }
0x8a: {  	s1 =	srdreg.scid  }
0x8b: {  	s0 =	sand.u32 $0x1, s1  }
0x8c: {  	s16 =	sshll.u32 s0, $0xA;
	s2 =	sadd.s32 s3, s2  }
0x8d: {  	s2 =	sadd.s32 s2, s16  }
0x8e: {  	[smem:$0x3FBE] =	sst s2  }
0x8f: {  	_ = 	snop  }
0x90: {  	(tm) =	ssettm $0x1  }
0x91: {  	s17 =	sld [smem:$0x3FFB];
	_ =	sdelay $0x3  }
0x92: {  	_ =	strace s17  }
0x93: {  	s2 =	sld [smem:$0x3FFC];
	_ =	sdelay $0x3  }
0x94: {  	_ =	strace s2  }
0x95: {  	s2 =	sld [smem:$0x3FFD];
	_ =	sdelay $0x3  }
0x96: {  	_ =	strace s2  }
0x97: {  	_ =	strace $0x8FFFFFFF  }
0x98: {  	s18 =	sld [smem:$0x3FDB];
	_ =	sdelay $0x1  }
0x99: {  	s19 =	simm.s32 $_scs_section_size  }
0x9a: {  	s4 =	simm.s32 $_size__tile_overlayer_lowered;
	s5 =	simm.s32 $_tile_overlayer_lowered  }
0x9b: {  	s22 =	simm.s32 $0x1BFF;
	s21 =	sshll.u32 s5, $0x1;
	s2 =	sadd.s32 s19, s18  }
0x9c: {  	s6 =	simm.s32 $0x0;
	s20 =	sshll.u32 s4, $0x1;
	s4 =	sadd.s32 s21, s2  }
0x9d: {  	[timem:s6], [sflag:s22] =	dma.local [hbm:s4], s20  }
0x9e: {  	_ =	swait.ge [sflag:s22], s20  }
0x9f: {  	s3 =	ssub.s32 $0x0, s20;
	[sflag:s22] =	ssyncset.done $0x0  }
0xa0: {  	[sflag:s22] =	ssyncadd.s32 s3;
	_ =	sdelay $0x1  }
0xa1: {  	s23 =	simm.s32 $0x1B8B  }
0xa2: {  	_ =	swait.ge [sflag:s23], $0x1  }
0xa3: {  	[sflag:s23] =	ssyncset.done $0x0  }
0xa4: {  	s25 =	simm.s32 $0x1B8E;
	s24 =	sld [smem:$0x3FFE];
	[sflag:s23] =	ssyncadd.s32 $0xFFFFFFFF  }
0xa5: {  	s26 =	simm.s32 $execute0_lowered;
	[smem:$0x3FD2] =	sst s25  }
0xa6: {  	s4 =	sshll.u32 s26, $0x1;
	_ =	strace $0x80000046;
	[dreg:$0x1] =	wrdreg $0xFFFFFFFF  }
0xa7: {  	s28 =	simm.s32 $_size_execute0_lowered;
	s2 =	sadd.s32 s2, s4;
	[dreg:$0x0] =	wrdreg $0x0  }
0xa8: {  	s4 =	sshll.u32 s28, $0x1;
	[dreg:$0x2] =	wrdreg s2  }
0xa9: {  	[dreg:$0x3] =	wrdreg s4  }
0xaa: {  	[dreg:$0x4] =	wrdreg $0xC0  }
0xab: {  	_ =	task [dreg:s6], $0x5FFFF  }
0xac: {  	[dreg:$0x1] =	wrdreg $0xFFFFFFFF  }
0xad: {  	[dreg:$0x0] =	wrdreg $0x60  }
0xae: {  	[dreg:$0x2] =	wrdreg s24  }
0xaf: {  	[dreg:$0x3] =	wrdreg $0x0  }
0xb0: {  	[dreg:$0x4] =	wrdreg $0x9  }
0xb1: {  	_ =	task.clear_ibuf [dreg:s6], $0x5FFFF;
	_ =	strace $0x90000046  }
0xb2: {  	s29 =	simm.s32 $0x9;
	_ =	strace $0x80000048  }
0xb3: {  	_ =	swait.ge [sflag:s29], $0x1  }
0xb4: {  	[sflag:s29] =	ssyncadd.s32 $0xFFFFFFFF  }
0xb5: {  	_ =	strace $0x90000048  }
0xb6: {  	_ =	sfence  }
0xb7: {  	s30 =	sld [smem:$0x0];
	_ =	sdelay $0x2  }
0xb8: {  	s31 =	sshll.u32 s1, $0xD;
	s1 =	sshrl.u32 s1, $0x2  }
0xb9: {  	s3 =	sand.u32 $0x4000, s31;
	s1 =	sadd.s32 s1, s30  }
0xba: {  	s0 =	sor.u32 s3, s0;
	s1 =	sshll.u32 s1, $0x11  }
0xbb: {  	s0 =	sor.u32 s1, s0  }
0xbc: {  	s0 =	sadd.s32 $0x8F2B, s0  }
0xbd: {  	[sflag:s0] =	ssyncadd.remote.s32 $0x1  }
0xbe: {  	_ =	sfence.sel $0xFFFF  }
0xbf: {  	[dreg:$0x0] =	wrdreg $0xFFFFFFFF;
	(pc) =	sbr.abs _section_cstart, $3  }
0xc0: {  	[dreg:$0x1] =	wrdreg $0xFFFFFFFF  }
0xc1: {  	_ =	task.clear_ibuf [dreg:s6], $0x2FFFF;
	_ =	strace $0x9FFFFFFF  }
0xc2: {  	(tm) =	ssettm $0x7FFFFFFF  }
0xc3: {  	_ =	shalt  }
tec
execute0_lowered:
.L_overlay_start_1:
0x0: {  	(tag) =	ssettag $0x1  }
0x1: {  	s0 =	rddreg [dreg:$0x0]  }
0x2: {  	s1 =	rddreg [dreg:$0x1];
	s3 =	simm.s32 $0x0;
	s2 =	srdreg.scid  }
0x3: {  	s11 =	stileid.u32;
	s28 =	simm.s32 $0x198B8;
	s29 =	simm.s32 $0x1  }
0x4: {  	s30 =	simm.s32 $0x192E8;
	[smem:$0x7FF] =	sst s3;
	s8 =	smul.u32 $0x19000, s11  }
0x5: {  	s2 =	sand.u32 $0x1, s2;
	s4 =	sadd.s32 $0x65400, s0;
	s26 =	smul.u32 $0x64000, s11  }
0x6: {  	s5 =	sadd.s32 $0x34600, s0;
	s9 =	sshll.u32 s11, $0x1;
	s11 =	smul.u32 $0x186A0, s11  }
0x7: {  	s6 =	sadd.s32 $0x3800, s0;
	s7 =	smul.u32 $0x190000, s2;
	_ =	strace $0x80000047  }
0x8: {  	s22 =	sor.u32 s2, s9;
	s10 =	ssub.s32 $0x2, s2;
	s2 =	smul.u32 $0xC350, s2  }
0x9: {  	s24 =	smul.u32 $0xC350, s22;
	s25 =	sshrl.u32 s10, $0x1;
	s9 =	sshrl.u32 s26, $0x2  }
0xa: {  	s7 =	sadd.s32 s8, s7;
	s8 =	ssub.s32 s10, s25;
	s2 =	sadd.s32 s2, s11  }
0xb: {  	s23 =	sshrl.u32 s7, $0x3;
	s13 =	sadd.s32 $0xC2B8, s24;
	[dreg:$0x3] =	wrdreg s24  }
0xc: {  	s12 =	sshrl.u32 s24, $0x3;
	s17 =	smax.u32 s8, $0x1;
	s18 =	sadd.s32 $0xE88, s2  }
0xd: {  	s21 =	sadd.s32 $0x1170, s2;
	s22 =	sadd.s32 $0xBA0, s2;
	[dreg:$0x8] =	wrdreg s17  }
0xe: {  	s25 =	sadd.s32 $0x8B8, s2;
	s7 =	sadd.s32 s5, s12;
	[dreg:$0xc] =	wrdreg s21  }
0xf: {  	s0 =	sadd.s32 s23, s0;
	s14 =	sadd.s32 s6, s12;
	[dreg:$0x4] =	wrdreg s7  }
0x10: {  	s10 =	sshrl.u32 s13, $0x3;
	s23 =	sadd.s32 s9, s1;
	[dreg:$0x5] =	wrdreg s14  }
0x11: {  	s2 =	sadd.s32 $0x5D0, s2;
	s15 =	sadd.s32 s5, s10;
	[dreg:$0x9] =	wrdreg s23  }
0x12: {  	s8 =	sshrl.u32 s18, $0x3;
	s16 =	sadd.s32 s6, s10;
	[dreg:$0x6] =	wrdreg s15  }
0x13: {  	s24 =	sshrl.u32 s22, $0x3;
	s19 =	sadd.s32 $0x1900, s23;
	[dreg:$0x7] =	wrdreg s16  }
0x14: {  	s2 =	sshrl.u32 s2, $0x3;
	s20 =	sadd.s32 $0x3200, s23;
	[dreg:$0xa] =	wrdreg s19  }
0x15: {  	s9 =	sshrl.u32 s25, $0x3;
	s26 =	sadd.s32 s2, s6;
	[dreg:$0xb] =	wrdreg s20  }
0x16: {  	s17 =	sadd.s32 s8, s6;
	s2 =	sadd.s32 s2, s5;
	[dreg:$0xd] =	wrdreg s26  }
0x17: {  	s18 =	sadd.s32 s8, s5;
	s7 =	sadd.s32 $0x6400, s23;
	[dreg:$0xe] =	wrdreg s2  }
0x18: {  	s21 =	sadd.s32 s9, s6;
	s8 =	sadd.s32 $0x7D00, s23;
	[dreg:$0x10] =	wrdreg s7  }
0x19: {  	s22 =	sadd.s32 s9, s5;
	s9 =	sadd.s32 $0x9600, s23;
	[dreg:$0x11] =	wrdreg s8  }
0x1a: {  	s31 =	simm.s32 $0x19BA0;
	s10 =	sadd.s32 $0xAF00, s23;
	[dreg:$0x12] =	wrdreg s9  }
0x1b: {  	s25 =	sadd.s32 $0x97400, s0;
	s11 =	sadd.s32 $0xC800, s23;
	[dreg:$0x13] =	wrdreg s10  }
0x1c: {  	s12 =	sadd.s32 $0xE100, s23;
	s13 =	sadd.s32 $0xFA00, s23;
	[dreg:$0x14] =	wrdreg s11  }
0x1d: {  	s14 =	sadd.s32 $0x11300, s23;
	s0 =	simm.s32 $0x2E8;
	[dreg:$0x15] =	wrdreg s12  }
0x1e: {  	s19 =	sadd.s32 s24, s6;
	s20 =	sadd.s32 s24, s5;
	[dreg:$0x16] =	wrdreg s13  }
0x1f: {  	s2 =	sadd.s32 $0x4B00, s23;
	[dreg:$0x17] =	wrdreg s14;
	s15 =	sadd.s32 $0x12C00, s23  }
0x20: {  	s16 =	sadd.s32 $0x14500, s23;
	s24 =	sadd.s32 $0x15E00, s23;
	[dreg:$0xf] =	wrdreg s2  }
0x21: {  	s26 =	sadd.s32 $0x17700, s23;
	s8 =	simm.s32 $0x1CFF0;
	[dreg:$0x18] =	wrdreg s15  }
0x22: {  	s9 =	simm.s32 $0x195D0;
	s10 =	simm.s32 $0x19E88;
	[dreg:$0x19] =	wrdreg s16  }
0x23: {  	s11 =	simm.s32 $0x4;
	s12 =	simm.s32 $0x3;
	[dreg:$0x1a] =	wrdreg s24  }
0x24: {  	s13 =	simm.s32 $0x0;
	[dreg:$0x1b] =	wrdreg s26;
	s15 =	simm.s32 $0x1A170  }
0x25: {  	v0 =	vimm.f32 $0.0e+00;
	s16 =	simm.s32 $0x5;
	s26 =	simm.s32 $0x19000;
	s2 =	simm.s32 $0x2  }
.LBB2_1:
0x26: {  	[dreg:$0x1c] =	wrdreg s13;
	s13 =	simm.s32 $0x40;
	s14 =	simm.s32 $0x0  }
.LBB2_2:
0x27: {  	p0 =	sne.s32 s13, $0x63C0;
	[tilespmem:s14+$0x1A170] =	vst v0;
	s14 =	smov.u32 s13;
	s13 =	sadd.s32 $0x40, s13  }
.Ltmp0:
0x28: {  	(pc) =	sbr.rel @p0 .LBB2_2-.Ltmp0, $2  }
0x29: {  	_ =	sdelay $0x2  }
0x2a: {  	s14 =	sshra.s32 s14, $0x2  }
0x2b: {  	[tilespmem:s14+$0x1A170] =	vst v0  }
0x2c: {  	[spmem:s23] =	stream.linear.scatter [tilespmem:s15], [sflag:$0x5], $0x1900, $0x38;
	[tilespmem:$0x1FE70] =	vst v63  }
0x2d: {  	_ =	swait.ge [sflag:s16], $0x1900  }
0x2e: {  	[sflag:s16] =	ssyncset.done $0x0  }
0x2f: {  	s7 =	rddreg [dreg:$0xa];
	[sflag:s16] =	ssyncadd.s32 $0xFFFFE700  }
0x30: {  	[spmem:s7] =	stream.linear.scatter [tilespmem:s15], [sflag:$0x5], $0x1900, $0x38;
	[tilespmem:$0x1FE70] =	vst v63  }
0x31: {  	_ =	swait.ge [sflag:s16], $0x1900  }
0x32: {  	[sflag:s16] =	ssyncset.done $0x0  }
0x33: {  	s13 =	rddreg [dreg:$0xb];
	[sflag:s16] =	ssyncadd.s32 $0xFFFFE700  }
0x34: {  	[spmem:s13] =	stream.linear.scatter [tilespmem:s15], [sflag:$0x5], $0x1900, $0x38;
	[tilespmem:$0x1FE70] =	vst v63  }
0x35: {  	_ =	swait.ge [sflag:s16], $0x1900  }
0x36: {  	[sflag:s16] =	ssyncset.done $0x0  }
0x37: {  	s14 =	rddreg [dreg:$0xf];
	[sflag:s16] =	ssyncadd.s32 $0xFFFFE700  }
0x38: {  	[spmem:s14] =	stream.linear.scatter [tilespmem:s15], [sflag:$0x5], $0x1900, $0x38;
	[tilespmem:$0x1FE70] =	vst v63  }
0x39: {  	_ =	swait.ge [sflag:s16], $0x1900  }
0x3a: {  	[sflag:s16] =	ssyncset.done $0x0  }
0x3b: {  	s23 =	rddreg [dreg:$0x10];
	[sflag:s16] =	ssyncadd.s32 $0xFFFFE700  }
0x3c: {  	[spmem:s23] =	stream.linear.scatter [tilespmem:s15], [sflag:$0x5], $0x1900, $0x38;
	[tilespmem:$0x1FE70] =	vst v63  }
0x3d: {  	_ =	swait.ge [sflag:s16], $0x1900  }
0x3e: {  	[sflag:s16] =	ssyncset.done $0x0  }
0x3f: {  	s24 =	rddreg [dreg:$0x11];
	[sflag:s16] =	ssyncadd.s32 $0xFFFFE700  }
0x40: {  	[spmem:s24] =	stream.linear.scatter [tilespmem:s15], [sflag:$0x5], $0x1900, $0x38;
	[tilespmem:$0x1FE70] =	vst v63  }
0x41: {  	_ =	swait.ge [sflag:s16], $0x1900  }
0x42: {  	[sflag:s16] =	ssyncset.done $0x0  }
0x43: {  	s13 =	rddreg [dreg:$0x12];
	[sflag:s16] =	ssyncadd.s32 $0xFFFFE700  }
0x44: {  	[spmem:s13] =	stream.linear.scatter [tilespmem:s15], [sflag:$0x5], $0x1900, $0x38;
	[tilespmem:$0x1FE70] =	vst v63  }
0x45: {  	_ =	swait.ge [sflag:s16], $0x1900  }
0x46: {  	[sflag:s16] =	ssyncset.done $0x0  }
0x47: {  	s14 =	rddreg [dreg:$0x13];
	[sflag:s16] =	ssyncadd.s32 $0xFFFFE700  }
0x48: {  	[spmem:s14] =	stream.linear.scatter [tilespmem:s15], [sflag:$0x5], $0x1900, $0x38;
	[tilespmem:$0x1FE70] =	vst v63  }
0x49: {  	_ =	swait.ge [sflag:s16], $0x1900  }
0x4a: {  	[sflag:s16] =	ssyncset.done $0x0  }
0x4b: {  	s23 =	rddreg [dreg:$0x14];
	[sflag:s16] =	ssyncadd.s32 $0xFFFFE700  }
0x4c: {  	[spmem:s23] =	stream.linear.scatter [tilespmem:s15], [sflag:$0x5], $0x1900, $0x38;
	[tilespmem:$0x1FE70] =	vst v63  }
0x4d: {  	_ =	swait.ge [sflag:s16], $0x1900  }
0x4e: {  	[sflag:s16] =	ssyncset.done $0x0  }
0x4f: {  	s24 =	rddreg [dreg:$0x15];
	[sflag:s16] =	ssyncadd.s32 $0xFFFFE700  }
0x50: {  	[spmem:s24] =	stream.linear.scatter [tilespmem:s15], [sflag:$0x5], $0x1900, $0x38;
	[tilespmem:$0x1FE70] =	vst v63  }
0x51: {  	_ =	swait.ge [sflag:s16], $0x1900  }
0x52: {  	[sflag:s16] =	ssyncset.done $0x0  }
0x53: {  	s13 =	rddreg [dreg:$0x16];
	[sflag:s16] =	ssyncadd.s32 $0xFFFFE700  }
0x54: {  	[spmem:s13] =	stream.linear.scatter [tilespmem:s15], [sflag:$0x5], $0x1900, $0x38;
	[tilespmem:$0x1FE70] =	vst v63  }
0x55: {  	_ =	swait.ge [sflag:s16], $0x1900  }
0x56: {  	[sflag:s16] =	ssyncset.done $0x0  }
0x57: {  	s14 =	rddreg [dreg:$0x17];
	[sflag:s16] =	ssyncadd.s32 $0xFFFFE700  }
0x58: {  	[spmem:s14] =	stream.linear.scatter [tilespmem:s15], [sflag:$0x5], $0x1900, $0x38;
	[tilespmem:$0x1FE70] =	vst v63  }
0x59: {  	_ =	swait.ge [sflag:s16], $0x1900  }
0x5a: {  	[sflag:s16] =	ssyncset.done $0x0  }
0x5b: {  	s23 =	rddreg [dreg:$0x18];
	[sflag:s16] =	ssyncadd.s32 $0xFFFFE700  }
0x5c: {  	[spmem:s23] =	stream.linear.scatter [tilespmem:s15], [sflag:$0x5], $0x1900, $0x38;
	[tilespmem:$0x1FE70] =	vst v63  }
0x5d: {  	_ =	swait.ge [sflag:s16], $0x1900  }
0x5e: {  	[sflag:s16] =	ssyncset.done $0x0  }
0x5f: {  	s24 =	rddreg [dreg:$0x19];
	[sflag:s16] =	ssyncadd.s32 $0xFFFFE700  }
0x60: {  	[spmem:s24] =	stream.linear.scatter [tilespmem:s15], [sflag:$0x5], $0x1900, $0x38;
	[tilespmem:$0x1FE70] =	vst v63  }
0x61: {  	_ =	swait.ge [sflag:s16], $0x1900  }
0x62: {  	[sflag:s16] =	ssyncset.done $0x0  }
0x63: {  	s13 =	rddreg [dreg:$0x1a];
	[sflag:s16] =	ssyncadd.s32 $0xFFFFE700  }
0x64: {  	[spmem:s13] =	stream.linear.scatter [tilespmem:s15], [sflag:$0x5], $0x1900, $0x38;
	[tilespmem:$0x1FE70] =	vst v63  }
0x65: {  	_ =	swait.ge [sflag:s16], $0x1900  }
0x66: {  	[sflag:s16] =	ssyncset.done $0x0  }
0x67: {  	s14 =	rddreg [dreg:$0x1b];
	[sflag:s16] =	ssyncadd.s32 $0xFFFFE700  }
0x68: {  	[spmem:s14] =	stream.linear.scatter [tilespmem:s15], [sflag:$0x5], $0x1900, $0x38;
	[tilespmem:$0x1FE70] =	vst v63  }
0x69: {  	_ =	swait.ge [sflag:s16], $0x1900  }
0x6a: {  	[sflag:s16] =	ssyncset.done $0x0  }
0x6b: {  	[sflag:s16] =	ssyncadd.s32 $0xFFFFE700  }
0x6c: {  	[bflag:$0x0] =	sbarrier.arrive $0xFFFF  }
0x6d: {  	s23 =	rddreg [dreg:$0x4]  }
0x6e: {  	s13 =	simm.s32 $0x0;
	s24 =	rddreg [dreg:$0x5]  }
0x6f: {  	[tilespmem:s26], [sflag:$0x1] =	stream.linear.gather [hbm4b:s23+s13], $0x2E8, $0x38;
	[tilespmem:$0x1FE70] =	vst v63  }
0x70: {  	s14 =	simm.s32 $0x1;
	s23 =	rddreg [dreg:$0xc]  }
0x71: {  	[tilespmem:s28], [sflag:$0x1] =	stream.linear.gather [hbm4b:s24+s13], $0x2E8, $0x38;
	[tilespmem:$0x1FE70] =	vst v63  }
.LBB2_4:
0x72: {  	_ =	swait.ge [sflag:s29], $0x2E8  }
0x73: {  	p0 =	seq.s32 s13, $0x0;
	[sflag:s29] =	ssyncset.done $0x0  }
0x74: {  	p1 =	sgt.u32 @!p0 s14, $0x42;
	[sflag:s29] =	ssyncadd.s32 $0xFFFFFD18  }
0x75: {  	p1 =	por p0, !p1;
	_ =	swait.ge [sflag:s29], $0x2E8  }
.Ltmp1:
0x76: {  	[sflag:s29] =	ssyncset.done $0x0;
	(pc) =	sbr.rel @!p1 .LBB2_12-.Ltmp1, $4  }
0x77: {  	s24 =	simm.s32 @!p0 $0x3;
	[sflag:s29] =	ssyncadd.s32 $0xFFFFFD18  }
0x78: {  	_ =	swait.ge @!p0 [sflag:s24], $0x2E80  }
0x79: {  	[sflag:s24] =	ssyncset.done @!p0 $0x0  }
0x7a: {  	[sflag:s24] =	ssyncadd.s32 @!p0 $0xFFFFD180  }
0x7b: {  	s24 =	smov.u32 s14  }
0x7c: {  	s24 =	simm.s32 @p0 $0x1  }
0x7d: {  	s24 =	smul.u32 $0x2E8, s24  }
0x7e: {  	s7 =	rddreg [dreg:$0x3]  }
0x7f: {  	s24 =	sadd.s32 s7, s24  }
0x80: {  	s24 =	sshrl.u32 s24, $0x3  }
0x81: {  	s7 =	sadd.s32 s5, s24  }
0x82: {  	[tilespmem:s30], [sflag:$0x1] =	stream.linear.gather [hbm4b:s7+s3], $0x2E8, $0x38;
	[tilespmem:$0x1FE70] =	vst v63  }
0x83: {  	s24 =	sadd.s32 s6, s24  }
0x84: {  	[tilespmem:s31], [sflag:$0x1] =	stream.linear.gather [hbm4b:s24+s3], $0x2E8, $0x38;
	[tilespmem:$0x1FE70] =	vst v63  }
0x85: {  	_ = 	snop  }
0x86: {  	[tilespmem:s15], [sflag:$0x2] =	stream.indirect.gather [hbm4b:s4+s0], $0x10, s26, s0, $0xb8;
	[tilespmem:$0x1FE70] =	vst v63  }
0x87: {  	_ =	swait.ge [sflag:s2], $0x2E80  }
0x88: {  	[sflag:s2] =	ssyncset.done $0x0  }
0x89: {  	[sflag:s2] =	ssyncadd.s32 $0xFFFFD180  }
0x8a: {  	[spmem:s1] =	stream.indirect.scatter.add.f32 [tilespmem:s15], [sflag:$0x3], $0x10, s28, s0, $0xb8;
	[tilespmem:$0x1FE70] =	vst v63  }
0x8b: {  	_ =	swait.ge [sflag:s29], $0x2E8  }
0x8c: {  	[sflag:s29] =	ssyncset.done $0x0  }
0x8d: {  	[sflag:s29] =	ssyncadd.s32 $0xFFFFFD18  }
0x8e: {  	_ =	swait.ge [sflag:s29], $0x2E8  }
0x8f: {  	[sflag:s29] =	ssyncset.done $0x0  }
0x90: {  	s7 =	simm.s32 @!p0 $0x4;
	[sflag:s29] =	ssyncadd.s32 $0xFFFFFD18  }
0x91: {  	p1 =	seq.s32 @!p0 s13, $0x17FA;
	_ =	swait.ge @!p0 [sflag:s7], $0x2E80  }
0x92: {  	p1 =	por p0, !p1;
	[sflag:s7] =	ssyncset.done @!p0 $0x0  }
0x93: {  	[sflag:s7] =	ssyncadd.s32 @!p0 $0xFFFFD180;
	s7 =	rddreg @p1 [dreg:$0xe]  }
0x94: {  	s7 =	sadd.s32 @p1 s13, s7  }
0x95: {  	[tilespmem:s9], [sflag:$0x1] =	stream.linear.gather @p1 [hbm4b:s7+s3], $0x2E8, $0x38;
	[tilespmem:$0x1FE70] =	vst v63  }
0x96: {  	s7 =	rddreg @p1 [dreg:$0xd]  }
0x97: {  	s7 =	sadd.s32 @p1 s13, s7  }
0x98: {  	[tilespmem:s10], [sflag:$0x1] =	stream.linear.gather @p1 [hbm4b:s7+s3], $0x2E8, $0x38;
	[tilespmem:$0x1FE70] =	vst v63  }
0x99: {  	_ = 	snop  }
0x9a: {  	[tilespmem:s8], [sflag:$0x2] =	stream.indirect.gather [hbm4b:s4+s0], $0x10, s30, s0, $0xb8;
	[tilespmem:$0x1FE70] =	vst v63  }
.Ltmp2:
0x9b: {  	_ = 	snop;
	(pc) =	sbr.rel .LBB2_6-.Ltmp2, $4  }
0x9c: {  	_ =	swait.ge [sflag:s2], $0x2E80  }
0x9d: {  	[sflag:s2] =	ssyncset.done $0x0  }
0x9e: {  	[sflag:s2] =	ssyncadd.s32 $0xFFFFD180  }
0x9f: {  	[spmem:s1] =	stream.indirect.scatter.add.f32 [tilespmem:s8], [sflag:$0x4], $0x10, s31, s0, $0xb8;
	[tilespmem:$0x1FE70] =	vst v63  }
.LBB2_12:
0xa0: {  	[tilespmem:s15], [sflag:$0x2] =	stream.indirect.gather [hbm4b:s4+s0], $0x10, s26, s0, $0xb8;
	[tilespmem:$0x1FE70] =	vst v63  }
0xa1: {  	_ =	swait.ge [sflag:s2], $0x2E80  }
0xa2: {  	[sflag:s2] =	ssyncset.done $0x0  }
0xa3: {  	[sflag:s2] =	ssyncadd.s32 $0xFFFFD180  }
0xa4: {  	[spmem:s1] =	stream.indirect.scatter.add.f32 [tilespmem:s15], [sflag:$0x3], $0x10, s28, s0, $0xb8;
	[tilespmem:$0x1FE70] =	vst v63  }
.LBB2_6:
0xa5: {  	p0 =	seq.s32 s13, $0x17FA  }
.Ltmp3:
0xa6: {  	_ = 	snop;
	(pc) =	sbr.rel @p0 .LBB2_8-.Ltmp3, $1  }
0xa7: {  	_ =	sdelay $0x3  }
0xa8: {  	_ =	swait.ge [sflag:s29], $0x2E8  }
0xa9: {  	[sflag:s29] =	ssyncset.done $0x0  }
0xaa: {  	[sflag:s29] =	ssyncadd.s32 $0xFFFFFD18  }
0xab: {  	_ =	swait.ge [sflag:s29], $0x2E8  }
0xac: {  	[sflag:s29] =	ssyncset.done $0x0  }
0xad: {  	[sflag:s29] =	ssyncadd.s32 $0xFFFFFD18  }
0xae: {  	_ =	swait.ge [sflag:s12], $0x2E80  }
0xaf: {  	[sflag:s12] =	ssyncset.done $0x0  }
0xb0: {  	s7 =	sadd.s32 s13, s22;
	[sflag:s12] =	ssyncadd.s32 $0xFFFFD180  }
0xb1: {  	[tilespmem:s26], [sflag:$0x1] =	stream.linear.gather [hbm4b:s7+s3], $0x2E8, $0x38;
	[tilespmem:$0x1FE70] =	vst v63  }
0xb2: {  	s24 =	sadd.s32 s13, s21  }
0xb3: {  	[tilespmem:s28], [sflag:$0x1] =	stream.linear.gather [hbm4b:s24+s3], $0x2E8, $0x38;
	[tilespmem:$0x1FE70] =	vst v63  }
0xb4: {  	_ = 	snop  }
0xb5: {  	[tilespmem:s15], [sflag:$0x2] =	stream.indirect.gather [hbm4b:s4+s0], $0x10, s9, s0, $0xb8;
	[tilespmem:$0x1FE70] =	vst v63  }
0xb6: {  	_ =	swait.ge [sflag:s2], $0x2E80  }
0xb7: {  	[sflag:s2] =	ssyncset.done $0x0  }
0xb8: {  	[sflag:s2] =	ssyncadd.s32 $0xFFFFD180  }
0xb9: {  	[spmem:s1] =	stream.indirect.scatter.add.f32 [tilespmem:s15], [sflag:$0x3], $0x10, s10, s0, $0xb8;
	[tilespmem:$0x1FE70] =	vst v63  }
0xba: {  	_ =	swait.ge [sflag:s29], $0x2E8  }
0xbb: {  	[sflag:s29] =	ssyncset.done $0x0  }
0xbc: {  	[sflag:s29] =	ssyncadd.s32 $0xFFFFFD18  }
0xbd: {  	_ =	swait.ge [sflag:s29], $0x2E8  }
0xbe: {  	[sflag:s29] =	ssyncset.done $0x0  }
0xbf: {  	[sflag:s29] =	ssyncadd.s32 $0xFFFFFD18  }
0xc0: {  	_ =	swait.ge [sflag:s11], $0x2E80  }
0xc1: {  	[sflag:s11] =	ssyncset.done $0x0  }
0xc2: {  	s24 =	sadd.s32 s13, s20;
	[sflag:s11] =	ssyncadd.s32 $0xFFFFD180  }
0xc3: {  	[tilespmem:s30], [sflag:$0x1] =	stream.linear.gather [hbm4b:s24+s3], $0x2E8, $0x38;
	[tilespmem:$0x1FE70] =	vst v63  }
0xc4: {  	s24 =	sadd.s32 s13, s19  }
0xc5: {  	[tilespmem:s31], [sflag:$0x1] =	stream.linear.gather [hbm4b:s24+s3], $0x2E8, $0x38;
	[tilespmem:$0x1FE70] =	vst v63  }
0xc6: {  	_ = 	snop  }
0xc7: {  	[tilespmem:s8], [sflag:$0x2] =	stream.indirect.gather [hbm4b:s4+s0], $0x10, s26, s0, $0xb8;
	[tilespmem:$0x1FE70] =	vst v63  }
0xc8: {  	_ =	swait.ge [sflag:s2], $0x2E80  }
0xc9: {  	[sflag:s2] =	ssyncset.done $0x0  }
0xca: {  	[sflag:s2] =	ssyncadd.s32 $0xFFFFD180  }
0xcb: {  	[spmem:s1] =	stream.indirect.scatter.add.f32 [tilespmem:s8], [sflag:$0x4], $0x10, s28, s0, $0xb8;
	[tilespmem:$0x1FE70] =	vst v63  }
0xcc: {  	_ =	swait.ge [sflag:s29], $0x2E8  }
0xcd: {  	[sflag:s29] =	ssyncset.done $0x0  }
0xce: {  	[sflag:s29] =	ssyncadd.s32 $0xFFFFFD18  }
0xcf: {  	_ =	swait.ge [sflag:s29], $0x2E8  }
0xd0: {  	[sflag:s29] =	ssyncset.done $0x0  }
0xd1: {  	[sflag:s29] =	ssyncadd.s32 $0xFFFFFD18  }
0xd2: {  	_ =	swait.ge [sflag:s12], $0x2E80  }
0xd3: {  	[sflag:s12] =	ssyncset.done $0x0  }
0xd4: {  	s24 =	sadd.s32 s13, s18;
	[sflag:s12] =	ssyncadd.s32 $0xFFFFD180  }
0xd5: {  	[tilespmem:s9], [sflag:$0x1] =	stream.linear.gather [hbm4b:s24+s3], $0x2E8, $0x38;
	[tilespmem:$0x1FE70] =	vst v63  }
0xd6: {  	s24 =	sadd.s32 s13, s17  }
0xd7: {  	[tilespmem:s10], [sflag:$0x1] =	stream.linear.gather [hbm4b:s24+s3], $0x2E8, $0x38;
	[tilespmem:$0x1FE70] =	vst v63  }
0xd8: {  	_ = 	snop  }
0xd9: {  	[tilespmem:s15], [sflag:$0x2] =	stream.indirect.gather [hbm4b:s4+s0], $0x10, s30, s0, $0xb8;
	[tilespmem:$0x1FE70] =	vst v63  }
0xda: {  	_ =	swait.ge [sflag:s2], $0x2E80  }
0xdb: {  	[sflag:s2] =	ssyncset.done $0x0  }
0xdc: {  	[sflag:s2] =	ssyncadd.s32 $0xFFFFD180  }
0xdd: {  	[spmem:s1] =	stream.indirect.scatter.add.f32 [tilespmem:s15], [sflag:$0x3], $0x10, s31, s0, $0xb8;
	[tilespmem:$0x1FE70] =	vst v63  }
0xde: {  	_ =	swait.ge [sflag:s29], $0x2E8  }
0xdf: {  	[sflag:s29] =	ssyncset.done $0x0  }
0xe0: {  	[sflag:s29] =	ssyncadd.s32 $0xFFFFFD18  }
0xe1: {  	_ =	swait.ge [sflag:s29], $0x2E8  }
0xe2: {  	[sflag:s29] =	ssyncset.done $0x0  }
0xe3: {  	[sflag:s29] =	ssyncadd.s32 $0xFFFFFD18  }
0xe4: {  	_ =	swait.ge [sflag:s11], $0x2E80  }
0xe5: {  	s7 =	sshrl.u32 s23, $0x3;
	[sflag:s11] =	ssyncset.done $0x0  }
0xe6: {  	s24 =	sadd.s32 s5, s7;
	[sflag:s11] =	ssyncadd.s32 $0xFFFFD180  }
0xe7: {  	[tilespmem:s26], [sflag:$0x1] =	stream.linear.gather [hbm4b:s24+s3], $0x2E8, $0x38;
	[tilespmem:$0x1FE70] =	vst v63  }
0xe8: {  	s7 =	sadd.s32 s6, s7  }
0xe9: {  	[tilespmem:s28], [sflag:$0x1] =	stream.linear.gather [hbm4b:s7+s3], $0x2E8, $0x38;
	[tilespmem:$0x1FE70] =	vst v63  }
0xea: {  	_ = 	snop  }
0xeb: {  	[tilespmem:s8], [sflag:$0x2] =	stream.indirect.gather [hbm4b:s4+s0], $0x10, s9, s0, $0xb8;
	[tilespmem:$0x1FE70] =	vst v63  }
.Ltmp4:
0xec: {  	_ = 	snop;
	(pc) =	sbr.rel .LBB2_4-.Ltmp4, $4  }
0xed: {  	_ =	swait.ge [sflag:s2], $0x2E80  }
0xee: {  	s14 =	sadd.s32 $0x6, s14;
	[sflag:s2] =	ssyncset.done $0x0  }
0xef: {  	s23 =	sadd.s32 $0x1170, s23;
	s13 =	sadd.s32 $0x22E, s13;
	[sflag:s2] =	ssyncadd.s32 $0xFFFFD180  }
0xf0: {  	[spmem:s1] =	stream.indirect.scatter.add.f32 [tilespmem:s8], [sflag:$0x4], $0x10, s10, s0, $0xb8;
	[tilespmem:$0x1FE70] =	vst v63  }
.LBB2_8:
0xf1: {  	_ =	swait.ge [sflag:s11], $0x2E80  }
0xf2: {  	[sflag:s11] =	ssyncset.done $0x0  }
0xf3: {  	[sflag:s11] =	ssyncadd.s32 $0xFFFFD180  }
0xf4: {  	_ =	swait.ge [sflag:s12], $0x2E80  }
0xf5: {  	[sflag:s12] =	ssyncset.done $0x0  }
0xf6: {  	s7 =	simm.s32 $0x0;
	s13 =	rddreg [dreg:$0x6];
	[sflag:s12] =	ssyncadd.s32 $0xFFFFD180  }
0xf7: {  	[tilespmem:s26], [sflag:$0x5] =	stream.linear.gather [hbm4b:s13+s7], $0x98, $0x38;
	[tilespmem:$0x1FE70] =	vst v63  }
0xf8: {  	_ =	swait.ge [sflag:s16], $0x98  }
0xf9: {  	[sflag:s16] =	ssyncset.done $0x0  }
0xfa: {  	s14 =	rddreg [dreg:$0x7];
	[sflag:s16] =	ssyncadd.s32 $0xFFFFFF68  }
0xfb: {  	[tilespmem:s28], [sflag:$0x5] =	stream.linear.gather [hbm4b:s14+s7], $0x98, $0x38;
	[tilespmem:$0x1FE70] =	vst v63  }
0xfc: {  	_ =	swait.ge [sflag:s16], $0x98  }
0xfd: {  	[sflag:s16] =	ssyncset.done $0x0  }
0xfe: {  	s23 =	simm.s32 $0x98;
	[sflag:s16] =	ssyncadd.s32 $0xFFFFFF68  }
0xff: {  	[tilespmem:s15], [sflag:$0x2] =	stream.indirect.gather [hbm4b:s4+s23], $0x10, s26, s23, $0xb8;
	[tilespmem:$0x1FE70] =	vst v63  }
0x100: {  	_ =	swait.ge [sflag:s2], $0x980  }
0x101: {  	[sflag:s2] =	ssyncset.done $0x0  }
0x102: {  	[sflag:s2] =	ssyncadd.s32 $0xFFFFF680  }
0x103: {  	[spmem:s1] =	stream.indirect.scatter.add.f32 [tilespmem:s15], [sflag:$0x5], $0x10, s28, s23, $0xb8;
	[tilespmem:$0x1FE70] =	vst v63  }
0x104: {  	_ =	swait.ge [sflag:s16], $0x980  }
0x105: {  	[sflag:s16] =	ssyncset.done $0x0  }
0x106: {  	[sflag:s16] =	ssyncadd.s32 $0xFFFFF680  }
0x107: {  	[bflag:$0x0] =	sbarrier.arrive $0xFFFF  }
0x108: {  	s23 =	rddreg [dreg:$0x9]  }
0x109: {  	[tilespmem:s15], [sflag:$0x5] =	stream.linear.gather [spmem:s23], $0x1900, $0x38;
	[tilespmem:$0x1FE70] =	vst v63  }
0x10a: {  	_ =	swait.ge [sflag:s16], $0x1900  }
0x10b: {  	[sflag:s16] =	ssyncset.done $0x0  }
0x10c: {  	s24 =	sadd.s32 $0x0, s25;
	[sflag:s16] =	ssyncadd.s32 $0xFFFFE700  }
0x10d: {  	[hbm4b:s24+s3] =	stream.linear.scatter [tilespmem:s15], [sflag:$0x5], $0x1900, $0x38;
	[tilespmem:$0x1FE70] =	vst v63  }
0x10e: {  	_ =	swait.ge [sflag:s16], $0x1900  }
0x10f: {  	s13 =	simm.s32 $0x320;
	s14 =	smov.u32 s23;
	[sflag:s16] =	ssyncset.done $0x0  }
.LBB2_9:
0x110: {  	p0 =	sne.s32 s13, $0x2EE0;
	[sflag:s16] =	ssyncadd.s32 $0xFFFFE700;
	s14 =	sadd.s32 $0x1900, s14  }
0x111: {  	[tilespmem:s15], [sflag:$0x5] =	stream.linear.gather [spmem:s14], $0x1900, $0x38;
	[tilespmem:$0x1FE70] =	vst v63  }
0x112: {  	s7 =	smov.u32 s13;
	s13 =	sadd.s32 $0x320, s13;
	_ =	swait.ge [sflag:s16], $0x1900  }
.Ltmp5:
0x113: {  	[sflag:s16] =	ssyncset.done $0x0;
	(pc) =	sbr.rel @p0 .LBB2_9-.Ltmp5, $4  }
0x114: {  	s7 =	sadd.s32 s7, s25;
	[sflag:s16] =	ssyncadd.s32 $0xFFFFE700  }
0x115: {  	[hbm4b:s7+s3] =	stream.linear.scatter [tilespmem:s15], [sflag:$0x5], $0x1900, $0x38;
	[tilespmem:$0x1FE70] =	vst v63  }
0x116: {  	_ =	swait.ge [sflag:s16], $0x1900  }
0x117: {  	[sflag:s16] =	ssyncset.done $0x0  }
0x118: {  	s13 =	rddreg [dreg:$0x1c]  }
0x119: {  	s7 =	rddreg [dreg:$0x8];
	s13 =	sadd.s32 $0x1, s13  }
0x11a: {  	p0 =	sne.s32 s13, s7  }
.Ltmp6:
0x11b: {  	_ = 	snop;
	(pc) =	sbr.rel @p0 .LBB2_1-.Ltmp6, $2  }
0x11c: {  	_ =	sdelay $0x2  }
0x11d: {  	[sflag:s16] =	ssyncadd.s32 $0xFFFFE700  }
0x11e: {  	_ =	sfence.sel $0x180000  }
0x11f: {  	[bflag:$0x0] =	sbarrier.arrive $0xFFFF  }
0x120: {  	_ =	strace $0x90000047  }
0x121: {  	s0 =	stileid.u32;
	[bflag:$0x2] =	sbarrier.arrive $0xFFFF  }
0x122: {  	p0 =	sne.s32 s0, $0x0;
	s0 =	rddreg [dreg:$0x2]  }
0x123: {  	s0 =	sadd.s32 @!p0 $0x100000, s0  }
0x124: {  	[sflag:s0] =	ssyncadd.tile.s32 @!p0 $0x1;
	_ =	shalt  }
.Lfunc_end2:
_tile_overlayer_lowered:
.L_overlay_start_2:
0x125: {  	(tag) =	ssettag $0x2  }
0x126: {  	s0 =	rddreg [dreg:$0x0];
	s2 =	stileid.u32  }
0x127: {  	s1 =	rddreg [dreg:$0x1];
	p0 =	sne.s32 s2, $0x0  }
0x128: {  	s3 =	rddreg [dreg:$0x2];
	[bflag:$0x3] =	sbarrier.arrive $0xFFFF;
	s2 =	simm.s32 @!p0 $0x1C05  }
0x129: {  	[timem:s3], [sflag:s2] =	dma.local @!p0 [hbm:s0], s1  }
0x12a: {  	s0 =	simm.s32 @!p0 $0x5  }
0x12b: {  	_ =	swait.ge @!p0 [sflag:s0], s1  }
0x12c: {  	s1 =	ssub.s32 @!p0 $0x0, s1;
	[sflag:s0] =	ssyncset.done @!p0 $0x0  }
0x12d: {  	[sflag:s0] =	ssyncadd.s32 @!p0 s1  }
0x12e: {  	[bflag:$0x3] =	sbarrier.arrive $0xFFFF  }
0x12f: {  	_ =	shalt  }

</sc_bundles>
